<compile_context>
chip_gen: v7x
topology: tpu7x:2x2x1
jax: 0.10.2.dev20260603
libtpu: 0.0.44.dev20260713+nightly
codegen_flags: <defaults>
</compile_context>

<pallas_src>
import functools

import jax
import jax.numpy as jnp
from jax import lax
from jax.experimental import pallas as pl
from jax.experimental.pallas import tpu as pltpu
from jax.experimental.pallas import tpu_sc as plsc

_EPS = 1e-5
_CH = 256


def _rsqrt(w):
    xi = plsc.bitcast(w, jnp.int32)
    r = plsc.bitcast(jnp.int32(0x5F3759DF) - (xi >> 1), jnp.float32)
    for _ in range(3):
        r = r * (1.5 - 0.5 * w * r * r)
    return r


def _layernorm_chunk(src, dst, tbuf, qbuf, gvec, bvec, D, idx17):
    nj = D // 16

    def group_body(g, carry):
        rbase = g * 16
        for r in range(16):
            v = [src[rbase + r, pl.ds(16 * j, 16)] for j in range(nj)]
            t = (v[0] + v[1]) + (v[2] + v[3])
            q = (v[0] * v[0] + v[1] * v[1]) + (v[2] * v[2] + v[3] * v[3])
            plsc.store_scatter(tbuf, [idx17 + r], t)
            plsc.store_scatter(qbuf, [idx17 + r], q)
        tot = tbuf[pl.ds(0, 16)]
        qot = qbuf[pl.ds(0, 16)]
        for c in range(1, 16):
            tot = tot + tbuf[pl.ds(17 * c, 16)]
            qot = qot + qbuf[pl.ds(17 * c, 16)]
        mean = tot * (1.0 / D)
        var = qot * (1.0 / D) - mean * mean
        rstd = _rsqrt(var + _EPS)
        for r in range(16):
            m = jnp.full((16,), mean[r], jnp.float32)
            s = jnp.full((16,), rstd[r], jnp.float32)
            for j in range(nj):
                x = src[rbase + r, pl.ds(16 * j, 16)]
                dst[rbase + r, pl.ds(16 * j, 16)] = (x - m) * (s * gvec[j]) + bvec[j]
        return carry

    lax.fori_loop(0, _CH // 16, group_body, 0, unroll=False)


def _make_sc_kernel(N, V, D, num_cores, num_subcores):
    NW = num_cores * num_subcores
    per_w = N // NW
    n_chunks = per_w // _CH

    mesh = plsc.VectorSubcoreMesh(core_axis_name="c", subcore_axis_name="s")

    @functools.partial(
        pl.kernel,
        out_type=jax.ShapeDtypeStruct((N, D), jnp.float32),
        mesh=mesh,
        scratch_types=[
            pltpu.VMEM((per_w,), jnp.int32),
            pltpu.VMEM((_CH, D), jnp.float32),
            pltpu.VMEM((_CH, D), jnp.float32),
            pltpu.VMEM((_CH, D), jnp.float32),
            pltpu.VMEM((_CH, D), jnp.float32),
            pltpu.VMEM((D,), jnp.float32),
            pltpu.VMEM((D,), jnp.float32),
            pltpu.VMEM((17 * 16,), jnp.float32),
            pltpu.VMEM((17 * 16,), jnp.float32),
            pltpu.SemaphoreType.DMA,
            pltpu.SemaphoreType.DMA,
            pltpu.SemaphoreType.DMA,
            pltpu.SemaphoreType.DMA,
        ],
        compiler_params=pltpu.CompilerParams(
            needs_layout_passes=False, use_tc_tiling_on_sc=False),
    )
    def sc_kernel(idx_hbm, table_hbm, gamma_hbm, beta_hbm, out_hbm,
                  idx_all, r0, r1, o0, o1, gamma_v, beta_v, tbuf, qbuf,
                  g0, g1, w0, w1):
        wid = lax.axis_index("s") * num_cores + lax.axis_index("c")
        base = wid * per_w
        rows = (r0, r1)
        obuf = (o0, o1)
        gsem = (g0, g1)
        wsem = (w0, w1)

        pltpu.sync_copy(idx_hbm.at[pl.ds(base, per_w)], idx_all)
        pltpu.sync_copy(gamma_hbm, gamma_v)
        pltpu.sync_copy(beta_hbm, beta_v)
        gvec = [gamma_v[pl.ds(16 * j, 16)] for j in range(D // 16)]
        bvec = [beta_v[pl.ds(16 * j, 16)] for j in range(D // 16)]

        lane = lax.iota(jnp.int32, 16)
        idx17 = lane * 17

        def gather_copy(ci, b):
            return pltpu.make_async_copy(
                table_hbm.at[idx_all.at[pl.ds(ci * _CH, _CH)]], rows[b], gsem[b])

        def wb_copy(ci, b):
            return pltpu.make_async_copy(
                obuf[b], out_hbm.at[pl.ds(base + ci * _CH, _CH)], wsem[b])

        gather_copy(0, 0).start()
        gather_copy(1, 1).start()

        def chunk_pair(step, carry):
            for b in (0, 1):
                ci = step * 2 + b
                gather_copy(ci, b).wait()

                @pl.when(step >= 1)
                def _():
                    wb_copy(ci - 2, b).wait()

                _layernorm_chunk(rows[b], obuf[b], tbuf, qbuf, gvec, bvec, D, idx17)
                wb_copy(ci, b).start()

                @pl.when(ci + 2 < n_chunks)
                def _():
                    gather_copy(ci + 2, b).start()

            return carry

        lax.fori_loop(0, n_chunks // 2, chunk_pair, 0, unroll=False)

        for b in (0, 1):
            wb_copy(n_chunks - 2 + b, b).wait()

    return sc_kernel


def kernel(input_ids, table, gamma, beta):
    B, L = input_ids.shape
    V, D = table.shape
    N = B * L
    info = plsc.get_sparse_core_info()
    sc_fn = _make_sc_kernel(N, V, D, info.num_cores, info.num_subcores)
    idx_flat = input_ids.reshape(N).astype(jnp.int32)
    out = sc_fn(idx_flat, table, gamma, beta)
    return out.reshape(B, L, D)

# --- scband reference (transcript-rebuilt; emitter-appended) ---
"""Pipeline reference for scband-embedding-layer-4707284156967 (READ-ONLY COPY).

The authoritative reference and input builder live on the scoring server;
editing this copy changes nothing except your own understanding.
"""

import jax, jax.numpy as jnp
import numpy as np

VOCAB = 1000000
DIM = 64
B = 4096
L = 200

def setup_inputs(seed: int = 0) -> dict:
    key = jax.random.key(seed)
    k1, k2 = jax.random.split(key)
    input_ids = jax.random.randint(k1, (B, L), 0, VOCAB, dtype=jnp.int64 if jax.config.jax_enable_x64 else jnp.int32)
    table = jax.random.normal(k2, (VOCAB, DIM), dtype=jnp.float32) * 0.02
    gamma = jnp.ones((DIM,), dtype=jnp.float32)
    beta = jnp.zeros((DIM,), dtype=jnp.float32)
    return {"input_ids": input_ids, "table": table, "gamma": gamma, "beta": beta}

def _layernorm(x, gamma, beta, eps=1e-5):
    mean = jnp.mean(x, axis=-1, keepdims=True)
    var = jnp.mean(jnp.square(x - mean), axis=-1, keepdims=True)
    return (x - mean) / jnp.sqrt(var + eps) * gamma + beta

def reference(input_ids, table, gamma, beta):
    # embedding lookup (gather)
    hidden = jnp.take(table, input_ids, axis=0)
    # layer norm
    hidden = _layernorm(hidden, gamma, beta)
    # dropout p=0.0 (eval / decoder config) -> identity
    return hidden

if __name__ == "__main__":
    import jax
    _d = setup_inputs()
    print(jax.jit(kernel)(*tuple(_d.values())))

</pallas_src>

<mosaic_0001>
#map = affine_map<(d0, d1) -> (0)>
#map1 = affine_map<(d0, d1) -> (0, 0)>
module attributes {stable_mosaic.version = 14 : i64} {
  func.func @sc_kernel(%arg0: i32, %arg1: i32, %arg2: memref<819200xi32, #tpu.memory_space<hbm>>, %arg3: memref<1000000x64xf32, #tpu.memory_space<hbm>>, %arg4: memref<64xf32, #tpu.memory_space<hbm>>, %arg5: memref<64xf32, #tpu.memory_space<hbm>>, %arg6: memref<819200x64xf32, #tpu.memory_space<hbm>>, %arg7: memref<25600xi32, #tpu.memory_space<vmem>>, %arg8: memref<256x64xf32, #tpu.memory_space<vmem>>, %arg9: memref<256x64xf32, #tpu.memory_space<vmem>>, %arg10: memref<256x64xf32, #tpu.memory_space<vmem>>, %arg11: memref<256x64xf32, #tpu.memory_space<vmem>>, %arg12: memref<64xf32, #tpu.memory_space<vmem>>, %arg13: memref<64xf32, #tpu.memory_space<vmem>>, %arg14: memref<272xf32, #tpu.memory_space<vmem>>, %arg15: memref<272xf32, #tpu.memory_space<vmem>>, %arg16: memref<!tpu.dma_semaphore, #tpu.memory_space<semaphore_mem>>, %arg17: memref<!tpu.dma_semaphore, #tpu.memory_space<semaphore_mem>>, %arg18: memref<!tpu.dma_semaphore, #tpu.memory_space<semaphore_mem>>, %arg19: memref<!tpu.dma_semaphore, #tpu.memory_space<semaphore_mem>>) attributes {dimension_semantics = [#tpu.dimension_semantics<core_parallel>, #tpu.dimension_semantics<subcore_parallel>], iteration_bounds = array<i64: 2, 16>, scalar_prefetch = 0 : i64, scratch_operands = 13 : i64, tpu.core_type = #tpu.core_type<sc_vector_subcore>, window_params = [{transform_indices = #map}, {transform_indices = #map1}, {transform_indices = #map}, {transform_indices = #map}, {transform_indices = #map1}]} {
    %mul3A = arith.constant 2 : i32
    %mul3A_0 = arith.muli %arg1, %mul3A : i32
    %add3A = arith.addi %mul3A_0, %arg0 : i32
    %mul3A_1 = arith.constant 25600 : i32
    %mul3A_2 = arith.muli %add3A, %mul3A_1 : i32
    "tpu.region"() ({
      %run_scoped3A = tpu.sem_alloc : memref<!tpu.dma_semaphore, #tpu.memory_space<semaphore_mem>>
      %dma_start3A_46 = tpu.memref_slice %arg2[%mul3A_2] : memref<819200xi32, #tpu.memory_space<hbm>> -> memref<25600xi32, #tpu.memory_space<hbm>>
      %dma_start3A_47 = tpu.memref_slice %arg2[%mul3A_2] : memref<819200xi32, #tpu.memory_space<hbm>> -> memref<25600xi32, #tpu.memory_space<hbm>>
      tpu.enqueue_dma source(%dma_start3A_47 : memref<25600xi32, #tpu.memory_space<hbm>>) target(%arg7 : memref<25600xi32, #tpu.memory_space<vmem>>) target_semaphore(%run_scoped3A : memref<!tpu.dma_semaphore, #tpu.memory_space<semaphore_mem>>)
      %dma_wait3A_48 = tpu.memref_slice %arg2[%mul3A_2] : memref<819200xi32, #tpu.memory_space<hbm>> -> memref<25600xi32, #tpu.memory_space<hbm>>
      %dma_wait3A_49 = tpu.memref_slice %arg2[%mul3A_2] : memref<819200xi32, #tpu.memory_space<hbm>> -> memref<25600xi32, #tpu.memory_space<hbm>>
      tpu.wait_dma2 semaphore(%run_scoped3A : memref<!tpu.dma_semaphore, #tpu.memory_space<semaphore_mem>>) src(%dma_wait3A_49 : memref<25600xi32, #tpu.memory_space<hbm>>) dst(%arg7 : memref<25600xi32, #tpu.memory_space<vmem>>)
      tpu.yield
    }) : () -> ()
    "tpu.region"() ({
      %run_scoped3A = tpu.sem_alloc : memref<!tpu.dma_semaphore, #tpu.memory_space<semaphore_mem>>
      tpu.enqueue_dma source(%arg4 : memref<64xf32, #tpu.memory_space<hbm>>) target(%arg12 : memref<64xf32, #tpu.memory_space<vmem>>) target_semaphore(%run_scoped3A : memref<!tpu.dma_semaphore, #tpu.memory_space<semaphore_mem>>)
      tpu.wait_dma2 semaphore(%run_scoped3A : memref<!tpu.dma_semaphore, #tpu.memory_space<semaphore_mem>>) src(%arg4 : memref<64xf32, #tpu.memory_space<hbm>>) dst(%arg12 : memref<64xf32, #tpu.memory_space<vmem>>)
      tpu.yield
    }) : () -> ()
    "tpu.region"() ({
      %run_scoped3A = tpu.sem_alloc : memref<!tpu.dma_semaphore, #tpu.memory_space<semaphore_mem>>
      tpu.enqueue_dma source(%arg5 : memref<64xf32, #tpu.memory_space<hbm>>) target(%arg13 : memref<64xf32, #tpu.memory_space<vmem>>) target_semaphore(%run_scoped3A : memref<!tpu.dma_semaphore, #tpu.memory_space<semaphore_mem>>)
      tpu.wait_dma2 semaphore(%run_scoped3A : memref<!tpu.dma_semaphore, #tpu.memory_space<semaphore_mem>>) src(%arg5 : memref<64xf32, #tpu.memory_space<hbm>>) dst(%arg13 : memref<64xf32, #tpu.memory_space<vmem>>)
      tpu.yield
    }) : () -> ()
    %get3A = arith.constant 0 : index
    %get3A_3 = tpu.vector_load %arg12[%get3A] {strides = array<i32>} : memref<64xf32, #tpu.memory_space<vmem>>, vector<16xf32>,
    %get3A_4 = arith.constant 16 : index
    %get3A_5 = tpu.vector_load %arg12[%get3A_4] {strides = array<i32>} : memref<64xf32, #tpu.memory_space<vmem>>, vector<16xf32>,
    %get3A_6 = arith.constant 32 : index
    %get3A_7 = tpu.vector_load %arg12[%get3A_6] {strides = array<i32>} : memref<64xf32, #tpu.memory_space<vmem>>, vector<16xf32>,
    %get3A_8 = arith.constant 48 : index
    %get3A_9 = tpu.vector_load %arg12[%get3A_8] {strides = array<i32>} : memref<64xf32, #tpu.memory_space<vmem>>, vector<16xf32>,
    %get3A_10 = arith.constant 0 : index
    %get3A_11 = tpu.vector_load %arg13[%get3A_10] {strides = array<i32>} : memref<64xf32, #tpu.memory_space<vmem>>, vector<16xf32>,
    %get3A_12 = arith.constant 16 : index
    %get3A_13 = tpu.vector_load %arg13[%get3A_12] {strides = array<i32>} : memref<64xf32, #tpu.memory_space<vmem>>, vector<16xf32>,
    %get3A_14 = arith.constant 32 : index
    %get3A_15 = tpu.vector_load %arg13[%get3A_14] {strides = array<i32>} : memref<64xf32, #tpu.memory_space<vmem>>, vector<16xf32>,
    %get3A_16 = arith.constant 48 : index
    %get3A_17 = tpu.vector_load %arg13[%get3A_16] {strides = array<i32>} : memref<64xf32, #tpu.memory_space<vmem>>, vector<16xf32>,
    %iota3A = tpu.iota {dimensions = array<i32: 0>} : vector<16xi32>
    %mul3A_18 = arith.constant 17 : i32
    %mul3A_19 = vector.broadcast %mul3A_18 : i32 to vector<16xi32>
    %mul3A_20 = arith.muli %iota3A, %mul3A_19 : vector<16xi32>
    %dma_start3A = arith.constant 0 : i32
    %dma_start3A_21 = tpu.memref_slice %arg7[%dma_start3A] : memref<25600xi32, #tpu.memory_space<vmem>> -> memref<256xi32, #tpu.memory_space<vmem>>
    %dma_start3A_22 = arith.constant 0 : i32
    %dma_start3A_23 = arith.constant 0 : i32
    %dma_start3A_24 = tpu.memref_slice %arg3[%dma_start3A_22, %dma_start3A_23] : memref<1000000x64xf32, #tpu.memory_space<hbm>> -> memref<1000000x64xf32, #tpu.memory_space<hbm>>
    tpu.enqueue_indirect_dma source(%dma_start3A_24 : memref<1000000x64xf32, #tpu.memory_space<hbm>>) target(%arg8 : memref<256x64xf32, #tpu.memory_space<vmem>>) offsets(%dma_start3A_21 : memref<256xi32, #tpu.memory_space<vmem>>) semaphore(%arg16 : memref<!tpu.dma_semaphore, #tpu.memory_space<semaphore_mem>>)
    %dma_start3A_25 = arith.constant 256 : i32
    %dma_start3A_26 = tpu.memref_slice %arg7[%dma_start3A_25] : memref<25600xi32, #tpu.memory_space<vmem>> -> memref<256xi32, #tpu.memory_space<vmem>>
    %dma_start3A_27 = arith.constant 0 : i32
    %dma_start3A_28 = arith.constant 0 : i32
    %dma_start3A_29 = tpu.memref_slice %arg3[%dma_start3A_27, %dma_start3A_28] : memref<1000000x64xf32, #tpu.memory_space<hbm>> -> memref<1000000x64xf32, #tpu.memory_space<hbm>>
    tpu.enqueue_indirect_dma source(%dma_start3A_29 : memref<1000000x64xf32, #tpu.memory_space<hbm>>) target(%arg9 : memref<256x64xf32, #tpu.memory_space<vmem>>) offsets(%dma_start3A_26 : memref<256xi32, #tpu.memory_space<vmem>>) semaphore(%arg17 : memref<!tpu.dma_semaphore, #tpu.memory_space<semaphore_mem>>)
    %scan3A = arith.constant 0 : i32
    %scan3A_30 = arith.constant 0 : i32
    %scan3A_31 = arith.constant 50 : i32
    %scan3A_32 = arith.addi %scan3A_30, %scan3A_31 : i32
    %scan3A_33 = arith.constant 1 : i32
    scf.for %scan3A_46 = %scan3A_30 to %scan3A_32 step %scan3A_33  : i32 {
      %mul3A_47 = arith.constant 2 : i32
      %mul3A_48 = arith.muli %scan3A_46, %mul3A_47 : i32
      %add3A_49 = arith.constant 0 : i32
      %add3A_50 = arith.addi %mul3A_48, %add3A_49 : i32
      %mul3A_51 = arith.constant 256 : i32
      %mul3A_52 = arith.muli %add3A_50, %mul3A_51 : i32
      %dma_wait3A_53 = tpu.memref_slice %arg7[%mul3A_52] : memref<25600xi32, #tpu.memory_space<vmem>> -> memref<256xi32, #tpu.memory_space<vmem>>
      %dma_wait3A_54 = arith.constant 0 : i32
      %dma_wait3A_55 = arith.constant 0 : i32
      %dma_wait3A_56 = tpu.memref_slice %arg3[%dma_wait3A_54, %dma_wait3A_55] : memref<1000000x64xf32, #tpu.memory_space<hbm>> -> memref<1000000x64xf32, #tpu.memory_space<hbm>>
      tpu.wait_indirect_dma semaphore(%arg16 : memref<!tpu.dma_semaphore, #tpu.memory_space<semaphore_mem>>) src(%dma_wait3A_56 : memref<1000000x64xf32, #tpu.memory_space<hbm>>) dst(%arg8 : memref<256x64xf32, #tpu.memory_space<vmem>>)
      %ge3A = arith.constant 1 : i32
      %ge3A_57 = arith.cmpi sge, %scan3A_46, %ge3A : i32
      %convert_element_type3A = arith.extui %ge3A_57 : i1 to i32
      %cond3A = arith.constant 0 : i32
      %cond3A_58 = arith.cmpi ne, %convert_element_type3A, %cond3A : i32
      scf.if %cond3A_58 {
        %sub3A = arith.constant 2 : i32
        %sub3A_113 = arith.subi %add3A_50, %sub3A : i32
        %mul3A_114 = arith.constant 256 : i32
        %mul3A_115 = arith.muli %sub3A_113, %mul3A_114 : i32
        %add3A_116 = arith.addi %mul3A_2, %mul3A_115 : i32
        %dma_wait3A_117 = arith.constant 0 : i32
        %dma_wait3A_118 = tpu.memref_slice %arg6[%add3A_116, %dma_wait3A_117] : memref<819200x64xf32, #tpu.memory_space<hbm>> -> memref<256x64xf32, #tpu.memory_space<hbm>>
        %dma_wait3A_119 = arith.constant 0 : i32
        %dma_wait3A_120 = tpu.memref_slice %arg6[%add3A_116, %dma_wait3A_119] : memref<819200x64xf32, #tpu.memory_space<hbm>> -> memref<256x64xf32, #tpu.memory_space<hbm>>
        tpu.wait_dma2 semaphore(%arg18 : memref<!tpu.dma_semaphore, #tpu.memory_space<semaphore_mem>>) src(%arg10 : memref<256x64xf32, #tpu.memory_space<vmem>>) dst(%dma_wait3A_120 : memref<256x64xf32, #tpu.memory_space<hbm>>)
      } else {
      }
      %scan3A_59 = arith.constant 0 : i32
      %scan3A_60 = arith.constant 0 : i32
      %scan3A_61 = arith.constant 16 : i32
      %scan3A_62 = arith.addi %scan3A_60, %scan3A_61 : i32
      %scan3A_63 = arith.constant 1 : i32
      scf.for %scan3A_113 = %scan3A_60 to %scan3A_62 step %scan3A_63  : i32 {
        %mul3A_114 = arith.constant 16 : i32
        %mul3A_115 = arith.muli %scan3A_113, %mul3A_114 : i32
        %add3A_116 = arith.constant 0 : i32
        %add3A_117 = arith.addi %mul3A_115, %add3A_116 : i32
        %get3A_118 = arith.index_cast %add3A_117 : i32 to index
        %get3A_119 = arith.constant 0 : index
        %get3A_120 = tpu.vector_load %arg8[%get3A_118, %get3A_119] {strides = array<i32>} : memref<256x64xf32, #tpu.memory_space<vmem>>, vector<16xf32>,
        %add3A_121 = arith.constant 0 : i32
        %add3A_122 = arith.addi %mul3A_115, %add3A_121 : i32
        %get3A_123 = arith.index_cast %add3A_122 : i32 to index
        %get3A_124 = arith.constant 16 : index
        %get3A_125 = tpu.vector_load %arg8[%get3A_123, %get3A_124] {strides = array<i32>} : memref<256x64xf32, #tpu.memory_space<vmem>>, vector<16xf32>,
        %add3A_126 = arith.constant 0 : i32
        %add3A_127 = arith.addi %mul3A_115, %add3A_126 : i32
        %get3A_128 = arith.index_cast %add3A_127 : i32 to index
        %get3A_129 = arith.constant 32 : index
        %get3A_130 = tpu.vector_load %arg8[%get3A_128, %get3A_129] {strides = array<i32>} : memref<256x64xf32, #tpu.memory_space<vmem>>, vector<16xf32>,
        %add3A_131 = arith.constant 0 : i32
        %add3A_132 = arith.addi %mul3A_115, %add3A_131 : i32
        %get3A_133 = arith.index_cast %add3A_132 : i32 to index
        %get3A_134 = arith.constant 48 : index
        %get3A_135 = tpu.vector_load %arg8[%get3A_133, %get3A_134] {strides = array<i32>} : memref<256x64xf32, #tpu.memory_space<vmem>>, vector<16xf32>,
        %add3A_136 = arith.addf %get3A_120, %get3A_125 : vector<16xf32>
        %add3A_137 = arith.addf %get3A_130, %get3A_135 : vector<16xf32>
        %add3A_138 = arith.addf %add3A_136, %add3A_137 : vector<16xf32>
        %mul3A_139 = arith.mulf %get3A_120, %get3A_120 : vector<16xf32>
        %mul3A_140 = arith.mulf %get3A_125, %get3A_125 : vector<16xf32>
        %add3A_141 = arith.addf %mul3A_139, %mul3A_140 : vector<16xf32>
        %mul3A_142 = arith.mulf %get3A_130, %get3A_130 : vector<16xf32>
        %mul3A_143 = arith.mulf %get3A_135, %get3A_135 : vector<16xf32>
        %add3A_144 = arith.addf %mul3A_142, %mul3A_143 : vector<16xf32>
        %add3A_145 = arith.addf %add3A_141, %add3A_144 : vector<16xf32>
        %add3A_146 = arith.constant 0 : i32
        %add3A_147 = vector.broadcast %add3A_146 : i32 to vector<16xi32>
        %add3A_148 = arith.addi %mul3A_20, %add3A_147 : vector<16xi32>
        tpu.vector_store_idx %arg14[%add3A_148], %add3A_138 : memref<272xf32, #tpu.memory_space<vmem>>[vector<16xi32>], vector<16xf32>,
        %add3A_149 = arith.constant 0 : i32
        %add3A_150 = vector.broadcast %add3A_149 : i32 to vector<16xi32>
        %add3A_151 = arith.addi %mul3A_20, %add3A_150 : vector<16xi32>
        tpu.vector_store_idx %arg15[%add3A_151], %add3A_145 : memref<272xf32, #tpu.memory_space<vmem>>[vector<16xi32>], vector<16xf32>,
        %add3A_152 = arith.constant 1 : i32
        %add3A_153 = arith.addi %mul3A_115, %add3A_152 : i32
        %get3A_154 = arith.index_cast %add3A_153 : i32 to index
        %get3A_155 = arith.constant 0 : index
        %get3A_156 = tpu.vector_load %arg8[%get3A_154, %get3A_155] {strides = array<i32>} : memref<256x64xf32, #tpu.memory_space<vmem>>, vector<16xf32>,
        %add3A_157 = arith.constant 1 : i32
        %add3A_158 = arith.addi %mul3A_115, %add3A_157 : i32
        %get3A_159 = arith.index_cast %add3A_158 : i32 to index
        %get3A_160 = arith.constant 16 : index
        %get3A_161 = tpu.vector_load %arg8[%get3A_159, %get3A_160] {strides = array<i32>} : memref<256x64xf32, #tpu.memory_space<vmem>>, vector<16xf32>,
        %add3A_162 = arith.constant 1 : i32
        %add3A_163 = arith.addi %mul3A_115, %add3A_162 : i32
        %get3A_164 = arith.index_cast %add3A_163 : i32 to index
        %get3A_165 = arith.constant 32 : index
        %get3A_166 = tpu.vector_load %arg8[%get3A_164, %get3A_165] {strides = array<i32>} : memref<256x64xf32, #tpu.memory_space<vmem>>, vector<16xf32>,
        %add3A_167 = arith.constant 1 : i32
        %add3A_168 = arith.addi %mul3A_115, %add3A_167 : i32
        %get3A_169 = arith.index_cast %add3A_168 : i32 to index
        %get3A_170 = arith.constant 48 : index
        %get3A_171 = tpu.vector_load %arg8[%get3A_169, %get3A_170] {strides = array<i32>} : memref<256x64xf32, #tpu.memory_space<vmem>>, vector<16xf32>,
        %add3A_172 = arith.addf %get3A_156, %get3A_161 : vector<16xf32>
        %add3A_173 = arith.addf %get3A_166, %get3A_171 : vector<16xf32>
        %add3A_174 = arith.addf %add3A_172, %add3A_173 : vector<16xf32>
        %mul3A_175 = arith.mulf %get3A_156, %get3A_156 : vector<16xf32>
        %mul3A_176 = arith.mulf %get3A_161, %get3A_161 : vector<16xf32>
        %add3A_177 = arith.addf %mul3A_175, %mul3A_176 : vector<16xf32>
        %mul3A_178 = arith.mulf %get3A_166, %get3A_166 : vector<16xf32>
        %mul3A_179 = arith.mulf %get3A_171, %get3A_171 : vector<16xf32>
        %add3A_180 = arith.addf %mul3A_178, %mul3A_179 : vector<16xf32>
        %add3A_181 = arith.addf %add3A_177, %add3A_180 : vector<16xf32>
        %add3A_182 = arith.constant 1 : i32
        %add3A_183 = vector.broadcast %add3A_182 : i32 to vector<16xi32>
        %add3A_184 = arith.addi %mul3A_20, %add3A_183 : vector<16xi32>
        tpu.vector_store_idx %arg14[%add3A_184], %add3A_174 : memref<272xf32, #tpu.memory_space<vmem>>[vector<16xi32>], vector<16xf32>,
        %add3A_185 = arith.constant 1 : i32
        %add3A_186 = vector.broadcast %add3A_185 : i32 to vector<16xi32>
        %add3A_187 = arith.addi %mul3A_20, %add3A_186 : vector<16xi32>
        tpu.vector_store_idx %arg15[%add3A_187], %add3A_181 : memref<272xf32, #tpu.memory_space<vmem>>[vector<16xi32>], vector<16xf32>,
        %add3A_188 = arith.constant 2 : i32
        %add3A_189 = arith.addi %mul3A_115, %add3A_188 : i32
        %get3A_190 = arith.index_cast %add3A_189 : i32 to index
        %get3A_191 = arith.constant 0 : index
        %get3A_192 = tpu.vector_load %arg8[%get3A_190, %get3A_191] {strides = array<i32>} : memref<256x64xf32, #tpu.memory_space<vmem>>, vector<16xf32>,
        %add3A_193 = arith.constant 2 : i32
        %add3A_194 = arith.addi %mul3A_115, %add3A_193 : i32
        %get3A_195 = arith.index_cast %add3A_194 : i32 to index
        %get3A_196 = arith.constant 16 : index
        %get3A_197 = tpu.vector_load %arg8[%get3A_195, %get3A_196] {strides = array<i32>} : memref<256x64xf32, #tpu.memory_space<vmem>>, vector<16xf32>,
        %add3A_198 = arith.constant 2 : i32
        %add3A_199 = arith.addi %mul3A_115, %add3A_198 : i32
        %get3A_200 = arith.index_cast %add3A_199 : i32 to index
        %get3A_201 = arith.constant 32 : index
        %get3A_202 = tpu.vector_load %arg8[%get3A_200, %get3A_201] {strides = array<i32>} : memref<256x64xf32, #tpu.memory_space<vmem>>, vector<16xf32>,
        %add3A_203 = arith.constant 2 : i32
        %add3A_204 = arith.addi %mul3A_115, %add3A_203 : i32
        %get3A_205 = arith.index_cast %add3A_204 : i32 to index
        %get3A_206 = arith.constant 48 : index
        %get3A_207 = tpu.vector_load %arg8[%get3A_205, %get3A_206] {strides = array<i32>} : memref<256x64xf32, #tpu.memory_space<vmem>>, vector<16xf32>,
        %add3A_208 = arith.addf %get3A_192, %get3A_197 : vector<16xf32>
        %add3A_209 = arith.addf %get3A_202, %get3A_207 : vector<16xf32>
        %add3A_210 = arith.addf %add3A_208, %add3A_209 : vector<16xf32>
        %mul3A_211 = arith.mulf %get3A_192, %get3A_192 : vector<16xf32>
        %mul3A_212 = arith.mulf %get3A_197, %get3A_197 : vector<16xf32>
        %add3A_213 = arith.addf %mul3A_211, %mul3A_212 : vector<16xf32>
        %mul3A_214 = arith.mulf %get3A_202, %get3A_202 : vector<16xf32>
        %mul3A_215 = arith.mulf %get3A_207, %get3A_207 : vector<16xf32>
        %add3A_216 = arith.addf %mul3A_214, %mul3A_215 : vector<16xf32>
        %add3A_217 = arith.addf %add3A_213, %add3A_216 : vector<16xf32>
        %add3A_218 = arith.constant 2 : i32
        %add3A_219 = vector.broadcast %add3A_218 : i32 to vector<16xi32>
        %add3A_220 = arith.addi %mul3A_20, %add3A_219 : vector<16xi32>
        tpu.vector_store_idx %arg14[%add3A_220], %add3A_210 : memref<272xf32, #tpu.memory_space<vmem>>[vector<16xi32>], vector<16xf32>,
        %add3A_221 = arith.constant 2 : i32
        %add3A_222 = vector.broadcast %add3A_221 : i32 to vector<16xi32>
        %add3A_223 = arith.addi %mul3A_20, %add3A_222 : vector<16xi32>
        tpu.vector_store_idx %arg15[%add3A_223], %add3A_217 : memref<272xf32, #tpu.memory_space<vmem>>[vector<16xi32>], vector<16xf32>,
        %add3A_224 = arith.constant 3 : i32
        %add3A_225 = arith.addi %mul3A_115, %add3A_224 : i32
        %get3A_226 = arith.index_cast %add3A_225 : i32 to index
        %get3A_227 = arith.constant 0 : index
        %get3A_228 = tpu.vector_load %arg8[%get3A_226, %get3A_227] {strides = array<i32>} : memref<256x64xf32, #tpu.memory_space<vmem>>, vector<16xf32>,
        %add3A_229 = arith.constant 3 : i32
        %add3A_230 = arith.addi %mul3A_115, %add3A_229 : i32
        %get3A_231 = arith.index_cast %add3A_230 : i32 to index
        %get3A_232 = arith.constant 16 : index
        %get3A_233 = tpu.vector_load %arg8[%get3A_231, %get3A_232] {strides = array<i32>} : memref<256x64xf32, #tpu.memory_space<vmem>>, vector<16xf32>,
        %add3A_234 = arith.constant 3 : i32
        %add3A_235 = arith.addi %mul3A_115, %add3A_234 : i32
        %get3A_236 = arith.index_cast %add3A_235 : i32 to index
        %get3A_237 = arith.constant 32 : index
        %get3A_238 = tpu.vector_load %arg8[%get3A_236, %get3A_237] {strides = array<i32>} : memref<256x64xf32, #tpu.memory_space<vmem>>, vector<16xf32>,
        %add3A_239 = arith.constant 3 : i32
        %add3A_240 = arith.addi %mul3A_115, %add3A_239 : i32
        %get3A_241 = arith.index_cast %add3A_240 : i32 to index
        %get3A_242 = arith.constant 48 : index
        %get3A_243 = tpu.vector_load %arg8[%get3A_241, %get3A_242] {strides = array<i32>} : memref<256x64xf32, #tpu.memory_space<vmem>>, vector<16xf32>,
        %add3A_244 = arith.addf %get3A_228, %get3A_233 : vector<16xf32>
        %add3A_245 = arith.addf %get3A_238, %get3A_243 : vector<16xf32>
        %add3A_246 = arith.addf %add3A_244, %add3A_245 : vector<16xf32>
        %mul3A_247 = arith.mulf %get3A_228, %get3A_228 : vector<16xf32>
        %mul3A_248 = arith.mulf %get3A_233, %get3A_233 : vector<16xf32>
        %add3A_249 = arith.addf %mul3A_247, %mul3A_248 : vector<16xf32>
        %mul3A_250 = arith.mulf %get3A_238, %get3A_238 : vector<16xf32>
        %mul3A_251 = arith.mulf %get3A_243, %get3A_243 : vector<16xf32>
        %add3A_252 = arith.addf %mul3A_250, %mul3A_251 : vector<16xf32>
        %add3A_253 = arith.addf %add3A_249, %add3A_252 : vector<16xf32>
        %add3A_254 = arith.constant 3 : i32
        %add3A_255 = vector.broadcast %add3A_254 : i32 to vector<16xi32>
        %add3A_256 = arith.addi %mul3A_20, %add3A_255 : vector<16xi32>
        tpu.vector_store_idx %arg14[%add3A_256], %add3A_246 : memref<272xf32, #tpu.memory_space<vmem>>[vector<16xi32>], vector<16xf32>,
        %add3A_257 = arith.constant 3 : i32
        %add3A_258 = vector.broadcast %add3A_257 : i32 to vector<16xi32>
        %add3A_259 = arith.addi %mul3A_20, %add3A_258 : vector<16xi32>
        tpu.vector_store_idx %arg15[%add3A_259], %add3A_253 : memref<272xf32, #tpu.memory_space<vmem>>[vector<16xi32>], vector<16xf32>,
        %add3A_260 = arith.constant 4 : i32
        %add3A_261 = arith.addi %mul3A_115, %add3A_260 : i32
        %get3A_262 = arith.index_cast %add3A_261 : i32 to index
        %get3A_263 = arith.constant 0 : index
        %get3A_264 = tpu.vector_load %arg8[%get3A_262, %get3A_263] {strides = array<i32>} : memref<256x64xf32, #tpu.memory_space<vmem>>, vector<16xf32>,
        %add3A_265 = arith.constant 4 : i32
        %add3A_266 = arith.addi %mul3A_115, %add3A_265 : i32
        %get3A_267 = arith.index_cast %add3A_266 : i32 to index
        %get3A_268 = arith.constant 16 : index
        %get3A_269 = tpu.vector_load %arg8[%get3A_267, %get3A_268] {strides = array<i32>} : memref<256x64xf32, #tpu.memory_space<vmem>>, vector<16xf32>,
        %add3A_270 = arith.constant 4 : i32
        %add3A_271 = arith.addi %mul3A_115, %add3A_270 : i32
        %get3A_272 = arith.index_cast %add3A_271 : i32 to index
        %get3A_273 = arith.constant 32 : index
        %get3A_274 = tpu.vector_load %arg8[%get3A_272, %get3A_273] {strides = array<i32>} : memref<256x64xf32, #tpu.memory_space<vmem>>, vector<16xf32>,
        %add3A_275 = arith.constant 4 : i32
        %add3A_276 = arith.addi %mul3A_115, %add3A_275 : i32
        %get3A_277 = arith.index_cast %add3A_276 : i32 to index
        %get3A_278 = arith.constant 48 : index
        %get3A_279 = tpu.vector_load %arg8[%get3A_277, %get3A_278] {strides = array<i32>} : memref<256x64xf32, #tpu.memory_space<vmem>>, vector<16xf32>,
        %add3A_280 = arith.addf %get3A_264, %get3A_269 : vector<16xf32>
        %add3A_281 = arith.addf %get3A_274, %get3A_279 : vector<16xf32>
        %add3A_282 = arith.addf %add3A_280, %add3A_281 : vector<16xf32>
        %mul3A_283 = arith.mulf %get3A_264, %get3A_264 : vector<16xf32>
        %mul3A_284 = arith.mulf %get3A_269, %get3A_269 : vector<16xf32>
        %add3A_285 = arith.addf %mul3A_283, %mul3A_284 : vector<16xf32>
        %mul3A_286 = arith.mulf %get3A_274, %get3A_274 : vector<16xf32>
        %mul3A_287 = arith.mulf %get3A_279, %get3A_279 : vector<16xf32>
        %add3A_288 = arith.addf %mul3A_286, %mul3A_287 : vector<16xf32>
        %add3A_289 = arith.addf %add3A_285, %add3A_288 : vector<16xf32>
        %add3A_290 = arith.constant 4 : i32
        %add3A_291 = vector.broadcast %add3A_290 : i32 to vector<16xi32>
        %add3A_292 = arith.addi %mul3A_20, %add3A_291 : vector<16xi32>
        tpu.vector_store_idx %arg14[%add3A_292], %add3A_282 : memref<272xf32, #tpu.memory_space<vmem>>[vector<16xi32>], vector<16xf32>,
        %add3A_293 = arith.constant 4 : i32
        %add3A_294 = vector.broadcast %add3A_293 : i32 to vector<16xi32>
        %add3A_295 = arith.addi %mul3A_20, %add3A_294 : vector<16xi32>
        tpu.vector_store_idx %arg15[%add3A_295], %add3A_289 : memref<272xf32, #tpu.memory_space<vmem>>[vector<16xi32>], vector<16xf32>,
        %add3A_296 = arith.constant 5 : i32
        %add3A_297 = arith.addi %mul3A_115, %add3A_296 : i32
        %get3A_298 = arith.index_cast %add3A_297 : i32 to index
        %get3A_299 = arith.constant 0 : index
        %get3A_300 = tpu.vector_load %arg8[%get3A_298, %get3A_299] {strides = array<i32>} : memref<256x64xf32, #tpu.memory_space<vmem>>, vector<16xf32>,
        %add3A_301 = arith.constant 5 : i32
        %add3A_302 = arith.addi %mul3A_115, %add3A_301 : i32
        %get3A_303 = arith.index_cast %add3A_302 : i32 to index
        %get3A_304 = arith.constant 16 : index
        %get3A_305 = tpu.vector_load %arg8[%get3A_303, %get3A_304] {strides = array<i32>} : memref<256x64xf32, #tpu.memory_space<vmem>>, vector<16xf32>,
        %add3A_306 = arith.constant 5 : i32
        %add3A_307 = arith.addi %mul3A_115, %add3A_306 : i32
        %get3A_308 = arith.index_cast %add3A_307 : i32 to index
        %get3A_309 = arith.constant 32 : index
        %get3A_310 = tpu.vector_load %arg8[%get3A_308, %get3A_309] {strides = array<i32>} : memref<256x64xf32, #tpu.memory_space<vmem>>, vector<16xf32>,
        %add3A_311 = arith.constant 5 : i32
        %add3A_312 = arith.addi %mul3A_115, %add3A_311 : i32
        %get3A_313 = arith.index_cast %add3A_312 : i32 to index
        %get3A_314 = arith.constant 48 : index
        %get3A_315 = tpu.vector_load %arg8[%get3A_313, %get3A_314] {strides = array<i32>} : memref<256x64xf32, #tpu.memory_space<vmem>>, vector<16xf32>,
        %add3A_316 = arith.addf %get3A_300, %get3A_305 : vector<16xf32>
        %add3A_317 = arith.addf %get3A_310, %get3A_315 : vector<16xf32>
        %add3A_318 = arith.addf %add3A_316, %add3A_317 : vector<16xf32>
        %mul3A_319 = arith.mulf %get3A_300, %get3A_300 : vector<16xf32>
        %mul3A_320 = arith.mulf %get3A_305, %get3A_305 : vector<16xf32>
        %add3A_321 = arith.addf %mul3A_319, %mul3A_320 : vector<16xf32>
        %mul3A_322 = arith.mulf %get3A_310, %get3A_310 : vector<16xf32>
        %mul3A_323 = arith.mulf %get3A_315, %get3A_315 : vector<16xf32>
        %add3A_324 = arith.addf %mul3A_322, %mul3A_323 : vector<16xf32>
        %add3A_325 = arith.addf %add3A_321, %add3A_324 : vector<16xf32>
        %add3A_326 = arith.constant 5 : i32
        %add3A_327 = vector.broadcast %add3A_326 : i32 to vector<16xi32>
        %add3A_328 = arith.addi %mul3A_20, %add3A_327 : vector<16xi32>
        tpu.vector_store_idx %arg14[%add3A_328], %add3A_318 : memref<272xf32, #tpu.memory_space<vmem>>[vector<16xi32>], vector<16xf32>,
        %add3A_329 = arith.constant 5 : i32
        %add3A_330 = vector.broadcast %add3A_329 : i32 to vector<16xi32>
        %add3A_331 = arith.addi %mul3A_20, %add3A_330 : vector<16xi32>
        tpu.vector_store_idx %arg15[%add3A_331], %add3A_325 : memref<272xf32, #tpu.memory_space<vmem>>[vector<16xi32>], vector<16xf32>,
        %add3A_332 = arith.constant 6 : i32
        %add3A_333 = arith.addi %mul3A_115, %add3A_332 : i32
        %get3A_334 = arith.index_cast %add3A_333 : i32 to index
        %get3A_335 = arith.constant 0 : index
        %get3A_336 = tpu.vector_load %arg8[%get3A_334, %get3A_335] {strides = array<i32>} : memref<256x64xf32, #tpu.memory_space<vmem>>, vector<16xf32>,
        %add3A_337 = arith.constant 6 : i32
        %add3A_338 = arith.addi %mul3A_115, %add3A_337 : i32
        %get3A_339 = arith.index_cast %add3A_338 : i32 to index
        %get3A_340 = arith.constant 16 : index
        %get3A_341 = tpu.vector_load %arg8[%get3A_339, %get3A_340] {strides = array<i32>} : memref<256x64xf32, #tpu.memory_space<vmem>>, vector<16xf32>,
        %add3A_342 = arith.constant 6 : i32
        %add3A_343 = arith.addi %mul3A_115, %add3A_342 : i32
        %get3A_344 = arith.index_cast %add3A_343 : i32 to index
        %get3A_345 = arith.constant 32 : index
        %get3A_346 = tpu.vector_load %arg8[%get3A_344, %get3A_345] {strides = array<i32>} : memref<256x64xf32, #tpu.memory_space<vmem>>, vector<16xf32>,
        %add3A_347 = arith.constant 6 : i32
        %add3A_348 = arith.addi %mul3A_115, %add3A_347 : i32
        %get3A_349 = arith.index_cast %add3A_348 : i32 to index
        %get3A_350 = arith.constant 48 : index
        %get3A_351 = tpu.vector_load %arg8[%get3A_349, %get3A_350] {strides = array<i32>} : memref<256x64xf32, #tpu.memory_space<vmem>>, vector<16xf32>,
        %add3A_352 = arith.addf %get3A_336, %get3A_341 : vector<16xf32>
        %add3A_353 = arith.addf %get3A_346, %get3A_351 : vector<16xf32>
        %add3A_354 = arith.addf %add3A_352, %add3A_353 : vector<16xf32>
        %mul3A_355 = arith.mulf %get3A_336, %get3A_336 : vector<16xf32>
        %mul3A_356 = arith.mulf %get3A_341, %get3A_341 : vector<16xf32>
        %add3A_357 = arith.addf %mul3A_355, %mul3A_356 : vector<16xf32>
        %mul3A_358 = arith.mulf %get3A_346, %get3A_346 : vector<16xf32>
        %mul3A_359 = arith.mulf %get3A_351, %get3A_351 : vector<16xf32>
        %add3A_360 = arith.addf %mul3A_358, %mul3A_359 : vector<16xf32>
        %add3A_361 = arith.addf %add3A_357, %add3A_360 : vector<16xf32>
        %add3A_362 = arith.constant 6 : i32
        %add3A_363 = vector.broadcast %add3A_362 : i32 to vector<16xi32>
        %add3A_364 = arith.addi %mul3A_20, %add3A_363 : vector<16xi32>
        tpu.vector_store_idx %arg14[%add3A_364], %add3A_354 : memref<272xf32, #tpu.memory_space<vmem>>[vector<16xi32>], vector<16xf32>,
        %add3A_365 = arith.constant 6 : i32
        %add3A_366 = vector.broadcast %add3A_365 : i32 to vector<16xi32>
        %add3A_367 = arith.addi %mul3A_20, %add3A_366 : vector<16xi32>
        tpu.vector_store_idx %arg15[%add3A_367], %add3A_361 : memref<272xf32, #tpu.memory_space<vmem>>[vector<16xi32>], vector<16xf32>,
        %add3A_368 = arith.constant 7 : i32
        %add3A_369 = arith.addi %mul3A_115, %add3A_368 : i32
        %get3A_370 = arith.index_cast %add3A_369 : i32 to index
        %get3A_371 = arith.constant 0 : index
        %get3A_372 = tpu.vector_load %arg8[%get3A_370, %get3A_371] {strides = array<i32>} : memref<256x64xf32, #tpu.memory_space<vmem>>, vector<16xf32>,
        %add3A_373 = arith.constant 7 : i32
        %add3A_374 = arith.addi %mul3A_115, %add3A_373 : i32
        %get3A_375 = arith.index_cast %add3A_374 : i32 to index
        %get3A_376 = arith.constant 16 : index
        %get3A_377 = tpu.vector_load %arg8[%get3A_375, %get3A_376] {strides = array<i32>} : memref<256x64xf32, #tpu.memory_space<vmem>>, vector<16xf32>,
        %add3A_378 = arith.constant 7 : i32
        %add3A_379 = arith.addi %mul3A_115, %add3A_378 : i32
        %get3A_380 = arith.index_cast %add3A_379 : i32 to index
        %get3A_381 = arith.constant 32 : index
        %get3A_382 = tpu.vector_load %arg8[%get3A_380, %get3A_381] {strides = array<i32>} : memref<256x64xf32, #tpu.memory_space<vmem>>, vector<16xf32>,
        %add3A_383 = arith.constant 7 : i32
        %add3A_384 = arith.addi %mul3A_115, %add3A_383 : i32
        %get3A_385 = arith.index_cast %add3A_384 : i32 to index
        %get3A_386 = arith.constant 48 : index
        %get3A_387 = tpu.vector_load %arg8[%get3A_385, %get3A_386] {strides = array<i32>} : memref<256x64xf32, #tpu.memory_space<vmem>>, vector<16xf32>,
        %add3A_388 = arith.addf %get3A_372, %get3A_377 : vector<16xf32>
        %add3A_389 = arith.addf %get3A_382, %get3A_387 : vector<16xf32>
        %add3A_390 = arith.addf %add3A_388, %add3A_389 : vector<16xf32>
        %mul3A_391 = arith.mulf %get3A_372, %get3A_372 : vector<16xf32>
        %mul3A_392 = arith.mulf %get3A_377, %get3A_377 : vector<16xf32>
        %add3A_393 = arith.addf %mul3A_391, %mul3A_392 : vector<16xf32>
        %mul3A_394 = arith.mulf %get3A_382, %get3A_382 : vector<16xf32>
        %mul3A_395 = arith.mulf %get3A_387, %get3A_387 : vector<16xf32>
        %add3A_396 = arith.addf %mul3A_394, %mul3A_395 : vector<16xf32>
        %add3A_397 = arith.addf %add3A_393, %add3A_396 : vector<16xf32>
        %add3A_398 = arith.constant 7 : i32
        %add3A_399 = vector.broadcast %add3A_398 : i32 to vector<16xi32>
        %add3A_400 = arith.addi %mul3A_20, %add3A_399 : vector<16xi32>
        tpu.vector_store_idx %arg14[%add3A_400], %add3A_390 : memref<272xf32, #tpu.memory_space<vmem>>[vector<16xi32>], vector<16xf32>,
        %add3A_401 = arith.constant 7 : i32
        %add3A_402 = vector.broadcast %add3A_401 : i32 to vector<16xi32>
        %add3A_403 = arith.addi %mul3A_20, %add3A_402 : vector<16xi32>
        tpu.vector_store_idx %arg15[%add3A_403], %add3A_397 : memref<272xf32, #tpu.memory_space<vmem>>[vector<16xi32>], vector<16xf32>,
        %add3A_404 = arith.constant 8 : i32
        %add3A_405 = arith.addi %mul3A_115, %add3A_404 : i32
        %get3A_406 = arith.index_cast %add3A_405 : i32 to index
        %get3A_407 = arith.constant 0 : index
        %get3A_408 = tpu.vector_load %arg8[%get3A_406, %get3A_407] {strides = array<i32>} : memref<256x64xf32, #tpu.memory_space<vmem>>, vector<16xf32>,
        %add3A_409 = arith.constant 8 : i32
        %add3A_410 = arith.addi %mul3A_115, %add3A_409 : i32
        %get3A_411 = arith.index_cast %add3A_410 : i32 to index
        %get3A_412 = arith.constant 16 : index
        %get3A_413 = tpu.vector_load %arg8[%get3A_411, %get3A_412] {strides = array<i32>} : memref<256x64xf32, #tpu.memory_space<vmem>>, vector<16xf32>,
        %add3A_414 = arith.constant 8 : i32
        %add3A_415 = arith.addi %mul3A_115, %add3A_414 : i32
        %get3A_416 = arith.index_cast %add3A_415 : i32 to index
        %get3A_417 = arith.constant 32 : index
        %get3A_418 = tpu.vector_load %arg8[%get3A_416, %get3A_417] {strides = array<i32>} : memref<256x64xf32, #tpu.memory_space<vmem>>, vector<16xf32>,
        %add3A_419 = arith.constant 8 : i32
        %add3A_420 = arith.addi %mul3A_115, %add3A_419 : i32
        %get3A_421 = arith.index_cast %add3A_420 : i32 to index
        %get3A_422 = arith.constant 48 : index
        %get3A_423 = tpu.vector_load %arg8[%get3A_421, %get3A_422] {strides = array<i32>} : memref<256x64xf32, #tpu.memory_space<vmem>>, vector<16xf32>,
        %add3A_424 = arith.addf %get3A_408, %get3A_413 : vector<16xf32>
        %add3A_425 = arith.addf %get3A_418, %get3A_423 : vector<16xf32>
        %add3A_426 = arith.addf %add3A_424, %add3A_425 : vector<16xf32>
        %mul3A_427 = arith.mulf %get3A_408, %get3A_408 : vector<16xf32>
        %mul3A_428 = arith.mulf %get3A_413, %get3A_413 : vector<16xf32>
        %add3A_429 = arith.addf %mul3A_427, %mul3A_428 : vector<16xf32>
        %mul3A_430 = arith.mulf %get3A_418, %get3A_418 : vector<16xf32>
        %mul3A_431 = arith.mulf %get3A_423, %get3A_423 : vector<16xf32>
        %add3A_432 = arith.addf %mul3A_430, %mul3A_431 : vector<16xf32>
        %add3A_433 = arith.addf %add3A_429, %add3A_432 : vector<16xf32>
        %add3A_434 = arith.constant 8 : i32
        %add3A_435 = vector.broadcast %add3A_434 : i32 to vector<16xi32>
        %add3A_436 = arith.addi %mul3A_20, %add3A_435 : vector<16xi32>
        tpu.vector_store_idx %arg14[%add3A_436], %add3A_426 : memref<272xf32, #tpu.memory_space<vmem>>[vector<16xi32>], vector<16xf32>,
        %add3A_437 = arith.constant 8 : i32
        %add3A_438 = vector.broadcast %add3A_437 : i32 to vector<16xi32>
        %add3A_439 = arith.addi %mul3A_20, %add3A_438 : vector<16xi32>
        tpu.vector_store_idx %arg15[%add3A_439], %add3A_433 : memref<272xf32, #tpu.memory_space<vmem>>[vector<16xi32>], vector<16xf32>,
        %add3A_440 = arith.constant 9 : i32
        %add3A_441 = arith.addi %mul3A_115, %add3A_440 : i32
        %get3A_442 = arith.index_cast %add3A_441 : i32 to index
        %get3A_443 = arith.constant 0 : index
        %get3A_444 = tpu.vector_load %arg8[%get3A_442, %get3A_443] {strides = array<i32>} : memref<256x64xf32, #tpu.memory_space<vmem>>, vector<16xf32>,
        %add3A_445 = arith.constant 9 : i32
        %add3A_446 = arith.addi %mul3A_115, %add3A_445 : i32
        %get3A_447 = arith.index_cast %add3A_446 : i32 to index
        %get3A_448 = arith.constant 16 : index
        %get3A_449 = tpu.vector_load %arg8[%get3A_447, %get3A_448] {strides = array<i32>} : memref<256x64xf32, #tpu.memory_space<vmem>>, vector<16xf32>,
        %add3A_450 = arith.constant 9 : i32
        %add3A_451 = arith.addi %mul3A_115, %add3A_450 : i32
        %get3A_452 = arith.index_cast %add3A_451 : i32 to index
        %get3A_453 = arith.constant 32 : index
        %get3A_454 = tpu.vector_load %arg8[%get3A_452, %get3A_453] {strides = array<i32>} : memref<256x64xf32, #tpu.memory_space<vmem>>, vector<16xf32>,
        %add3A_455 = arith.constant 9 : i32
        %add3A_456 = arith.addi %mul3A_115, %add3A_455 : i32
        %get3A_457 = arith.index_cast %add3A_456 : i32 to index
        %get3A_458 = arith.constant 48 : index
        %get3A_459 = tpu.vector_load %arg8[%get3A_457, %get3A_458] {strides = array<i32>} : memref<256x64xf32, #tpu.memory_space<vmem>>, vector<16xf32>,
        %add3A_460 = arith.addf %get3A_444, %get3A_449 : vector<16xf32>
        %add3A_461 = arith.addf %get3A_454, %get3A_459 : vector<16xf32>
        %add3A_462 = arith.addf %add3A_460, %add3A_461 : vector<16xf32>
        %mul3A_463 = arith.mulf %get3A_444, %get3A_444 : vector<16xf32>
        %mul3A_464 = arith.mulf %get3A_449, %get3A_449 : vector<16xf32>
        %add3A_465 = arith.addf %mul3A_463, %mul3A_464 : vector<16xf32>
        %mul3A_466 = arith.mulf %get3A_454, %get3A_454 : vector<16xf32>
        %mul3A_467 = arith.mulf %get3A_459, %get3A_459 : vector<16xf32>
        %add3A_468 = arith.addf %mul3A_466, %mul3A_467 : vector<16xf32>
        %add3A_469 = arith.addf %add3A_465, %add3A_468 : vector<16xf32>
        %add3A_470 = arith.constant 9 : i32
        %add3A_471 = vector.broadcast %add3A_470 : i32 to vector<16xi32>
        %add3A_472 = arith.addi %mul3A_20, %add3A_471 : vector<16xi32>
        tpu.vector_store_idx %arg14[%add3A_472], %add3A_462 : memref<272xf32, #tpu.memory_space<vmem>>[vector<16xi32>], vector<16xf32>,
        %add3A_473 = arith.constant 9 : i32
        %add3A_474 = vector.broadcast %add3A_473 : i32 to vector<16xi32>
        %add3A_475 = arith.addi %mul3A_20, %add3A_474 : vector<16xi32>
        tpu.vector_store_idx %arg15[%add3A_475], %add3A_469 : memref<272xf32, #tpu.memory_space<vmem>>[vector<16xi32>], vector<16xf32>,
        %add3A_476 = arith.constant 10 : i32
        %add3A_477 = arith.addi %mul3A_115, %add3A_476 : i32
        %get3A_478 = arith.index_cast %add3A_477 : i32 to index
        %get3A_479 = arith.constant 0 : index
        %get3A_480 = tpu.vector_load %arg8[%get3A_478, %get3A_479] {strides = array<i32>} : memref<256x64xf32, #tpu.memory_space<vmem>>, vector<16xf32>,
        %add3A_481 = arith.constant 10 : i32
        %add3A_482 = arith.addi %mul3A_115, %add3A_481 : i32
        %get3A_483 = arith.index_cast %add3A_482 : i32 to index
        %get3A_484 = arith.constant 16 : index
        %get3A_485 = tpu.vector_load %arg8[%get3A_483, %get3A_484] {strides = array<i32>} : memref<256x64xf32, #tpu.memory_space<vmem>>, vector<16xf32>,
        %add3A_486 = arith.constant 10 : i32
        %add3A_487 = arith.addi %mul3A_115, %add3A_486 : i32
        %get3A_488 = arith.index_cast %add3A_487 : i32 to index
        %get3A_489 = arith.constant 32 : index
        %get3A_490 = tpu.vector_load %arg8[%get3A_488, %get3A_489] {strides = array<i32>} : memref<256x64xf32, #tpu.memory_space<vmem>>, vector<16xf32>,
        %add3A_491 = arith.constant 10 : i32
        %add3A_492 = arith.addi %mul3A_115, %add3A_491 : i32
        %get3A_493 = arith.index_cast %add3A_492 : i32 to index
        %get3A_494 = arith.constant 48 : index
        %get3A_495 = tpu.vector_load %arg8[%get3A_493, %get3A_494] {strides = array<i32>} : memref<256x64xf32, #tpu.memory_space<vmem>>, vector<16xf32>,
        %add3A_496 = arith.addf %get3A_480, %get3A_485 : vector<16xf32>
        %add3A_497 = arith.addf %get3A_490, %get3A_495 : vector<16xf32>
        %add3A_498 = arith.addf %add3A_496, %add3A_497 : vector<16xf32>
        %mul3A_499 = arith.mulf %get3A_480, %get3A_480 : vector<16xf32>
        %mul3A_500 = arith.mulf %get3A_485, %get3A_485 : vector<16xf32>
        %add3A_501 = arith.addf %mul3A_499, %mul3A_500 : vector<16xf32>
        %mul3A_502 = arith.mulf %get3A_490, %get3A_490 : vector<16xf32>
        %mul3A_503 = arith.mulf %get3A_495, %get3A_495 : vector<16xf32>
        %add3A_504 = arith.addf %mul3A_502, %mul3A_503 : vector<16xf32>
        %add3A_505 = arith.addf %add3A_501, %add3A_504 : vector<16xf32>
        %add3A_506 = arith.constant 10 : i32
        %add3A_507 = vector.broadcast %add3A_506 : i32 to vector<16xi32>
        %add3A_508 = arith.addi %mul3A_20, %add3A_507 : vector<16xi32>
        tpu.vector_store_idx %arg14[%add3A_508], %add3A_498 : memref<272xf32, #tpu.memory_space<vmem>>[vector<16xi32>], vector<16xf32>,
        %add3A_509 = arith.constant 10 : i32
        %add3A_510 = vector.broadcast %add3A_509 : i32 to vector<16xi32>
        %add3A_511 = arith.addi %mul3A_20, %add3A_510 : vector<16xi32>
        tpu.vector_store_idx %arg15[%add3A_511], %add3A_505 : memref<272xf32, #tpu.memory_space<vmem>>[vector<16xi32>], vector<16xf32>,
        %add3A_512 = arith.constant 11 : i32
        %add3A_513 = arith.addi %mul3A_115, %add3A_512 : i32
        %get3A_514 = arith.index_cast %add3A_513 : i32 to index
        %get3A_515 = arith.constant 0 : index
        %get3A_516 = tpu.vector_load %arg8[%get3A_514, %get3A_515] {strides = array<i32>} : memref<256x64xf32, #tpu.memory_space<vmem>>, vector<16xf32>,
        %add3A_517 = arith.constant 11 : i32
        %add3A_518 = arith.addi %mul3A_115, %add3A_517 : i32
        %get3A_519 = arith.index_cast %add3A_518 : i32 to index
        %get3A_520 = arith.constant 16 : index
        %get3A_521 = tpu.vector_load %arg8[%get3A_519, %get3A_520] {strides = array<i32>} : memref<256x64xf32, #tpu.memory_space<vmem>>, vector<16xf32>,
        %add3A_522 = arith.constant 11 : i32
        %add3A_523 = arith.addi %mul3A_115, %add3A_522 : i32
        %get3A_524 = arith.index_cast %add3A_523 : i32 to index
        %get3A_525 = arith.constant 32 : index
        %get3A_526 = tpu.vector_load %arg8[%get3A_524, %get3A_525] {strides = array<i32>} : memref<256x64xf32, #tpu.memory_space<vmem>>, vector<16xf32>,
        %add3A_527 = arith.constant 11 : i32
        %add3A_528 = arith.addi %mul3A_115, %add3A_527 : i32
        %get3A_529 = arith.index_cast %add3A_528 : i32 to index
        %get3A_530 = arith.constant 48 : index
        %get3A_531 = tpu.vector_load %arg8[%get3A_529, %get3A_530] {strides = array<i32>} : memref<256x64xf32, #tpu.memory_space<vmem>>, vector<16xf32>,
        %add3A_532 = arith.addf %get3A_516, %get3A_521 : vector<16xf32>
        %add3A_533 = arith.addf %get3A_526, %get3A_531 : vector<16xf32>
        %add3A_534 = arith.addf %add3A_532, %add3A_533 : vector<16xf32>
        %mul3A_535 = arith.mulf %get3A_516, %get3A_516 : vector<16xf32>
        %mul3A_536 = arith.mulf %get3A_521, %get3A_521 : vector<16xf32>
        %add3A_537 = arith.addf %mul3A_535, %mul3A_536 : vector<16xf32>
        %mul3A_538 = arith.mulf %get3A_526, %get3A_526 : vector<16xf32>
        %mul3A_539 = arith.mulf %get3A_531, %get3A_531 : vector<16xf32>
        %add3A_540 = arith.addf %mul3A_538, %mul3A_539 : vector<16xf32>
        %add3A_541 = arith.addf %add3A_537, %add3A_540 : vector<16xf32>
        %add3A_542 = arith.constant 11 : i32
        %add3A_543 = vector.broadcast %add3A_542 : i32 to vector<16xi32>
        %add3A_544 = arith.addi %mul3A_20, %add3A_543 : vector<16xi32>
        tpu.vector_store_idx %arg14[%add3A_544], %add3A_534 : memref<272xf32, #tpu.memory_space<vmem>>[vector<16xi32>], vector<16xf32>,
        %add3A_545 = arith.constant 11 : i32
        %add3A_546 = vector.broadcast %add3A_545 : i32 to vector<16xi32>
        %add3A_547 = arith.addi %mul3A_20, %add3A_546 : vector<16xi32>
        tpu.vector_store_idx %arg15[%add3A_547], %add3A_541 : memref<272xf32, #tpu.memory_space<vmem>>[vector<16xi32>], vector<16xf32>,
        %add3A_548 = arith.constant 12 : i32
        %add3A_549 = arith.addi %mul3A_115, %add3A_548 : i32
        %get3A_550 = arith.index_cast %add3A_549 : i32 to index
        %get3A_551 = arith.constant 0 : index
        %get3A_552 = tpu.vector_load %arg8[%get3A_550, %get3A_551] {strides = array<i32>} : memref<256x64xf32, #tpu.memory_space<vmem>>, vector<16xf32>,
        %add3A_553 = arith.constant 12 : i32
        %add3A_554 = arith.addi %mul3A_115, %add3A_553 : i32
        %get3A_555 = arith.index_cast %add3A_554 : i32 to index
        %get3A_556 = arith.constant 16 : index
        %get3A_557 = tpu.vector_load %arg8[%get3A_555, %get3A_556] {strides = array<i32>} : memref<256x64xf32, #tpu.memory_space<vmem>>, vector<16xf32>,
        %add3A_558 = arith.constant 12 : i32
        %add3A_559 = arith.addi %mul3A_115, %add3A_558 : i32
        %get3A_560 = arith.index_cast %add3A_559 : i32 to index
        %get3A_561 = arith.constant 32 : index
        %get3A_562 = tpu.vector_load %arg8[%get3A_560, %get3A_561] {strides = array<i32>} : memref<256x64xf32, #tpu.memory_space<vmem>>, vector<16xf32>,
        %add3A_563 = arith.constant 12 : i32
        %add3A_564 = arith.addi %mul3A_115, %add3A_563 : i32
        %get3A_565 = arith.index_cast %add3A_564 : i32 to index
        %get3A_566 = arith.constant 48 : index
        %get3A_567 = tpu.vector_load %arg8[%get3A_565, %get3A_566] {strides = array<i32>} : memref<256x64xf32, #tpu.memory_space<vmem>>, vector<16xf32>,
        %add3A_568 = arith.addf %get3A_552, %get3A_557 : vector<16xf32>
        %add3A_569 = arith.addf %get3A_562, %get3A_567 : vector<16xf32>
        %add3A_570 = arith.addf %add3A_568, %add3A_569 : vector<16xf32>
        %mul3A_571 = arith.mulf %get3A_552, %get3A_552 : vector<16xf32>
        %mul3A_572 = arith.mulf %get3A_557, %get3A_557 : vector<16xf32>
        %add3A_573 = arith.addf %mul3A_571, %mul3A_572 : vector<16xf32>
        %mul3A_574 = arith.mulf %get3A_562, %get3A_562 : vector<16xf32>
        %mul3A_575 = arith.mulf %get3A_567, %get3A_567 : vector<16xf32>
        %add3A_576 = arith.addf %mul3A_574, %mul3A_575 : vector<16xf32>
        %add3A_577 = arith.addf %add3A_573, %add3A_576 : vector<16xf32>
        %add3A_578 = arith.constant 12 : i32
        %add3A_579 = vector.broadcast %add3A_578 : i32 to vector<16xi32>
        %add3A_580 = arith.addi %mul3A_20, %add3A_579 : vector<16xi32>
        tpu.vector_store_idx %arg14[%add3A_580], %add3A_570 : memref<272xf32, #tpu.memory_space<vmem>>[vector<16xi32>], vector<16xf32>,
        %add3A_581 = arith.constant 12 : i32
        %add3A_582 = vector.broadcast %add3A_581 : i32 to vector<16xi32>
        %add3A_583 = arith.addi %mul3A_20, %add3A_582 : vector<16xi32>
        tpu.vector_store_idx %arg15[%add3A_583], %add3A_577 : memref<272xf32, #tpu.memory_space<vmem>>[vector<16xi32>], vector<16xf32>,
        %add3A_584 = arith.constant 13 : i32
        %add3A_585 = arith.addi %mul3A_115, %add3A_584 : i32
        %get3A_586 = arith.index_cast %add3A_585 : i32 to index
        %get3A_587 = arith.constant 0 : index
        %get3A_588 = tpu.vector_load %arg8[%get3A_586, %get3A_587] {strides = array<i32>} : memref<256x64xf32, #tpu.memory_space<vmem>>, vector<16xf32>,
        %add3A_589 = arith.constant 13 : i32
        %add3A_590 = arith.addi %mul3A_115, %add3A_589 : i32
        %get3A_591 = arith.index_cast %add3A_590 : i32 to index
        %get3A_592 = arith.constant 16 : index
        %get3A_593 = tpu.vector_load %arg8[%get3A_591, %get3A_592] {strides = array<i32>} : memref<256x64xf32, #tpu.memory_space<vmem>>, vector<16xf32>,
        %add3A_594 = arith.constant 13 : i32
        %add3A_595 = arith.addi %mul3A_115, %add3A_594 : i32
        %get3A_596 = arith.index_cast %add3A_595 : i32 to index
        %get3A_597 = arith.constant 32 : index
        %get3A_598 = tpu.vector_load %arg8[%get3A_596, %get3A_597] {strides = array<i32>} : memref<256x64xf32, #tpu.memory_space<vmem>>, vector<16xf32>,
        %add3A_599 = arith.constant 13 : i32
        %add3A_600 = arith.addi %mul3A_115, %add3A_599 : i32
        %get3A_601 = arith.index_cast %add3A_600 : i32 to index
        %get3A_602 = arith.constant 48 : index
        %get3A_603 = tpu.vector_load %arg8[%get3A_601, %get3A_602] {strides = array<i32>} : memref<256x64xf32, #tpu.memory_space<vmem>>, vector<16xf32>,
        %add3A_604 = arith.addf %get3A_588, %get3A_593 : vector<16xf32>
        %add3A_605 = arith.addf %get3A_598, %get3A_603 : vector<16xf32>
        %add3A_606 = arith.addf %add3A_604, %add3A_605 : vector<16xf32>
        %mul3A_607 = arith.mulf %get3A_588, %get3A_588 : vector<16xf32>
        %mul3A_608 = arith.mulf %get3A_593, %get3A_593 : vector<16xf32>
        %add3A_609 = arith.addf %mul3A_607, %mul3A_608 : vector<16xf32>
        %mul3A_610 = arith.mulf %get3A_598, %get3A_598 : vector<16xf32>
        %mul3A_611 = arith.mulf %get3A_603, %get3A_603 : vector<16xf32>
        %add3A_612 = arith.addf %mul3A_610, %mul3A_611 : vector<16xf32>
        %add3A_613 = arith.addf %add3A_609, %add3A_612 : vector<16xf32>
        %add3A_614 = arith.constant 13 : i32
        %add3A_615 = vector.broadcast %add3A_614 : i32 to vector<16xi32>
        %add3A_616 = arith.addi %mul3A_20, %add3A_615 : vector<16xi32>
        tpu.vector_store_idx %arg14[%add3A_616], %add3A_606 : memref<272xf32, #tpu.memory_space<vmem>>[vector<16xi32>], vector<16xf32>,
        %add3A_617 = arith.constant 13 : i32
        %add3A_618 = vector.broadcast %add3A_617 : i32 to vector<16xi32>
        %add3A_619 = arith.addi %mul3A_20, %add3A_618 : vector<16xi32>
        tpu.vector_store_idx %arg15[%add3A_619], %add3A_613 : memref<272xf32, #tpu.memory_space<vmem>>[vector<16xi32>], vector<16xf32>,
        %add3A_620 = arith.constant 14 : i32
        %add3A_621 = arith.addi %mul3A_115, %add3A_620 : i32
        %get3A_622 = arith.index_cast %add3A_621 : i32 to index
        %get3A_623 = arith.constant 0 : index
        %get3A_624 = tpu.vector_load %arg8[%get3A_622, %get3A_623] {strides = array<i32>} : memref<256x64xf32, #tpu.memory_space<vmem>>, vector<16xf32>,
        %add3A_625 = arith.constant 14 : i32
        %add3A_626 = arith.addi %mul3A_115, %add3A_625 : i32
        %get3A_627 = arith.index_cast %add3A_626 : i32 to index
        %get3A_628 = arith.constant 16 : index
        %get3A_629 = tpu.vector_load %arg8[%get3A_627, %get3A_628] {strides = array<i32>} : memref<256x64xf32, #tpu.memory_space<vmem>>, vector<16xf32>,
        %add3A_630 = arith.constant 14 : i32
        %add3A_631 = arith.addi %mul3A_115, %add3A_630 : i32
        %get3A_632 = arith.index_cast %add3A_631 : i32 to index
        %get3A_633 = arith.constant 32 : index
        %get3A_634 = tpu.vector_load %arg8[%get3A_632, %get3A_633] {strides = array<i32>} : memref<256x64xf32, #tpu.memory_space<vmem>>, vector<16xf32>,
        %add3A_635 = arith.constant 14 : i32
        %add3A_636 = arith.addi %mul3A_115, %add3A_635 : i32
        %get3A_637 = arith.index_cast %add3A_636 : i32 to index
        %get3A_638 = arith.constant 48 : index
        %get3A_639 = tpu.vector_load %arg8[%get3A_637, %get3A_638] {strides = array<i32>} : memref<256x64xf32, #tpu.memory_space<vmem>>, vector<16xf32>,
        %add3A_640 = arith.addf %get3A_624, %get3A_629 : vector<16xf32>
        %add3A_641 = arith.addf %get3A_634, %get3A_639 : vector<16xf32>
        %add3A_642 = arith.addf %add3A_640, %add3A_641 : vector<16xf32>
        %mul3A_643 = arith.mulf %get3A_624, %get3A_624 : vector<16xf32>
        %mul3A_644 = arith.mulf %get3A_629, %get3A_629 : vector<16xf32>
        %add3A_645 = arith.addf %mul3A_643, %mul3A_644 : vector<16xf32>
        %mul3A_646 = arith.mulf %get3A_634, %get3A_634 : vector<16xf32>
        %mul3A_647 = arith.mulf %get3A_639, %get3A_639 : vector<16xf32>
        %add3A_648 = arith.addf %mul3A_646, %mul3A_647 : vector<16xf32>
        %add3A_649 = arith.addf %add3A_645, %add3A_648 : vector<16xf32>
        %add3A_650 = arith.constant 14 : i32
        %add3A_651 = vector.broadcast %add3A_650 : i32 to vector<16xi32>
        %add3A_652 = arith.addi %mul3A_20, %add3A_651 : vector<16xi32>
        tpu.vector_store_idx %arg14[%add3A_652], %add3A_642 : memref<272xf32, #tpu.memory_space<vmem>>[vector<16xi32>], vector<16xf32>,
        %add3A_653 = arith.constant 14 : i32
        %add3A_654 = vector.broadcast %add3A_653 : i32 to vector<16xi32>
        %add3A_655 = arith.addi %mul3A_20, %add3A_654 : vector<16xi32>
        tpu.vector_store_idx %arg15[%add3A_655], %add3A_649 : memref<272xf32, #tpu.memory_space<vmem>>[vector<16xi32>], vector<16xf32>,
        %add3A_656 = arith.constant 15 : i32
        %add3A_657 = arith.addi %mul3A_115, %add3A_656 : i32
        %get3A_658 = arith.index_cast %add3A_657 : i32 to index
        %get3A_659 = arith.constant 0 : index
        %get3A_660 = tpu.vector_load %arg8[%get3A_658, %get3A_659] {strides = array<i32>} : memref<256x64xf32, #tpu.memory_space<vmem>>, vector<16xf32>,
        %add3A_661 = arith.constant 15 : i32
        %add3A_662 = arith.addi %mul3A_115, %add3A_661 : i32
        %get3A_663 = arith.index_cast %add3A_662 : i32 to index
        %get3A_664 = arith.constant 16 : index
        %get3A_665 = tpu.vector_load %arg8[%get3A_663, %get3A_664] {strides = array<i32>} : memref<256x64xf32, #tpu.memory_space<vmem>>, vector<16xf32>,
        %add3A_666 = arith.constant 15 : i32
        %add3A_667 = arith.addi %mul3A_115, %add3A_666 : i32
        %get3A_668 = arith.index_cast %add3A_667 : i32 to index
        %get3A_669 = arith.constant 32 : index
        %get3A_670 = tpu.vector_load %arg8[%get3A_668, %get3A_669] {strides = array<i32>} : memref<256x64xf32, #tpu.memory_space<vmem>>, vector<16xf32>,
        %add3A_671 = arith.constant 15 : i32
        %add3A_672 = arith.addi %mul3A_115, %add3A_671 : i32
        %get3A_673 = arith.index_cast %add3A_672 : i32 to index
        %get3A_674 = arith.constant 48 : index
        %get3A_675 = tpu.vector_load %arg8[%get3A_673, %get3A_674] {strides = array<i32>} : memref<256x64xf32, #tpu.memory_space<vmem>>, vector<16xf32>,
        %add3A_676 = arith.addf %get3A_660, %get3A_665 : vector<16xf32>
        %add3A_677 = arith.addf %get3A_670, %get3A_675 : vector<16xf32>
        %add3A_678 = arith.addf %add3A_676, %add3A_677 : vector<16xf32>
        %mul3A_679 = arith.mulf %get3A_660, %get3A_660 : vector<16xf32>
        %mul3A_680 = arith.mulf %get3A_665, %get3A_665 : vector<16xf32>
        %add3A_681 = arith.addf %mul3A_679, %mul3A_680 : vector<16xf32>
        %mul3A_682 = arith.mulf %get3A_670, %get3A_670 : vector<16xf32>
        %mul3A_683 = arith.mulf %get3A_675, %get3A_675 : vector<16xf32>
        %add3A_684 = arith.addf %mul3A_682, %mul3A_683 : vector<16xf32>
        %add3A_685 = arith.addf %add3A_681, %add3A_684 : vector<16xf32>
        %add3A_686 = arith.constant 15 : i32
        %add3A_687 = vector.broadcast %add3A_686 : i32 to vector<16xi32>
        %add3A_688 = arith.addi %mul3A_20, %add3A_687 : vector<16xi32>
        tpu.vector_store_idx %arg14[%add3A_688], %add3A_678 : memref<272xf32, #tpu.memory_space<vmem>>[vector<16xi32>], vector<16xf32>,
        %add3A_689 = arith.constant 15 : i32
        %add3A_690 = vector.broadcast %add3A_689 : i32 to vector<16xi32>
        %add3A_691 = arith.addi %mul3A_20, %add3A_690 : vector<16xi32>
        tpu.vector_store_idx %arg15[%add3A_691], %add3A_685 : memref<272xf32, #tpu.memory_space<vmem>>[vector<16xi32>], vector<16xf32>,
        %get3A_692 = arith.constant 0 : index
        %get3A_693 = tpu.vector_load %arg14[%get3A_692] {strides = array<i32>} : memref<272xf32, #tpu.memory_space<vmem>>, vector<16xf32>,
        %get3A_694 = arith.constant 0 : index
        %get3A_695 = tpu.vector_load %arg15[%get3A_694] {strides = array<i32>} : memref<272xf32, #tpu.memory_space<vmem>>, vector<16xf32>,
        %get3A_696 = arith.constant 17 : index
        %get3A_697 = tpu.vector_load %arg14[%get3A_696] {strides = array<i32>} : memref<272xf32, #tpu.memory_space<vmem>>, vector<16xf32>,
        %add3A_698 = arith.addf %get3A_693, %get3A_697 : vector<16xf32>
        %get3A_699 = arith.constant 17 : index
        %get3A_700 = tpu.vector_load %arg15[%get3A_699] {strides = array<i32>} : memref<272xf32, #tpu.memory_space<vmem>>, vector<16xf32>,
        %add3A_701 = arith.addf %get3A_695, %get3A_700 : vector<16xf32>
        %get3A_702 = arith.constant 34 : index
        %get3A_703 = tpu.vector_load %arg14[%get3A_702] {strides = array<i32>} : memref<272xf32, #tpu.memory_space<vmem>>, vector<16xf32>,
        %add3A_704 = arith.addf %add3A_698, %get3A_703 : vector<16xf32>
        %get3A_705 = arith.constant 34 : index
        %get3A_706 = tpu.vector_load %arg15[%get3A_705] {strides = array<i32>} : memref<272xf32, #tpu.memory_space<vmem>>, vector<16xf32>,
        %add3A_707 = arith.addf %add3A_701, %get3A_706 : vector<16xf32>
        %get3A_708 = arith.constant 51 : index
        %get3A_709 = tpu.vector_load %arg14[%get3A_708] {strides = array<i32>} : memref<272xf32, #tpu.memory_space<vmem>>, vector<16xf32>,
        %add3A_710 = arith.addf %add3A_704, %get3A_709 : vector<16xf32>
        %get3A_711 = arith.constant 51 : index
        %get3A_712 = tpu.vector_load %arg15[%get3A_711] {strides = array<i32>} : memref<272xf32, #tpu.memory_space<vmem>>, vector<16xf32>,
        %add3A_713 = arith.addf %add3A_707, %get3A_712 : vector<16xf32>
        %get3A_714 = arith.constant 68 : index
        %get3A_715 = tpu.vector_load %arg14[%get3A_714] {strides = array<i32>} : memref<272xf32, #tpu.memory_space<vmem>>, vector<16xf32>,
        %add3A_716 = arith.addf %add3A_710, %get3A_715 : vector<16xf32>
        %get3A_717 = arith.constant 68 : index
        %get3A_718 = tpu.vector_load %arg15[%get3A_717] {strides = array<i32>} : memref<272xf32, #tpu.memory_space<vmem>>, vector<16xf32>,
        %add3A_719 = arith.addf %add3A_713, %get3A_718 : vector<16xf32>
        %get3A_720 = arith.constant 85 : index
        %get3A_721 = tpu.vector_load %arg14[%get3A_720] {strides = array<i32>} : memref<272xf32, #tpu.memory_space<vmem>>, vector<16xf32>,
        %add3A_722 = arith.addf %add3A_716, %get3A_721 : vector<16xf32>
        %get3A_723 = arith.constant 85 : index
        %get3A_724 = tpu.vector_load %arg15[%get3A_723] {strides = array<i32>} : memref<272xf32, #tpu.memory_space<vmem>>, vector<16xf32>,
        %add3A_725 = arith.addf %add3A_719, %get3A_724 : vector<16xf32>
        %get3A_726 = arith.constant 102 : index
        %get3A_727 = tpu.vector_load %arg14[%get3A_726] {strides = array<i32>} : memref<272xf32, #tpu.memory_space<vmem>>, vector<16xf32>,
        %add3A_728 = arith.addf %add3A_722, %get3A_727 : vector<16xf32>
        %get3A_729 = arith.constant 102 : index
        %get3A_730 = tpu.vector_load %arg15[%get3A_729] {strides = array<i32>} : memref<272xf32, #tpu.memory_space<vmem>>, vector<16xf32>,
        %add3A_731 = arith.addf %add3A_725, %get3A_730 : vector<16xf32>
        %get3A_732 = arith.constant 119 : index
        %get3A_733 = tpu.vector_load %arg14[%get3A_732] {strides = array<i32>} : memref<272xf32, #tpu.memory_space<vmem>>, vector<16xf32>,
        %add3A_734 = arith.addf %add3A_728, %get3A_733 : vector<16xf32>
        %get3A_735 = arith.constant 119 : index
        %get3A_736 = tpu.vector_load %arg15[%get3A_735] {strides = array<i32>} : memref<272xf32, #tpu.memory_space<vmem>>, vector<16xf32>,
        %add3A_737 = arith.addf %add3A_731, %get3A_736 : vector<16xf32>
        %get3A_738 = arith.constant 136 : index
        %get3A_739 = tpu.vector_load %arg14[%get3A_738] {strides = array<i32>} : memref<272xf32, #tpu.memory_space<vmem>>, vector<16xf32>,
        %add3A_740 = arith.addf %add3A_734, %get3A_739 : vector<16xf32>
        %get3A_741 = arith.constant 136 : index
        %get3A_742 = tpu.vector_load %arg15[%get3A_741] {strides = array<i32>} : memref<272xf32, #tpu.memory_space<vmem>>, vector<16xf32>,
        %add3A_743 = arith.addf %add3A_737, %get3A_742 : vector<16xf32>
        %get3A_744 = arith.constant 153 : index
        %get3A_745 = tpu.vector_load %arg14[%get3A_744] {strides = array<i32>} : memref<272xf32, #tpu.memory_space<vmem>>, vector<16xf32>,
        %add3A_746 = arith.addf %add3A_740, %get3A_745 : vector<16xf32>
        %get3A_747 = arith.constant 153 : index
        %get3A_748 = tpu.vector_load %arg15[%get3A_747] {strides = array<i32>} : memref<272xf32, #tpu.memory_space<vmem>>, vector<16xf32>,
        %add3A_749 = arith.addf %add3A_743, %get3A_748 : vector<16xf32>
        %get3A_750 = arith.constant 170 : index
        %get3A_751 = tpu.vector_load %arg14[%get3A_750] {strides = array<i32>} : memref<272xf32, #tpu.memory_space<vmem>>, vector<16xf32>,
        %add3A_752 = arith.addf %add3A_746, %get3A_751 : vector<16xf32>
        %get3A_753 = arith.constant 170 : index
        %get3A_754 = tpu.vector_load %arg15[%get3A_753] {strides = array<i32>} : memref<272xf32, #tpu.memory_space<vmem>>, vector<16xf32>,
        %add3A_755 = arith.addf %add3A_749, %get3A_754 : vector<16xf32>
        %get3A_756 = arith.constant 187 : index
        %get3A_757 = tpu.vector_load %arg14[%get3A_756] {strides = array<i32>} : memref<272xf32, #tpu.memory_space<vmem>>, vector<16xf32>,
        %add3A_758 = arith.addf %add3A_752, %get3A_757 : vector<16xf32>
        %get3A_759 = arith.constant 187 : index
        %get3A_760 = tpu.vector_load %arg15[%get3A_759] {strides = array<i32>} : memref<272xf32, #tpu.memory_space<vmem>>, vector<16xf32>,
        %add3A_761 = arith.addf %add3A_755, %get3A_760 : vector<16xf32>
        %get3A_762 = arith.constant 204 : index
        %get3A_763 = tpu.vector_load %arg14[%get3A_762] {strides = array<i32>} : memref<272xf32, #tpu.memory_space<vmem>>, vector<16xf32>,
        %add3A_764 = arith.addf %add3A_758, %get3A_763 : vector<16xf32>
        %get3A_765 = arith.constant 204 : index
        %get3A_766 = tpu.vector_load %arg15[%get3A_765] {strides = array<i32>} : memref<272xf32, #tpu.memory_space<vmem>>, vector<16xf32>,
        %add3A_767 = arith.addf %add3A_761, %get3A_766 : vector<16xf32>
        %get3A_768 = arith.constant 221 : index
        %get3A_769 = tpu.vector_load %arg14[%get3A_768] {strides = array<i32>} : memref<272xf32, #tpu.memory_space<vmem>>, vector<16xf32>,
        %add3A_770 = arith.addf %add3A_764, %get3A_769 : vector<16xf32>
        %get3A_771 = arith.constant 221 : index
        %get3A_772 = tpu.vector_load %arg15[%get3A_771] {strides = array<i32>} : memref<272xf32, #tpu.memory_space<vmem>>, vector<16xf32>,
        %add3A_773 = arith.addf %add3A_767, %get3A_772 : vector<16xf32>
        %get3A_774 = arith.constant 238 : index
        %get3A_775 = tpu.vector_load %arg14[%get3A_774] {strides = array<i32>} : memref<272xf32, #tpu.memory_space<vmem>>, vector<16xf32>,
        %add3A_776 = arith.addf %add3A_770, %get3A_775 : vector<16xf32>
        %get3A_777 = arith.constant 238 : index
        %get3A_778 = tpu.vector_load %arg15[%get3A_777] {strides = array<i32>} : memref<272xf32, #tpu.memory_space<vmem>>, vector<16xf32>,
        %add3A_779 = arith.addf %add3A_773, %get3A_778 : vector<16xf32>
        %get3A_780 = arith.constant 255 : index
        %get3A_781 = tpu.vector_load %arg14[%get3A_780] {strides = array<i32>} : memref<272xf32, #tpu.memory_space<vmem>>, vector<16xf32>,
        %add3A_782 = arith.addf %add3A_776, %get3A_781 : vector<16xf32>
        %get3A_783 = arith.constant 255 : index
        %get3A_784 = tpu.vector_load %arg15[%get3A_783] {strides = array<i32>} : memref<272xf32, #tpu.memory_space<vmem>>, vector<16xf32>,
        %add3A_785 = arith.addf %add3A_779, %get3A_784 : vector<16xf32>
        %mul3A_786 = arith.constant 1.562500e-02 : f32
        %mul3A_787 = vector.broadcast %mul3A_786 : f32 to vector<16xf32>
        %mul3A_788 = arith.mulf %add3A_782, %mul3A_787 : vector<16xf32>
        %mul3A_789 = arith.constant 1.562500e-02 : f32
        %mul3A_790 = vector.broadcast %mul3A_789 : f32 to vector<16xf32>
        %mul3A_791 = arith.mulf %add3A_785, %mul3A_790 : vector<16xf32>
        %mul3A_792 = arith.mulf %mul3A_788, %mul3A_788 : vector<16xf32>
        %sub3A = arith.subf %mul3A_791, %mul3A_792 : vector<16xf32>
        %add3A_793 = arith.constant 9.99999974E-6 : f32
        %add3A_794 = vector.broadcast %add3A_793 : f32 to vector<16xf32>
        %add3A_795 = arith.addf %sub3A, %add3A_794 : vector<16xf32>
        %bitcast3A = vector.bitcast %add3A_795 : vector<16xf32> to vector<16xi32>
        %shift_right_arithmetic3A = arith.constant 1 : i32
        %shift_right_arithmetic3A_796 = vector.broadcast %shift_right_arithmetic3A : i32 to vector<16xi32>
        %shift_right_arithmetic3A_797 = arith.shrsi %bitcast3A, %shift_right_arithmetic3A_796 : vector<16xi32>
        %sub3A_798 = arith.constant 1597463007 : i32
        %sub3A_799 = vector.broadcast %sub3A_798 : i32 to vector<16xi32>
        %sub3A_800 = arith.subi %sub3A_799, %shift_right_arithmetic3A_797 : vector<16xi32>
        %bitcast3A_801 = vector.bitcast %sub3A_800 : vector<16xi32> to vector<16xf32>
        %mul3A_802 = arith.constant 5.000000e-01 : f32
        %mul3A_803 = vector.broadcast %mul3A_802 : f32 to vector<16xf32>
        %mul3A_804 = arith.mulf %mul3A_803, %add3A_795 : vector<16xf32>
        %mul3A_805 = arith.mulf %mul3A_804, %bitcast3A_801 : vector<16xf32>
        %mul3A_806 = arith.mulf %mul3A_805, %bitcast3A_801 : vector<16xf32>
        %sub3A_807 = arith.constant 1.500000e+00 : f32
        %sub3A_808 = vector.broadcast %sub3A_807 : f32 to vector<16xf32>
        %sub3A_809 = arith.subf %sub3A_808, %mul3A_806 : vector<16xf32>
        %mul3A_810 = arith.mulf %bitcast3A_801, %sub3A_809 : vector<16xf32>
        %mul3A_811 = arith.constant 5.000000e-01 : f32
        %mul3A_812 = vector.broadcast %mul3A_811 : f32 to vector<16xf32>
        %mul3A_813 = arith.mulf %mul3A_812, %add3A_795 : vector<16xf32>
        %mul3A_814 = arith.mulf %mul3A_813, %mul3A_810 : vector<16xf32>
        %mul3A_815 = arith.mulf %mul3A_814, %mul3A_810 : vector<16xf32>
        %sub3A_816 = arith.constant 1.500000e+00 : f32
        %sub3A_817 = vector.broadcast %sub3A_816 : f32 to vector<16xf32>
        %sub3A_818 = arith.subf %sub3A_817, %mul3A_815 : vector<16xf32>
        %mul3A_819 = arith.mulf %mul3A_810, %sub3A_818 : vector<16xf32>
        %mul3A_820 = arith.constant 5.000000e-01 : f32
        %mul3A_821 = vector.broadcast %mul3A_820 : f32 to vector<16xf32>
        %mul3A_822 = arith.mulf %mul3A_821, %add3A_795 : vector<16xf32>
        %mul3A_823 = arith.mulf %mul3A_822, %mul3A_819 : vector<16xf32>
        %mul3A_824 = arith.mulf %mul3A_823, %mul3A_819 : vector<16xf32>
        %sub3A_825 = arith.constant 1.500000e+00 : f32
        %sub3A_826 = vector.broadcast %sub3A_825 : f32 to vector<16xf32>
        %sub3A_827 = arith.subf %sub3A_826, %mul3A_824 : vector<16xf32>
        %mul3A_828 = arith.mulf %mul3A_819, %sub3A_827 : vector<16xf32>
        %slice3A = vector.extract_strided_slice %mul3A_788 {offsets = [0], sizes = [1], strides = [1]} : vector<16xf32> to vector<1xf32>
        %squeeze3A = vector.extract %slice3A[0] : f32 from vector<1xf32>
        %broadcast_in_dim3A = vector.broadcast %squeeze3A : f32 to vector<16xf32>
        %slice3A_829 = vector.extract_strided_slice %mul3A_828 {offsets = [0], sizes = [1], strides = [1]} : vector<16xf32> to vector<1xf32>
        %squeeze3A_830 = vector.extract %slice3A_829[0] : f32 from vector<1xf32>
        %broadcast_in_dim3A_831 = vector.broadcast %squeeze3A_830 : f32 to vector<16xf32>
        %add3A_832 = arith.constant 0 : i32
        %add3A_833 = arith.addi %mul3A_115, %add3A_832 : i32
        %get3A_834 = arith.index_cast %add3A_833 : i32 to index
        %get3A_835 = arith.constant 0 : index
        %get3A_836 = tpu.vector_load %arg8[%get3A_834, %get3A_835] {strides = array<i32>} : memref<256x64xf32, #tpu.memory_space<vmem>>, vector<16xf32>,
        %sub3A_837 = arith.subf %get3A_836, %broadcast_in_dim3A : vector<16xf32>
        %mul3A_838 = arith.mulf %broadcast_in_dim3A_831, %get3A_3 : vector<16xf32>
        %mul3A_839 = arith.mulf %sub3A_837, %mul3A_838 : vector<16xf32>
        %add3A_840 = arith.addf %mul3A_839, %get3A_11 : vector<16xf32>
        %add3A_841 = arith.constant 0 : i32
        %add3A_842 = arith.addi %mul3A_115, %add3A_841 : i32
        %swap3A = arith.index_cast %add3A_842 : i32 to index
        %swap3A_843 = arith.constant 0 : index
        %swap3A_844 = tpu.vector_load %arg10[%swap3A, %swap3A_843] {strides = array<i32>} : memref<256x64xf32, #tpu.memory_space<vmem>>, vector<16xf32>,
        tpu.vector_store %arg10[%swap3A, %swap3A_843], %add3A_840 {strides = array<i32>} : memref<256x64xf32, #tpu.memory_space<vmem>>, vector<16xf32>,
        %add3A_845 = arith.constant 0 : i32
        %add3A_846 = arith.addi %mul3A_115, %add3A_845 : i32
        %get3A_847 = arith.index_cast %add3A_846 : i32 to index
        %get3A_848 = arith.constant 16 : index
        %get3A_849 = tpu.vector_load %arg8[%get3A_847, %get3A_848] {strides = array<i32>} : memref<256x64xf32, #tpu.memory_space<vmem>>, vector<16xf32>,
        %sub3A_850 = arith.subf %get3A_849, %broadcast_in_dim3A : vector<16xf32>
        %mul3A_851 = arith.mulf %broadcast_in_dim3A_831, %get3A_5 : vector<16xf32>
        %mul3A_852 = arith.mulf %sub3A_850, %mul3A_851 : vector<16xf32>
        %add3A_853 = arith.addf %mul3A_852, %get3A_13 : vector<16xf32>
        %add3A_854 = arith.constant 0 : i32
        %add3A_855 = arith.addi %mul3A_115, %add3A_854 : i32
        %swap3A_856 = arith.index_cast %add3A_855 : i32 to index
        %swap3A_857 = arith.constant 16 : index
        %swap3A_858 = tpu.vector_load %arg10[%swap3A_856, %swap3A_857] {strides = array<i32>} : memref<256x64xf32, #tpu.memory_space<vmem>>, vector<16xf32>,
        tpu.vector_store %arg10[%swap3A_856, %swap3A_857], %add3A_853 {strides = array<i32>} : memref<256x64xf32, #tpu.memory_space<vmem>>, vector<16xf32>,
        %add3A_859 = arith.constant 0 : i32
        %add3A_860 = arith.addi %mul3A_115, %add3A_859 : i32
        %get3A_861 = arith.index_cast %add3A_860 : i32 to index
        %get3A_862 = arith.constant 32 : index
        %get3A_863 = tpu.vector_load %arg8[%get3A_861, %get3A_862] {strides = array<i32>} : memref<256x64xf32, #tpu.memory_space<vmem>>, vector<16xf32>,
        %sub3A_864 = arith.subf %get3A_863, %broadcast_in_dim3A : vector<16xf32>
        %mul3A_865 = arith.mulf %broadcast_in_dim3A_831, %get3A_7 : vector<16xf32>
        %mul3A_866 = arith.mulf %sub3A_864, %mul3A_865 : vector<16xf32>
        %add3A_867 = arith.addf %mul3A_866, %get3A_15 : vector<16xf32>
        %add3A_868 = arith.constant 0 : i32
        %add3A_869 = arith.addi %mul3A_115, %add3A_868 : i32
        %swap3A_870 = arith.index_cast %add3A_869 : i32 to index
        %swap3A_871 = arith.constant 32 : index
        %swap3A_872 = tpu.vector_load %arg10[%swap3A_870, %swap3A_871] {strides = array<i32>} : memref<256x64xf32, #tpu.memory_space<vmem>>, vector<16xf32>,
        tpu.vector_store %arg10[%swap3A_870, %swap3A_871], %add3A_867 {strides = array<i32>} : memref<256x64xf32, #tpu.memory_space<vmem>>, vector<16xf32>,
        %add3A_873 = arith.constant 0 : i32
        %add3A_874 = arith.addi %mul3A_115, %add3A_873 : i32
        %get3A_875 = arith.index_cast %add3A_874 : i32 to index
        %get3A_876 = arith.constant 48 : index
        %get3A_877 = tpu.vector_load %arg8[%get3A_875, %get3A_876] {strides = array<i32>} : memref<256x64xf32, #tpu.memory_space<vmem>>, vector<16xf32>,
        %sub3A_878 = arith.subf %get3A_877, %broadcast_in_dim3A : vector<16xf32>
        %mul3A_879 = arith.mulf %broadcast_in_dim3A_831, %get3A_9 : vector<16xf32>
        %mul3A_880 = arith.mulf %sub3A_878, %mul3A_879 : vector<16xf32>
        %add3A_881 = arith.addf %mul3A_880, %get3A_17 : vector<16xf32>
        %add3A_882 = arith.constant 0 : i32
        %add3A_883 = arith.addi %mul3A_115, %add3A_882 : i32
        %swap3A_884 = arith.index_cast %add3A_883 : i32 to index
        %swap3A_885 = arith.constant 48 : index
        %swap3A_886 = tpu.vector_load %arg10[%swap3A_884, %swap3A_885] {strides = array<i32>} : memref<256x64xf32, #tpu.memory_space<vmem>>, vector<16xf32>,
        tpu.vector_store %arg10[%swap3A_884, %swap3A_885], %add3A_881 {strides = array<i32>} : memref<256x64xf32, #tpu.memory_space<vmem>>, vector<16xf32>,
        %slice3A_887 = vector.extract_strided_slice %mul3A_788 {offsets = [1], sizes = [1], strides = [1]} : vector<16xf32> to vector<1xf32>
        %squeeze3A_888 = vector.extract %slice3A_887[0] : f32 from vector<1xf32>
        %broadcast_in_dim3A_889 = vector.broadcast %squeeze3A_888 : f32 to vector<16xf32>
        %slice3A_890 = vector.extract_strided_slice %mul3A_828 {offsets = [1], sizes = [1], strides = [1]} : vector<16xf32> to vector<1xf32>
        %squeeze3A_891 = vector.extract %slice3A_890[0] : f32 from vector<1xf32>
        %broadcast_in_dim3A_892 = vector.broadcast %squeeze3A_891 : f32 to vector<16xf32>
        %add3A_893 = arith.constant 1 : i32
        %add3A_894 = arith.addi %mul3A_115, %add3A_893 : i32
        %get3A_895 = arith.index_cast %add3A_894 : i32 to index
        %get3A_896 = arith.constant 0 : index
        %get3A_897 = tpu.vector_load %arg8[%get3A_895, %get3A_896] {strides = array<i32>} : memref<256x64xf32, #tpu.memory_space<vmem>>, vector<16xf32>,
        %sub3A_898 = arith.subf %get3A_897, %broadcast_in_dim3A_889 : vector<16xf32>
        %mul3A_899 = arith.mulf %broadcast_in_dim3A_892, %get3A_3 : vector<16xf32>
        %mul3A_900 = arith.mulf %sub3A_898, %mul3A_899 : vector<16xf32>
        %add3A_901 = arith.addf %mul3A_900, %get3A_11 : vector<16xf32>
        %add3A_902 = arith.constant 1 : i32
        %add3A_903 = arith.addi %mul3A_115, %add3A_902 : i32
        %swap3A_904 = arith.index_cast %add3A_903 : i32 to index
        %swap3A_905 = arith.constant 0 : index
        %swap3A_906 = tpu.vector_load %arg10[%swap3A_904, %swap3A_905] {strides = array<i32>} : memref<256x64xf32, #tpu.memory_space<vmem>>, vector<16xf32>,
        tpu.vector_store %arg10[%swap3A_904, %swap3A_905], %add3A_901 {strides = array<i32>} : memref<256x64xf32, #tpu.memory_space<vmem>>, vector<16xf32>,
        %add3A_907 = arith.constant 1 : i32
        %add3A_908 = arith.addi %mul3A_115, %add3A_907 : i32
        %get3A_909 = arith.index_cast %add3A_908 : i32 to index
        %get3A_910 = arith.constant 16 : index
        %get3A_911 = tpu.vector_load %arg8[%get3A_909, %get3A_910] {strides = array<i32>} : memref<256x64xf32, #tpu.memory_space<vmem>>, vector<16xf32>,
        %sub3A_912 = arith.subf %get3A_911, %broadcast_in_dim3A_889 : vector<16xf32>
        %mul3A_913 = arith.mulf %broadcast_in_dim3A_892, %get3A_5 : vector<16xf32>
        %mul3A_914 = arith.mulf %sub3A_912, %mul3A_913 : vector<16xf32>
        %add3A_915 = arith.addf %mul3A_914, %get3A_13 : vector<16xf32>
        %add3A_916 = arith.constant 1 : i32
        %add3A_917 = arith.addi %mul3A_115, %add3A_916 : i32
        %swap3A_918 = arith.index_cast %add3A_917 : i32 to index
        %swap3A_919 = arith.constant 16 : index
        %swap3A_920 = tpu.vector_load %arg10[%swap3A_918, %swap3A_919] {strides = array<i32>} : memref<256x64xf32, #tpu.memory_space<vmem>>, vector<16xf32>,
        tpu.vector_store %arg10[%swap3A_918, %swap3A_919], %add3A_915 {strides = array<i32>} : memref<256x64xf32, #tpu.memory_space<vmem>>, vector<16xf32>,
        %add3A_921 = arith.constant 1 : i32
        %add3A_922 = arith.addi %mul3A_115, %add3A_921 : i32
        %get3A_923 = arith.index_cast %add3A_922 : i32 to index
        %get3A_924 = arith.constant 32 : index
        %get3A_925 = tpu.vector_load %arg8[%get3A_923, %get3A_924] {strides = array<i32>} : memref<256x64xf32, #tpu.memory_space<vmem>>, vector<16xf32>,
        %sub3A_926 = arith.subf %get3A_925, %broadcast_in_dim3A_889 : vector<16xf32>
        %mul3A_927 = arith.mulf %broadcast_in_dim3A_892, %get3A_7 : vector<16xf32>
        %mul3A_928 = arith.mulf %sub3A_926, %mul3A_927 : vector<16xf32>
        %add3A_929 = arith.addf %mul3A_928, %get3A_15 : vector<16xf32>
        %add3A_930 = arith.constant 1 : i32
        %add3A_931 = arith.addi %mul3A_115, %add3A_930 : i32
        %swap3A_932 = arith.index_cast %add3A_931 : i32 to index
        %swap3A_933 = arith.constant 32 : index
        %swap3A_934 = tpu.vector_load %arg10[%swap3A_932, %swap3A_933] {strides = array<i32>} : memref<256x64xf32, #tpu.memory_space<vmem>>, vector<16xf32>,
        tpu.vector_store %arg10[%swap3A_932, %swap3A_933], %add3A_929 {strides = array<i32>} : memref<256x64xf32, #tpu.memory_space<vmem>>, vector<16xf32>,
        %add3A_935 = arith.constant 1 : i32
        %add3A_936 = arith.addi %mul3A_115, %add3A_935 : i32
        %get3A_937 = arith.index_cast %add3A_936 : i32 to index
        %get3A_938 = arith.constant 48 : index
        %get3A_939 = tpu.vector_load %arg8[%get3A_937, %get3A_938] {strides = array<i32>} : memref<256x64xf32, #tpu.memory_space<vmem>>, vector<16xf32>,
        %sub3A_940 = arith.subf %get3A_939, %broadcast_in_dim3A_889 : vector<16xf32>
        %mul3A_941 = arith.mulf %broadcast_in_dim3A_892, %get3A_9 : vector<16xf32>
        %mul3A_942 = arith.mulf %sub3A_940, %mul3A_941 : vector<16xf32>
        %add3A_943 = arith.addf %mul3A_942, %get3A_17 : vector<16xf32>
        %add3A_944 = arith.constant 1 : i32
        %add3A_945 = arith.addi %mul3A_115, %add3A_944 : i32
        %swap3A_946 = arith.index_cast %add3A_945 : i32 to index
        %swap3A_947 = arith.constant 48 : index
        %swap3A_948 = tpu.vector_load %arg10[%swap3A_946, %swap3A_947] {strides = array<i32>} : memref<256x64xf32, #tpu.memory_space<vmem>>, vector<16xf32>,
        tpu.vector_store %arg10[%swap3A_946, %swap3A_947], %add3A_943 {strides = array<i32>} : memref<256x64xf32, #tpu.memory_space<vmem>>, vector<16xf32>,
        %slice3A_949 = vector.extract_strided_slice %mul3A_788 {offsets = [2], sizes = [1], strides = [1]} : vector<16xf32> to vector<1xf32>
        %squeeze3A_950 = vector.extract %slice3A_949[0] : f32 from vector<1xf32>
        %broadcast_in_dim3A_951 = vector.broadcast %squeeze3A_950 : f32 to vector<16xf32>
        %slice3A_952 = vector.extract_strided_slice %mul3A_828 {offsets = [2], sizes = [1], strides = [1]} : vector<16xf32> to vector<1xf32>
        %squeeze3A_953 = vector.extract %slice3A_952[0] : f32 from vector<1xf32>
        %broadcast_in_dim3A_954 = vector.broadcast %squeeze3A_953 : f32 to vector<16xf32>
        %add3A_955 = arith.constant 2 : i32
        %add3A_956 = arith.addi %mul3A_115, %add3A_955 : i32
        %get3A_957 = arith.index_cast %add3A_956 : i32 to index
        %get3A_958 = arith.constant 0 : index
        %get3A_959 = tpu.vector_load %arg8[%get3A_957, %get3A_958] {strides = array<i32>} : memref<256x64xf32, #tpu.memory_space<vmem>>, vector<16xf32>,
        %sub3A_960 = arith.subf %get3A_959, %broadcast_in_dim3A_951 : vector<16xf32>
        %mul3A_961 = arith.mulf %broadcast_in_dim3A_954, %get3A_3 : vector<16xf32>
        %mul3A_962 = arith.mulf %sub3A_960, %mul3A_961 : vector<16xf32>
        %add3A_963 = arith.addf %mul3A_962, %get3A_11 : vector<16xf32>
        %add3A_964 = arith.constant 2 : i32
        %add3A_965 = arith.addi %mul3A_115, %add3A_964 : i32
        %swap3A_966 = arith.index_cast %add3A_965 : i32 to index
        %swap3A_967 = arith.constant 0 : index
        %swap3A_968 = tpu.vector_load %arg10[%swap3A_966, %swap3A_967] {strides = array<i32>} : memref<256x64xf32, #tpu.memory_space<vmem>>, vector<16xf32>,
        tpu.vector_store %arg10[%swap3A_966, %swap3A_967], %add3A_963 {strides = array<i32>} : memref<256x64xf32, #tpu.memory_space<vmem>>, vector<16xf32>,
        %add3A_969 = arith.constant 2 : i32
        %add3A_970 = arith.addi %mul3A_115, %add3A_969 : i32
        %get3A_971 = arith.index_cast %add3A_970 : i32 to index
        %get3A_972 = arith.constant 16 : index
        %get3A_973 = tpu.vector_load %arg8[%get3A_971, %get3A_972] {strides = array<i32>} : memref<256x64xf32, #tpu.memory_space<vmem>>, vector<16xf32>,
        %sub3A_974 = arith.subf %get3A_973, %broadcast_in_dim3A_951 : vector<16xf32>
        %mul3A_975 = arith.mulf %broadcast_in_dim3A_954, %get3A_5 : vector<16xf32>
        %mul3A_976 = arith.mulf %sub3A_974, %mul3A_975 : vector<16xf32>
        %add3A_977 = arith.addf %mul3A_976, %get3A_13 : vector<16xf32>
        %add3A_978 = arith.constant 2 : i32
        %add3A_979 = arith.addi %mul3A_115, %add3A_978 : i32
        %swap3A_980 = arith.index_cast %add3A_979 : i32 to index
        %swap3A_981 = arith.constant 16 : index
        %swap3A_982 = tpu.vector_load %arg10[%swap3A_980, %swap3A_981] {strides = array<i32>} : memref<256x64xf32, #tpu.memory_space<vmem>>, vector<16xf32>,
        tpu.vector_store %arg10[%swap3A_980, %swap3A_981], %add3A_977 {strides = array<i32>} : memref<256x64xf32, #tpu.memory_space<vmem>>, vector<16xf32>,
        %add3A_983 = arith.constant 2 : i32
        %add3A_984 = arith.addi %mul3A_115, %add3A_983 : i32
        %get3A_985 = arith.index_cast %add3A_984 : i32 to index
        %get3A_986 = arith.constant 32 : index
        %get3A_987 = tpu.vector_load %arg8[%get3A_985, %get3A_986] {strides = array<i32>} : memref<256x64xf32, #tpu.memory_space<vmem>>, vector<16xf32>,
        %sub3A_988 = arith.subf %get3A_987, %broadcast_in_dim3A_951 : vector<16xf32>
        %mul3A_989 = arith.mulf %broadcast_in_dim3A_954, %get3A_7 : vector<16xf32>
        %mul3A_990 = arith.mulf %sub3A_988, %mul3A_989 : vector<16xf32>
        %add3A_991 = arith.addf %mul3A_990, %get3A_15 : vector<16xf32>
        %add3A_992 = arith.constant 2 : i32
        %add3A_993 = arith.addi %mul3A_115, %add3A_992 : i32
        %swap3A_994 = arith.index_cast %add3A_993 : i32 to index
        %swap3A_995 = arith.constant 32 : index
        %swap3A_996 = tpu.vector_load %arg10[%swap3A_994, %swap3A_995] {strides = array<i32>} : memref<256x64xf32, #tpu.memory_space<vmem>>, vector<16xf32>,
        tpu.vector_store %arg10[%swap3A_994, %swap3A_995], %add3A_991 {strides = array<i32>} : memref<256x64xf32, #tpu.memory_space<vmem>>, vector<16xf32>,
        %add3A_997 = arith.constant 2 : i32
        %add3A_998 = arith.addi %mul3A_115, %add3A_997 : i32
        %get3A_999 = arith.index_cast %add3A_998 : i32 to index
        %get3A_1000 = arith.constant 48 : index
        %get3A_1001 = tpu.vector_load %arg8[%get3A_999, %get3A_1000] {strides = array<i32>} : memref<256x64xf32, #tpu.memory_space<vmem>>, vector<16xf32>,
        %sub3A_1002 = arith.subf %get3A_1001, %broadcast_in_dim3A_951 : vector<16xf32>
        %mul3A_1003 = arith.mulf %broadcast_in_dim3A_954, %get3A_9 : vector<16xf32>
        %mul3A_1004 = arith.mulf %sub3A_1002, %mul3A_1003 : vector<16xf32>
        %add3A_1005 = arith.addf %mul3A_1004, %get3A_17 : vector<16xf32>
        %add3A_1006 = arith.constant 2 : i32
        %add3A_1007 = arith.addi %mul3A_115, %add3A_1006 : i32
        %swap3A_1008 = arith.index_cast %add3A_1007 : i32 to index
        %swap3A_1009 = arith.constant 48 : index
        %swap3A_1010 = tpu.vector_load %arg10[%swap3A_1008, %swap3A_1009] {strides = array<i32>} : memref<256x64xf32, #tpu.memory_space<vmem>>, vector<16xf32>,
        tpu.vector_store %arg10[%swap3A_1008, %swap3A_1009], %add3A_1005 {strides = array<i32>} : memref<256x64xf32, #tpu.memory_space<vmem>>, vector<16xf32>,
        %slice3A_1011 = vector.extract_strided_slice %mul3A_788 {offsets = [3], sizes = [1], strides = [1]} : vector<16xf32> to vector<1xf32>
        %squeeze3A_1012 = vector.extract %slice3A_1011[0] : f32 from vector<1xf32>
        %broadcast_in_dim3A_1013 = vector.broadcast %squeeze3A_1012 : f32 to vector<16xf32>
        %slice3A_1014 = vector.extract_strided_slice %mul3A_828 {offsets = [3], sizes = [1], strides = [1]} : vector<16xf32> to vector<1xf32>
        %squeeze3A_1015 = vector.extract %slice3A_1014[0] : f32 from vector<1xf32>
        %broadcast_in_dim3A_1016 = vector.broadcast %squeeze3A_1015 : f32 to vector<16xf32>
        %add3A_1017 = arith.constant 3 : i32
        %add3A_1018 = arith.addi %mul3A_115, %add3A_1017 : i32
        %get3A_1019 = arith.index_cast %add3A_1018 : i32 to index
        %get3A_1020 = arith.constant 0 : index
        %get3A_1021 = tpu.vector_load %arg8[%get3A_1019, %get3A_1020] {strides = array<i32>} : memref<256x64xf32, #tpu.memory_space<vmem>>, vector<16xf32>,
        %sub3A_1022 = arith.subf %get3A_1021, %broadcast_in_dim3A_1013 : vector<16xf32>
        %mul3A_1023 = arith.mulf %broadcast_in_dim3A_1016, %get3A_3 : vector<16xf32>
        %mul3A_1024 = arith.mulf %sub3A_1022, %mul3A_1023 : vector<16xf32>
        %add3A_1025 = arith.addf %mul3A_1024, %get3A_11 : vector<16xf32>
        %add3A_1026 = arith.constant 3 : i32
        %add3A_1027 = arith.addi %mul3A_115, %add3A_1026 : i32
        %swap3A_1028 = arith.index_cast %add3A_1027 : i32 to index
        %swap3A_1029 = arith.constant 0 : index
        %swap3A_1030 = tpu.vector_load %arg10[%swap3A_1028, %swap3A_1029] {strides = array<i32>} : memref<256x64xf32, #tpu.memory_space<vmem>>, vector<16xf32>,
        tpu.vector_store %arg10[%swap3A_1028, %swap3A_1029], %add3A_1025 {strides = array<i32>} : memref<256x64xf32, #tpu.memory_space<vmem>>, vector<16xf32>,
        %add3A_1031 = arith.constant 3 : i32
        %add3A_1032 = arith.addi %mul3A_115, %add3A_1031 : i32
        %get3A_1033 = arith.index_cast %add3A_1032 : i32 to index
        %get3A_1034 = arith.constant 16 : index
        %get3A_1035 = tpu.vector_load %arg8[%get3A_1033, %get3A_1034] {strides = array<i32>} : memref<256x64xf32, #tpu.memory_space<vmem>>, vector<16xf32>,
        %sub3A_1036 = arith.subf %get3A_1035, %broadcast_in_dim3A_1013 : vector<16xf32>
        %mul3A_1037 = arith.mulf %broadcast_in_dim3A_1016, %get3A_5 : vector<16xf32>
        %mul3A_1038 = arith.mulf %sub3A_1036, %mul3A_1037 : vector<16xf32>
        %add3A_1039 = arith.addf %mul3A_1038, %get3A_13 : vector<16xf32>
        %add3A_1040 = arith.constant 3 : i32
        %add3A_1041 = arith.addi %mul3A_115, %add3A_1040 : i32
        %swap3A_1042 = arith.index_cast %add3A_1041 : i32 to index
        %swap3A_1043 = arith.constant 16 : index
        %swap3A_1044 = tpu.vector_load %arg10[%swap3A_1042, %swap3A_1043] {strides = array<i32>} : memref<256x64xf32, #tpu.memory_space<vmem>>, vector<16xf32>,
        tpu.vector_store %arg10[%swap3A_1042, %swap3A_1043], %add3A_1039 {strides = array<i32>} : memref<256x64xf32, #tpu.memory_space<vmem>>, vector<16xf32>,
        %add3A_1045 = arith.constant 3 : i32
        %add3A_1046 = arith.addi %mul3A_115, %add3A_1045 : i32
        %get3A_1047 = arith.index_cast %add3A_1046 : i32 to index
        %get3A_1048 = arith.constant 32 : index
        %get3A_1049 = tpu.vector_load %arg8[%get3A_1047, %get3A_1048] {strides = array<i32>} : memref<256x64xf32, #tpu.memory_space<vmem>>, vector<16xf32>,
        %sub3A_1050 = arith.subf %get3A_1049, %broadcast_in_dim3A_1013 : vector<16xf32>
        %mul3A_1051 = arith.mulf %broadcast_in_dim3A_1016, %get3A_7 : vector<16xf32>
        %mul3A_1052 = arith.mulf %sub3A_1050, %mul3A_1051 : vector<16xf32>
        %add3A_1053 = arith.addf %mul3A_1052, %get3A_15 : vector<16xf32>
        %add3A_1054 = arith.constant 3 : i32
        %add3A_1055 = arith.addi %mul3A_115, %add3A_1054 : i32
        %swap3A_1056 = arith.index_cast %add3A_1055 : i32 to index
        %swap3A_1057 = arith.constant 32 : index
        %swap3A_1058 = tpu.vector_load %arg10[%swap3A_1056, %swap3A_1057] {strides = array<i32>} : memref<256x64xf32, #tpu.memory_space<vmem>>, vector<16xf32>,
        tpu.vector_store %arg10[%swap3A_1056, %swap3A_1057], %add3A_1053 {strides = array<i32>} : memref<256x64xf32, #tpu.memory_space<vmem>>, vector<16xf32>,
        %add3A_1059 = arith.constant 3 : i32
        %add3A_1060 = arith.addi %mul3A_115, %add3A_1059 : i32
        %get3A_1061 = arith.index_cast %add3A_1060 : i32 to index
        %get3A_1062 = arith.constant 48 : index
        %get3A_1063 = tpu.vector_load %arg8[%get3A_1061, %get3A_1062] {strides = array<i32>} : memref<256x64xf32, #tpu.memory_space<vmem>>, vector<16xf32>,
        %sub3A_1064 = arith.subf %get3A_1063, %broadcast_in_dim3A_1013 : vector<16xf32>
        %mul3A_1065 = arith.mulf %broadcast_in_dim3A_1016, %get3A_9 : vector<16xf32>
        %mul3A_1066 = arith.mulf %sub3A_1064, %mul3A_1065 : vector<16xf32>
        %add3A_1067 = arith.addf %mul3A_1066, %get3A_17 : vector<16xf32>
        %add3A_1068 = arith.constant 3 : i32
        %add3A_1069 = arith.addi %mul3A_115, %add3A_1068 : i32
        %swap3A_1070 = arith.index_cast %add3A_1069 : i32 to index
        %swap3A_1071 = arith.constant 48 : index
        %swap3A_1072 = tpu.vector_load %arg10[%swap3A_1070, %swap3A_1071] {strides = array<i32>} : memref<256x64xf32, #tpu.memory_space<vmem>>, vector<16xf32>,
        tpu.vector_store %arg10[%swap3A_1070, %swap3A_1071], %add3A_1067 {strides = array<i32>} : memref<256x64xf32, #tpu.memory_space<vmem>>, vector<16xf32>,
        %slice3A_1073 = vector.extract_strided_slice %mul3A_788 {offsets = [4], sizes = [1], strides = [1]} : vector<16xf32> to vector<1xf32>
        %squeeze3A_1074 = vector.extract %slice3A_1073[0] : f32 from vector<1xf32>
        %broadcast_in_dim3A_1075 = vector.broadcast %squeeze3A_1074 : f32 to vector<16xf32>
        %slice3A_1076 = vector.extract_strided_slice %mul3A_828 {offsets = [4], sizes = [1], strides = [1]} : vector<16xf32> to vector<1xf32>
        %squeeze3A_1077 = vector.extract %slice3A_1076[0] : f32 from vector<1xf32>
        %broadcast_in_dim3A_1078 = vector.broadcast %squeeze3A_1077 : f32 to vector<16xf32>
        %add3A_1079 = arith.constant 4 : i32
        %add3A_1080 = arith.addi %mul3A_115, %add3A_1079 : i32
        %get3A_1081 = arith.index_cast %add3A_1080 : i32 to index
        %get3A_1082 = arith.constant 0 : index
        %get3A_1083 = tpu.vector_load %arg8[%get3A_1081, %get3A_1082] {strides = array<i32>} : memref<256x64xf32, #tpu.memory_space<vmem>>, vector<16xf32>,
        %sub3A_1084 = arith.subf %get3A_1083, %broadcast_in_dim3A_1075 : vector<16xf32>
        %mul3A_1085 = arith.mulf %broadcast_in_dim3A_1078, %get3A_3 : vector<16xf32>
        %mul3A_1086 = arith.mulf %sub3A_1084, %mul3A_1085 : vector<16xf32>
        %add3A_1087 = arith.addf %mul3A_1086, %get3A_11 : vector<16xf32>
        %add3A_1088 = arith.constant 4 : i32
        %add3A_1089 = arith.addi %mul3A_115, %add3A_1088 : i32
        %swap3A_1090 = arith.index_cast %add3A_1089 : i32 to index
        %swap3A_1091 = arith.constant 0 : index
        %swap3A_1092 = tpu.vector_load %arg10[%swap3A_1090, %swap3A_1091] {strides = array<i32>} : memref<256x64xf32, #tpu.memory_space<vmem>>, vector<16xf32>,
        tpu.vector_store %arg10[%swap3A_1090, %swap3A_1091], %add3A_1087 {strides = array<i32>} : memref<256x64xf32, #tpu.memory_space<vmem>>, vector<16xf32>,
        %add3A_1093 = arith.constant 4 : i32
        %add3A_1094 = arith.addi %mul3A_115, %add3A_1093 : i32
        %get3A_1095 = arith.index_cast %add3A_1094 : i32 to index
        %get3A_1096 = arith.constant 16 : index
        %get3A_1097 = tpu.vector_load %arg8[%get3A_1095, %get3A_1096] {strides = array<i32>} : memref<256x64xf32, #tpu.memory_space<vmem>>, vector<16xf32>,
        %sub3A_1098 = arith.subf %get3A_1097, %broadcast_in_dim3A_1075 : vector<16xf32>
        %mul3A_1099 = arith.mulf %broadcast_in_dim3A_1078, %get3A_5 : vector<16xf32>
        %mul3A_1100 = arith.mulf %sub3A_1098, %mul3A_1099 : vector<16xf32>
        %add3A_1101 = arith.addf %mul3A_1100, %get3A_13 : vector<16xf32>
        %add3A_1102 = arith.constant 4 : i32
        %add3A_1103 = arith.addi %mul3A_115, %add3A_1102 : i32
        %swap3A_1104 = arith.index_cast %add3A_1103 : i32 to index
        %swap3A_1105 = arith.constant 16 : index
        %swap3A_1106 = tpu.vector_load %arg10[%swap3A_1104, %swap3A_1105] {strides = array<i32>} : memref<256x64xf32, #tpu.memory_space<vmem>>, vector<16xf32>,
        tpu.vector_store %arg10[%swap3A_1104, %swap3A_1105], %add3A_1101 {strides = array<i32>} : memref<256x64xf32, #tpu.memory_space<vmem>>, vector<16xf32>,
        %add3A_1107 = arith.constant 4 : i32
        %add3A_1108 = arith.addi %mul3A_115, %add3A_1107 : i32
        %get3A_1109 = arith.index_cast %add3A_1108 : i32 to index
        %get3A_1110 = arith.constant 32 : index
        %get3A_1111 = tpu.vector_load %arg8[%get3A_1109, %get3A_1110] {strides = array<i32>} : memref<256x64xf32, #tpu.memory_space<vmem>>, vector<16xf32>,
        %sub3A_1112 = arith.subf %get3A_1111, %broadcast_in_dim3A_1075 : vector<16xf32>
        %mul3A_1113 = arith.mulf %broadcast_in_dim3A_1078, %get3A_7 : vector<16xf32>
        %mul3A_1114 = arith.mulf %sub3A_1112, %mul3A_1113 : vector<16xf32>
        %add3A_1115 = arith.addf %mul3A_1114, %get3A_15 : vector<16xf32>
        %add3A_1116 = arith.constant 4 : i32
        %add3A_1117 = arith.addi %mul3A_115, %add3A_1116 : i32
        %swap3A_1118 = arith.index_cast %add3A_1117 : i32 to index
        %swap3A_1119 = arith.constant 32 : index
        %swap3A_1120 = tpu.vector_load %arg10[%swap3A_1118, %swap3A_1119] {strides = array<i32>} : memref<256x64xf32, #tpu.memory_space<vmem>>, vector<16xf32>,
        tpu.vector_store %arg10[%swap3A_1118, %swap3A_1119], %add3A_1115 {strides = array<i32>} : memref<256x64xf32, #tpu.memory_space<vmem>>, vector<16xf32>,
        %add3A_1121 = arith.constant 4 : i32
        %add3A_1122 = arith.addi %mul3A_115, %add3A_1121 : i32
        %get3A_1123 = arith.index_cast %add3A_1122 : i32 to index
        %get3A_1124 = arith.constant 48 : index
        %get3A_1125 = tpu.vector_load %arg8[%get3A_1123, %get3A_1124] {strides = array<i32>} : memref<256x64xf32, #tpu.memory_space<vmem>>, vector<16xf32>,
        %sub3A_1126 = arith.subf %get3A_1125, %broadcast_in_dim3A_1075 : vector<16xf32>
        %mul3A_1127 = arith.mulf %broadcast_in_dim3A_1078, %get3A_9 : vector<16xf32>
        %mul3A_1128 = arith.mulf %sub3A_1126, %mul3A_1127 : vector<16xf32>
        %add3A_1129 = arith.addf %mul3A_1128, %get3A_17 : vector<16xf32>
        %add3A_1130 = arith.constant 4 : i32
        %add3A_1131 = arith.addi %mul3A_115, %add3A_1130 : i32
        %swap3A_1132 = arith.index_cast %add3A_1131 : i32 to index
        %swap3A_1133 = arith.constant 48 : index
        %swap3A_1134 = tpu.vector_load %arg10[%swap3A_1132, %swap3A_1133] {strides = array<i32>} : memref<256x64xf32, #tpu.memory_space<vmem>>, vector<16xf32>,
        tpu.vector_store %arg10[%swap3A_1132, %swap3A_1133], %add3A_1129 {strides = array<i32>} : memref<256x64xf32, #tpu.memory_space<vmem>>, vector<16xf32>,
        %slice3A_1135 = vector.extract_strided_slice %mul3A_788 {offsets = [5], sizes = [1], strides = [1]} : vector<16xf32> to vector<1xf32>
        %squeeze3A_1136 = vector.extract %slice3A_1135[0] : f32 from vector<1xf32>
        %broadcast_in_dim3A_1137 = vector.broadcast %squeeze3A_1136 : f32 to vector<16xf32>
        %slice3A_1138 = vector.extract_strided_slice %mul3A_828 {offsets = [5], sizes = [1], strides = [1]} : vector<16xf32> to vector<1xf32>
        %squeeze3A_1139 = vector.extract %slice3A_1138[0] : f32 from vector<1xf32>
        %broadcast_in_dim3A_1140 = vector.broadcast %squeeze3A_1139 : f32 to vector<16xf32>
        %add3A_1141 = arith.constant 5 : i32
        %add3A_1142 = arith.addi %mul3A_115, %add3A_1141 : i32
        %get3A_1143 = arith.index_cast %add3A_1142 : i32 to index
        %get3A_1144 = arith.constant 0 : index
        %get3A_1145 = tpu.vector_load %arg8[%get3A_1143, %get3A_1144] {strides = array<i32>} : memref<256x64xf32, #tpu.memory_space<vmem>>, vector<16xf32>,
        %sub3A_1146 = arith.subf %get3A_1145, %broadcast_in_dim3A_1137 : vector<16xf32>
        %mul3A_1147 = arith.mulf %broadcast_in_dim3A_1140, %get3A_3 : vector<16xf32>
        %mul3A_1148 = arith.mulf %sub3A_1146, %mul3A_1147 : vector<16xf32>
        %add3A_1149 = arith.addf %mul3A_1148, %get3A_11 : vector<16xf32>
        %add3A_1150 = arith.constant 5 : i32
        %add3A_1151 = arith.addi %mul3A_115, %add3A_1150 : i32
        %swap3A_1152 = arith.index_cast %add3A_1151 : i32 to index
        %swap3A_1153 = arith.constant 0 : index
        %swap3A_1154 = tpu.vector_load %arg10[%swap3A_1152, %swap3A_1153] {strides = array<i32>} : memref<256x64xf32, #tpu.memory_space<vmem>>, vector<16xf32>,
        tpu.vector_store %arg10[%swap3A_1152, %swap3A_1153], %add3A_1149 {strides = array<i32>} : memref<256x64xf32, #tpu.memory_space<vmem>>, vector<16xf32>,
        %add3A_1155 = arith.constant 5 : i32
        %add3A_1156 = arith.addi %mul3A_115, %add3A_1155 : i32
        %get3A_1157 = arith.index_cast %add3A_1156 : i32 to index
        %get3A_1158 = arith.constant 16 : index
        %get3A_1159 = tpu.vector_load %arg8[%get3A_1157, %get3A_1158] {strides = array<i32>} : memref<256x64xf32, #tpu.memory_space<vmem>>, vector<16xf32>,
        %sub3A_1160 = arith.subf %get3A_1159, %broadcast_in_dim3A_1137 : vector<16xf32>
        %mul3A_1161 = arith.mulf %broadcast_in_dim3A_1140, %get3A_5 : vector<16xf32>
        %mul3A_1162 = arith.mulf %sub3A_1160, %mul3A_1161 : vector<16xf32>
        %add3A_1163 = arith.addf %mul3A_1162, %get3A_13 : vector<16xf32>
        %add3A_1164 = arith.constant 5 : i32
        %add3A_1165 = arith.addi %mul3A_115, %add3A_1164 : i32
        %swap3A_1166 = arith.index_cast %add3A_1165 : i32 to index
        %swap3A_1167 = arith.constant 16 : index
        %swap3A_1168 = tpu.vector_load %arg10[%swap3A_1166, %swap3A_1167] {strides = array<i32>} : memref<256x64xf32, #tpu.memory_space<vmem>>, vector<16xf32>,
        tpu.vector_store %arg10[%swap3A_1166, %swap3A_1167], %add3A_1163 {strides = array<i32>} : memref<256x64xf32, #tpu.memory_space<vmem>>, vector<16xf32>,
        %add3A_1169 = arith.constant 5 : i32
        %add3A_1170 = arith.addi %mul3A_115, %add3A_1169 : i32
        %get3A_1171 = arith.index_cast %add3A_1170 : i32 to index
        %get3A_1172 = arith.constant 32 : index
        %get3A_1173 = tpu.vector_load %arg8[%get3A_1171, %get3A_1172] {strides = array<i32>} : memref<256x64xf32, #tpu.memory_space<vmem>>, vector<16xf32>,
        %sub3A_1174 = arith.subf %get3A_1173, %broadcast_in_dim3A_1137 : vector<16xf32>
        %mul3A_1175 = arith.mulf %broadcast_in_dim3A_1140, %get3A_7 : vector<16xf32>
        %mul3A_1176 = arith.mulf %sub3A_1174, %mul3A_1175 : vector<16xf32>
        %add3A_1177 = arith.addf %mul3A_1176, %get3A_15 : vector<16xf32>
        %add3A_1178 = arith.constant 5 : i32
        %add3A_1179 = arith.addi %mul3A_115, %add3A_1178 : i32
        %swap3A_1180 = arith.index_cast %add3A_1179 : i32 to index
        %swap3A_1181 = arith.constant 32 : index
        %swap3A_1182 = tpu.vector_load %arg10[%swap3A_1180, %swap3A_1181] {strides = array<i32>} : memref<256x64xf32, #tpu.memory_space<vmem>>, vector<16xf32>,
        tpu.vector_store %arg10[%swap3A_1180, %swap3A_1181], %add3A_1177 {strides = array<i32>} : memref<256x64xf32, #tpu.memory_space<vmem>>, vector<16xf32>,
        %add3A_1183 = arith.constant 5 : i32
        %add3A_1184 = arith.addi %mul3A_115, %add3A_1183 : i32
        %get3A_1185 = arith.index_cast %add3A_1184 : i32 to index
        %get3A_1186 = arith.constant 48 : index
        %get3A_1187 = tpu.vector_load %arg8[%get3A_1185, %get3A_1186] {strides = array<i32>} : memref<256x64xf32, #tpu.memory_space<vmem>>, vector<16xf32>,
        %sub3A_1188 = arith.subf %get3A_1187, %broadcast_in_dim3A_1137 : vector<16xf32>
        %mul3A_1189 = arith.mulf %broadcast_in_dim3A_1140, %get3A_9 : vector<16xf32>
        %mul3A_1190 = arith.mulf %sub3A_1188, %mul3A_1189 : vector<16xf32>
        %add3A_1191 = arith.addf %mul3A_1190, %get3A_17 : vector<16xf32>
        %add3A_1192 = arith.constant 5 : i32
        %add3A_1193 = arith.addi %mul3A_115, %add3A_1192 : i32
        %swap3A_1194 = arith.index_cast %add3A_1193 : i32 to index
        %swap3A_1195 = arith.constant 48 : index
        %swap3A_1196 = tpu.vector_load %arg10[%swap3A_1194, %swap3A_1195] {strides = array<i32>} : memref<256x64xf32, #tpu.memory_space<vmem>>, vector<16xf32>,
        tpu.vector_store %arg10[%swap3A_1194, %swap3A_1195], %add3A_1191 {strides = array<i32>} : memref<256x64xf32, #tpu.memory_space<vmem>>, vector<16xf32>,
        %slice3A_1197 = vector.extract_strided_slice %mul3A_788 {offsets = [6], sizes = [1], strides = [1]} : vector<16xf32> to vector<1xf32>
        %squeeze3A_1198 = vector.extract %slice3A_1197[0] : f32 from vector<1xf32>
        %broadcast_in_dim3A_1199 = vector.broadcast %squeeze3A_1198 : f32 to vector<16xf32>
        %slice3A_1200 = vector.extract_strided_slice %mul3A_828 {offsets = [6], sizes = [1], strides = [1]} : vector<16xf32> to vector<1xf32>
        %squeeze3A_1201 = vector.extract %slice3A_1200[0] : f32 from vector<1xf32>
        %broadcast_in_dim3A_1202 = vector.broadcast %squeeze3A_1201 : f32 to vector<16xf32>
        %add3A_1203 = arith.constant 6 : i32
        %add3A_1204 = arith.addi %mul3A_115, %add3A_1203 : i32
        %get3A_1205 = arith.index_cast %add3A_1204 : i32 to index
        %get3A_1206 = arith.constant 0 : index
        %get3A_1207 = tpu.vector_load %arg8[%get3A_1205, %get3A_1206] {strides = array<i32>} : memref<256x64xf32, #tpu.memory_space<vmem>>, vector<16xf32>,
        %sub3A_1208 = arith.subf %get3A_1207, %broadcast_in_dim3A_1199 : vector<16xf32>
        %mul3A_1209 = arith.mulf %broadcast_in_dim3A_1202, %get3A_3 : vector<16xf32>
        %mul3A_1210 = arith.mulf %sub3A_1208, %mul3A_1209 : vector<16xf32>
        %add3A_1211 = arith.addf %mul3A_1210, %get3A_11 : vector<16xf32>
        %add3A_1212 = arith.constant 6 : i32
        %add3A_1213 = arith.addi %mul3A_115, %add3A_1212 : i32
        %swap3A_1214 = arith.index_cast %add3A_1213 : i32 to index
        %swap3A_1215 = arith.constant 0 : index
        %swap3A_1216 = tpu.vector_load %arg10[%swap3A_1214, %swap3A_1215] {strides = array<i32>} : memref<256x64xf32, #tpu.memory_space<vmem>>, vector<16xf32>,
        tpu.vector_store %arg10[%swap3A_1214, %swap3A_1215], %add3A_1211 {strides = array<i32>} : memref<256x64xf32, #tpu.memory_space<vmem>>, vector<16xf32>,
        %add3A_1217 = arith.constant 6 : i32
        %add3A_1218 = arith.addi %mul3A_115, %add3A_1217 : i32
        %get3A_1219 = arith.index_cast %add3A_1218 : i32 to index
        %get3A_1220 = arith.constant 16 : index
        %get3A_1221 = tpu.vector_load %arg8[%get3A_1219, %get3A_1220] {strides = array<i32>} : memref<256x64xf32, #tpu.memory_space<vmem>>, vector<16xf32>,
        %sub3A_1222 = arith.subf %get3A_1221, %broadcast_in_dim3A_1199 : vector<16xf32>
        %mul3A_1223 = arith.mulf %broadcast_in_dim3A_1202, %get3A_5 : vector<16xf32>
        %mul3A_1224 = arith.mulf %sub3A_1222, %mul3A_1223 : vector<16xf32>
        %add3A_1225 = arith.addf %mul3A_1224, %get3A_13 : vector<16xf32>
        %add3A_1226 = arith.constant 6 : i32
        %add3A_1227 = arith.addi %mul3A_115, %add3A_1226 : i32
        %swap3A_1228 = arith.index_cast %add3A_1227 : i32 to index
        %swap3A_1229 = arith.constant 16 : index
        %swap3A_1230 = tpu.vector_load %arg10[%swap3A_1228, %swap3A_1229] {strides = array<i32>} : memref<256x64xf32, #tpu.memory_space<vmem>>, vector<16xf32>,
        tpu.vector_store %arg10[%swap3A_1228, %swap3A_1229], %add3A_1225 {strides = array<i32>} : memref<256x64xf32, #tpu.memory_space<vmem>>, vector<16xf32>,
        %add3A_1231 = arith.constant 6 : i32
        %add3A_1232 = arith.addi %mul3A_115, %add3A_1231 : i32
        %get3A_1233 = arith.index_cast %add3A_1232 : i32 to index
        %get3A_1234 = arith.constant 32 : index
        %get3A_1235 = tpu.vector_load %arg8[%get3A_1233, %get3A_1234] {strides = array<i32>} : memref<256x64xf32, #tpu.memory_space<vmem>>, vector<16xf32>,
        %sub3A_1236 = arith.subf %get3A_1235, %broadcast_in_dim3A_1199 : vector<16xf32>
        %mul3A_1237 = arith.mulf %broadcast_in_dim3A_1202, %get3A_7 : vector<16xf32>
        %mul3A_1238 = arith.mulf %sub3A_1236, %mul3A_1237 : vector<16xf32>
        %add3A_1239 = arith.addf %mul3A_1238, %get3A_15 : vector<16xf32>
        %add3A_1240 = arith.constant 6 : i32
        %add3A_1241 = arith.addi %mul3A_115, %add3A_1240 : i32
        %swap3A_1242 = arith.index_cast %add3A_1241 : i32 to index
        %swap3A_1243 = arith.constant 32 : index
        %swap3A_1244 = tpu.vector_load %arg10[%swap3A_1242, %swap3A_1243] {strides = array<i32>} : memref<256x64xf32, #tpu.memory_space<vmem>>, vector<16xf32>,
        tpu.vector_store %arg10[%swap3A_1242, %swap3A_1243], %add3A_1239 {strides = array<i32>} : memref<256x64xf32, #tpu.memory_space<vmem>>, vector<16xf32>,
        %add3A_1245 = arith.constant 6 : i32
        %add3A_1246 = arith.addi %mul3A_115, %add3A_1245 : i32
        %get3A_1247 = arith.index_cast %add3A_1246 : i32 to index
        %get3A_1248 = arith.constant 48 : index
        %get3A_1249 = tpu.vector_load %arg8[%get3A_1247, %get3A_1248] {strides = array<i32>} : memref<256x64xf32, #tpu.memory_space<vmem>>, vector<16xf32>,
        %sub3A_1250 = arith.subf %get3A_1249, %broadcast_in_dim3A_1199 : vector<16xf32>
        %mul3A_1251 = arith.mulf %broadcast_in_dim3A_1202, %get3A_9 : vector<16xf32>
        %mul3A_1252 = arith.mulf %sub3A_1250, %mul3A_1251 : vector<16xf32>
        %add3A_1253 = arith.addf %mul3A_1252, %get3A_17 : vector<16xf32>
        %add3A_1254 = arith.constant 6 : i32
        %add3A_1255 = arith.addi %mul3A_115, %add3A_1254 : i32
        %swap3A_1256 = arith.index_cast %add3A_1255 : i32 to index
        %swap3A_1257 = arith.constant 48 : index
        %swap3A_1258 = tpu.vector_load %arg10[%swap3A_1256, %swap3A_1257] {strides = array<i32>} : memref<256x64xf32, #tpu.memory_space<vmem>>, vector<16xf32>,
        tpu.vector_store %arg10[%swap3A_1256, %swap3A_1257], %add3A_1253 {strides = array<i32>} : memref<256x64xf32, #tpu.memory_space<vmem>>, vector<16xf32>,
        %slice3A_1259 = vector.extract_strided_slice %mul3A_788 {offsets = [7], sizes = [1], strides = [1]} : vector<16xf32> to vector<1xf32>
        %squeeze3A_1260 = vector.extract %slice3A_1259[0] : f32 from vector<1xf32>
        %broadcast_in_dim3A_1261 = vector.broadcast %squeeze3A_1260 : f32 to vector<16xf32>
        %slice3A_1262 = vector.extract_strided_slice %mul3A_828 {offsets = [7], sizes = [1], strides = [1]} : vector<16xf32> to vector<1xf32>
        %squeeze3A_1263 = vector.extract %slice3A_1262[0] : f32 from vector<1xf32>
        %broadcast_in_dim3A_1264 = vector.broadcast %squeeze3A_1263 : f32 to vector<16xf32>
        %add3A_1265 = arith.constant 7 : i32
        %add3A_1266 = arith.addi %mul3A_115, %add3A_1265 : i32
        %get3A_1267 = arith.index_cast %add3A_1266 : i32 to index
        %get3A_1268 = arith.constant 0 : index
        %get3A_1269 = tpu.vector_load %arg8[%get3A_1267, %get3A_1268] {strides = array<i32>} : memref<256x64xf32, #tpu.memory_space<vmem>>, vector<16xf32>,
        %sub3A_1270 = arith.subf %get3A_1269, %broadcast_in_dim3A_1261 : vector<16xf32>
        %mul3A_1271 = arith.mulf %broadcast_in_dim3A_1264, %get3A_3 : vector<16xf32>
        %mul3A_1272 = arith.mulf %sub3A_1270, %mul3A_1271 : vector<16xf32>
        %add3A_1273 = arith.addf %mul3A_1272, %get3A_11 : vector<16xf32>
        %add3A_1274 = arith.constant 7 : i32
        %add3A_1275 = arith.addi %mul3A_115, %add3A_1274 : i32
        %swap3A_1276 = arith.index_cast %add3A_1275 : i32 to index
        %swap3A_1277 = arith.constant 0 : index
        %swap3A_1278 = tpu.vector_load %arg10[%swap3A_1276, %swap3A_1277] {strides = array<i32>} : memref<256x64xf32, #tpu.memory_space<vmem>>, vector<16xf32>,
        tpu.vector_store %arg10[%swap3A_1276, %swap3A_1277], %add3A_1273 {strides = array<i32>} : memref<256x64xf32, #tpu.memory_space<vmem>>, vector<16xf32>,
        %add3A_1279 = arith.constant 7 : i32
        %add3A_1280 = arith.addi %mul3A_115, %add3A_1279 : i32
        %get3A_1281 = arith.index_cast %add3A_1280 : i32 to index
        %get3A_1282 = arith.constant 16 : index
        %get3A_1283 = tpu.vector_load %arg8[%get3A_1281, %get3A_1282] {strides = array<i32>} : memref<256x64xf32, #tpu.memory_space<vmem>>, vector<16xf32>,
        %sub3A_1284 = arith.subf %get3A_1283, %broadcast_in_dim3A_1261 : vector<16xf32>
        %mul3A_1285 = arith.mulf %broadcast_in_dim3A_1264, %get3A_5 : vector<16xf32>
        %mul3A_1286 = arith.mulf %sub3A_1284, %mul3A_1285 : vector<16xf32>
        %add3A_1287 = arith.addf %mul3A_1286, %get3A_13 : vector<16xf32>
        %add3A_1288 = arith.constant 7 : i32
        %add3A_1289 = arith.addi %mul3A_115, %add3A_1288 : i32
        %swap3A_1290 = arith.index_cast %add3A_1289 : i32 to index
        %swap3A_1291 = arith.constant 16 : index
        %swap3A_1292 = tpu.vector_load %arg10[%swap3A_1290, %swap3A_1291] {strides = array<i32>} : memref<256x64xf32, #tpu.memory_space<vmem>>, vector<16xf32>,
        tpu.vector_store %arg10[%swap3A_1290, %swap3A_1291], %add3A_1287 {strides = array<i32>} : memref<256x64xf32, #tpu.memory_space<vmem>>, vector<16xf32>,
        %add3A_1293 = arith.constant 7 : i32
        %add3A_1294 = arith.addi %mul3A_115, %add3A_1293 : i32
        %get3A_1295 = arith.index_cast %add3A_1294 : i32 to index
        %get3A_1296 = arith.constant 32 : index
        %get3A_1297 = tpu.vector_load %arg8[%get3A_1295, %get3A_1296] {strides = array<i32>} : memref<256x64xf32, #tpu.memory_space<vmem>>, vector<16xf32>,
        %sub3A_1298 = arith.subf %get3A_1297, %broadcast_in_dim3A_1261 : vector<16xf32>
        %mul3A_1299 = arith.mulf %broadcast_in_dim3A_1264, %get3A_7 : vector<16xf32>
        %mul3A_1300 = arith.mulf %sub3A_1298, %mul3A_1299 : vector<16xf32>
        %add3A_1301 = arith.addf %mul3A_1300, %get3A_15 : vector<16xf32>
        %add3A_1302 = arith.constant 7 : i32
        %add3A_1303 = arith.addi %mul3A_115, %add3A_1302 : i32
        %swap3A_1304 = arith.index_cast %add3A_1303 : i32 to index
        %swap3A_1305 = arith.constant 32 : index
        %swap3A_1306 = tpu.vector_load %arg10[%swap3A_1304, %swap3A_1305] {strides = array<i32>} : memref<256x64xf32, #tpu.memory_space<vmem>>, vector<16xf32>,
        tpu.vector_store %arg10[%swap3A_1304, %swap3A_1305], %add3A_1301 {strides = array<i32>} : memref<256x64xf32, #tpu.memory_space<vmem>>, vector<16xf32>,
        %add3A_1307 = arith.constant 7 : i32
        %add3A_1308 = arith.addi %mul3A_115, %add3A_1307 : i32
        %get3A_1309 = arith.index_cast %add3A_1308 : i32 to index
        %get3A_1310 = arith.constant 48 : index
        %get3A_1311 = tpu.vector_load %arg8[%get3A_1309, %get3A_1310] {strides = array<i32>} : memref<256x64xf32, #tpu.memory_space<vmem>>, vector<16xf32>,
        %sub3A_1312 = arith.subf %get3A_1311, %broadcast_in_dim3A_1261 : vector<16xf32>
        %mul3A_1313 = arith.mulf %broadcast_in_dim3A_1264, %get3A_9 : vector<16xf32>
        %mul3A_1314 = arith.mulf %sub3A_1312, %mul3A_1313 : vector<16xf32>
        %add3A_1315 = arith.addf %mul3A_1314, %get3A_17 : vector<16xf32>
        %add3A_1316 = arith.constant 7 : i32
        %add3A_1317 = arith.addi %mul3A_115, %add3A_1316 : i32
        %swap3A_1318 = arith.index_cast %add3A_1317 : i32 to index
        %swap3A_1319 = arith.constant 48 : index
        %swap3A_1320 = tpu.vector_load %arg10[%swap3A_1318, %swap3A_1319] {strides = array<i32>} : memref<256x64xf32, #tpu.memory_space<vmem>>, vector<16xf32>,
        tpu.vector_store %arg10[%swap3A_1318, %swap3A_1319], %add3A_1315 {strides = array<i32>} : memref<256x64xf32, #tpu.memory_space<vmem>>, vector<16xf32>,
        %slice3A_1321 = vector.extract_strided_slice %mul3A_788 {offsets = [8], sizes = [1], strides = [1]} : vector<16xf32> to vector<1xf32>
        %squeeze3A_1322 = vector.extract %slice3A_1321[0] : f32 from vector<1xf32>
        %broadcast_in_dim3A_1323 = vector.broadcast %squeeze3A_1322 : f32 to vector<16xf32>
        %slice3A_1324 = vector.extract_strided_slice %mul3A_828 {offsets = [8], sizes = [1], strides = [1]} : vector<16xf32> to vector<1xf32>
        %squeeze3A_1325 = vector.extract %slice3A_1324[0] : f32 from vector<1xf32>
        %broadcast_in_dim3A_1326 = vector.broadcast %squeeze3A_1325 : f32 to vector<16xf32>
        %add3A_1327 = arith.constant 8 : i32
        %add3A_1328 = arith.addi %mul3A_115, %add3A_1327 : i32
        %get3A_1329 = arith.index_cast %add3A_1328 : i32 to index
        %get3A_1330 = arith.constant 0 : index
        %get3A_1331 = tpu.vector_load %arg8[%get3A_1329, %get3A_1330] {strides = array<i32>} : memref<256x64xf32, #tpu.memory_space<vmem>>, vector<16xf32>,
        %sub3A_1332 = arith.subf %get3A_1331, %broadcast_in_dim3A_1323 : vector<16xf32>
        %mul3A_1333 = arith.mulf %broadcast_in_dim3A_1326, %get3A_3 : vector<16xf32>
        %mul3A_1334 = arith.mulf %sub3A_1332, %mul3A_1333 : vector<16xf32>
        %add3A_1335 = arith.addf %mul3A_1334, %get3A_11 : vector<16xf32>
        %add3A_1336 = arith.constant 8 : i32
        %add3A_1337 = arith.addi %mul3A_115, %add3A_1336 : i32
        %swap3A_1338 = arith.index_cast %add3A_1337 : i32 to index
        %swap3A_1339 = arith.constant 0 : index
        %swap3A_1340 = tpu.vector_load %arg10[%swap3A_1338, %swap3A_1339] {strides = array<i32>} : memref<256x64xf32, #tpu.memory_space<vmem>>, vector<16xf32>,
        tpu.vector_store %arg10[%swap3A_1338, %swap3A_1339], %add3A_1335 {strides = array<i32>} : memref<256x64xf32, #tpu.memory_space<vmem>>, vector<16xf32>,
        %add3A_1341 = arith.constant 8 : i32
        %add3A_1342 = arith.addi %mul3A_115, %add3A_1341 : i32
        %get3A_1343 = arith.index_cast %add3A_1342 : i32 to index
        %get3A_1344 = arith.constant 16 : index
        %get3A_1345 = tpu.vector_load %arg8[%get3A_1343, %get3A_1344] {strides = array<i32>} : memref<256x64xf32, #tpu.memory_space<vmem>>, vector<16xf32>,
        %sub3A_1346 = arith.subf %get3A_1345, %broadcast_in_dim3A_1323 : vector<16xf32>
        %mul3A_1347 = arith.mulf %broadcast_in_dim3A_1326, %get3A_5 : vector<16xf32>
        %mul3A_1348 = arith.mulf %sub3A_1346, %mul3A_1347 : vector<16xf32>
        %add3A_1349 = arith.addf %mul3A_1348, %get3A_13 : vector<16xf32>
        %add3A_1350 = arith.constant 8 : i32
        %add3A_1351 = arith.addi %mul3A_115, %add3A_1350 : i32
        %swap3A_1352 = arith.index_cast %add3A_1351 : i32 to index
        %swap3A_1353 = arith.constant 16 : index
        %swap3A_1354 = tpu.vector_load %arg10[%swap3A_1352, %swap3A_1353] {strides = array<i32>} : memref<256x64xf32, #tpu.memory_space<vmem>>, vector<16xf32>,
        tpu.vector_store %arg10[%swap3A_1352, %swap3A_1353], %add3A_1349 {strides = array<i32>} : memref<256x64xf32, #tpu.memory_space<vmem>>, vector<16xf32>,
        %add3A_1355 = arith.constant 8 : i32
        %add3A_1356 = arith.addi %mul3A_115, %add3A_1355 : i32
        %get3A_1357 = arith.index_cast %add3A_1356 : i32 to index
        %get3A_1358 = arith.constant 32 : index
        %get3A_1359 = tpu.vector_load %arg8[%get3A_1357, %get3A_1358] {strides = array<i32>} : memref<256x64xf32, #tpu.memory_space<vmem>>, vector<16xf32>,
        %sub3A_1360 = arith.subf %get3A_1359, %broadcast_in_dim3A_1323 : vector<16xf32>
        %mul3A_1361 = arith.mulf %broadcast_in_dim3A_1326, %get3A_7 : vector<16xf32>
        %mul3A_1362 = arith.mulf %sub3A_1360, %mul3A_1361 : vector<16xf32>
        %add3A_1363 = arith.addf %mul3A_1362, %get3A_15 : vector<16xf32>
        %add3A_1364 = arith.constant 8 : i32
        %add3A_1365 = arith.addi %mul3A_115, %add3A_1364 : i32
        %swap3A_1366 = arith.index_cast %add3A_1365 : i32 to index
        %swap3A_1367 = arith.constant 32 : index
        %swap3A_1368 = tpu.vector_load %arg10[%swap3A_1366, %swap3A_1367] {strides = array<i32>} : memref<256x64xf32, #tpu.memory_space<vmem>>, vector<16xf32>,
        tpu.vector_store %arg10[%swap3A_1366, %swap3A_1367], %add3A_1363 {strides = array<i32>} : memref<256x64xf32, #tpu.memory_space<vmem>>, vector<16xf32>,
        %add3A_1369 = arith.constant 8 : i32
        %add3A_1370 = arith.addi %mul3A_115, %add3A_1369 : i32
        %get3A_1371 = arith.index_cast %add3A_1370 : i32 to index
        %get3A_1372 = arith.constant 48 : index
        %get3A_1373 = tpu.vector_load %arg8[%get3A_1371, %get3A_1372] {strides = array<i32>} : memref<256x64xf32, #tpu.memory_space<vmem>>, vector<16xf32>,
        %sub3A_1374 = arith.subf %get3A_1373, %broadcast_in_dim3A_1323 : vector<16xf32>
        %mul3A_1375 = arith.mulf %broadcast_in_dim3A_1326, %get3A_9 : vector<16xf32>
        %mul3A_1376 = arith.mulf %sub3A_1374, %mul3A_1375 : vector<16xf32>
        %add3A_1377 = arith.addf %mul3A_1376, %get3A_17 : vector<16xf32>
        %add3A_1378 = arith.constant 8 : i32
        %add3A_1379 = arith.addi %mul3A_115, %add3A_1378 : i32
        %swap3A_1380 = arith.index_cast %add3A_1379 : i32 to index
        %swap3A_1381 = arith.constant 48 : index
        %swap3A_1382 = tpu.vector_load %arg10[%swap3A_1380, %swap3A_1381] {strides = array<i32>} : memref<256x64xf32, #tpu.memory_space<vmem>>, vector<16xf32>,
        tpu.vector_store %arg10[%swap3A_1380, %swap3A_1381], %add3A_1377 {strides = array<i32>} : memref<256x64xf32, #tpu.memory_space<vmem>>, vector<16xf32>,
        %slice3A_1383 = vector.extract_strided_slice %mul3A_788 {offsets = [9], sizes = [1], strides = [1]} : vector<16xf32> to vector<1xf32>
        %squeeze3A_1384 = vector.extract %slice3A_1383[0] : f32 from vector<1xf32>
        %broadcast_in_dim3A_1385 = vector.broadcast %squeeze3A_1384 : f32 to vector<16xf32>
        %slice3A_1386 = vector.extract_strided_slice %mul3A_828 {offsets = [9], sizes = [1], strides = [1]} : vector<16xf32> to vector<1xf32>
        %squeeze3A_1387 = vector.extract %slice3A_1386[0] : f32 from vector<1xf32>
        %broadcast_in_dim3A_1388 = vector.broadcast %squeeze3A_1387 : f32 to vector<16xf32>
        %add3A_1389 = arith.constant 9 : i32
        %add3A_1390 = arith.addi %mul3A_115, %add3A_1389 : i32
        %get3A_1391 = arith.index_cast %add3A_1390 : i32 to index
        %get3A_1392 = arith.constant 0 : index
        %get3A_1393 = tpu.vector_load %arg8[%get3A_1391, %get3A_1392] {strides = array<i32>} : memref<256x64xf32, #tpu.memory_space<vmem>>, vector<16xf32>,
        %sub3A_1394 = arith.subf %get3A_1393, %broadcast_in_dim3A_1385 : vector<16xf32>
        %mul3A_1395 = arith.mulf %broadcast_in_dim3A_1388, %get3A_3 : vector<16xf32>
        %mul3A_1396 = arith.mulf %sub3A_1394, %mul3A_1395 : vector<16xf32>
        %add3A_1397 = arith.addf %mul3A_1396, %get3A_11 : vector<16xf32>
        %add3A_1398 = arith.constant 9 : i32
        %add3A_1399 = arith.addi %mul3A_115, %add3A_1398 : i32
        %swap3A_1400 = arith.index_cast %add3A_1399 : i32 to index
        %swap3A_1401 = arith.constant 0 : index
        %swap3A_1402 = tpu.vector_load %arg10[%swap3A_1400, %swap3A_1401] {strides = array<i32>} : memref<256x64xf32, #tpu.memory_space<vmem>>, vector<16xf32>,
        tpu.vector_store %arg10[%swap3A_1400, %swap3A_1401], %add3A_1397 {strides = array<i32>} : memref<256x64xf32, #tpu.memory_space<vmem>>, vector<16xf32>,
        %add3A_1403 = arith.constant 9 : i32
        %add3A_1404 = arith.addi %mul3A_115, %add3A_1403 : i32
        %get3A_1405 = arith.index_cast %add3A_1404 : i32 to index
        %get3A_1406 = arith.constant 16 : index
        %get3A_1407 = tpu.vector_load %arg8[%get3A_1405, %get3A_1406] {strides = array<i32>} : memref<256x64xf32, #tpu.memory_space<vmem>>, vector<16xf32>,
        %sub3A_1408 = arith.subf %get3A_1407, %broadcast_in_dim3A_1385 : vector<16xf32>
        %mul3A_1409 = arith.mulf %broadcast_in_dim3A_1388, %get3A_5 : vector<16xf32>
        %mul3A_1410 = arith.mulf %sub3A_1408, %mul3A_1409 : vector<16xf32>
        %add3A_1411 = arith.addf %mul3A_1410, %get3A_13 : vector<16xf32>
        %add3A_1412 = arith.constant 9 : i32
        %add3A_1413 = arith.addi %mul3A_115, %add3A_1412 : i32
        %swap3A_1414 = arith.index_cast %add3A_1413 : i32 to index
        %swap3A_1415 = arith.constant 16 : index
        %swap3A_1416 = tpu.vector_load %arg10[%swap3A_1414, %swap3A_1415] {strides = array<i32>} : memref<256x64xf32, #tpu.memory_space<vmem>>, vector<16xf32>,
        tpu.vector_store %arg10[%swap3A_1414, %swap3A_1415], %add3A_1411 {strides = array<i32>} : memref<256x64xf32, #tpu.memory_space<vmem>>, vector<16xf32>,
        %add3A_1417 = arith.constant 9 : i32
        %add3A_1418 = arith.addi %mul3A_115, %add3A_1417 : i32
        %get3A_1419 = arith.index_cast %add3A_1418 : i32 to index
        %get3A_1420 = arith.constant 32 : index
        %get3A_1421 = tpu.vector_load %arg8[%get3A_1419, %get3A_1420] {strides = array<i32>} : memref<256x64xf32, #tpu.memory_space<vmem>>, vector<16xf32>,
        %sub3A_1422 = arith.subf %get3A_1421, %broadcast_in_dim3A_1385 : vector<16xf32>
        %mul3A_1423 = arith.mulf %broadcast_in_dim3A_1388, %get3A_7 : vector<16xf32>
        %mul3A_1424 = arith.mulf %sub3A_1422, %mul3A_1423 : vector<16xf32>
        %add3A_1425 = arith.addf %mul3A_1424, %get3A_15 : vector<16xf32>
        %add3A_1426 = arith.constant 9 : i32
        %add3A_1427 = arith.addi %mul3A_115, %add3A_1426 : i32
        %swap3A_1428 = arith.index_cast %add3A_1427 : i32 to index
        %swap3A_1429 = arith.constant 32 : index
        %swap3A_1430 = tpu.vector_load %arg10[%swap3A_1428, %swap3A_1429] {strides = array<i32>} : memref<256x64xf32, #tpu.memory_space<vmem>>, vector<16xf32>,
        tpu.vector_store %arg10[%swap3A_1428, %swap3A_1429], %add3A_1425 {strides = array<i32>} : memref<256x64xf32, #tpu.memory_space<vmem>>, vector<16xf32>,
        %add3A_1431 = arith.constant 9 : i32
        %add3A_1432 = arith.addi %mul3A_115, %add3A_1431 : i32
        %get3A_1433 = arith.index_cast %add3A_1432 : i32 to index
        %get3A_1434 = arith.constant 48 : index
        %get3A_1435 = tpu.vector_load %arg8[%get3A_1433, %get3A_1434] {strides = array<i32>} : memref<256x64xf32, #tpu.memory_space<vmem>>, vector<16xf32>,
        %sub3A_1436 = arith.subf %get3A_1435, %broadcast_in_dim3A_1385 : vector<16xf32>
        %mul3A_1437 = arith.mulf %broadcast_in_dim3A_1388, %get3A_9 : vector<16xf32>
        %mul3A_1438 = arith.mulf %sub3A_1436, %mul3A_1437 : vector<16xf32>
        %add3A_1439 = arith.addf %mul3A_1438, %get3A_17 : vector<16xf32>
        %add3A_1440 = arith.constant 9 : i32
        %add3A_1441 = arith.addi %mul3A_115, %add3A_1440 : i32
        %swap3A_1442 = arith.index_cast %add3A_1441 : i32 to index
        %swap3A_1443 = arith.constant 48 : index
        %swap3A_1444 = tpu.vector_load %arg10[%swap3A_1442, %swap3A_1443] {strides = array<i32>} : memref<256x64xf32, #tpu.memory_space<vmem>>, vector<16xf32>,
        tpu.vector_store %arg10[%swap3A_1442, %swap3A_1443], %add3A_1439 {strides = array<i32>} : memref<256x64xf32, #tpu.memory_space<vmem>>, vector<16xf32>,
        %slice3A_1445 = vector.extract_strided_slice %mul3A_788 {offsets = [10], sizes = [1], strides = [1]} : vector<16xf32> to vector<1xf32>
        %squeeze3A_1446 = vector.extract %slice3A_1445[0] : f32 from vector<1xf32>
        %broadcast_in_dim3A_1447 = vector.broadcast %squeeze3A_1446 : f32 to vector<16xf32>
        %slice3A_1448 = vector.extract_strided_slice %mul3A_828 {offsets = [10], sizes = [1], strides = [1]} : vector<16xf32> to vector<1xf32>
        %squeeze3A_1449 = vector.extract %slice3A_1448[0] : f32 from vector<1xf32>
        %broadcast_in_dim3A_1450 = vector.broadcast %squeeze3A_1449 : f32 to vector<16xf32>
        %add3A_1451 = arith.constant 10 : i32
        %add3A_1452 = arith.addi %mul3A_115, %add3A_1451 : i32
        %get3A_1453 = arith.index_cast %add3A_1452 : i32 to index
        %get3A_1454 = arith.constant 0 : index
        %get3A_1455 = tpu.vector_load %arg8[%get3A_1453, %get3A_1454] {strides = array<i32>} : memref<256x64xf32, #tpu.memory_space<vmem>>, vector<16xf32>,
        %sub3A_1456 = arith.subf %get3A_1455, %broadcast_in_dim3A_1447 : vector<16xf32>
        %mul3A_1457 = arith.mulf %broadcast_in_dim3A_1450, %get3A_3 : vector<16xf32>
        %mul3A_1458 = arith.mulf %sub3A_1456, %mul3A_1457 : vector<16xf32>
        %add3A_1459 = arith.addf %mul3A_1458, %get3A_11 : vector<16xf32>
        %add3A_1460 = arith.constant 10 : i32
        %add3A_1461 = arith.addi %mul3A_115, %add3A_1460 : i32
        %swap3A_1462 = arith.index_cast %add3A_1461 : i32 to index
        %swap3A_1463 = arith.constant 0 : index
        %swap3A_1464 = tpu.vector_load %arg10[%swap3A_1462, %swap3A_1463] {strides = array<i32>} : memref<256x64xf32, #tpu.memory_space<vmem>>, vector<16xf32>,
        tpu.vector_store %arg10[%swap3A_1462, %swap3A_1463], %add3A_1459 {strides = array<i32>} : memref<256x64xf32, #tpu.memory_space<vmem>>, vector<16xf32>,
        %add3A_1465 = arith.constant 10 : i32
        %add3A_1466 = arith.addi %mul3A_115, %add3A_1465 : i32
        %get3A_1467 = arith.index_cast %add3A_1466 : i32 to index
        %get3A_1468 = arith.constant 16 : index
        %get3A_1469 = tpu.vector_load %arg8[%get3A_1467, %get3A_1468] {strides = array<i32>} : memref<256x64xf32, #tpu.memory_space<vmem>>, vector<16xf32>,
        %sub3A_1470 = arith.subf %get3A_1469, %broadcast_in_dim3A_1447 : vector<16xf32>
        %mul3A_1471 = arith.mulf %broadcast_in_dim3A_1450, %get3A_5 : vector<16xf32>
        %mul3A_1472 = arith.mulf %sub3A_1470, %mul3A_1471 : vector<16xf32>
        %add3A_1473 = arith.addf %mul3A_1472, %get3A_13 : vector<16xf32>
        %add3A_1474 = arith.constant 10 : i32
        %add3A_1475 = arith.addi %mul3A_115, %add3A_1474 : i32
        %swap3A_1476 = arith.index_cast %add3A_1475 : i32 to index
        %swap3A_1477 = arith.constant 16 : index
        %swap3A_1478 = tpu.vector_load %arg10[%swap3A_1476, %swap3A_1477] {strides = array<i32>} : memref<256x64xf32, #tpu.memory_space<vmem>>, vector<16xf32>,
        tpu.vector_store %arg10[%swap3A_1476, %swap3A_1477], %add3A_1473 {strides = array<i32>} : memref<256x64xf32, #tpu.memory_space<vmem>>, vector<16xf32>,
        %add3A_1479 = arith.constant 10 : i32
        %add3A_1480 = arith.addi %mul3A_115, %add3A_1479 : i32
        %get3A_1481 = arith.index_cast %add3A_1480 : i32 to index
        %get3A_1482 = arith.constant 32 : index
        %get3A_1483 = tpu.vector_load %arg8[%get3A_1481, %get3A_1482] {strides = array<i32>} : memref<256x64xf32, #tpu.memory_space<vmem>>, vector<16xf32>,
        %sub3A_1484 = arith.subf %get3A_1483, %broadcast_in_dim3A_1447 : vector<16xf32>
        %mul3A_1485 = arith.mulf %broadcast_in_dim3A_1450, %get3A_7 : vector<16xf32>
        %mul3A_1486 = arith.mulf %sub3A_1484, %mul3A_1485 : vector<16xf32>
        %add3A_1487 = arith.addf %mul3A_1486, %get3A_15 : vector<16xf32>
        %add3A_1488 = arith.constant 10 : i32
        %add3A_1489 = arith.addi %mul3A_115, %add3A_1488 : i32
        %swap3A_1490 = arith.index_cast %add3A_1489 : i32 to index
        %swap3A_1491 = arith.constant 32 : index
        %swap3A_1492 = tpu.vector_load %arg10[%swap3A_1490, %swap3A_1491] {strides = array<i32>} : memref<256x64xf32, #tpu.memory_space<vmem>>, vector<16xf32>,
        tpu.vector_store %arg10[%swap3A_1490, %swap3A_1491], %add3A_1487 {strides = array<i32>} : memref<256x64xf32, #tpu.memory_space<vmem>>, vector<16xf32>,
        %add3A_1493 = arith.constant 10 : i32
        %add3A_1494 = arith.addi %mul3A_115, %add3A_1493 : i32
        %get3A_1495 = arith.index_cast %add3A_1494 : i32 to index
        %get3A_1496 = arith.constant 48 : index
        %get3A_1497 = tpu.vector_load %arg8[%get3A_1495, %get3A_1496] {strides = array<i32>} : memref<256x64xf32, #tpu.memory_space<vmem>>, vector<16xf32>,
        %sub3A_1498 = arith.subf %get3A_1497, %broadcast_in_dim3A_1447 : vector<16xf32>
        %mul3A_1499 = arith.mulf %broadcast_in_dim3A_1450, %get3A_9 : vector<16xf32>
        %mul3A_1500 = arith.mulf %sub3A_1498, %mul3A_1499 : vector<16xf32>
        %add3A_1501 = arith.addf %mul3A_1500, %get3A_17 : vector<16xf32>
        %add3A_1502 = arith.constant 10 : i32
        %add3A_1503 = arith.addi %mul3A_115, %add3A_1502 : i32
        %swap3A_1504 = arith.index_cast %add3A_1503 : i32 to index
        %swap3A_1505 = arith.constant 48 : index
        %swap3A_1506 = tpu.vector_load %arg10[%swap3A_1504, %swap3A_1505] {strides = array<i32>} : memref<256x64xf32, #tpu.memory_space<vmem>>, vector<16xf32>,
        tpu.vector_store %arg10[%swap3A_1504, %swap3A_1505], %add3A_1501 {strides = array<i32>} : memref<256x64xf32, #tpu.memory_space<vmem>>, vector<16xf32>,
        %slice3A_1507 = vector.extract_strided_slice %mul3A_788 {offsets = [11], sizes = [1], strides = [1]} : vector<16xf32> to vector<1xf32>
        %squeeze3A_1508 = vector.extract %slice3A_1507[0] : f32 from vector<1xf32>
        %broadcast_in_dim3A_1509 = vector.broadcast %squeeze3A_1508 : f32 to vector<16xf32>
        %slice3A_1510 = vector.extract_strided_slice %mul3A_828 {offsets = [11], sizes = [1], strides = [1]} : vector<16xf32> to vector<1xf32>
        %squeeze3A_1511 = vector.extract %slice3A_1510[0] : f32 from vector<1xf32>
        %broadcast_in_dim3A_1512 = vector.broadcast %squeeze3A_1511 : f32 to vector<16xf32>
        %add3A_1513 = arith.constant 11 : i32
        %add3A_1514 = arith.addi %mul3A_115, %add3A_1513 : i32
        %get3A_1515 = arith.index_cast %add3A_1514 : i32 to index
        %get3A_1516 = arith.constant 0 : index
        %get3A_1517 = tpu.vector_load %arg8[%get3A_1515, %get3A_1516] {strides = array<i32>} : memref<256x64xf32, #tpu.memory_space<vmem>>, vector<16xf32>,
        %sub3A_1518 = arith.subf %get3A_1517, %broadcast_in_dim3A_1509 : vector<16xf32>
        %mul3A_1519 = arith.mulf %broadcast_in_dim3A_1512, %get3A_3 : vector<16xf32>
        %mul3A_1520 = arith.mulf %sub3A_1518, %mul3A_1519 : vector<16xf32>
        %add3A_1521 = arith.addf %mul3A_1520, %get3A_11 : vector<16xf32>
        %add3A_1522 = arith.constant 11 : i32
        %add3A_1523 = arith.addi %mul3A_115, %add3A_1522 : i32
        %swap3A_1524 = arith.index_cast %add3A_1523 : i32 to index
        %swap3A_1525 = arith.constant 0 : index
        %swap3A_1526 = tpu.vector_load %arg10[%swap3A_1524, %swap3A_1525] {strides = array<i32>} : memref<256x64xf32, #tpu.memory_space<vmem>>, vector<16xf32>,
        tpu.vector_store %arg10[%swap3A_1524, %swap3A_1525], %add3A_1521 {strides = array<i32>} : memref<256x64xf32, #tpu.memory_space<vmem>>, vector<16xf32>,
        %add3A_1527 = arith.constant 11 : i32
        %add3A_1528 = arith.addi %mul3A_115, %add3A_1527 : i32
        %get3A_1529 = arith.index_cast %add3A_1528 : i32 to index
        %get3A_1530 = arith.constant 16 : index
        %get3A_1531 = tpu.vector_load %arg8[%get3A_1529, %get3A_1530] {strides = array<i32>} : memref<256x64xf32, #tpu.memory_space<vmem>>, vector<16xf32>,
        %sub3A_1532 = arith.subf %get3A_1531, %broadcast_in_dim3A_1509 : vector<16xf32>
        %mul3A_1533 = arith.mulf %broadcast_in_dim3A_1512, %get3A_5 : vector<16xf32>
        %mul3A_1534 = arith.mulf %sub3A_1532, %mul3A_1533 : vector<16xf32>
        %add3A_1535 = arith.addf %mul3A_1534, %get3A_13 : vector<16xf32>
        %add3A_1536 = arith.constant 11 : i32
        %add3A_1537 = arith.addi %mul3A_115, %add3A_1536 : i32
        %swap3A_1538 = arith.index_cast %add3A_1537 : i32 to index
        %swap3A_1539 = arith.constant 16 : index
        %swap3A_1540 = tpu.vector_load %arg10[%swap3A_1538, %swap3A_1539] {strides = array<i32>} : memref<256x64xf32, #tpu.memory_space<vmem>>, vector<16xf32>,
        tpu.vector_store %arg10[%swap3A_1538, %swap3A_1539], %add3A_1535 {strides = array<i32>} : memref<256x64xf32, #tpu.memory_space<vmem>>, vector<16xf32>,
        %add3A_1541 = arith.constant 11 : i32
        %add3A_1542 = arith.addi %mul3A_115, %add3A_1541 : i32
        %get3A_1543 = arith.index_cast %add3A_1542 : i32 to index
        %get3A_1544 = arith.constant 32 : index
        %get3A_1545 = tpu.vector_load %arg8[%get3A_1543, %get3A_1544] {strides = array<i32>} : memref<256x64xf32, #tpu.memory_space<vmem>>, vector<16xf32>,
        %sub3A_1546 = arith.subf %get3A_1545, %broadcast_in_dim3A_1509 : vector<16xf32>
        %mul3A_1547 = arith.mulf %broadcast_in_dim3A_1512, %get3A_7 : vector<16xf32>
        %mul3A_1548 = arith.mulf %sub3A_1546, %mul3A_1547 : vector<16xf32>
        %add3A_1549 = arith.addf %mul3A_1548, %get3A_15 : vector<16xf32>
        %add3A_1550 = arith.constant 11 : i32
        %add3A_1551 = arith.addi %mul3A_115, %add3A_1550 : i32
        %swap3A_1552 = arith.index_cast %add3A_1551 : i32 to index
        %swap3A_1553 = arith.constant 32 : index
        %swap3A_1554 = tpu.vector_load %arg10[%swap3A_1552, %swap3A_1553] {strides = array<i32>} : memref<256x64xf32, #tpu.memory_space<vmem>>, vector<16xf32>,
        tpu.vector_store %arg10[%swap3A_1552, %swap3A_1553], %add3A_1549 {strides = array<i32>} : memref<256x64xf32, #tpu.memory_space<vmem>>, vector<16xf32>,
        %add3A_1555 = arith.constant 11 : i32
        %add3A_1556 = arith.addi %mul3A_115, %add3A_1555 : i32
        %get3A_1557 = arith.index_cast %add3A_1556 : i32 to index
        %get3A_1558 = arith.constant 48 : index
        %get3A_1559 = tpu.vector_load %arg8[%get3A_1557, %get3A_1558] {strides = array<i32>} : memref<256x64xf32, #tpu.memory_space<vmem>>, vector<16xf32>,
        %sub3A_1560 = arith.subf %get3A_1559, %broadcast_in_dim3A_1509 : vector<16xf32>
        %mul3A_1561 = arith.mulf %broadcast_in_dim3A_1512, %get3A_9 : vector<16xf32>
        %mul3A_1562 = arith.mulf %sub3A_1560, %mul3A_1561 : vector<16xf32>
        %add3A_1563 = arith.addf %mul3A_1562, %get3A_17 : vector<16xf32>
        %add3A_1564 = arith.constant 11 : i32
        %add3A_1565 = arith.addi %mul3A_115, %add3A_1564 : i32
        %swap3A_1566 = arith.index_cast %add3A_1565 : i32 to index
        %swap3A_1567 = arith.constant 48 : index
        %swap3A_1568 = tpu.vector_load %arg10[%swap3A_1566, %swap3A_1567] {strides = array<i32>} : memref<256x64xf32, #tpu.memory_space<vmem>>, vector<16xf32>,
        tpu.vector_store %arg10[%swap3A_1566, %swap3A_1567], %add3A_1563 {strides = array<i32>} : memref<256x64xf32, #tpu.memory_space<vmem>>, vector<16xf32>,
        %slice3A_1569 = vector.extract_strided_slice %mul3A_788 {offsets = [12], sizes = [1], strides = [1]} : vector<16xf32> to vector<1xf32>
        %squeeze3A_1570 = vector.extract %slice3A_1569[0] : f32 from vector<1xf32>
        %broadcast_in_dim3A_1571 = vector.broadcast %squeeze3A_1570 : f32 to vector<16xf32>
        %slice3A_1572 = vector.extract_strided_slice %mul3A_828 {offsets = [12], sizes = [1], strides = [1]} : vector<16xf32> to vector<1xf32>
        %squeeze3A_1573 = vector.extract %slice3A_1572[0] : f32 from vector<1xf32>
        %broadcast_in_dim3A_1574 = vector.broadcast %squeeze3A_1573 : f32 to vector<16xf32>
        %add3A_1575 = arith.constant 12 : i32
        %add3A_1576 = arith.addi %mul3A_115, %add3A_1575 : i32
        %get3A_1577 = arith.index_cast %add3A_1576 : i32 to index
        %get3A_1578 = arith.constant 0 : index
        %get3A_1579 = tpu.vector_load %arg8[%get3A_1577, %get3A_1578] {strides = array<i32>} : memref<256x64xf32, #tpu.memory_space<vmem>>, vector<16xf32>,
        %sub3A_1580 = arith.subf %get3A_1579, %broadcast_in_dim3A_1571 : vector<16xf32>
        %mul3A_1581 = arith.mulf %broadcast_in_dim3A_1574, %get3A_3 : vector<16xf32>
        %mul3A_1582 = arith.mulf %sub3A_1580, %mul3A_1581 : vector<16xf32>
        %add3A_1583 = arith.addf %mul3A_1582, %get3A_11 : vector<16xf32>
        %add3A_1584 = arith.constant 12 : i32
        %add3A_1585 = arith.addi %mul3A_115, %add3A_1584 : i32
        %swap3A_1586 = arith.index_cast %add3A_1585 : i32 to index
        %swap3A_1587 = arith.constant 0 : index
        %swap3A_1588 = tpu.vector_load %arg10[%swap3A_1586, %swap3A_1587] {strides = array<i32>} : memref<256x64xf32, #tpu.memory_space<vmem>>, vector<16xf32>,
        tpu.vector_store %arg10[%swap3A_1586, %swap3A_1587], %add3A_1583 {strides = array<i32>} : memref<256x64xf32, #tpu.memory_space<vmem>>, vector<16xf32>,
        %add3A_1589 = arith.constant 12 : i32
        %add3A_1590 = arith.addi %mul3A_115, %add3A_1589 : i32
        %get3A_1591 = arith.index_cast %add3A_1590 : i32 to index
        %get3A_1592 = arith.constant 16 : index
        %get3A_1593 = tpu.vector_load %arg8[%get3A_1591, %get3A_1592] {strides = array<i32>} : memref<256x64xf32, #tpu.memory_space<vmem>>, vector<16xf32>,
        %sub3A_1594 = arith.subf %get3A_1593, %broadcast_in_dim3A_1571 : vector<16xf32>
        %mul3A_1595 = arith.mulf %broadcast_in_dim3A_1574, %get3A_5 : vector<16xf32>
        %mul3A_1596 = arith.mulf %sub3A_1594, %mul3A_1595 : vector<16xf32>
        %add3A_1597 = arith.addf %mul3A_1596, %get3A_13 : vector<16xf32>
        %add3A_1598 = arith.constant 12 : i32
        %add3A_1599 = arith.addi %mul3A_115, %add3A_1598 : i32
        %swap3A_1600 = arith.index_cast %add3A_1599 : i32 to index
        %swap3A_1601 = arith.constant 16 : index
        %swap3A_1602 = tpu.vector_load %arg10[%swap3A_1600, %swap3A_1601] {strides = array<i32>} : memref<256x64xf32, #tpu.memory_space<vmem>>, vector<16xf32>,
        tpu.vector_store %arg10[%swap3A_1600, %swap3A_1601], %add3A_1597 {strides = array<i32>} : memref<256x64xf32, #tpu.memory_space<vmem>>, vector<16xf32>,
        %add3A_1603 = arith.constant 12 : i32
        %add3A_1604 = arith.addi %mul3A_115, %add3A_1603 : i32
        %get3A_1605 = arith.index_cast %add3A_1604 : i32 to index
        %get3A_1606 = arith.constant 32 : index
        %get3A_1607 = tpu.vector_load %arg8[%get3A_1605, %get3A_1606] {strides = array<i32>} : memref<256x64xf32, #tpu.memory_space<vmem>>, vector<16xf32>,
        %sub3A_1608 = arith.subf %get3A_1607, %broadcast_in_dim3A_1571 : vector<16xf32>
        %mul3A_1609 = arith.mulf %broadcast_in_dim3A_1574, %get3A_7 : vector<16xf32>
        %mul3A_1610 = arith.mulf %sub3A_1608, %mul3A_1609 : vector<16xf32>
        %add3A_1611 = arith.addf %mul3A_1610, %get3A_15 : vector<16xf32>
        %add3A_1612 = arith.constant 12 : i32
        %add3A_1613 = arith.addi %mul3A_115, %add3A_1612 : i32
        %swap3A_1614 = arith.index_cast %add3A_1613 : i32 to index
        %swap3A_1615 = arith.constant 32 : index
        %swap3A_1616 = tpu.vector_load %arg10[%swap3A_1614, %swap3A_1615] {strides = array<i32>} : memref<256x64xf32, #tpu.memory_space<vmem>>, vector<16xf32>,
        tpu.vector_store %arg10[%swap3A_1614, %swap3A_1615], %add3A_1611 {strides = array<i32>} : memref<256x64xf32, #tpu.memory_space<vmem>>, vector<16xf32>,
        %add3A_1617 = arith.constant 12 : i32
        %add3A_1618 = arith.addi %mul3A_115, %add3A_1617 : i32
        %get3A_1619 = arith.index_cast %add3A_1618 : i32 to index
        %get3A_1620 = arith.constant 48 : index
        %get3A_1621 = tpu.vector_load %arg8[%get3A_1619, %get3A_1620] {strides = array<i32>} : memref<256x64xf32, #tpu.memory_space<vmem>>, vector<16xf32>,
        %sub3A_1622 = arith.subf %get3A_1621, %broadcast_in_dim3A_1571 : vector<16xf32>
        %mul3A_1623 = arith.mulf %broadcast_in_dim3A_1574, %get3A_9 : vector<16xf32>
        %mul3A_1624 = arith.mulf %sub3A_1622, %mul3A_1623 : vector<16xf32>
        %add3A_1625 = arith.addf %mul3A_1624, %get3A_17 : vector<16xf32>
        %add3A_1626 = arith.constant 12 : i32
        %add3A_1627 = arith.addi %mul3A_115, %add3A_1626 : i32
        %swap3A_1628 = arith.index_cast %add3A_1627 : i32 to index
        %swap3A_1629 = arith.constant 48 : index
        %swap3A_1630 = tpu.vector_load %arg10[%swap3A_1628, %swap3A_1629] {strides = array<i32>} : memref<256x64xf32, #tpu.memory_space<vmem>>, vector<16xf32>,
        tpu.vector_store %arg10[%swap3A_1628, %swap3A_1629], %add3A_1625 {strides = array<i32>} : memref<256x64xf32, #tpu.memory_space<vmem>>, vector<16xf32>,
        %slice3A_1631 = vector.extract_strided_slice %mul3A_788 {offsets = [13], sizes = [1], strides = [1]} : vector<16xf32> to vector<1xf32>
        %squeeze3A_1632 = vector.extract %slice3A_1631[0] : f32 from vector<1xf32>
        %broadcast_in_dim3A_1633 = vector.broadcast %squeeze3A_1632 : f32 to vector<16xf32>
        %slice3A_1634 = vector.extract_strided_slice %mul3A_828 {offsets = [13], sizes = [1], strides = [1]} : vector<16xf32> to vector<1xf32>
        %squeeze3A_1635 = vector.extract %slice3A_1634[0] : f32 from vector<1xf32>
        %broadcast_in_dim3A_1636 = vector.broadcast %squeeze3A_1635 : f32 to vector<16xf32>
        %add3A_1637 = arith.constant 13 : i32
        %add3A_1638 = arith.addi %mul3A_115, %add3A_1637 : i32
        %get3A_1639 = arith.index_cast %add3A_1638 : i32 to index
        %get3A_1640 = arith.constant 0 : index
        %get3A_1641 = tpu.vector_load %arg8[%get3A_1639, %get3A_1640] {strides = array<i32>} : memref<256x64xf32, #tpu.memory_space<vmem>>, vector<16xf32>,
        %sub3A_1642 = arith.subf %get3A_1641, %broadcast_in_dim3A_1633 : vector<16xf32>
        %mul3A_1643 = arith.mulf %broadcast_in_dim3A_1636, %get3A_3 : vector<16xf32>
        %mul3A_1644 = arith.mulf %sub3A_1642, %mul3A_1643 : vector<16xf32>
        %add3A_1645 = arith.addf %mul3A_1644, %get3A_11 : vector<16xf32>
        %add3A_1646 = arith.constant 13 : i32
        %add3A_1647 = arith.addi %mul3A_115, %add3A_1646 : i32
        %swap3A_1648 = arith.index_cast %add3A_1647 : i32 to index
        %swap3A_1649 = arith.constant 0 : index
        %swap3A_1650 = tpu.vector_load %arg10[%swap3A_1648, %swap3A_1649] {strides = array<i32>} : memref<256x64xf32, #tpu.memory_space<vmem>>, vector<16xf32>,
        tpu.vector_store %arg10[%swap3A_1648, %swap3A_1649], %add3A_1645 {strides = array<i32>} : memref<256x64xf32, #tpu.memory_space<vmem>>, vector<16xf32>,
        %add3A_1651 = arith.constant 13 : i32
        %add3A_1652 = arith.addi %mul3A_115, %add3A_1651 : i32
        %get3A_1653 = arith.index_cast %add3A_1652 : i32 to index
        %get3A_1654 = arith.constant 16 : index
        %get3A_1655 = tpu.vector_load %arg8[%get3A_1653, %get3A_1654] {strides = array<i32>} : memref<256x64xf32, #tpu.memory_space<vmem>>, vector<16xf32>,
        %sub3A_1656 = arith.subf %get3A_1655, %broadcast_in_dim3A_1633 : vector<16xf32>
        %mul3A_1657 = arith.mulf %broadcast_in_dim3A_1636, %get3A_5 : vector<16xf32>
        %mul3A_1658 = arith.mulf %sub3A_1656, %mul3A_1657 : vector<16xf32>
        %add3A_1659 = arith.addf %mul3A_1658, %get3A_13 : vector<16xf32>
        %add3A_1660 = arith.constant 13 : i32
        %add3A_1661 = arith.addi %mul3A_115, %add3A_1660 : i32
        %swap3A_1662 = arith.index_cast %add3A_1661 : i32 to index
        %swap3A_1663 = arith.constant 16 : index
        %swap3A_1664 = tpu.vector_load %arg10[%swap3A_1662, %swap3A_1663] {strides = array<i32>} : memref<256x64xf32, #tpu.memory_space<vmem>>, vector<16xf32>,
        tpu.vector_store %arg10[%swap3A_1662, %swap3A_1663], %add3A_1659 {strides = array<i32>} : memref<256x64xf32, #tpu.memory_space<vmem>>, vector<16xf32>,
        %add3A_1665 = arith.constant 13 : i32
        %add3A_1666 = arith.addi %mul3A_115, %add3A_1665 : i32
        %get3A_1667 = arith.index_cast %add3A_1666 : i32 to index
        %get3A_1668 = arith.constant 32 : index
        %get3A_1669 = tpu.vector_load %arg8[%get3A_1667, %get3A_1668] {strides = array<i32>} : memref<256x64xf32, #tpu.memory_space<vmem>>, vector<16xf32>,
        %sub3A_1670 = arith.subf %get3A_1669, %broadcast_in_dim3A_1633 : vector<16xf32>
        %mul3A_1671 = arith.mulf %broadcast_in_dim3A_1636, %get3A_7 : vector<16xf32>
        %mul3A_1672 = arith.mulf %sub3A_1670, %mul3A_1671 : vector<16xf32>
        %add3A_1673 = arith.addf %mul3A_1672, %get3A_15 : vector<16xf32>
        %add3A_1674 = arith.constant 13 : i32
        %add3A_1675 = arith.addi %mul3A_115, %add3A_1674 : i32
        %swap3A_1676 = arith.index_cast %add3A_1675 : i32 to index
        %swap3A_1677 = arith.constant 32 : index
        %swap3A_1678 = tpu.vector_load %arg10[%swap3A_1676, %swap3A_1677] {strides = array<i32>} : memref<256x64xf32, #tpu.memory_space<vmem>>, vector<16xf32>,
        tpu.vector_store %arg10[%swap3A_1676, %swap3A_1677], %add3A_1673 {strides = array<i32>} : memref<256x64xf32, #tpu.memory_space<vmem>>, vector<16xf32>,
        %add3A_1679 = arith.constant 13 : i32
        %add3A_1680 = arith.addi %mul3A_115, %add3A_1679 : i32
        %get3A_1681 = arith.index_cast %add3A_1680 : i32 to index
        %get3A_1682 = arith.constant 48 : index
        %get3A_1683 = tpu.vector_load %arg8[%get3A_1681, %get3A_1682] {strides = array<i32>} : memref<256x64xf32, #tpu.memory_space<vmem>>, vector<16xf32>,
        %sub3A_1684 = arith.subf %get3A_1683, %broadcast_in_dim3A_1633 : vector<16xf32>
        %mul3A_1685 = arith.mulf %broadcast_in_dim3A_1636, %get3A_9 : vector<16xf32>
        %mul3A_1686 = arith.mulf %sub3A_1684, %mul3A_1685 : vector<16xf32>
        %add3A_1687 = arith.addf %mul3A_1686, %get3A_17 : vector<16xf32>
        %add3A_1688 = arith.constant 13 : i32
        %add3A_1689 = arith.addi %mul3A_115, %add3A_1688 : i32
        %swap3A_1690 = arith.index_cast %add3A_1689 : i32 to index
        %swap3A_1691 = arith.constant 48 : index
        %swap3A_1692 = tpu.vector_load %arg10[%swap3A_1690, %swap3A_1691] {strides = array<i32>} : memref<256x64xf32, #tpu.memory_space<vmem>>, vector<16xf32>,
        tpu.vector_store %arg10[%swap3A_1690, %swap3A_1691], %add3A_1687 {strides = array<i32>} : memref<256x64xf32, #tpu.memory_space<vmem>>, vector<16xf32>,
        %slice3A_1693 = vector.extract_strided_slice %mul3A_788 {offsets = [14], sizes = [1], strides = [1]} : vector<16xf32> to vector<1xf32>
        %squeeze3A_1694 = vector.extract %slice3A_1693[0] : f32 from vector<1xf32>
        %broadcast_in_dim3A_1695 = vector.broadcast %squeeze3A_1694 : f32 to vector<16xf32>
        %slice3A_1696 = vector.extract_strided_slice %mul3A_828 {offsets = [14], sizes = [1], strides = [1]} : vector<16xf32> to vector<1xf32>
        %squeeze3A_1697 = vector.extract %slice3A_1696[0] : f32 from vector<1xf32>
        %broadcast_in_dim3A_1698 = vector.broadcast %squeeze3A_1697 : f32 to vector<16xf32>
        %add3A_1699 = arith.constant 14 : i32
        %add3A_1700 = arith.addi %mul3A_115, %add3A_1699 : i32
        %get3A_1701 = arith.index_cast %add3A_1700 : i32 to index
        %get3A_1702 = arith.constant 0 : index
        %get3A_1703 = tpu.vector_load %arg8[%get3A_1701, %get3A_1702] {strides = array<i32>} : memref<256x64xf32, #tpu.memory_space<vmem>>, vector<16xf32>,
        %sub3A_1704 = arith.subf %get3A_1703, %broadcast_in_dim3A_1695 : vector<16xf32>
        %mul3A_1705 = arith.mulf %broadcast_in_dim3A_1698, %get3A_3 : vector<16xf32>
        %mul3A_1706 = arith.mulf %sub3A_1704, %mul3A_1705 : vector<16xf32>
        %add3A_1707 = arith.addf %mul3A_1706, %get3A_11 : vector<16xf32>
        %add3A_1708 = arith.constant 14 : i32
        %add3A_1709 = arith.addi %mul3A_115, %add3A_1708 : i32
        %swap3A_1710 = arith.index_cast %add3A_1709 : i32 to index
        %swap3A_1711 = arith.constant 0 : index
        %swap3A_1712 = tpu.vector_load %arg10[%swap3A_1710, %swap3A_1711] {strides = array<i32>} : memref<256x64xf32, #tpu.memory_space<vmem>>, vector<16xf32>,
        tpu.vector_store %arg10[%swap3A_1710, %swap3A_1711], %add3A_1707 {strides = array<i32>} : memref<256x64xf32, #tpu.memory_space<vmem>>, vector<16xf32>,
        %add3A_1713 = arith.constant 14 : i32
        %add3A_1714 = arith.addi %mul3A_115, %add3A_1713 : i32
        %get3A_1715 = arith.index_cast %add3A_1714 : i32 to index
        %get3A_1716 = arith.constant 16 : index
        %get3A_1717 = tpu.vector_load %arg8[%get3A_1715, %get3A_1716] {strides = array<i32>} : memref<256x64xf32, #tpu.memory_space<vmem>>, vector<16xf32>,
        %sub3A_1718 = arith.subf %get3A_1717, %broadcast_in_dim3A_1695 : vector<16xf32>
        %mul3A_1719 = arith.mulf %broadcast_in_dim3A_1698, %get3A_5 : vector<16xf32>
        %mul3A_1720 = arith.mulf %sub3A_1718, %mul3A_1719 : vector<16xf32>
        %add3A_1721 = arith.addf %mul3A_1720, %get3A_13 : vector<16xf32>
        %add3A_1722 = arith.constant 14 : i32
        %add3A_1723 = arith.addi %mul3A_115, %add3A_1722 : i32
        %swap3A_1724 = arith.index_cast %add3A_1723 : i32 to index
        %swap3A_1725 = arith.constant 16 : index
        %swap3A_1726 = tpu.vector_load %arg10[%swap3A_1724, %swap3A_1725] {strides = array<i32>} : memref<256x64xf32, #tpu.memory_space<vmem>>, vector<16xf32>,
        tpu.vector_store %arg10[%swap3A_1724, %swap3A_1725], %add3A_1721 {strides = array<i32>} : memref<256x64xf32, #tpu.memory_space<vmem>>, vector<16xf32>,
        %add3A_1727 = arith.constant 14 : i32
        %add3A_1728 = arith.addi %mul3A_115, %add3A_1727 : i32
        %get3A_1729 = arith.index_cast %add3A_1728 : i32 to index
        %get3A_1730 = arith.constant 32 : index
        %get3A_1731 = tpu.vector_load %arg8[%get3A_1729, %get3A_1730] {strides = array<i32>} : memref<256x64xf32, #tpu.memory_space<vmem>>, vector<16xf32>,
        %sub3A_1732 = arith.subf %get3A_1731, %broadcast_in_dim3A_1695 : vector<16xf32>
        %mul3A_1733 = arith.mulf %broadcast_in_dim3A_1698, %get3A_7 : vector<16xf32>
        %mul3A_1734 = arith.mulf %sub3A_1732, %mul3A_1733 : vector<16xf32>
        %add3A_1735 = arith.addf %mul3A_1734, %get3A_15 : vector<16xf32>
        %add3A_1736 = arith.constant 14 : i32
        %add3A_1737 = arith.addi %mul3A_115, %add3A_1736 : i32
        %swap3A_1738 = arith.index_cast %add3A_1737 : i32 to index
        %swap3A_1739 = arith.constant 32 : index
        %swap3A_1740 = tpu.vector_load %arg10[%swap3A_1738, %swap3A_1739] {strides = array<i32>} : memref<256x64xf32, #tpu.memory_space<vmem>>, vector<16xf32>,
        tpu.vector_store %arg10[%swap3A_1738, %swap3A_1739], %add3A_1735 {strides = array<i32>} : memref<256x64xf32, #tpu.memory_space<vmem>>, vector<16xf32>,
        %add3A_1741 = arith.constant 14 : i32
        %add3A_1742 = arith.addi %mul3A_115, %add3A_1741 : i32
        %get3A_1743 = arith.index_cast %add3A_1742 : i32 to index
        %get3A_1744 = arith.constant 48 : index
        %get3A_1745 = tpu.vector_load %arg8[%get3A_1743, %get3A_1744] {strides = array<i32>} : memref<256x64xf32, #tpu.memory_space<vmem>>, vector<16xf32>,
        %sub3A_1746 = arith.subf %get3A_1745, %broadcast_in_dim3A_1695 : vector<16xf32>
        %mul3A_1747 = arith.mulf %broadcast_in_dim3A_1698, %get3A_9 : vector<16xf32>
        %mul3A_1748 = arith.mulf %sub3A_1746, %mul3A_1747 : vector<16xf32>
        %add3A_1749 = arith.addf %mul3A_1748, %get3A_17 : vector<16xf32>
        %add3A_1750 = arith.constant 14 : i32
        %add3A_1751 = arith.addi %mul3A_115, %add3A_1750 : i32
        %swap3A_1752 = arith.index_cast %add3A_1751 : i32 to index
        %swap3A_1753 = arith.constant 48 : index
        %swap3A_1754 = tpu.vector_load %arg10[%swap3A_1752, %swap3A_1753] {strides = array<i32>} : memref<256x64xf32, #tpu.memory_space<vmem>>, vector<16xf32>,
        tpu.vector_store %arg10[%swap3A_1752, %swap3A_1753], %add3A_1749 {strides = array<i32>} : memref<256x64xf32, #tpu.memory_space<vmem>>, vector<16xf32>,
        %slice3A_1755 = vector.extract_strided_slice %mul3A_788 {offsets = [15], sizes = [1], strides = [1]} : vector<16xf32> to vector<1xf32>
        %squeeze3A_1756 = vector.extract %slice3A_1755[0] : f32 from vector<1xf32>
        %broadcast_in_dim3A_1757 = vector.broadcast %squeeze3A_1756 : f32 to vector<16xf32>
        %slice3A_1758 = vector.extract_strided_slice %mul3A_828 {offsets = [15], sizes = [1], strides = [1]} : vector<16xf32> to vector<1xf32>
        %squeeze3A_1759 = vector.extract %slice3A_1758[0] : f32 from vector<1xf32>
        %broadcast_in_dim3A_1760 = vector.broadcast %squeeze3A_1759 : f32 to vector<16xf32>
        %add3A_1761 = arith.constant 15 : i32
        %add3A_1762 = arith.addi %mul3A_115, %add3A_1761 : i32
        %get3A_1763 = arith.index_cast %add3A_1762 : i32 to index
        %get3A_1764 = arith.constant 0 : index
        %get3A_1765 = tpu.vector_load %arg8[%get3A_1763, %get3A_1764] {strides = array<i32>} : memref<256x64xf32, #tpu.memory_space<vmem>>, vector<16xf32>,
        %sub3A_1766 = arith.subf %get3A_1765, %broadcast_in_dim3A_1757 : vector<16xf32>
        %mul3A_1767 = arith.mulf %broadcast_in_dim3A_1760, %get3A_3 : vector<16xf32>
        %mul3A_1768 = arith.mulf %sub3A_1766, %mul3A_1767 : vector<16xf32>
        %add3A_1769 = arith.addf %mul3A_1768, %get3A_11 : vector<16xf32>
        %add3A_1770 = arith.constant 15 : i32
        %add3A_1771 = arith.addi %mul3A_115, %add3A_1770 : i32
        %swap3A_1772 = arith.index_cast %add3A_1771 : i32 to index
        %swap3A_1773 = arith.constant 0 : index
        %swap3A_1774 = tpu.vector_load %arg10[%swap3A_1772, %swap3A_1773] {strides = array<i32>} : memref<256x64xf32, #tpu.memory_space<vmem>>, vector<16xf32>,
        tpu.vector_store %arg10[%swap3A_1772, %swap3A_1773], %add3A_1769 {strides = array<i32>} : memref<256x64xf32, #tpu.memory_space<vmem>>, vector<16xf32>,
        %add3A_1775 = arith.constant 15 : i32
        %add3A_1776 = arith.addi %mul3A_115, %add3A_1775 : i32
        %get3A_1777 = arith.index_cast %add3A_1776 : i32 to index
        %get3A_1778 = arith.constant 16 : index
        %get3A_1779 = tpu.vector_load %arg8[%get3A_1777, %get3A_1778] {strides = array<i32>} : memref<256x64xf32, #tpu.memory_space<vmem>>, vector<16xf32>,
        %sub3A_1780 = arith.subf %get3A_1779, %broadcast_in_dim3A_1757 : vector<16xf32>
        %mul3A_1781 = arith.mulf %broadcast_in_dim3A_1760, %get3A_5 : vector<16xf32>
        %mul3A_1782 = arith.mulf %sub3A_1780, %mul3A_1781 : vector<16xf32>
        %add3A_1783 = arith.addf %mul3A_1782, %get3A_13 : vector<16xf32>
        %add3A_1784 = arith.constant 15 : i32
        %add3A_1785 = arith.addi %mul3A_115, %add3A_1784 : i32
        %swap3A_1786 = arith.index_cast %add3A_1785 : i32 to index
        %swap3A_1787 = arith.constant 16 : index
        %swap3A_1788 = tpu.vector_load %arg10[%swap3A_1786, %swap3A_1787] {strides = array<i32>} : memref<256x64xf32, #tpu.memory_space<vmem>>, vector<16xf32>,
        tpu.vector_store %arg10[%swap3A_1786, %swap3A_1787], %add3A_1783 {strides = array<i32>} : memref<256x64xf32, #tpu.memory_space<vmem>>, vector<16xf32>,
        %add3A_1789 = arith.constant 15 : i32
        %add3A_1790 = arith.addi %mul3A_115, %add3A_1789 : i32
        %get3A_1791 = arith.index_cast %add3A_1790 : i32 to index
        %get3A_1792 = arith.constant 32 : index
        %get3A_1793 = tpu.vector_load %arg8[%get3A_1791, %get3A_1792] {strides = array<i32>} : memref<256x64xf32, #tpu.memory_space<vmem>>, vector<16xf32>,
        %sub3A_1794 = arith.subf %get3A_1793, %broadcast_in_dim3A_1757 : vector<16xf32>
        %mul3A_1795 = arith.mulf %broadcast_in_dim3A_1760, %get3A_7 : vector<16xf32>
        %mul3A_1796 = arith.mulf %sub3A_1794, %mul3A_1795 : vector<16xf32>
        %add3A_1797 = arith.addf %mul3A_1796, %get3A_15 : vector<16xf32>
        %add3A_1798 = arith.constant 15 : i32
        %add3A_1799 = arith.addi %mul3A_115, %add3A_1798 : i32
        %swap3A_1800 = arith.index_cast %add3A_1799 : i32 to index
        %swap3A_1801 = arith.constant 32 : index
        %swap3A_1802 = tpu.vector_load %arg10[%swap3A_1800, %swap3A_1801] {strides = array<i32>} : memref<256x64xf32, #tpu.memory_space<vmem>>, vector<16xf32>,
        tpu.vector_store %arg10[%swap3A_1800, %swap3A_1801], %add3A_1797 {strides = array<i32>} : memref<256x64xf32, #tpu.memory_space<vmem>>, vector<16xf32>,
        %add3A_1803 = arith.constant 15 : i32
        %add3A_1804 = arith.addi %mul3A_115, %add3A_1803 : i32
        %get3A_1805 = arith.index_cast %add3A_1804 : i32 to index
        %get3A_1806 = arith.constant 48 : index
        %get3A_1807 = tpu.vector_load %arg8[%get3A_1805, %get3A_1806] {strides = array<i32>} : memref<256x64xf32, #tpu.memory_space<vmem>>, vector<16xf32>,
        %sub3A_1808 = arith.subf %get3A_1807, %broadcast_in_dim3A_1757 : vector<16xf32>
        %mul3A_1809 = arith.mulf %broadcast_in_dim3A_1760, %get3A_9 : vector<16xf32>
        %mul3A_1810 = arith.mulf %sub3A_1808, %mul3A_1809 : vector<16xf32>
        %add3A_1811 = arith.addf %mul3A_1810, %get3A_17 : vector<16xf32>
        %add3A_1812 = arith.constant 15 : i32
        %add3A_1813 = arith.addi %mul3A_115, %add3A_1812 : i32
        %swap3A_1814 = arith.index_cast %add3A_1813 : i32 to index
        %swap3A_1815 = arith.constant 48 : index
        %swap3A_1816 = tpu.vector_load %arg10[%swap3A_1814, %swap3A_1815] {strides = array<i32>} : memref<256x64xf32, #tpu.memory_space<vmem>>, vector<16xf32>,
        tpu.vector_store %arg10[%swap3A_1814, %swap3A_1815], %add3A_1811 {strides = array<i32>} : memref<256x64xf32, #tpu.memory_space<vmem>>, vector<16xf32>,
      }
      %scan3A_64 = arith.constant 16 : i32
      %mul3A_65 = arith.constant 256 : i32
      %mul3A_66 = arith.muli %add3A_50, %mul3A_65 : i32
      %add3A_67 = arith.addi %mul3A_2, %mul3A_66 : i32
      %dma_start3A_68 = arith.constant 0 : i32
      %dma_start3A_69 = tpu.memref_slice %arg6[%add3A_67, %dma_start3A_68] : memref<819200x64xf32, #tpu.memory_space<hbm>> -> memref<256x64xf32, #tpu.memory_space<hbm>>
      %dma_start3A_70 = arith.constant 0 : i32
      %dma_start3A_71 = tpu.memref_slice %arg6[%add3A_67, %dma_start3A_70] : memref<819200x64xf32, #tpu.memory_space<hbm>> -> memref<256x64xf32, #tpu.memory_space<hbm>>
      tpu.enqueue_dma source(%arg10 : memref<256x64xf32, #tpu.memory_space<vmem>>) target(%dma_start3A_71 : memref<256x64xf32, #tpu.memory_space<hbm>>) target_semaphore(%arg18 : memref<!tpu.dma_semaphore, #tpu.memory_space<semaphore_mem>>)
      %add3A_72 = arith.constant 2 : i32
      %add3A_73 = arith.addi %add3A_50, %add3A_72 : i32
      %lt3A = arith.constant 100 : i32
      %lt3A_74 = arith.cmpi slt, %add3A_73, %lt3A : i32
      %convert_element_type3A_75 = arith.extui %lt3A_74 : i1 to i32
      %cond3A_76 = arith.constant 0 : i32
      %cond3A_77 = arith.cmpi ne, %convert_element_type3A_75, %cond3A_76 : i32
      scf.if %cond3A_77 {
        %add3A_113 = arith.constant 2 : i32
        %add3A_114 = arith.addi %add3A_50, %add3A_113 : i32
        %mul3A_115 = arith.constant 256 : i32
        %mul3A_116 = arith.muli %add3A_114, %mul3A_115 : i32
        %dma_start3A_117 = tpu.memref_slice %arg7[%mul3A_116] : memref<25600xi32, #tpu.memory_space<vmem>> -> memref<256xi32, #tpu.memory_space<vmem>>
        %dma_start3A_118 = arith.constant 0 : i32
        %dma_start3A_119 = arith.constant 0 : i32
        %dma_start3A_120 = tpu.memref_slice %arg3[%dma_start3A_118, %dma_start3A_119] : memref<1000000x64xf32, #tpu.memory_space<hbm>> -> memref<1000000x64xf32, #tpu.memory_space<hbm>>
        tpu.enqueue_indirect_dma source(%dma_start3A_120 : memref<1000000x64xf32, #tpu.memory_space<hbm>>) target(%arg8 : memref<256x64xf32, #tpu.memory_space<vmem>>) offsets(%dma_start3A_117 : memref<256xi32, #tpu.memory_space<vmem>>) semaphore(%arg16 : memref<!tpu.dma_semaphore, #tpu.memory_space<semaphore_mem>>)
      } else {
      }
      %mul3A_78 = arith.constant 2 : i32
      %mul3A_79 = arith.muli %scan3A_46, %mul3A_78 : i32
      %add3A_80 = arith.constant 1 : i32
      %add3A_81 = arith.addi %mul3A_79, %add3A_80 : i32
      %mul3A_82 = arith.constant 256 : i32
      %mul3A_83 = arith.muli %add3A_81, %mul3A_82 : i32
      %dma_wait3A_84 = tpu.memref_slice %arg7[%mul3A_83] : memref<25600xi32, #tpu.memory_space<vmem>> -> memref<256xi32, #tpu.memory_space<vmem>>
      %dma_wait3A_85 = arith.constant 0 : i32
      %dma_wait3A_86 = arith.constant 0 : i32
      %dma_wait3A_87 = tpu.memref_slice %arg3[%dma_wait3A_85, %dma_wait3A_86] : memref<1000000x64xf32, #tpu.memory_space<hbm>> -> memref<1000000x64xf32, #tpu.memory_space<hbm>>
      tpu.wait_indirect_dma semaphore(%arg17 : memref<!tpu.dma_semaphore, #tpu.memory_space<semaphore_mem>>) src(%dma_wait3A_87 : memref<1000000x64xf32, #tpu.memory_space<hbm>>) dst(%arg9 : memref<256x64xf32, #tpu.memory_space<vmem>>)
      %ge3A_88 = arith.constant 1 : i32
      %ge3A_89 = arith.cmpi sge, %scan3A_46, %ge3A_88 : i32
      %convert_element_type3A_90 = arith.extui %ge3A_89 : i1 to i32
      %cond3A_91 = arith.constant 0 : i32
      %cond3A_92 = arith.cmpi ne, %convert_element_type3A_90, %cond3A_91 : i32
      scf.if %cond3A_92 {
        %sub3A = arith.constant 2 : i32
        %sub3A_113 = arith.subi %add3A_81, %sub3A : i32
        %mul3A_114 = arith.constant 256 : i32
        %mul3A_115 = arith.muli %sub3A_113, %mul3A_114 : i32
        %add3A_116 = arith.addi %mul3A_2, %mul3A_115 : i32
        %dma_wait3A_117 = arith.constant 0 : i32
        %dma_wait3A_118 = tpu.memref_slice %arg6[%add3A_116, %dma_wait3A_117] : memref<819200x64xf32, #tpu.memory_space<hbm>> -> memref<256x64xf32, #tpu.memory_space<hbm>>
        %dma_wait3A_119 = arith.constant 0 : i32
        %dma_wait3A_120 = tpu.memref_slice %arg6[%add3A_116, %dma_wait3A_119] : memref<819200x64xf32, #tpu.memory_space<hbm>> -> memref<256x64xf32, #tpu.memory_space<hbm>>
        tpu.wait_dma2 semaphore(%arg19 : memref<!tpu.dma_semaphore, #tpu.memory_space<semaphore_mem>>) src(%arg11 : memref<256x64xf32, #tpu.memory_space<vmem>>) dst(%dma_wait3A_120 : memref<256x64xf32, #tpu.memory_space<hbm>>)
      } else {
      }
      %scan3A_93 = arith.constant 0 : i32
      %scan3A_94 = arith.constant 0 : i32
      %scan3A_95 = arith.constant 16 : i32
      %scan3A_96 = arith.addi %scan3A_94, %scan3A_95 : i32
      %scan3A_97 = arith.constant 1 : i32
      scf.for %scan3A_113 = %scan3A_94 to %scan3A_96 step %scan3A_97  : i32 {
        %mul3A_114 = arith.constant 16 : i32
        %mul3A_115 = arith.muli %scan3A_113, %mul3A_114 : i32
        %add3A_116 = arith.constant 0 : i32
        %add3A_117 = arith.addi %mul3A_115, %add3A_116 : i32
        %get3A_118 = arith.index_cast %add3A_117 : i32 to index
        %get3A_119 = arith.constant 0 : index
        %get3A_120 = tpu.vector_load %arg9[%get3A_118, %get3A_119] {strides = array<i32>} : memref<256x64xf32, #tpu.memory_space<vmem>>, vector<16xf32>,
        %add3A_121 = arith.constant 0 : i32
        %add3A_122 = arith.addi %mul3A_115, %add3A_121 : i32
        %get3A_123 = arith.index_cast %add3A_122 : i32 to index
        %get3A_124 = arith.constant 16 : index
        %get3A_125 = tpu.vector_load %arg9[%get3A_123, %get3A_124] {strides = array<i32>} : memref<256x64xf32, #tpu.memory_space<vmem>>, vector<16xf32>,
        %add3A_126 = arith.constant 0 : i32
        %add3A_127 = arith.addi %mul3A_115, %add3A_126 : i32
        %get3A_128 = arith.index_cast %add3A_127 : i32 to index
        %get3A_129 = arith.constant 32 : index
        %get3A_130 = tpu.vector_load %arg9[%get3A_128, %get3A_129] {strides = array<i32>} : memref<256x64xf32, #tpu.memory_space<vmem>>, vector<16xf32>,
        %add3A_131 = arith.constant 0 : i32
        %add3A_132 = arith.addi %mul3A_115, %add3A_131 : i32
        %get3A_133 = arith.index_cast %add3A_132 : i32 to index
        %get3A_134 = arith.constant 48 : index
        %get3A_135 = tpu.vector_load %arg9[%get3A_133, %get3A_134] {strides = array<i32>} : memref<256x64xf32, #tpu.memory_space<vmem>>, vector<16xf32>,
        %add3A_136 = arith.addf %get3A_120, %get3A_125 : vector<16xf32>
        %add3A_137 = arith.addf %get3A_130, %get3A_135 : vector<16xf32>
        %add3A_138 = arith.addf %add3A_136, %add3A_137 : vector<16xf32>
        %mul3A_139 = arith.mulf %get3A_120, %get3A_120 : vector<16xf32>
        %mul3A_140 = arith.mulf %get3A_125, %get3A_125 : vector<16xf32>
        %add3A_141 = arith.addf %mul3A_139, %mul3A_140 : vector<16xf32>
        %mul3A_142 = arith.mulf %get3A_130, %get3A_130 : vector<16xf32>
        %mul3A_143 = arith.mulf %get3A_135, %get3A_135 : vector<16xf32>
        %add3A_144 = arith.addf %mul3A_142, %mul3A_143 : vector<16xf32>
        %add3A_145 = arith.addf %add3A_141, %add3A_144 : vector<16xf32>
        %add3A_146 = arith.constant 0 : i32
        %add3A_147 = vector.broadcast %add3A_146 : i32 to vector<16xi32>
        %add3A_148 = arith.addi %mul3A_20, %add3A_147 : vector<16xi32>
        tpu.vector_store_idx %arg14[%add3A_148], %add3A_138 : memref<272xf32, #tpu.memory_space<vmem>>[vector<16xi32>], vector<16xf32>,
        %add3A_149 = arith.constant 0 : i32
        %add3A_150 = vector.broadcast %add3A_149 : i32 to vector<16xi32>
        %add3A_151 = arith.addi %mul3A_20, %add3A_150 : vector<16xi32>
        tpu.vector_store_idx %arg15[%add3A_151], %add3A_145 : memref<272xf32, #tpu.memory_space<vmem>>[vector<16xi32>], vector<16xf32>,
        %add3A_152 = arith.constant 1 : i32
        %add3A_153 = arith.addi %mul3A_115, %add3A_152 : i32
        %get3A_154 = arith.index_cast %add3A_153 : i32 to index
        %get3A_155 = arith.constant 0 : index
        %get3A_156 = tpu.vector_load %arg9[%get3A_154, %get3A_155] {strides = array<i32>} : memref<256x64xf32, #tpu.memory_space<vmem>>, vector<16xf32>,
        %add3A_157 = arith.constant 1 : i32
        %add3A_158 = arith.addi %mul3A_115, %add3A_157 : i32
        %get3A_159 = arith.index_cast %add3A_158 : i32 to index
        %get3A_160 = arith.constant 16 : index
        %get3A_161 = tpu.vector_load %arg9[%get3A_159, %get3A_160] {strides = array<i32>} : memref<256x64xf32, #tpu.memory_space<vmem>>, vector<16xf32>,
        %add3A_162 = arith.constant 1 : i32
        %add3A_163 = arith.addi %mul3A_115, %add3A_162 : i32
        %get3A_164 = arith.index_cast %add3A_163 : i32 to index
        %get3A_165 = arith.constant 32 : index
        %get3A_166 = tpu.vector_load %arg9[%get3A_164, %get3A_165] {strides = array<i32>} : memref<256x64xf32, #tpu.memory_space<vmem>>, vector<16xf32>,
        %add3A_167 = arith.constant 1 : i32
        %add3A_168 = arith.addi %mul3A_115, %add3A_167 : i32
        %get3A_169 = arith.index_cast %add3A_168 : i32 to index
        %get3A_170 = arith.constant 48 : index
        %get3A_171 = tpu.vector_load %arg9[%get3A_169, %get3A_170] {strides = array<i32>} : memref<256x64xf32, #tpu.memory_space<vmem>>, vector<16xf32>,
        %add3A_172 = arith.addf %get3A_156, %get3A_161 : vector<16xf32>
        %add3A_173 = arith.addf %get3A_166, %get3A_171 : vector<16xf32>
        %add3A_174 = arith.addf %add3A_172, %add3A_173 : vector<16xf32>
        %mul3A_175 = arith.mulf %get3A_156, %get3A_156 : vector<16xf32>
        %mul3A_176 = arith.mulf %get3A_161, %get3A_161 : vector<16xf32>
        %add3A_177 = arith.addf %mul3A_175, %mul3A_176 : vector<16xf32>
        %mul3A_178 = arith.mulf %get3A_166, %get3A_166 : vector<16xf32>
        %mul3A_179 = arith.mulf %get3A_171, %get3A_171 : vector<16xf32>
        %add3A_180 = arith.addf %mul3A_178, %mul3A_179 : vector<16xf32>
        %add3A_181 = arith.addf %add3A_177, %add3A_180 : vector<16xf32>
        %add3A_182 = arith.constant 1 : i32
        %add3A_183 = vector.broadcast %add3A_182 : i32 to vector<16xi32>
        %add3A_184 = arith.addi %mul3A_20, %add3A_183 : vector<16xi32>
        tpu.vector_store_idx %arg14[%add3A_184], %add3A_174 : memref<272xf32, #tpu.memory_space<vmem>>[vector<16xi32>], vector<16xf32>,
        %add3A_185 = arith.constant 1 : i32
        %add3A_186 = vector.broadcast %add3A_185 : i32 to vector<16xi32>
        %add3A_187 = arith.addi %mul3A_20, %add3A_186 : vector<16xi32>
        tpu.vector_store_idx %arg15[%add3A_187], %add3A_181 : memref<272xf32, #tpu.memory_space<vmem>>[vector<16xi32>], vector<16xf32>,
        %add3A_188 = arith.constant 2 : i32
        %add3A_189 = arith.addi %mul3A_115, %add3A_188 : i32
        %get3A_190 = arith.index_cast %add3A_189 : i32 to index
        %get3A_191 = arith.constant 0 : index
        %get3A_192 = tpu.vector_load %arg9[%get3A_190, %get3A_191] {strides = array<i32>} : memref<256x64xf32, #tpu.memory_space<vmem>>, vector<16xf32>,
        %add3A_193 = arith.constant 2 : i32
        %add3A_194 = arith.addi %mul3A_115, %add3A_193 : i32
        %get3A_195 = arith.index_cast %add3A_194 : i32 to index
        %get3A_196 = arith.constant 16 : index
        %get3A_197 = tpu.vector_load %arg9[%get3A_195, %get3A_196] {strides = array<i32>} : memref<256x64xf32, #tpu.memory_space<vmem>>, vector<16xf32>,
        %add3A_198 = arith.constant 2 : i32
        %add3A_199 = arith.addi %mul3A_115, %add3A_198 : i32
        %get3A_200 = arith.index_cast %add3A_199 : i32 to index
        %get3A_201 = arith.constant 32 : index
        %get3A_202 = tpu.vector_load %arg9[%get3A_200, %get3A_201] {strides = array<i32>} : memref<256x64xf32, #tpu.memory_space<vmem>>, vector<16xf32>,
        %add3A_203 = arith.constant 2 : i32
        %add3A_204 = arith.addi %mul3A_115, %add3A_203 : i32
        %get3A_205 = arith.index_cast %add3A_204 : i32 to index
        %get3A_206 = arith.constant 48 : index
        %get3A_207 = tpu.vector_load %arg9[%get3A_205, %get3A_206] {strides = array<i32>} : memref<256x64xf32, #tpu.memory_space<vmem>>, vector<16xf32>,
        %add3A_208 = arith.addf %get3A_192, %get3A_197 : vector<16xf32>
        %add3A_209 = arith.addf %get3A_202, %get3A_207 : vector<16xf32>
        %add3A_210 = arith.addf %add3A_208, %add3A_209 : vector<16xf32>
        %mul3A_211 = arith.mulf %get3A_192, %get3A_192 : vector<16xf32>
        %mul3A_212 = arith.mulf %get3A_197, %get3A_197 : vector<16xf32>
        %add3A_213 = arith.addf %mul3A_211, %mul3A_212 : vector<16xf32>
        %mul3A_214 = arith.mulf %get3A_202, %get3A_202 : vector<16xf32>
        %mul3A_215 = arith.mulf %get3A_207, %get3A_207 : vector<16xf32>
        %add3A_216 = arith.addf %mul3A_214, %mul3A_215 : vector<16xf32>
        %add3A_217 = arith.addf %add3A_213, %add3A_216 : vector<16xf32>
        %add3A_218 = arith.constant 2 : i32
        %add3A_219 = vector.broadcast %add3A_218 : i32 to vector<16xi32>
        %add3A_220 = arith.addi %mul3A_20, %add3A_219 : vector<16xi32>
        tpu.vector_store_idx %arg14[%add3A_220], %add3A_210 : memref<272xf32, #tpu.memory_space<vmem>>[vector<16xi32>], vector<16xf32>,
        %add3A_221 = arith.constant 2 : i32
        %add3A_222 = vector.broadcast %add3A_221 : i32 to vector<16xi32>
        %add3A_223 = arith.addi %mul3A_20, %add3A_222 : vector<16xi32>
        tpu.vector_store_idx %arg15[%add3A_223], %add3A_217 : memref<272xf32, #tpu.memory_space<vmem>>[vector<16xi32>], vector<16xf32>,
        %add3A_224 = arith.constant 3 : i32
        %add3A_225 = arith.addi %mul3A_115, %add3A_224 : i32
        %get3A_226 = arith.index_cast %add3A_225 : i32 to index
        %get3A_227 = arith.constant 0 : index
        %get3A_228 = tpu.vector_load %arg9[%get3A_226, %get3A_227] {strides = array<i32>} : memref<256x64xf32, #tpu.memory_space<vmem>>, vector<16xf32>,
        %add3A_229 = arith.constant 3 : i32
        %add3A_230 = arith.addi %mul3A_115, %add3A_229 : i32
        %get3A_231 = arith.index_cast %add3A_230 : i32 to index
        %get3A_232 = arith.constant 16 : index
        %get3A_233 = tpu.vector_load %arg9[%get3A_231, %get3A_232] {strides = array<i32>} : memref<256x64xf32, #tpu.memory_space<vmem>>, vector<16xf32>,
        %add3A_234 = arith.constant 3 : i32
        %add3A_235 = arith.addi %mul3A_115, %add3A_234 : i32
        %get3A_236 = arith.index_cast %add3A_235 : i32 to index
        %get3A_237 = arith.constant 32 : index
        %get3A_238 = tpu.vector_load %arg9[%get3A_236, %get3A_237] {strides = array<i32>} : memref<256x64xf32, #tpu.memory_space<vmem>>, vector<16xf32>,
        %add3A_239 = arith.constant 3 : i32
        %add3A_240 = arith.addi %mul3A_115, %add3A_239 : i32
        %get3A_241 = arith.index_cast %add3A_240 : i32 to index
        %get3A_242 = arith.constant 48 : index
        %get3A_243 = tpu.vector_load %arg9[%get3A_241, %get3A_242] {strides = array<i32>} : memref<256x64xf32, #tpu.memory_space<vmem>>, vector<16xf32>,
        %add3A_244 = arith.addf %get3A_228, %get3A_233 : vector<16xf32>
        %add3A_245 = arith.addf %get3A_238, %get3A_243 : vector<16xf32>
        %add3A_246 = arith.addf %add3A_244, %add3A_245 : vector<16xf32>
        %mul3A_247 = arith.mulf %get3A_228, %get3A_228 : vector<16xf32>
        %mul3A_248 = arith.mulf %get3A_233, %get3A_233 : vector<16xf32>
        %add3A_249 = arith.addf %mul3A_247, %mul3A_248 : vector<16xf32>
        %mul3A_250 = arith.mulf %get3A_238, %get3A_238 : vector<16xf32>
        %mul3A_251 = arith.mulf %get3A_243, %get3A_243 : vector<16xf32>
        %add3A_252 = arith.addf %mul3A_250, %mul3A_251 : vector<16xf32>
        %add3A_253 = arith.addf %add3A_249, %add3A_252 : vector<16xf32>
        %add3A_254 = arith.constant 3 : i32
        %add3A_255 = vector.broadcast %add3A_254 : i32 to vector<16xi32>
        %add3A_256 = arith.addi %mul3A_20, %add3A_255 : vector<16xi32>
        tpu.vector_store_idx %arg14[%add3A_256], %add3A_246 : memref<272xf32, #tpu.memory_space<vmem>>[vector<16xi32>], vector<16xf32>,
        %add3A_257 = arith.constant 3 : i32
        %add3A_258 = vector.broadcast %add3A_257 : i32 to vector<16xi32>
        %add3A_259 = arith.addi %mul3A_20, %add3A_258 : vector<16xi32>
        tpu.vector_store_idx %arg15[%add3A_259], %add3A_253 : memref<272xf32, #tpu.memory_space<vmem>>[vector<16xi32>], vector<16xf32>,
        %add3A_260 = arith.constant 4 : i32
        %add3A_261 = arith.addi %mul3A_115, %add3A_260 : i32
        %get3A_262 = arith.index_cast %add3A_261 : i32 to index
        %get3A_263 = arith.constant 0 : index
        %get3A_264 = tpu.vector_load %arg9[%get3A_262, %get3A_263] {strides = array<i32>} : memref<256x64xf32, #tpu.memory_space<vmem>>, vector<16xf32>,
        %add3A_265 = arith.constant 4 : i32
        %add3A_266 = arith.addi %mul3A_115, %add3A_265 : i32
        %get3A_267 = arith.index_cast %add3A_266 : i32 to index
        %get3A_268 = arith.constant 16 : index
        %get3A_269 = tpu.vector_load %arg9[%get3A_267, %get3A_268] {strides = array<i32>} : memref<256x64xf32, #tpu.memory_space<vmem>>, vector<16xf32>,
        %add3A_270 = arith.constant 4 : i32
        %add3A_271 = arith.addi %mul3A_115, %add3A_270 : i32
        %get3A_272 = arith.index_cast %add3A_271 : i32 to index
        %get3A_273 = arith.constant 32 : index
        %get3A_274 = tpu.vector_load %arg9[%get3A_272, %get3A_273] {strides = array<i32>} : memref<256x64xf32, #tpu.memory_space<vmem>>, vector<16xf32>,
        %add3A_275 = arith.constant 4 : i32
        %add3A_276 = arith.addi %mul3A_115, %add3A_275 : i32
        %get3A_277 = arith.index_cast %add3A_276 : i32 to index
        %get3A_278 = arith.constant 48 : index
        %get3A_279 = tpu.vector_load %arg9[%get3A_277, %get3A_278] {strides = array<i32>} : memref<256x64xf32, #tpu.memory_space<vmem>>, vector<16xf32>,
        %add3A_280 = arith.addf %get3A_264, %get3A_269 : vector<16xf32>
        %add3A_281 = arith.addf %get3A_274, %get3A_279 : vector<16xf32>
        %add3A_282 = arith.addf %add3A_280, %add3A_281 : vector<16xf32>
        %mul3A_283 = arith.mulf %get3A_264, %get3A_264 : vector<16xf32>
        %mul3A_284 = arith.mulf %get3A_269, %get3A_269 : vector<16xf32>
        %add3A_285 = arith.addf %mul3A_283, %mul3A_284 : vector<16xf32>
        %mul3A_286 = arith.mulf %get3A_274, %get3A_274 : vector<16xf32>
        %mul3A_287 = arith.mulf %get3A_279, %get3A_279 : vector<16xf32>
        %add3A_288 = arith.addf %mul3A_286, %mul3A_287 : vector<16xf32>
        %add3A_289 = arith.addf %add3A_285, %add3A_288 : vector<16xf32>
        %add3A_290 = arith.constant 4 : i32
        %add3A_291 = vector.broadcast %add3A_290 : i32 to vector<16xi32>
        %add3A_292 = arith.addi %mul3A_20, %add3A_291 : vector<16xi32>
        tpu.vector_store_idx %arg14[%add3A_292], %add3A_282 : memref<272xf32, #tpu.memory_space<vmem>>[vector<16xi32>], vector<16xf32>,
        %add3A_293 = arith.constant 4 : i32
        %add3A_294 = vector.broadcast %add3A_293 : i32 to vector<16xi32>
        %add3A_295 = arith.addi %mul3A_20, %add3A_294 : vector<16xi32>
        tpu.vector_store_idx %arg15[%add3A_295], %add3A_289 : memref<272xf32, #tpu.memory_space<vmem>>[vector<16xi32>], vector<16xf32>,
        %add3A_296 = arith.constant 5 : i32
        %add3A_297 = arith.addi %mul3A_115, %add3A_296 : i32
        %get3A_298 = arith.index_cast %add3A_297 : i32 to index
        %get3A_299 = arith.constant 0 : index
        %get3A_300 = tpu.vector_load %arg9[%get3A_298, %get3A_299] {strides = array<i32>} : memref<256x64xf32, #tpu.memory_space<vmem>>, vector<16xf32>,
        %add3A_301 = arith.constant 5 : i32
        %add3A_302 = arith.addi %mul3A_115, %add3A_301 : i32
        %get3A_303 = arith.index_cast %add3A_302 : i32 to index
        %get3A_304 = arith.constant 16 : index
        %get3A_305 = tpu.vector_load %arg9[%get3A_303, %get3A_304] {strides = array<i32>} : memref<256x64xf32, #tpu.memory_space<vmem>>, vector<16xf32>,
        %add3A_306 = arith.constant 5 : i32
        %add3A_307 = arith.addi %mul3A_115, %add3A_306 : i32
        %get3A_308 = arith.index_cast %add3A_307 : i32 to index
        %get3A_309 = arith.constant 32 : index
        %get3A_310 = tpu.vector_load %arg9[%get3A_308, %get3A_309] {strides = array<i32>} : memref<256x64xf32, #tpu.memory_space<vmem>>, vector<16xf32>,
        %add3A_311 = arith.constant 5 : i32
        %add3A_312 = arith.addi %mul3A_115, %add3A_311 : i32
        %get3A_313 = arith.index_cast %add3A_312 : i32 to index
        %get3A_314 = arith.constant 48 : index
        %get3A_315 = tpu.vector_load %arg9[%get3A_313, %get3A_314] {strides = array<i32>} : memref<256x64xf32, #tpu.memory_space<vmem>>, vector<16xf32>,
        %add3A_316 = arith.addf %get3A_300, %get3A_305 : vector<16xf32>
        %add3A_317 = arith.addf %get3A_310, %get3A_315 : vector<16xf32>
        %add3A_318 = arith.addf %add3A_316, %add3A_317 : vector<16xf32>
        %mul3A_319 = arith.mulf %get3A_300, %get3A_300 : vector<16xf32>
        %mul3A_320 = arith.mulf %get3A_305, %get3A_305 : vector<16xf32>
        %add3A_321 = arith.addf %mul3A_319, %mul3A_320 : vector<16xf32>
        %mul3A_322 = arith.mulf %get3A_310, %get3A_310 : vector<16xf32>
        %mul3A_323 = arith.mulf %get3A_315, %get3A_315 : vector<16xf32>
        %add3A_324 = arith.addf %mul3A_322, %mul3A_323 : vector<16xf32>
        %add3A_325 = arith.addf %add3A_321, %add3A_324 : vector<16xf32>
        %add3A_326 = arith.constant 5 : i32
        %add3A_327 = vector.broadcast %add3A_326 : i32 to vector<16xi32>
        %add3A_328 = arith.addi %mul3A_20, %add3A_327 : vector<16xi32>
        tpu.vector_store_idx %arg14[%add3A_328], %add3A_318 : memref<272xf32, #tpu.memory_space<vmem>>[vector<16xi32>], vector<16xf32>,
        %add3A_329 = arith.constant 5 : i32
        %add3A_330 = vector.broadcast %add3A_329 : i32 to vector<16xi32>
        %add3A_331 = arith.addi %mul3A_20, %add3A_330 : vector<16xi32>
        tpu.vector_store_idx %arg15[%add3A_331], %add3A_325 : memref<272xf32, #tpu.memory_space<vmem>>[vector<16xi32>], vector<16xf32>,
        %add3A_332 = arith.constant 6 : i32
        %add3A_333 = arith.addi %mul3A_115, %add3A_332 : i32
        %get3A_334 = arith.index_cast %add3A_333 : i32 to index
        %get3A_335 = arith.constant 0 : index
        %get3A_336 = tpu.vector_load %arg9[%get3A_334, %get3A_335] {strides = array<i32>} : memref<256x64xf32, #tpu.memory_space<vmem>>, vector<16xf32>,
        %add3A_337 = arith.constant 6 : i32
        %add3A_338 = arith.addi %mul3A_115, %add3A_337 : i32
        %get3A_339 = arith.index_cast %add3A_338 : i32 to index
        %get3A_340 = arith.constant 16 : index
        %get3A_341 = tpu.vector_load %arg9[%get3A_339, %get3A_340] {strides = array<i32>} : memref<256x64xf32, #tpu.memory_space<vmem>>, vector<16xf32>,
        %add3A_342 = arith.constant 6 : i32
        %add3A_343 = arith.addi %mul3A_115, %add3A_342 : i32
        %get3A_344 = arith.index_cast %add3A_343 : i32 to index
        %get3A_345 = arith.constant 32 : index
        %get3A_346 = tpu.vector_load %arg9[%get3A_344, %get3A_345] {strides = array<i32>} : memref<256x64xf32, #tpu.memory_space<vmem>>, vector<16xf32>,
        %add3A_347 = arith.constant 6 : i32
        %add3A_348 = arith.addi %mul3A_115, %add3A_347 : i32
        %get3A_349 = arith.index_cast %add3A_348 : i32 to index
        %get3A_350 = arith.constant 48 : index
        %get3A_351 = tpu.vector_load %arg9[%get3A_349, %get3A_350] {strides = array<i32>} : memref<256x64xf32, #tpu.memory_space<vmem>>, vector<16xf32>,
        %add3A_352 = arith.addf %get3A_336, %get3A_341 : vector<16xf32>
        %add3A_353 = arith.addf %get3A_346, %get3A_351 : vector<16xf32>
        %add3A_354 = arith.addf %add3A_352, %add3A_353 : vector<16xf32>
        %mul3A_355 = arith.mulf %get3A_336, %get3A_336 : vector<16xf32>
        %mul3A_356 = arith.mulf %get3A_341, %get3A_341 : vector<16xf32>
        %add3A_357 = arith.addf %mul3A_355, %mul3A_356 : vector<16xf32>
        %mul3A_358 = arith.mulf %get3A_346, %get3A_346 : vector<16xf32>
        %mul3A_359 = arith.mulf %get3A_351, %get3A_351 : vector<16xf32>
        %add3A_360 = arith.addf %mul3A_358, %mul3A_359 : vector<16xf32>
        %add3A_361 = arith.addf %add3A_357, %add3A_360 : vector<16xf32>
        %add3A_362 = arith.constant 6 : i32
        %add3A_363 = vector.broadcast %add3A_362 : i32 to vector<16xi32>
        %add3A_364 = arith.addi %mul3A_20, %add3A_363 : vector<16xi32>
        tpu.vector_store_idx %arg14[%add3A_364], %add3A_354 : memref<272xf32, #tpu.memory_space<vmem>>[vector<16xi32>], vector<16xf32>,
        %add3A_365 = arith.constant 6 : i32
        %add3A_366 = vector.broadcast %add3A_365 : i32 to vector<16xi32>
        %add3A_367 = arith.addi %mul3A_20, %add3A_366 : vector<16xi32>
        tpu.vector_store_idx %arg15[%add3A_367], %add3A_361 : memref<272xf32, #tpu.memory_space<vmem>>[vector<16xi32>], vector<16xf32>,
        %add3A_368 = arith.constant 7 : i32
        %add3A_369 = arith.addi %mul3A_115, %add3A_368 : i32
        %get3A_370 = arith.index_cast %add3A_369 : i32 to index
        %get3A_371 = arith.constant 0 : index
        %get3A_372 = tpu.vector_load %arg9[%get3A_370, %get3A_371] {strides = array<i32>} : memref<256x64xf32, #tpu.memory_space<vmem>>, vector<16xf32>,
        %add3A_373 = arith.constant 7 : i32
        %add3A_374 = arith.addi %mul3A_115, %add3A_373 : i32
        %get3A_375 = arith.index_cast %add3A_374 : i32 to index
        %get3A_376 = arith.constant 16 : index
        %get3A_377 = tpu.vector_load %arg9[%get3A_375, %get3A_376] {strides = array<i32>} : memref<256x64xf32, #tpu.memory_space<vmem>>, vector<16xf32>,
        %add3A_378 = arith.constant 7 : i32
        %add3A_379 = arith.addi %mul3A_115, %add3A_378 : i32
        %get3A_380 = arith.index_cast %add3A_379 : i32 to index
        %get3A_381 = arith.constant 32 : index
        %get3A_382 = tpu.vector_load %arg9[%get3A_380, %get3A_381] {strides = array<i32>} : memref<256x64xf32, #tpu.memory_space<vmem>>, vector<16xf32>,
        %add3A_383 = arith.constant 7 : i32
        %add3A_384 = arith.addi %mul3A_115, %add3A_383 : i32
        %get3A_385 = arith.index_cast %add3A_384 : i32 to index
        %get3A_386 = arith.constant 48 : index
        %get3A_387 = tpu.vector_load %arg9[%get3A_385, %get3A_386] {strides = array<i32>} : memref<256x64xf32, #tpu.memory_space<vmem>>, vector<16xf32>,
        %add3A_388 = arith.addf %get3A_372, %get3A_377 : vector<16xf32>
        %add3A_389 = arith.addf %get3A_382, %get3A_387 : vector<16xf32>
        %add3A_390 = arith.addf %add3A_388, %add3A_389 : vector<16xf32>
        %mul3A_391 = arith.mulf %get3A_372, %get3A_372 : vector<16xf32>
        %mul3A_392 = arith.mulf %get3A_377, %get3A_377 : vector<16xf32>
        %add3A_393 = arith.addf %mul3A_391, %mul3A_392 : vector<16xf32>
        %mul3A_394 = arith.mulf %get3A_382, %get3A_382 : vector<16xf32>
        %mul3A_395 = arith.mulf %get3A_387, %get3A_387 : vector<16xf32>
        %add3A_396 = arith.addf %mul3A_394, %mul3A_395 : vector<16xf32>
        %add3A_397 = arith.addf %add3A_393, %add3A_396 : vector<16xf32>
        %add3A_398 = arith.constant 7 : i32
        %add3A_399 = vector.broadcast %add3A_398 : i32 to vector<16xi32>
        %add3A_400 = arith.addi %mul3A_20, %add3A_399 : vector<16xi32>
        tpu.vector_store_idx %arg14[%add3A_400], %add3A_390 : memref<272xf32, #tpu.memory_space<vmem>>[vector<16xi32>], vector<16xf32>,
        %add3A_401 = arith.constant 7 : i32
        %add3A_402 = vector.broadcast %add3A_401 : i32 to vector<16xi32>
        %add3A_403 = arith.addi %mul3A_20, %add3A_402 : vector<16xi32>
        tpu.vector_store_idx %arg15[%add3A_403], %add3A_397 : memref<272xf32, #tpu.memory_space<vmem>>[vector<16xi32>], vector<16xf32>,
        %add3A_404 = arith.constant 8 : i32
        %add3A_405 = arith.addi %mul3A_115, %add3A_404 : i32
        %get3A_406 = arith.index_cast %add3A_405 : i32 to index
        %get3A_407 = arith.constant 0 : index
        %get3A_408 = tpu.vector_load %arg9[%get3A_406, %get3A_407] {strides = array<i32>} : memref<256x64xf32, #tpu.memory_space<vmem>>, vector<16xf32>,
        %add3A_409 = arith.constant 8 : i32
        %add3A_410 = arith.addi %mul3A_115, %add3A_409 : i32
        %get3A_411 = arith.index_cast %add3A_410 : i32 to index
        %get3A_412 = arith.constant 16 : index
        %get3A_413 = tpu.vector_load %arg9[%get3A_411, %get3A_412] {strides = array<i32>} : memref<256x64xf32, #tpu.memory_space<vmem>>, vector<16xf32>,
        %add3A_414 = arith.constant 8 : i32
        %add3A_415 = arith.addi %mul3A_115, %add3A_414 : i32
        %get3A_416 = arith.index_cast %add3A_415 : i32 to index
        %get3A_417 = arith.constant 32 : index
        %get3A_418 = tpu.vector_load %arg9[%get3A_416, %get3A_417] {strides = array<i32>} : memref<256x64xf32, #tpu.memory_space<vmem>>, vector<16xf32>,
        %add3A_419 = arith.constant 8 : i32
        %add3A_420 = arith.addi %mul3A_115, %add3A_419 : i32
        %get3A_421 = arith.index_cast %add3A_420 : i32 to index
        %get3A_422 = arith.constant 48 : index
        %get3A_423 = tpu.vector_load %arg9[%get3A_421, %get3A_422] {strides = array<i32>} : memref<256x64xf32, #tpu.memory_space<vmem>>, vector<16xf32>,
        %add3A_424 = arith.addf %get3A_408, %get3A_413 : vector<16xf32>
        %add3A_425 = arith.addf %get3A_418, %get3A_423 : vector<16xf32>
        %add3A_426 = arith.addf %add3A_424, %add3A_425 : vector<16xf32>
        %mul3A_427 = arith.mulf %get3A_408, %get3A_408 : vector<16xf32>
        %mul3A_428 = arith.mulf %get3A_413, %get3A_413 : vector<16xf32>
        %add3A_429 = arith.addf %mul3A_427, %mul3A_428 : vector<16xf32>
        %mul3A_430 = arith.mulf %get3A_418, %get3A_418 : vector<16xf32>
        %mul3A_431 = arith.mulf %get3A_423, %get3A_423 : vector<16xf32>
        %add3A_432 = arith.addf %mul3A_430, %mul3A_431 : vector<16xf32>
        %add3A_433 = arith.addf %add3A_429, %add3A_432 : vector<16xf32>
        %add3A_434 = arith.constant 8 : i32
        %add3A_435 = vector.broadcast %add3A_434 : i32 to vector<16xi32>
        %add3A_436 = arith.addi %mul3A_20, %add3A_435 : vector<16xi32>
        tpu.vector_store_idx %arg14[%add3A_436], %add3A_426 : memref<272xf32, #tpu.memory_space<vmem>>[vector<16xi32>], vector<16xf32>,
        %add3A_437 = arith.constant 8 : i32
        %add3A_438 = vector.broadcast %add3A_437 : i32 to vector<16xi32>
        %add3A_439 = arith.addi %mul3A_20, %add3A_438 : vector<16xi32>
        tpu.vector_store_idx %arg15[%add3A_439], %add3A_433 : memref<272xf32, #tpu.memory_space<vmem>>[vector<16xi32>], vector<16xf32>,
        %add3A_440 = arith.constant 9 : i32
        %add3A_441 = arith.addi %mul3A_115, %add3A_440 : i32
        %get3A_442 = arith.index_cast %add3A_441 : i32 to index
        %get3A_443 = arith.constant 0 : index
        %get3A_444 = tpu.vector_load %arg9[%get3A_442, %get3A_443] {strides = array<i32>} : memref<256x64xf32, #tpu.memory_space<vmem>>, vector<16xf32>,
        %add3A_445 = arith.constant 9 : i32
        %add3A_446 = arith.addi %mul3A_115, %add3A_445 : i32
        %get3A_447 = arith.index_cast %add3A_446 : i32 to index
        %get3A_448 = arith.constant 16 : index
        %get3A_449 = tpu.vector_load %arg9[%get3A_447, %get3A_448] {strides = array<i32>} : memref<256x64xf32, #tpu.memory_space<vmem>>, vector<16xf32>,
        %add3A_450 = arith.constant 9 : i32
        %add3A_451 = arith.addi %mul3A_115, %add3A_450 : i32
        %get3A_452 = arith.index_cast %add3A_451 : i32 to index
        %get3A_453 = arith.constant 32 : index
        %get3A_454 = tpu.vector_load %arg9[%get3A_452, %get3A_453] {strides = array<i32>} : memref<256x64xf32, #tpu.memory_space<vmem>>, vector<16xf32>,
        %add3A_455 = arith.constant 9 : i32
        %add3A_456 = arith.addi %mul3A_115, %add3A_455 : i32
        %get3A_457 = arith.index_cast %add3A_456 : i32 to index
        %get3A_458 = arith.constant 48 : index
        %get3A_459 = tpu.vector_load %arg9[%get3A_457, %get3A_458] {strides = array<i32>} : memref<256x64xf32, #tpu.memory_space<vmem>>, vector<16xf32>,
        %add3A_460 = arith.addf %get3A_444, %get3A_449 : vector<16xf32>
        %add3A_461 = arith.addf %get3A_454, %get3A_459 : vector<16xf32>
        %add3A_462 = arith.addf %add3A_460, %add3A_461 : vector<16xf32>
        %mul3A_463 = arith.mulf %get3A_444, %get3A_444 : vector<16xf32>
        %mul3A_464 = arith.mulf %get3A_449, %get3A_449 : vector<16xf32>
        %add3A_465 = arith.addf %mul3A_463, %mul3A_464 : vector<16xf32>
        %mul3A_466 = arith.mulf %get3A_454, %get3A_454 : vector<16xf32>
        %mul3A_467 = arith.mulf %get3A_459, %get3A_459 : vector<16xf32>
        %add3A_468 = arith.addf %mul3A_466, %mul3A_467 : vector<16xf32>
        %add3A_469 = arith.addf %add3A_465, %add3A_468 : vector<16xf32>
        %add3A_470 = arith.constant 9 : i32
        %add3A_471 = vector.broadcast %add3A_470 : i32 to vector<16xi32>
        %add3A_472 = arith.addi %mul3A_20, %add3A_471 : vector<16xi32>
        tpu.vector_store_idx %arg14[%add3A_472], %add3A_462 : memref<272xf32, #tpu.memory_space<vmem>>[vector<16xi32>], vector<16xf32>,
        %add3A_473 = arith.constant 9 : i32
        %add3A_474 = vector.broadcast %add3A_473 : i32 to vector<16xi32>
        %add3A_475 = arith.addi %mul3A_20, %add3A_474 : vector<16xi32>
        tpu.vector_store_idx %arg15[%add3A_475], %add3A_469 : memref<272xf32, #tpu.memory_space<vmem>>[vector<16xi32>], vector<16xf32>,
        %add3A_476 = arith.constant 10 : i32
        %add3A_477 = arith.addi %mul3A_115, %add3A_476 : i32
        %get3A_478 = arith.index_cast %add3A_477 : i32 to index
        %get3A_479 = arith.constant 0 : index
        %get3A_480 = tpu.vector_load %arg9[%get3A_478, %get3A_479] {strides = array<i32>} : memref<256x64xf32, #tpu.memory_space<vmem>>, vector<16xf32>,
        %add3A_481 = arith.constant 10 : i32
        %add3A_482 = arith.addi %mul3A_115, %add3A_481 : i32
        %get3A_483 = arith.index_cast %add3A_482 : i32 to index
        %get3A_484 = arith.constant 16 : index
        %get3A_485 = tpu.vector_load %arg9[%get3A_483, %get3A_484] {strides = array<i32>} : memref<256x64xf32, #tpu.memory_space<vmem>>, vector<16xf32>,
        %add3A_486 = arith.constant 10 : i32
        %add3A_487 = arith.addi %mul3A_115, %add3A_486 : i32
        %get3A_488 = arith.index_cast %add3A_487 : i32 to index
        %get3A_489 = arith.constant 32 : index
        %get3A_490 = tpu.vector_load %arg9[%get3A_488, %get3A_489] {strides = array<i32>} : memref<256x64xf32, #tpu.memory_space<vmem>>, vector<16xf32>,
        %add3A_491 = arith.constant 10 : i32
        %add3A_492 = arith.addi %mul3A_115, %add3A_491 : i32
        %get3A_493 = arith.index_cast %add3A_492 : i32 to index
        %get3A_494 = arith.constant 48 : index
        %get3A_495 = tpu.vector_load %arg9[%get3A_493, %get3A_494] {strides = array<i32>} : memref<256x64xf32, #tpu.memory_space<vmem>>, vector<16xf32>,
        %add3A_496 = arith.addf %get3A_480, %get3A_485 : vector<16xf32>
        %add3A_497 = arith.addf %get3A_490, %get3A_495 : vector<16xf32>
        %add3A_498 = arith.addf %add3A_496, %add3A_497 : vector<16xf32>
        %mul3A_499 = arith.mulf %get3A_480, %get3A_480 : vector<16xf32>
        %mul3A_500 = arith.mulf %get3A_485, %get3A_485 : vector<16xf32>
        %add3A_501 = arith.addf %mul3A_499, %mul3A_500 : vector<16xf32>
        %mul3A_502 = arith.mulf %get3A_490, %get3A_490 : vector<16xf32>
        %mul3A_503 = arith.mulf %get3A_495, %get3A_495 : vector<16xf32>
        %add3A_504 = arith.addf %mul3A_502, %mul3A_503 : vector<16xf32>
        %add3A_505 = arith.addf %add3A_501, %add3A_504 : vector<16xf32>
        %add3A_506 = arith.constant 10 : i32
        %add3A_507 = vector.broadcast %add3A_506 : i32 to vector<16xi32>
        %add3A_508 = arith.addi %mul3A_20, %add3A_507 : vector<16xi32>
        tpu.vector_store_idx %arg14[%add3A_508], %add3A_498 : memref<272xf32, #tpu.memory_space<vmem>>[vector<16xi32>], vector<16xf32>,
        %add3A_509 = arith.constant 10 : i32
        %add3A_510 = vector.broadcast %add3A_509 : i32 to vector<16xi32>
        %add3A_511 = arith.addi %mul3A_20, %add3A_510 : vector<16xi32>
        tpu.vector_store_idx %arg15[%add3A_511], %add3A_505 : memref<272xf32, #tpu.memory_space<vmem>>[vector<16xi32>], vector<16xf32>,
        %add3A_512 = arith.constant 11 : i32
        %add3A_513 = arith.addi %mul3A_115, %add3A_512 : i32
        %get3A_514 = arith.index_cast %add3A_513 : i32 to index
        %get3A_515 = arith.constant 0 : index
        %get3A_516 = tpu.vector_load %arg9[%get3A_514, %get3A_515] {strides = array<i32>} : memref<256x64xf32, #tpu.memory_space<vmem>>, vector<16xf32>,
        %add3A_517 = arith.constant 11 : i32
        %add3A_518 = arith.addi %mul3A_115, %add3A_517 : i32
        %get3A_519 = arith.index_cast %add3A_518 : i32 to index
        %get3A_520 = arith.constant 16 : index
        %get3A_521 = tpu.vector_load %arg9[%get3A_519, %get3A_520] {strides = array<i32>} : memref<256x64xf32, #tpu.memory_space<vmem>>, vector<16xf32>,
        %add3A_522 = arith.constant 11 : i32
        %add3A_523 = arith.addi %mul3A_115, %add3A_522 : i32
        %get3A_524 = arith.index_cast %add3A_523 : i32 to index
        %get3A_525 = arith.constant 32 : index
        %get3A_526 = tpu.vector_load %arg9[%get3A_524, %get3A_525] {strides = array<i32>} : memref<256x64xf32, #tpu.memory_space<vmem>>, vector<16xf32>,
        %add3A_527 = arith.constant 11 : i32
        %add3A_528 = arith.addi %mul3A_115, %add3A_527 : i32
        %get3A_529 = arith.index_cast %add3A_528 : i32 to index
        %get3A_530 = arith.constant 48 : index
        %get3A_531 = tpu.vector_load %arg9[%get3A_529, %get3A_530] {strides = array<i32>} : memref<256x64xf32, #tpu.memory_space<vmem>>, vector<16xf32>,
        %add3A_532 = arith.addf %get3A_516, %get3A_521 : vector<16xf32>
        %add3A_533 = arith.addf %get3A_526, %get3A_531 : vector<16xf32>
        %add3A_534 = arith.addf %add3A_532, %add3A_533 : vector<16xf32>
        %mul3A_535 = arith.mulf %get3A_516, %get3A_516 : vector<16xf32>
        %mul3A_536 = arith.mulf %get3A_521, %get3A_521 : vector<16xf32>
        %add3A_537 = arith.addf %mul3A_535, %mul3A_536 : vector<16xf32>
        %mul3A_538 = arith.mulf %get3A_526, %get3A_526 : vector<16xf32>
        %mul3A_539 = arith.mulf %get3A_531, %get3A_531 : vector<16xf32>
        %add3A_540 = arith.addf %mul3A_538, %mul3A_539 : vector<16xf32>
        %add3A_541 = arith.addf %add3A_537, %add3A_540 : vector<16xf32>
        %add3A_542 = arith.constant 11 : i32
        %add3A_543 = vector.broadcast %add3A_542 : i32 to vector<16xi32>
        %add3A_544 = arith.addi %mul3A_20, %add3A_543 : vector<16xi32>
        tpu.vector_store_idx %arg14[%add3A_544], %add3A_534 : memref<272xf32, #tpu.memory_space<vmem>>[vector<16xi32>], vector<16xf32>,
        %add3A_545 = arith.constant 11 : i32
        %add3A_546 = vector.broadcast %add3A_545 : i32 to vector<16xi32>
        %add3A_547 = arith.addi %mul3A_20, %add3A_546 : vector<16xi32>
        tpu.vector_store_idx %arg15[%add3A_547], %add3A_541 : memref<272xf32, #tpu.memory_space<vmem>>[vector<16xi32>], vector<16xf32>,
        %add3A_548 = arith.constant 12 : i32
        %add3A_549 = arith.addi %mul3A_115, %add3A_548 : i32
        %get3A_550 = arith.index_cast %add3A_549 : i32 to index
        %get3A_551 = arith.constant 0 : index
        %get3A_552 = tpu.vector_load %arg9[%get3A_550, %get3A_551] {strides = array<i32>} : memref<256x64xf32, #tpu.memory_space<vmem>>, vector<16xf32>,
        %add3A_553 = arith.constant 12 : i32
        %add3A_554 = arith.addi %mul3A_115, %add3A_553 : i32
        %get3A_555 = arith.index_cast %add3A_554 : i32 to index
        %get3A_556 = arith.constant 16 : index
        %get3A_557 = tpu.vector_load %arg9[%get3A_555, %get3A_556] {strides = array<i32>} : memref<256x64xf32, #tpu.memory_space<vmem>>, vector<16xf32>,
        %add3A_558 = arith.constant 12 : i32
        %add3A_559 = arith.addi %mul3A_115, %add3A_558 : i32
        %get3A_560 = arith.index_cast %add3A_559 : i32 to index
        %get3A_561 = arith.constant 32 : index
        %get3A_562 = tpu.vector_load %arg9[%get3A_560, %get3A_561] {strides = array<i32>} : memref<256x64xf32, #tpu.memory_space<vmem>>, vector<16xf32>,
        %add3A_563 = arith.constant 12 : i32
        %add3A_564 = arith.addi %mul3A_115, %add3A_563 : i32
        %get3A_565 = arith.index_cast %add3A_564 : i32 to index
        %get3A_566 = arith.constant 48 : index
        %get3A_567 = tpu.vector_load %arg9[%get3A_565, %get3A_566] {strides = array<i32>} : memref<256x64xf32, #tpu.memory_space<vmem>>, vector<16xf32>,
        %add3A_568 = arith.addf %get3A_552, %get3A_557 : vector<16xf32>
        %add3A_569 = arith.addf %get3A_562, %get3A_567 : vector<16xf32>
        %add3A_570 = arith.addf %add3A_568, %add3A_569 : vector<16xf32>
        %mul3A_571 = arith.mulf %get3A_552, %get3A_552 : vector<16xf32>
        %mul3A_572 = arith.mulf %get3A_557, %get3A_557 : vector<16xf32>
        %add3A_573 = arith.addf %mul3A_571, %mul3A_572 : vector<16xf32>
        %mul3A_574 = arith.mulf %get3A_562, %get3A_562 : vector<16xf32>
        %mul3A_575 = arith.mulf %get3A_567, %get3A_567 : vector<16xf32>
        %add3A_576 = arith.addf %mul3A_574, %mul3A_575 : vector<16xf32>
        %add3A_577 = arith.addf %add3A_573, %add3A_576 : vector<16xf32>
        %add3A_578 = arith.constant 12 : i32
        %add3A_579 = vector.broadcast %add3A_578 : i32 to vector<16xi32>
        %add3A_580 = arith.addi %mul3A_20, %add3A_579 : vector<16xi32>
        tpu.vector_store_idx %arg14[%add3A_580], %add3A_570 : memref<272xf32, #tpu.memory_space<vmem>>[vector<16xi32>], vector<16xf32>,
        %add3A_581 = arith.constant 12 : i32
        %add3A_582 = vector.broadcast %add3A_581 : i32 to vector<16xi32>
        %add3A_583 = arith.addi %mul3A_20, %add3A_582 : vector<16xi32>
        tpu.vector_store_idx %arg15[%add3A_583], %add3A_577 : memref<272xf32, #tpu.memory_space<vmem>>[vector<16xi32>], vector<16xf32>,
        %add3A_584 = arith.constant 13 : i32
        %add3A_585 = arith.addi %mul3A_115, %add3A_584 : i32
        %get3A_586 = arith.index_cast %add3A_585 : i32 to index
        %get3A_587 = arith.constant 0 : index
        %get3A_588 = tpu.vector_load %arg9[%get3A_586, %get3A_587] {strides = array<i32>} : memref<256x64xf32, #tpu.memory_space<vmem>>, vector<16xf32>,
        %add3A_589 = arith.constant 13 : i32
        %add3A_590 = arith.addi %mul3A_115, %add3A_589 : i32
        %get3A_591 = arith.index_cast %add3A_590 : i32 to index
        %get3A_592 = arith.constant 16 : index
        %get3A_593 = tpu.vector_load %arg9[%get3A_591, %get3A_592] {strides = array<i32>} : memref<256x64xf32, #tpu.memory_space<vmem>>, vector<16xf32>,
        %add3A_594 = arith.constant 13 : i32
        %add3A_595 = arith.addi %mul3A_115, %add3A_594 : i32
        %get3A_596 = arith.index_cast %add3A_595 : i32 to index
        %get3A_597 = arith.constant 32 : index
        %get3A_598 = tpu.vector_load %arg9[%get3A_596, %get3A_597] {strides = array<i32>} : memref<256x64xf32, #tpu.memory_space<vmem>>, vector<16xf32>,
        %add3A_599 = arith.constant 13 : i32
        %add3A_600 = arith.addi %mul3A_115, %add3A_599 : i32
        %get3A_601 = arith.index_cast %add3A_600 : i32 to index
        %get3A_602 = arith.constant 48 : index
        %get3A_603 = tpu.vector_load %arg9[%get3A_601, %get3A_602] {strides = array<i32>} : memref<256x64xf32, #tpu.memory_space<vmem>>, vector<16xf32>,
        %add3A_604 = arith.addf %get3A_588, %get3A_593 : vector<16xf32>
        %add3A_605 = arith.addf %get3A_598, %get3A_603 : vector<16xf32>
        %add3A_606 = arith.addf %add3A_604, %add3A_605 : vector<16xf32>
        %mul3A_607 = arith.mulf %get3A_588, %get3A_588 : vector<16xf32>
        %mul3A_608 = arith.mulf %get3A_593, %get3A_593 : vector<16xf32>
        %add3A_609 = arith.addf %mul3A_607, %mul3A_608 : vector<16xf32>
        %mul3A_610 = arith.mulf %get3A_598, %get3A_598 : vector<16xf32>
        %mul3A_611 = arith.mulf %get3A_603, %get3A_603 : vector<16xf32>
        %add3A_612 = arith.addf %mul3A_610, %mul3A_611 : vector<16xf32>
        %add3A_613 = arith.addf %add3A_609, %add3A_612 : vector<16xf32>
        %add3A_614 = arith.constant 13 : i32
        %add3A_615 = vector.broadcast %add3A_614 : i32 to vector<16xi32>
        %add3A_616 = arith.addi %mul3A_20, %add3A_615 : vector<16xi32>
        tpu.vector_store_idx %arg14[%add3A_616], %add3A_606 : memref<272xf32, #tpu.memory_space<vmem>>[vector<16xi32>], vector<16xf32>,
        %add3A_617 = arith.constant 13 : i32
        %add3A_618 = vector.broadcast %add3A_617 : i32 to vector<16xi32>
        %add3A_619 = arith.addi %mul3A_20, %add3A_618 : vector<16xi32>
        tpu.vector_store_idx %arg15[%add3A_619], %add3A_613 : memref<272xf32, #tpu.memory_space<vmem>>[vector<16xi32>], vector<16xf32>,
        %add3A_620 = arith.constant 14 : i32
        %add3A_621 = arith.addi %mul3A_115, %add3A_620 : i32
        %get3A_622 = arith.index_cast %add3A_621 : i32 to index
        %get3A_623 = arith.constant 0 : index
        %get3A_624 = tpu.vector_load %arg9[%get3A_622, %get3A_623] {strides = array<i32>} : memref<256x64xf32, #tpu.memory_space<vmem>>, vector<16xf32>,
        %add3A_625 = arith.constant 14 : i32
        %add3A_626 = arith.addi %mul3A_115, %add3A_625 : i32
        %get3A_627 = arith.index_cast %add3A_626 : i32 to index
        %get3A_628 = arith.constant 16 : index
        %get3A_629 = tpu.vector_load %arg9[%get3A_627, %get3A_628] {strides = array<i32>} : memref<256x64xf32, #tpu.memory_space<vmem>>, vector<16xf32>,
        %add3A_630 = arith.constant 14 : i32
        %add3A_631 = arith.addi %mul3A_115, %add3A_630 : i32
        %get3A_632 = arith.index_cast %add3A_631 : i32 to index
        %get3A_633 = arith.constant 32 : index
        %get3A_634 = tpu.vector_load %arg9[%get3A_632, %get3A_633] {strides = array<i32>} : memref<256x64xf32, #tpu.memory_space<vmem>>, vector<16xf32>,
        %add3A_635 = arith.constant 14 : i32
        %add3A_636 = arith.addi %mul3A_115, %add3A_635 : i32
        %get3A_637 = arith.index_cast %add3A_636 : i32 to index
        %get3A_638 = arith.constant 48 : index
        %get3A_639 = tpu.vector_load %arg9[%get3A_637, %get3A_638] {strides = array<i32>} : memref<256x64xf32, #tpu.memory_space<vmem>>, vector<16xf32>,
        %add3A_640 = arith.addf %get3A_624, %get3A_629 : vector<16xf32>
        %add3A_641 = arith.addf %get3A_634, %get3A_639 : vector<16xf32>
        %add3A_642 = arith.addf %add3A_640, %add3A_641 : vector<16xf32>
        %mul3A_643 = arith.mulf %get3A_624, %get3A_624 : vector<16xf32>
        %mul3A_644 = arith.mulf %get3A_629, %get3A_629 : vector<16xf32>
        %add3A_645 = arith.addf %mul3A_643, %mul3A_644 : vector<16xf32>
        %mul3A_646 = arith.mulf %get3A_634, %get3A_634 : vector<16xf32>
        %mul3A_647 = arith.mulf %get3A_639, %get3A_639 : vector<16xf32>
        %add3A_648 = arith.addf %mul3A_646, %mul3A_647 : vector<16xf32>
        %add3A_649 = arith.addf %add3A_645, %add3A_648 : vector<16xf32>
        %add3A_650 = arith.constant 14 : i32
        %add3A_651 = vector.broadcast %add3A_650 : i32 to vector<16xi32>
        %add3A_652 = arith.addi %mul3A_20, %add3A_651 : vector<16xi32>
        tpu.vector_store_idx %arg14[%add3A_652], %add3A_642 : memref<272xf32, #tpu.memory_space<vmem>>[vector<16xi32>], vector<16xf32>,
        %add3A_653 = arith.constant 14 : i32
        %add3A_654 = vector.broadcast %add3A_653 : i32 to vector<16xi32>
        %add3A_655 = arith.addi %mul3A_20, %add3A_654 : vector<16xi32>
        tpu.vector_store_idx %arg15[%add3A_655], %add3A_649 : memref<272xf32, #tpu.memory_space<vmem>>[vector<16xi32>], vector<16xf32>,
        %add3A_656 = arith.constant 15 : i32
        %add3A_657 = arith.addi %mul3A_115, %add3A_656 : i32
        %get3A_658 = arith.index_cast %add3A_657 : i32 to index
        %get3A_659 = arith.constant 0 : index
        %get3A_660 = tpu.vector_load %arg9[%get3A_658, %get3A_659] {strides = array<i32>} : memref<256x64xf32, #tpu.memory_space<vmem>>, vector<16xf32>,
        %add3A_661 = arith.constant 15 : i32
        %add3A_662 = arith.addi %mul3A_115, %add3A_661 : i32
        %get3A_663 = arith.index_cast %add3A_662 : i32 to index
        %get3A_664 = arith.constant 16 : index
        %get3A_665 = tpu.vector_load %arg9[%get3A_663, %get3A_664] {strides = array<i32>} : memref<256x64xf32, #tpu.memory_space<vmem>>, vector<16xf32>,
        %add3A_666 = arith.constant 15 : i32
        %add3A_667 = arith.addi %mul3A_115, %add3A_666 : i32
        %get3A_668 = arith.index_cast %add3A_667 : i32 to index
        %get3A_669 = arith.constant 32 : index
        %get3A_670 = tpu.vector_load %arg9[%get3A_668, %get3A_669] {strides = array<i32>} : memref<256x64xf32, #tpu.memory_space<vmem>>, vector<16xf32>,
        %add3A_671 = arith.constant 15 : i32
        %add3A_672 = arith.addi %mul3A_115, %add3A_671 : i32
        %get3A_673 = arith.index_cast %add3A_672 : i32 to index
        %get3A_674 = arith.constant 48 : index
        %get3A_675 = tpu.vector_load %arg9[%get3A_673, %get3A_674] {strides = array<i32>} : memref<256x64xf32, #tpu.memory_space<vmem>>, vector<16xf32>,
        %add3A_676 = arith.addf %get3A_660, %get3A_665 : vector<16xf32>
        %add3A_677 = arith.addf %get3A_670, %get3A_675 : vector<16xf32>
        %add3A_678 = arith.addf %add3A_676, %add3A_677 : vector<16xf32>
        %mul3A_679 = arith.mulf %get3A_660, %get3A_660 : vector<16xf32>
        %mul3A_680 = arith.mulf %get3A_665, %get3A_665 : vector<16xf32>
        %add3A_681 = arith.addf %mul3A_679, %mul3A_680 : vector<16xf32>
        %mul3A_682 = arith.mulf %get3A_670, %get3A_670 : vector<16xf32>
        %mul3A_683 = arith.mulf %get3A_675, %get3A_675 : vector<16xf32>
        %add3A_684 = arith.addf %mul3A_682, %mul3A_683 : vector<16xf32>
        %add3A_685 = arith.addf %add3A_681, %add3A_684 : vector<16xf32>
        %add3A_686 = arith.constant 15 : i32
        %add3A_687 = vector.broadcast %add3A_686 : i32 to vector<16xi32>
        %add3A_688 = arith.addi %mul3A_20, %add3A_687 : vector<16xi32>
        tpu.vector_store_idx %arg14[%add3A_688], %add3A_678 : memref<272xf32, #tpu.memory_space<vmem>>[vector<16xi32>], vector<16xf32>,
        %add3A_689 = arith.constant 15 : i32
        %add3A_690 = vector.broadcast %add3A_689 : i32 to vector<16xi32>
        %add3A_691 = arith.addi %mul3A_20, %add3A_690 : vector<16xi32>
        tpu.vector_store_idx %arg15[%add3A_691], %add3A_685 : memref<272xf32, #tpu.memory_space<vmem>>[vector<16xi32>], vector<16xf32>,
        %get3A_692 = arith.constant 0 : index
        %get3A_693 = tpu.vector_load %arg14[%get3A_692] {strides = array<i32>} : memref<272xf32, #tpu.memory_space<vmem>>, vector<16xf32>,
        %get3A_694 = arith.constant 0 : index
        %get3A_695 = tpu.vector_load %arg15[%get3A_694] {strides = array<i32>} : memref<272xf32, #tpu.memory_space<vmem>>, vector<16xf32>,
        %get3A_696 = arith.constant 17 : index
        %get3A_697 = tpu.vector_load %arg14[%get3A_696] {strides = array<i32>} : memref<272xf32, #tpu.memory_space<vmem>>, vector<16xf32>,
        %add3A_698 = arith.addf %get3A_693, %get3A_697 : vector<16xf32>
        %get3A_699 = arith.constant 17 : index
        %get3A_700 = tpu.vector_load %arg15[%get3A_699] {strides = array<i32>} : memref<272xf32, #tpu.memory_space<vmem>>, vector<16xf32>,
        %add3A_701 = arith.addf %get3A_695, %get3A_700 : vector<16xf32>
        %get3A_702 = arith.constant 34 : index
        %get3A_703 = tpu.vector_load %arg14[%get3A_702] {strides = array<i32>} : memref<272xf32, #tpu.memory_space<vmem>>, vector<16xf32>,
        %add3A_704 = arith.addf %add3A_698, %get3A_703 : vector<16xf32>
        %get3A_705 = arith.constant 34 : index
        %get3A_706 = tpu.vector_load %arg15[%get3A_705] {strides = array<i32>} : memref<272xf32, #tpu.memory_space<vmem>>, vector<16xf32>,
        %add3A_707 = arith.addf %add3A_701, %get3A_706 : vector<16xf32>
        %get3A_708 = arith.constant 51 : index
        %get3A_709 = tpu.vector_load %arg14[%get3A_708] {strides = array<i32>} : memref<272xf32, #tpu.memory_space<vmem>>, vector<16xf32>,
        %add3A_710 = arith.addf %add3A_704, %get3A_709 : vector<16xf32>
        %get3A_711 = arith.constant 51 : index
        %get3A_712 = tpu.vector_load %arg15[%get3A_711] {strides = array<i32>} : memref<272xf32, #tpu.memory_space<vmem>>, vector<16xf32>,
        %add3A_713 = arith.addf %add3A_707, %get3A_712 : vector<16xf32>
        %get3A_714 = arith.constant 68 : index
        %get3A_715 = tpu.vector_load %arg14[%get3A_714] {strides = array<i32>} : memref<272xf32, #tpu.memory_space<vmem>>, vector<16xf32>,
        %add3A_716 = arith.addf %add3A_710, %get3A_715 : vector<16xf32>
        %get3A_717 = arith.constant 68 : index
        %get3A_718 = tpu.vector_load %arg15[%get3A_717] {strides = array<i32>} : memref<272xf32, #tpu.memory_space<vmem>>, vector<16xf32>,
        %add3A_719 = arith.addf %add3A_713, %get3A_718 : vector<16xf32>
        %get3A_720 = arith.constant 85 : index
        %get3A_721 = tpu.vector_load %arg14[%get3A_720] {strides = array<i32>} : memref<272xf32, #tpu.memory_space<vmem>>, vector<16xf32>,
        %add3A_722 = arith.addf %add3A_716, %get3A_721 : vector<16xf32>
        %get3A_723 = arith.constant 85 : index
        %get3A_724 = tpu.vector_load %arg15[%get3A_723] {strides = array<i32>} : memref<272xf32, #tpu.memory_space<vmem>>, vector<16xf32>,
        %add3A_725 = arith.addf %add3A_719, %get3A_724 : vector<16xf32>
        %get3A_726 = arith.constant 102 : index
        %get3A_727 = tpu.vector_load %arg14[%get3A_726] {strides = array<i32>} : memref<272xf32, #tpu.memory_space<vmem>>, vector<16xf32>,
        %add3A_728 = arith.addf %add3A_722, %get3A_727 : vector<16xf32>
        %get3A_729 = arith.constant 102 : index
        %get3A_730 = tpu.vector_load %arg15[%get3A_729] {strides = array<i32>} : memref<272xf32, #tpu.memory_space<vmem>>, vector<16xf32>,
        %add3A_731 = arith.addf %add3A_725, %get3A_730 : vector<16xf32>
        %get3A_732 = arith.constant 119 : index
        %get3A_733 = tpu.vector_load %arg14[%get3A_732] {strides = array<i32>} : memref<272xf32, #tpu.memory_space<vmem>>, vector<16xf32>,
        %add3A_734 = arith.addf %add3A_728, %get3A_733 : vector<16xf32>
        %get3A_735 = arith.constant 119 : index
        %get3A_736 = tpu.vector_load %arg15[%get3A_735] {strides = array<i32>} : memref<272xf32, #tpu.memory_space<vmem>>, vector<16xf32>,
        %add3A_737 = arith.addf %add3A_731, %get3A_736 : vector<16xf32>
        %get3A_738 = arith.constant 136 : index
        %get3A_739 = tpu.vector_load %arg14[%get3A_738] {strides = array<i32>} : memref<272xf32, #tpu.memory_space<vmem>>, vector<16xf32>,
        %add3A_740 = arith.addf %add3A_734, %get3A_739 : vector<16xf32>
        %get3A_741 = arith.constant 136 : index
        %get3A_742 = tpu.vector_load %arg15[%get3A_741] {strides = array<i32>} : memref<272xf32, #tpu.memory_space<vmem>>, vector<16xf32>,
        %add3A_743 = arith.addf %add3A_737, %get3A_742 : vector<16xf32>
        %get3A_744 = arith.constant 153 : index
        %get3A_745 = tpu.vector_load %arg14[%get3A_744] {strides = array<i32>} : memref<272xf32, #tpu.memory_space<vmem>>, vector<16xf32>,
        %add3A_746 = arith.addf %add3A_740, %get3A_745 : vector<16xf32>
        %get3A_747 = arith.constant 153 : index
        %get3A_748 = tpu.vector_load %arg15[%get3A_747] {strides = array<i32>} : memref<272xf32, #tpu.memory_space<vmem>>, vector<16xf32>,
        %add3A_749 = arith.addf %add3A_743, %get3A_748 : vector<16xf32>
        %get3A_750 = arith.constant 170 : index
        %get3A_751 = tpu.vector_load %arg14[%get3A_750] {strides = array<i32>} : memref<272xf32, #tpu.memory_space<vmem>>, vector<16xf32>,
        %add3A_752 = arith.addf %add3A_746, %get3A_751 : vector<16xf32>
        %get3A_753 = arith.constant 170 : index
        %get3A_754 = tpu.vector_load %arg15[%get3A_753] {strides = array<i32>} : memref<272xf32, #tpu.memory_space<vmem>>, vector<16xf32>,
        %add3A_755 = arith.addf %add3A_749, %get3A_754 : vector<16xf32>
        %get3A_756 = arith.constant 187 : index
        %get3A_757 = tpu.vector_load %arg14[%get3A_756] {strides = array<i32>} : memref<272xf32, #tpu.memory_space<vmem>>, vector<16xf32>,
        %add3A_758 = arith.addf %add3A_752, %get3A_757 : vector<16xf32>
        %get3A_759 = arith.constant 187 : index
        %get3A_760 = tpu.vector_load %arg15[%get3A_759] {strides = array<i32>} : memref<272xf32, #tpu.memory_space<vmem>>, vector<16xf32>,
        %add3A_761 = arith.addf %add3A_755, %get3A_760 : vector<16xf32>
        %get3A_762 = arith.constant 204 : index
        %get3A_763 = tpu.vector_load %arg14[%get3A_762] {strides = array<i32>} : memref<272xf32, #tpu.memory_space<vmem>>, vector<16xf32>,
        %add3A_764 = arith.addf %add3A_758, %get3A_763 : vector<16xf32>
        %get3A_765 = arith.constant 204 : index
        %get3A_766 = tpu.vector_load %arg15[%get3A_765] {strides = array<i32>} : memref<272xf32, #tpu.memory_space<vmem>>, vector<16xf32>,
        %add3A_767 = arith.addf %add3A_761, %get3A_766 : vector<16xf32>
        %get3A_768 = arith.constant 221 : index
        %get3A_769 = tpu.vector_load %arg14[%get3A_768] {strides = array<i32>} : memref<272xf32, #tpu.memory_space<vmem>>, vector<16xf32>,
        %add3A_770 = arith.addf %add3A_764, %get3A_769 : vector<16xf32>
        %get3A_771 = arith.constant 221 : index
        %get3A_772 = tpu.vector_load %arg15[%get3A_771] {strides = array<i32>} : memref<272xf32, #tpu.memory_space<vmem>>, vector<16xf32>,
        %add3A_773 = arith.addf %add3A_767, %get3A_772 : vector<16xf32>
        %get3A_774 = arith.constant 238 : index
        %get3A_775 = tpu.vector_load %arg14[%get3A_774] {strides = array<i32>} : memref<272xf32, #tpu.memory_space<vmem>>, vector<16xf32>,
        %add3A_776 = arith.addf %add3A_770, %get3A_775 : vector<16xf32>
        %get3A_777 = arith.constant 238 : index
        %get3A_778 = tpu.vector_load %arg15[%get3A_777] {strides = array<i32>} : memref<272xf32, #tpu.memory_space<vmem>>, vector<16xf32>,
        %add3A_779 = arith.addf %add3A_773, %get3A_778 : vector<16xf32>
        %get3A_780 = arith.constant 255 : index
        %get3A_781 = tpu.vector_load %arg14[%get3A_780] {strides = array<i32>} : memref<272xf32, #tpu.memory_space<vmem>>, vector<16xf32>,
        %add3A_782 = arith.addf %add3A_776, %get3A_781 : vector<16xf32>
        %get3A_783 = arith.constant 255 : index
        %get3A_784 = tpu.vector_load %arg15[%get3A_783] {strides = array<i32>} : memref<272xf32, #tpu.memory_space<vmem>>, vector<16xf32>,
        %add3A_785 = arith.addf %add3A_779, %get3A_784 : vector<16xf32>
        %mul3A_786 = arith.constant 1.562500e-02 : f32
        %mul3A_787 = vector.broadcast %mul3A_786 : f32 to vector<16xf32>
        %mul3A_788 = arith.mulf %add3A_782, %mul3A_787 : vector<16xf32>
        %mul3A_789 = arith.constant 1.562500e-02 : f32
        %mul3A_790 = vector.broadcast %mul3A_789 : f32 to vector<16xf32>
        %mul3A_791 = arith.mulf %add3A_785, %mul3A_790 : vector<16xf32>
        %mul3A_792 = arith.mulf %mul3A_788, %mul3A_788 : vector<16xf32>
        %sub3A = arith.subf %mul3A_791, %mul3A_792 : vector<16xf32>
        %add3A_793 = arith.constant 9.99999974E-6 : f32
        %add3A_794 = vector.broadcast %add3A_793 : f32 to vector<16xf32>
        %add3A_795 = arith.addf %sub3A, %add3A_794 : vector<16xf32>
        %bitcast3A = vector.bitcast %add3A_795 : vector<16xf32> to vector<16xi32>
        %shift_right_arithmetic3A = arith.constant 1 : i32
        %shift_right_arithmetic3A_796 = vector.broadcast %shift_right_arithmetic3A : i32 to vector<16xi32>
        %shift_right_arithmetic3A_797 = arith.shrsi %bitcast3A, %shift_right_arithmetic3A_796 : vector<16xi32>
        %sub3A_798 = arith.constant 1597463007 : i32
        %sub3A_799 = vector.broadcast %sub3A_798 : i32 to vector<16xi32>
        %sub3A_800 = arith.subi %sub3A_799, %shift_right_arithmetic3A_797 : vector<16xi32>
        %bitcast3A_801 = vector.bitcast %sub3A_800 : vector<16xi32> to vector<16xf32>
        %mul3A_802 = arith.constant 5.000000e-01 : f32
        %mul3A_803 = vector.broadcast %mul3A_802 : f32 to vector<16xf32>
        %mul3A_804 = arith.mulf %mul3A_803, %add3A_795 : vector<16xf32>
        %mul3A_805 = arith.mulf %mul3A_804, %bitcast3A_801 : vector<16xf32>
        %mul3A_806 = arith.mulf %mul3A_805, %bitcast3A_801 : vector<16xf32>
        %sub3A_807 = arith.constant 1.500000e+00 : f32
        %sub3A_808 = vector.broadcast %sub3A_807 : f32 to vector<16xf32>
        %sub3A_809 = arith.subf %sub3A_808, %mul3A_806 : vector<16xf32>
        %mul3A_810 = arith.mulf %bitcast3A_801, %sub3A_809 : vector<16xf32>
        %mul3A_811 = arith.constant 5.000000e-01 : f32
        %mul3A_812 = vector.broadcast %mul3A_811 : f32 to vector<16xf32>
        %mul3A_813 = arith.mulf %mul3A_812, %add3A_795 : vector<16xf32>
        %mul3A_814 = arith.mulf %mul3A_813, %mul3A_810 : vector<16xf32>
        %mul3A_815 = arith.mulf %mul3A_814, %mul3A_810 : vector<16xf32>
        %sub3A_816 = arith.constant 1.500000e+00 : f32
        %sub3A_817 = vector.broadcast %sub3A_816 : f32 to vector<16xf32>
        %sub3A_818 = arith.subf %sub3A_817, %mul3A_815 : vector<16xf32>
        %mul3A_819 = arith.mulf %mul3A_810, %sub3A_818 : vector<16xf32>
        %mul3A_820 = arith.constant 5.000000e-01 : f32
        %mul3A_821 = vector.broadcast %mul3A_820 : f32 to vector<16xf32>
        %mul3A_822 = arith.mulf %mul3A_821, %add3A_795 : vector<16xf32>
        %mul3A_823 = arith.mulf %mul3A_822, %mul3A_819 : vector<16xf32>
        %mul3A_824 = arith.mulf %mul3A_823, %mul3A_819 : vector<16xf32>
        %sub3A_825 = arith.constant 1.500000e+00 : f32
        %sub3A_826 = vector.broadcast %sub3A_825 : f32 to vector<16xf32>
        %sub3A_827 = arith.subf %sub3A_826, %mul3A_824 : vector<16xf32>
        %mul3A_828 = arith.mulf %mul3A_819, %sub3A_827 : vector<16xf32>
        %slice3A = vector.extract_strided_slice %mul3A_788 {offsets = [0], sizes = [1], strides = [1]} : vector<16xf32> to vector<1xf32>
        %squeeze3A = vector.extract %slice3A[0] : f32 from vector<1xf32>
        %broadcast_in_dim3A = vector.broadcast %squeeze3A : f32 to vector<16xf32>
        %slice3A_829 = vector.extract_strided_slice %mul3A_828 {offsets = [0], sizes = [1], strides = [1]} : vector<16xf32> to vector<1xf32>
        %squeeze3A_830 = vector.extract %slice3A_829[0] : f32 from vector<1xf32>
        %broadcast_in_dim3A_831 = vector.broadcast %squeeze3A_830 : f32 to vector<16xf32>
        %add3A_832 = arith.constant 0 : i32
        %add3A_833 = arith.addi %mul3A_115, %add3A_832 : i32
        %get3A_834 = arith.index_cast %add3A_833 : i32 to index
        %get3A_835 = arith.constant 0 : index
        %get3A_836 = tpu.vector_load %arg9[%get3A_834, %get3A_835] {strides = array<i32>} : memref<256x64xf32, #tpu.memory_space<vmem>>, vector<16xf32>,
        %sub3A_837 = arith.subf %get3A_836, %broadcast_in_dim3A : vector<16xf32>
        %mul3A_838 = arith.mulf %broadcast_in_dim3A_831, %get3A_3 : vector<16xf32>
        %mul3A_839 = arith.mulf %sub3A_837, %mul3A_838 : vector<16xf32>
        %add3A_840 = arith.addf %mul3A_839, %get3A_11 : vector<16xf32>
        %add3A_841 = arith.constant 0 : i32
        %add3A_842 = arith.addi %mul3A_115, %add3A_841 : i32
        %swap3A = arith.index_cast %add3A_842 : i32 to index
        %swap3A_843 = arith.constant 0 : index
        %swap3A_844 = tpu.vector_load %arg11[%swap3A, %swap3A_843] {strides = array<i32>} : memref<256x64xf32, #tpu.memory_space<vmem>>, vector<16xf32>,
        tpu.vector_store %arg11[%swap3A, %swap3A_843], %add3A_840 {strides = array<i32>} : memref<256x64xf32, #tpu.memory_space<vmem>>, vector<16xf32>,
        %add3A_845 = arith.constant 0 : i32
        %add3A_846 = arith.addi %mul3A_115, %add3A_845 : i32
        %get3A_847 = arith.index_cast %add3A_846 : i32 to index
        %get3A_848 = arith.constant 16 : index
        %get3A_849 = tpu.vector_load %arg9[%get3A_847, %get3A_848] {strides = array<i32>} : memref<256x64xf32, #tpu.memory_space<vmem>>, vector<16xf32>,
        %sub3A_850 = arith.subf %get3A_849, %broadcast_in_dim3A : vector<16xf32>
        %mul3A_851 = arith.mulf %broadcast_in_dim3A_831, %get3A_5 : vector<16xf32>
        %mul3A_852 = arith.mulf %sub3A_850, %mul3A_851 : vector<16xf32>
        %add3A_853 = arith.addf %mul3A_852, %get3A_13 : vector<16xf32>
        %add3A_854 = arith.constant 0 : i32
        %add3A_855 = arith.addi %mul3A_115, %add3A_854 : i32
        %swap3A_856 = arith.index_cast %add3A_855 : i32 to index
        %swap3A_857 = arith.constant 16 : index
        %swap3A_858 = tpu.vector_load %arg11[%swap3A_856, %swap3A_857] {strides = array<i32>} : memref<256x64xf32, #tpu.memory_space<vmem>>, vector<16xf32>,
        tpu.vector_store %arg11[%swap3A_856, %swap3A_857], %add3A_853 {strides = array<i32>} : memref<256x64xf32, #tpu.memory_space<vmem>>, vector<16xf32>,
        %add3A_859 = arith.constant 0 : i32
        %add3A_860 = arith.addi %mul3A_115, %add3A_859 : i32
        %get3A_861 = arith.index_cast %add3A_860 : i32 to index
        %get3A_862 = arith.constant 32 : index
        %get3A_863 = tpu.vector_load %arg9[%get3A_861, %get3A_862] {strides = array<i32>} : memref<256x64xf32, #tpu.memory_space<vmem>>, vector<16xf32>,
        %sub3A_864 = arith.subf %get3A_863, %broadcast_in_dim3A : vector<16xf32>
        %mul3A_865 = arith.mulf %broadcast_in_dim3A_831, %get3A_7 : vector<16xf32>
        %mul3A_866 = arith.mulf %sub3A_864, %mul3A_865 : vector<16xf32>
        %add3A_867 = arith.addf %mul3A_866, %get3A_15 : vector<16xf32>
        %add3A_868 = arith.constant 0 : i32
        %add3A_869 = arith.addi %mul3A_115, %add3A_868 : i32
        %swap3A_870 = arith.index_cast %add3A_869 : i32 to index
        %swap3A_871 = arith.constant 32 : index
        %swap3A_872 = tpu.vector_load %arg11[%swap3A_870, %swap3A_871] {strides = array<i32>} : memref<256x64xf32, #tpu.memory_space<vmem>>, vector<16xf32>,
        tpu.vector_store %arg11[%swap3A_870, %swap3A_871], %add3A_867 {strides = array<i32>} : memref<256x64xf32, #tpu.memory_space<vmem>>, vector<16xf32>,
        %add3A_873 = arith.constant 0 : i32
        %add3A_874 = arith.addi %mul3A_115, %add3A_873 : i32
        %get3A_875 = arith.index_cast %add3A_874 : i32 to index
        %get3A_876 = arith.constant 48 : index
        %get3A_877 = tpu.vector_load %arg9[%get3A_875, %get3A_876] {strides = array<i32>} : memref<256x64xf32, #tpu.memory_space<vmem>>, vector<16xf32>,
        %sub3A_878 = arith.subf %get3A_877, %broadcast_in_dim3A : vector<16xf32>
        %mul3A_879 = arith.mulf %broadcast_in_dim3A_831, %get3A_9 : vector<16xf32>
        %mul3A_880 = arith.mulf %sub3A_878, %mul3A_879 : vector<16xf32>
        %add3A_881 = arith.addf %mul3A_880, %get3A_17 : vector<16xf32>
        %add3A_882 = arith.constant 0 : i32
        %add3A_883 = arith.addi %mul3A_115, %add3A_882 : i32
        %swap3A_884 = arith.index_cast %add3A_883 : i32 to index
        %swap3A_885 = arith.constant 48 : index
        %swap3A_886 = tpu.vector_load %arg11[%swap3A_884, %swap3A_885] {strides = array<i32>} : memref<256x64xf32, #tpu.memory_space<vmem>>, vector<16xf32>,
        tpu.vector_store %arg11[%swap3A_884, %swap3A_885], %add3A_881 {strides = array<i32>} : memref<256x64xf32, #tpu.memory_space<vmem>>, vector<16xf32>,
        %slice3A_887 = vector.extract_strided_slice %mul3A_788 {offsets = [1], sizes = [1], strides = [1]} : vector<16xf32> to vector<1xf32>
        %squeeze3A_888 = vector.extract %slice3A_887[0] : f32 from vector<1xf32>
        %broadcast_in_dim3A_889 = vector.broadcast %squeeze3A_888 : f32 to vector<16xf32>
        %slice3A_890 = vector.extract_strided_slice %mul3A_828 {offsets = [1], sizes = [1], strides = [1]} : vector<16xf32> to vector<1xf32>
        %squeeze3A_891 = vector.extract %slice3A_890[0] : f32 from vector<1xf32>
        %broadcast_in_dim3A_892 = vector.broadcast %squeeze3A_891 : f32 to vector<16xf32>
        %add3A_893 = arith.constant 1 : i32
        %add3A_894 = arith.addi %mul3A_115, %add3A_893 : i32
        %get3A_895 = arith.index_cast %add3A_894 : i32 to index
        %get3A_896 = arith.constant 0 : index
        %get3A_897 = tpu.vector_load %arg9[%get3A_895, %get3A_896] {strides = array<i32>} : memref<256x64xf32, #tpu.memory_space<vmem>>, vector<16xf32>,
        %sub3A_898 = arith.subf %get3A_897, %broadcast_in_dim3A_889 : vector<16xf32>
        %mul3A_899 = arith.mulf %broadcast_in_dim3A_892, %get3A_3 : vector<16xf32>
        %mul3A_900 = arith.mulf %sub3A_898, %mul3A_899 : vector<16xf32>
        %add3A_901 = arith.addf %mul3A_900, %get3A_11 : vector<16xf32>
        %add3A_902 = arith.constant 1 : i32
        %add3A_903 = arith.addi %mul3A_115, %add3A_902 : i32
        %swap3A_904 = arith.index_cast %add3A_903 : i32 to index
        %swap3A_905 = arith.constant 0 : index
        %swap3A_906 = tpu.vector_load %arg11[%swap3A_904, %swap3A_905] {strides = array<i32>} : memref<256x64xf32, #tpu.memory_space<vmem>>, vector<16xf32>,
        tpu.vector_store %arg11[%swap3A_904, %swap3A_905], %add3A_901 {strides = array<i32>} : memref<256x64xf32, #tpu.memory_space<vmem>>, vector<16xf32>,
        %add3A_907 = arith.constant 1 : i32
        %add3A_908 = arith.addi %mul3A_115, %add3A_907 : i32
        %get3A_909 = arith.index_cast %add3A_908 : i32 to index
        %get3A_910 = arith.constant 16 : index
        %get3A_911 = tpu.vector_load %arg9[%get3A_909, %get3A_910] {strides = array<i32>} : memref<256x64xf32, #tpu.memory_space<vmem>>, vector<16xf32>,
        %sub3A_912 = arith.subf %get3A_911, %broadcast_in_dim3A_889 : vector<16xf32>
        %mul3A_913 = arith.mulf %broadcast_in_dim3A_892, %get3A_5 : vector<16xf32>
        %mul3A_914 = arith.mulf %sub3A_912, %mul3A_913 : vector<16xf32>
        %add3A_915 = arith.addf %mul3A_914, %get3A_13 : vector<16xf32>
        %add3A_916 = arith.constant 1 : i32
        %add3A_917 = arith.addi %mul3A_115, %add3A_916 : i32
        %swap3A_918 = arith.index_cast %add3A_917 : i32 to index
        %swap3A_919 = arith.constant 16 : index
        %swap3A_920 = tpu.vector_load %arg11[%swap3A_918, %swap3A_919] {strides = array<i32>} : memref<256x64xf32, #tpu.memory_space<vmem>>, vector<16xf32>,
        tpu.vector_store %arg11[%swap3A_918, %swap3A_919], %add3A_915 {strides = array<i32>} : memref<256x64xf32, #tpu.memory_space<vmem>>, vector<16xf32>,
        %add3A_921 = arith.constant 1 : i32
        %add3A_922 = arith.addi %mul3A_115, %add3A_921 : i32
        %get3A_923 = arith.index_cast %add3A_922 : i32 to index
        %get3A_924 = arith.constant 32 : index
        %get3A_925 = tpu.vector_load %arg9[%get3A_923, %get3A_924] {strides = array<i32>} : memref<256x64xf32, #tpu.memory_space<vmem>>, vector<16xf32>,
        %sub3A_926 = arith.subf %get3A_925, %broadcast_in_dim3A_889 : vector<16xf32>
        %mul3A_927 = arith.mulf %broadcast_in_dim3A_892, %get3A_7 : vector<16xf32>
        %mul3A_928 = arith.mulf %sub3A_926, %mul3A_927 : vector<16xf32>
        %add3A_929 = arith.addf %mul3A_928, %get3A_15 : vector<16xf32>
        %add3A_930 = arith.constant 1 : i32
        %add3A_931 = arith.addi %mul3A_115, %add3A_930 : i32
        %swap3A_932 = arith.index_cast %add3A_931 : i32 to index
        %swap3A_933 = arith.constant 32 : index
        %swap3A_934 = tpu.vector_load %arg11[%swap3A_932, %swap3A_933] {strides = array<i32>} : memref<256x64xf32, #tpu.memory_space<vmem>>, vector<16xf32>,
        tpu.vector_store %arg11[%swap3A_932, %swap3A_933], %add3A_929 {strides = array<i32>} : memref<256x64xf32, #tpu.memory_space<vmem>>, vector<16xf32>,
        %add3A_935 = arith.constant 1 : i32
        %add3A_936 = arith.addi %mul3A_115, %add3A_935 : i32
        %get3A_937 = arith.index_cast %add3A_936 : i32 to index
        %get3A_938 = arith.constant 48 : index
        %get3A_939 = tpu.vector_load %arg9[%get3A_937, %get3A_938] {strides = array<i32>} : memref<256x64xf32, #tpu.memory_space<vmem>>, vector<16xf32>,
        %sub3A_940 = arith.subf %get3A_939, %broadcast_in_dim3A_889 : vector<16xf32>
        %mul3A_941 = arith.mulf %broadcast_in_dim3A_892, %get3A_9 : vector<16xf32>
        %mul3A_942 = arith.mulf %sub3A_940, %mul3A_941 : vector<16xf32>
        %add3A_943 = arith.addf %mul3A_942, %get3A_17 : vector<16xf32>
        %add3A_944 = arith.constant 1 : i32
        %add3A_945 = arith.addi %mul3A_115, %add3A_944 : i32
        %swap3A_946 = arith.index_cast %add3A_945 : i32 to index
        %swap3A_947 = arith.constant 48 : index
        %swap3A_948 = tpu.vector_load %arg11[%swap3A_946, %swap3A_947] {strides = array<i32>} : memref<256x64xf32, #tpu.memory_space<vmem>>, vector<16xf32>,
        tpu.vector_store %arg11[%swap3A_946, %swap3A_947], %add3A_943 {strides = array<i32>} : memref<256x64xf32, #tpu.memory_space<vmem>>, vector<16xf32>,
        %slice3A_949 = vector.extract_strided_slice %mul3A_788 {offsets = [2], sizes = [1], strides = [1]} : vector<16xf32> to vector<1xf32>
        %squeeze3A_950 = vector.extract %slice3A_949[0] : f32 from vector<1xf32>
        %broadcast_in_dim3A_951 = vector.broadcast %squeeze3A_950 : f32 to vector<16xf32>
        %slice3A_952 = vector.extract_strided_slice %mul3A_828 {offsets = [2], sizes = [1], strides = [1]} : vector<16xf32> to vector<1xf32>
        %squeeze3A_953 = vector.extract %slice3A_952[0] : f32 from vector<1xf32>
        %broadcast_in_dim3A_954 = vector.broadcast %squeeze3A_953 : f32 to vector<16xf32>
        %add3A_955 = arith.constant 2 : i32
        %add3A_956 = arith.addi %mul3A_115, %add3A_955 : i32
        %get3A_957 = arith.index_cast %add3A_956 : i32 to index
        %get3A_958 = arith.constant 0 : index
        %get3A_959 = tpu.vector_load %arg9[%get3A_957, %get3A_958] {strides = array<i32>} : memref<256x64xf32, #tpu.memory_space<vmem>>, vector<16xf32>,
        %sub3A_960 = arith.subf %get3A_959, %broadcast_in_dim3A_951 : vector<16xf32>
        %mul3A_961 = arith.mulf %broadcast_in_dim3A_954, %get3A_3 : vector<16xf32>
        %mul3A_962 = arith.mulf %sub3A_960, %mul3A_961 : vector<16xf32>
        %add3A_963 = arith.addf %mul3A_962, %get3A_11 : vector<16xf32>
        %add3A_964 = arith.constant 2 : i32
        %add3A_965 = arith.addi %mul3A_115, %add3A_964 : i32
        %swap3A_966 = arith.index_cast %add3A_965 : i32 to index
        %swap3A_967 = arith.constant 0 : index
        %swap3A_968 = tpu.vector_load %arg11[%swap3A_966, %swap3A_967] {strides = array<i32>} : memref<256x64xf32, #tpu.memory_space<vmem>>, vector<16xf32>,
        tpu.vector_store %arg11[%swap3A_966, %swap3A_967], %add3A_963 {strides = array<i32>} : memref<256x64xf32, #tpu.memory_space<vmem>>, vector<16xf32>,
        %add3A_969 = arith.constant 2 : i32
        %add3A_970 = arith.addi %mul3A_115, %add3A_969 : i32
        %get3A_971 = arith.index_cast %add3A_970 : i32 to index
        %get3A_972 = arith.constant 16 : index
        %get3A_973 = tpu.vector_load %arg9[%get3A_971, %get3A_972] {strides = array<i32>} : memref<256x64xf32, #tpu.memory_space<vmem>>, vector<16xf32>,
        %sub3A_974 = arith.subf %get3A_973, %broadcast_in_dim3A_951 : vector<16xf32>
        %mul3A_975 = arith.mulf %broadcast_in_dim3A_954, %get3A_5 : vector<16xf32>
        %mul3A_976 = arith.mulf %sub3A_974, %mul3A_975 : vector<16xf32>
        %add3A_977 = arith.addf %mul3A_976, %get3A_13 : vector<16xf32>
        %add3A_978 = arith.constant 2 : i32
        %add3A_979 = arith.addi %mul3A_115, %add3A_978 : i32
        %swap3A_980 = arith.index_cast %add3A_979 : i32 to index
        %swap3A_981 = arith.constant 16 : index
        %swap3A_982 = tpu.vector_load %arg11[%swap3A_980, %swap3A_981] {strides = array<i32>} : memref<256x64xf32, #tpu.memory_space<vmem>>, vector<16xf32>,
        tpu.vector_store %arg11[%swap3A_980, %swap3A_981], %add3A_977 {strides = array<i32>} : memref<256x64xf32, #tpu.memory_space<vmem>>, vector<16xf32>,
        %add3A_983 = arith.constant 2 : i32
        %add3A_984 = arith.addi %mul3A_115, %add3A_983 : i32
        %get3A_985 = arith.index_cast %add3A_984 : i32 to index
        %get3A_986 = arith.constant 32 : index
        %get3A_987 = tpu.vector_load %arg9[%get3A_985, %get3A_986] {strides = array<i32>} : memref<256x64xf32, #tpu.memory_space<vmem>>, vector<16xf32>,
        %sub3A_988 = arith.subf %get3A_987, %broadcast_in_dim3A_951 : vector<16xf32>
        %mul3A_989 = arith.mulf %broadcast_in_dim3A_954, %get3A_7 : vector<16xf32>
        %mul3A_990 = arith.mulf %sub3A_988, %mul3A_989 : vector<16xf32>
        %add3A_991 = arith.addf %mul3A_990, %get3A_15 : vector<16xf32>
        %add3A_992 = arith.constant 2 : i32
        %add3A_993 = arith.addi %mul3A_115, %add3A_992 : i32
        %swap3A_994 = arith.index_cast %add3A_993 : i32 to index
        %swap3A_995 = arith.constant 32 : index
        %swap3A_996 = tpu.vector_load %arg11[%swap3A_994, %swap3A_995] {strides = array<i32>} : memref<256x64xf32, #tpu.memory_space<vmem>>, vector<16xf32>,
        tpu.vector_store %arg11[%swap3A_994, %swap3A_995], %add3A_991 {strides = array<i32>} : memref<256x64xf32, #tpu.memory_space<vmem>>, vector<16xf32>,
        %add3A_997 = arith.constant 2 : i32
        %add3A_998 = arith.addi %mul3A_115, %add3A_997 : i32
        %get3A_999 = arith.index_cast %add3A_998 : i32 to index
        %get3A_1000 = arith.constant 48 : index
        %get3A_1001 = tpu.vector_load %arg9[%get3A_999, %get3A_1000] {strides = array<i32>} : memref<256x64xf32, #tpu.memory_space<vmem>>, vector<16xf32>,
        %sub3A_1002 = arith.subf %get3A_1001, %broadcast_in_dim3A_951 : vector<16xf32>
        %mul3A_1003 = arith.mulf %broadcast_in_dim3A_954, %get3A_9 : vector<16xf32>
        %mul3A_1004 = arith.mulf %sub3A_1002, %mul3A_1003 : vector<16xf32>
        %add3A_1005 = arith.addf %mul3A_1004, %get3A_17 : vector<16xf32>
        %add3A_1006 = arith.constant 2 : i32
        %add3A_1007 = arith.addi %mul3A_115, %add3A_1006 : i32
        %swap3A_1008 = arith.index_cast %add3A_1007 : i32 to index
        %swap3A_1009 = arith.constant 48 : index
        %swap3A_1010 = tpu.vector_load %arg11[%swap3A_1008, %swap3A_1009] {strides = array<i32>} : memref<256x64xf32, #tpu.memory_space<vmem>>, vector<16xf32>,
        tpu.vector_store %arg11[%swap3A_1008, %swap3A_1009], %add3A_1005 {strides = array<i32>} : memref<256x64xf32, #tpu.memory_space<vmem>>, vector<16xf32>,
        %slice3A_1011 = vector.extract_strided_slice %mul3A_788 {offsets = [3], sizes = [1], strides = [1]} : vector<16xf32> to vector<1xf32>
        %squeeze3A_1012 = vector.extract %slice3A_1011[0] : f32 from vector<1xf32>
        %broadcast_in_dim3A_1013 = vector.broadcast %squeeze3A_1012 : f32 to vector<16xf32>
        %slice3A_1014 = vector.extract_strided_slice %mul3A_828 {offsets = [3], sizes = [1], strides = [1]} : vector<16xf32> to vector<1xf32>
        %squeeze3A_1015 = vector.extract %slice3A_1014[0] : f32 from vector<1xf32>
        %broadcast_in_dim3A_1016 = vector.broadcast %squeeze3A_1015 : f32 to vector<16xf32>
        %add3A_1017 = arith.constant 3 : i32
        %add3A_1018 = arith.addi %mul3A_115, %add3A_1017 : i32
        %get3A_1019 = arith.index_cast %add3A_1018 : i32 to index
        %get3A_1020 = arith.constant 0 : index
        %get3A_1021 = tpu.vector_load %arg9[%get3A_1019, %get3A_1020] {strides = array<i32>} : memref<256x64xf32, #tpu.memory_space<vmem>>, vector<16xf32>,
        %sub3A_1022 = arith.subf %get3A_1021, %broadcast_in_dim3A_1013 : vector<16xf32>
        %mul3A_1023 = arith.mulf %broadcast_in_dim3A_1016, %get3A_3 : vector<16xf32>
        %mul3A_1024 = arith.mulf %sub3A_1022, %mul3A_1023 : vector<16xf32>
        %add3A_1025 = arith.addf %mul3A_1024, %get3A_11 : vector<16xf32>
        %add3A_1026 = arith.constant 3 : i32
        %add3A_1027 = arith.addi %mul3A_115, %add3A_1026 : i32
        %swap3A_1028 = arith.index_cast %add3A_1027 : i32 to index
        %swap3A_1029 = arith.constant 0 : index
        %swap3A_1030 = tpu.vector_load %arg11[%swap3A_1028, %swap3A_1029] {strides = array<i32>} : memref<256x64xf32, #tpu.memory_space<vmem>>, vector<16xf32>,
        tpu.vector_store %arg11[%swap3A_1028, %swap3A_1029], %add3A_1025 {strides = array<i32>} : memref<256x64xf32, #tpu.memory_space<vmem>>, vector<16xf32>,
        %add3A_1031 = arith.constant 3 : i32
        %add3A_1032 = arith.addi %mul3A_115, %add3A_1031 : i32
        %get3A_1033 = arith.index_cast %add3A_1032 : i32 to index
        %get3A_1034 = arith.constant 16 : index
        %get3A_1035 = tpu.vector_load %arg9[%get3A_1033, %get3A_1034] {strides = array<i32>} : memref<256x64xf32, #tpu.memory_space<vmem>>, vector<16xf32>,
        %sub3A_1036 = arith.subf %get3A_1035, %broadcast_in_dim3A_1013 : vector<16xf32>
        %mul3A_1037 = arith.mulf %broadcast_in_dim3A_1016, %get3A_5 : vector<16xf32>
        %mul3A_1038 = arith.mulf %sub3A_1036, %mul3A_1037 : vector<16xf32>
        %add3A_1039 = arith.addf %mul3A_1038, %get3A_13 : vector<16xf32>
        %add3A_1040 = arith.constant 3 : i32
        %add3A_1041 = arith.addi %mul3A_115, %add3A_1040 : i32
        %swap3A_1042 = arith.index_cast %add3A_1041 : i32 to index
        %swap3A_1043 = arith.constant 16 : index
        %swap3A_1044 = tpu.vector_load %arg11[%swap3A_1042, %swap3A_1043] {strides = array<i32>} : memref<256x64xf32, #tpu.memory_space<vmem>>, vector<16xf32>,
        tpu.vector_store %arg11[%swap3A_1042, %swap3A_1043], %add3A_1039 {strides = array<i32>} : memref<256x64xf32, #tpu.memory_space<vmem>>, vector<16xf32>,
        %add3A_1045 = arith.constant 3 : i32
        %add3A_1046 = arith.addi %mul3A_115, %add3A_1045 : i32
        %get3A_1047 = arith.index_cast %add3A_1046 : i32 to index
        %get3A_1048 = arith.constant 32 : index
        %get3A_1049 = tpu.vector_load %arg9[%get3A_1047, %get3A_1048] {strides = array<i32>} : memref<256x64xf32, #tpu.memory_space<vmem>>, vector<16xf32>,
        %sub3A_1050 = arith.subf %get3A_1049, %broadcast_in_dim3A_1013 : vector<16xf32>
        %mul3A_1051 = arith.mulf %broadcast_in_dim3A_1016, %get3A_7 : vector<16xf32>
        %mul3A_1052 = arith.mulf %sub3A_1050, %mul3A_1051 : vector<16xf32>
        %add3A_1053 = arith.addf %mul3A_1052, %get3A_15 : vector<16xf32>
        %add3A_1054 = arith.constant 3 : i32
        %add3A_1055 = arith.addi %mul3A_115, %add3A_1054 : i32
        %swap3A_1056 = arith.index_cast %add3A_1055 : i32 to index
        %swap3A_1057 = arith.constant 32 : index
        %swap3A_1058 = tpu.vector_load %arg11[%swap3A_1056, %swap3A_1057] {strides = array<i32>} : memref<256x64xf32, #tpu.memory_space<vmem>>, vector<16xf32>,
        tpu.vector_store %arg11[%swap3A_1056, %swap3A_1057], %add3A_1053 {strides = array<i32>} : memref<256x64xf32, #tpu.memory_space<vmem>>, vector<16xf32>,
        %add3A_1059 = arith.constant 3 : i32
        %add3A_1060 = arith.addi %mul3A_115, %add3A_1059 : i32
        %get3A_1061 = arith.index_cast %add3A_1060 : i32 to index
        %get3A_1062 = arith.constant 48 : index
        %get3A_1063 = tpu.vector_load %arg9[%get3A_1061, %get3A_1062] {strides = array<i32>} : memref<256x64xf32, #tpu.memory_space<vmem>>, vector<16xf32>,
        %sub3A_1064 = arith.subf %get3A_1063, %broadcast_in_dim3A_1013 : vector<16xf32>
        %mul3A_1065 = arith.mulf %broadcast_in_dim3A_1016, %get3A_9 : vector<16xf32>
        %mul3A_1066 = arith.mulf %sub3A_1064, %mul3A_1065 : vector<16xf32>
        %add3A_1067 = arith.addf %mul3A_1066, %get3A_17 : vector<16xf32>
        %add3A_1068 = arith.constant 3 : i32
        %add3A_1069 = arith.addi %mul3A_115, %add3A_1068 : i32
        %swap3A_1070 = arith.index_cast %add3A_1069 : i32 to index
        %swap3A_1071 = arith.constant 48 : index
        %swap3A_1072 = tpu.vector_load %arg11[%swap3A_1070, %swap3A_1071] {strides = array<i32>} : memref<256x64xf32, #tpu.memory_space<vmem>>, vector<16xf32>,
        tpu.vector_store %arg11[%swap3A_1070, %swap3A_1071], %add3A_1067 {strides = array<i32>} : memref<256x64xf32, #tpu.memory_space<vmem>>, vector<16xf32>,
        %slice3A_1073 = vector.extract_strided_slice %mul3A_788 {offsets = [4], sizes = [1], strides = [1]} : vector<16xf32> to vector<1xf32>
        %squeeze3A_1074 = vector.extract %slice3A_1073[0] : f32 from vector<1xf32>
        %broadcast_in_dim3A_1075 = vector.broadcast %squeeze3A_1074 : f32 to vector<16xf32>
        %slice3A_1076 = vector.extract_strided_slice %mul3A_828 {offsets = [4], sizes = [1], strides = [1]} : vector<16xf32> to vector<1xf32>
        %squeeze3A_1077 = vector.extract %slice3A_1076[0] : f32 from vector<1xf32>
        %broadcast_in_dim3A_1078 = vector.broadcast %squeeze3A_1077 : f32 to vector<16xf32>
        %add3A_1079 = arith.constant 4 : i32
        %add3A_1080 = arith.addi %mul3A_115, %add3A_1079 : i32
        %get3A_1081 = arith.index_cast %add3A_1080 : i32 to index
        %get3A_1082 = arith.constant 0 : index
        %get3A_1083 = tpu.vector_load %arg9[%get3A_1081, %get3A_1082] {strides = array<i32>} : memref<256x64xf32, #tpu.memory_space<vmem>>, vector<16xf32>,
        %sub3A_1084 = arith.subf %get3A_1083, %broadcast_in_dim3A_1075 : vector<16xf32>
        %mul3A_1085 = arith.mulf %broadcast_in_dim3A_1078, %get3A_3 : vector<16xf32>
        %mul3A_1086 = arith.mulf %sub3A_1084, %mul3A_1085 : vector<16xf32>
        %add3A_1087 = arith.addf %mul3A_1086, %get3A_11 : vector<16xf32>
        %add3A_1088 = arith.constant 4 : i32
        %add3A_1089 = arith.addi %mul3A_115, %add3A_1088 : i32
        %swap3A_1090 = arith.index_cast %add3A_1089 : i32 to index
        %swap3A_1091 = arith.constant 0 : index
        %swap3A_1092 = tpu.vector_load %arg11[%swap3A_1090, %swap3A_1091] {strides = array<i32>} : memref<256x64xf32, #tpu.memory_space<vmem>>, vector<16xf32>,
        tpu.vector_store %arg11[%swap3A_1090, %swap3A_1091], %add3A_1087 {strides = array<i32>} : memref<256x64xf32, #tpu.memory_space<vmem>>, vector<16xf32>,
        %add3A_1093 = arith.constant 4 : i32
        %add3A_1094 = arith.addi %mul3A_115, %add3A_1093 : i32
        %get3A_1095 = arith.index_cast %add3A_1094 : i32 to index
        %get3A_1096 = arith.constant 16 : index
        %get3A_1097 = tpu.vector_load %arg9[%get3A_1095, %get3A_1096] {strides = array<i32>} : memref<256x64xf32, #tpu.memory_space<vmem>>, vector<16xf32>,
        %sub3A_1098 = arith.subf %get3A_1097, %broadcast_in_dim3A_1075 : vector<16xf32>
        %mul3A_1099 = arith.mulf %broadcast_in_dim3A_1078, %get3A_5 : vector<16xf32>
        %mul3A_1100 = arith.mulf %sub3A_1098, %mul3A_1099 : vector<16xf32>
        %add3A_1101 = arith.addf %mul3A_1100, %get3A_13 : vector<16xf32>
        %add3A_1102 = arith.constant 4 : i32
        %add3A_1103 = arith.addi %mul3A_115, %add3A_1102 : i32
        %swap3A_1104 = arith.index_cast %add3A_1103 : i32 to index
        %swap3A_1105 = arith.constant 16 : index
        %swap3A_1106 = tpu.vector_load %arg11[%swap3A_1104, %swap3A_1105] {strides = array<i32>} : memref<256x64xf32, #tpu.memory_space<vmem>>, vector<16xf32>,
        tpu.vector_store %arg11[%swap3A_1104, %swap3A_1105], %add3A_1101 {strides = array<i32>} : memref<256x64xf32, #tpu.memory_space<vmem>>, vector<16xf32>,
        %add3A_1107 = arith.constant 4 : i32
        %add3A_1108 = arith.addi %mul3A_115, %add3A_1107 : i32
        %get3A_1109 = arith.index_cast %add3A_1108 : i32 to index
        %get3A_1110 = arith.constant 32 : index
        %get3A_1111 = tpu.vector_load %arg9[%get3A_1109, %get3A_1110] {strides = array<i32>} : memref<256x64xf32, #tpu.memory_space<vmem>>, vector<16xf32>,
        %sub3A_1112 = arith.subf %get3A_1111, %broadcast_in_dim3A_1075 : vector<16xf32>
        %mul3A_1113 = arith.mulf %broadcast_in_dim3A_1078, %get3A_7 : vector<16xf32>
        %mul3A_1114 = arith.mulf %sub3A_1112, %mul3A_1113 : vector<16xf32>
        %add3A_1115 = arith.addf %mul3A_1114, %get3A_15 : vector<16xf32>
        %add3A_1116 = arith.constant 4 : i32
        %add3A_1117 = arith.addi %mul3A_115, %add3A_1116 : i32
        %swap3A_1118 = arith.index_cast %add3A_1117 : i32 to index
        %swap3A_1119 = arith.constant 32 : index
        %swap3A_1120 = tpu.vector_load %arg11[%swap3A_1118, %swap3A_1119] {strides = array<i32>} : memref<256x64xf32, #tpu.memory_space<vmem>>, vector<16xf32>,
        tpu.vector_store %arg11[%swap3A_1118, %swap3A_1119], %add3A_1115 {strides = array<i32>} : memref<256x64xf32, #tpu.memory_space<vmem>>, vector<16xf32>,
        %add3A_1121 = arith.constant 4 : i32
        %add3A_1122 = arith.addi %mul3A_115, %add3A_1121 : i32
        %get3A_1123 = arith.index_cast %add3A_1122 : i32 to index
        %get3A_1124 = arith.constant 48 : index
        %get3A_1125 = tpu.vector_load %arg9[%get3A_1123, %get3A_1124] {strides = array<i32>} : memref<256x64xf32, #tpu.memory_space<vmem>>, vector<16xf32>,
        %sub3A_1126 = arith.subf %get3A_1125, %broadcast_in_dim3A_1075 : vector<16xf32>
        %mul3A_1127 = arith.mulf %broadcast_in_dim3A_1078, %get3A_9 : vector<16xf32>
        %mul3A_1128 = arith.mulf %sub3A_1126, %mul3A_1127 : vector<16xf32>
        %add3A_1129 = arith.addf %mul3A_1128, %get3A_17 : vector<16xf32>
        %add3A_1130 = arith.constant 4 : i32
        %add3A_1131 = arith.addi %mul3A_115, %add3A_1130 : i32
        %swap3A_1132 = arith.index_cast %add3A_1131 : i32 to index
        %swap3A_1133 = arith.constant 48 : index
        %swap3A_1134 = tpu.vector_load %arg11[%swap3A_1132, %swap3A_1133] {strides = array<i32>} : memref<256x64xf32, #tpu.memory_space<vmem>>, vector<16xf32>,
        tpu.vector_store %arg11[%swap3A_1132, %swap3A_1133], %add3A_1129 {strides = array<i32>} : memref<256x64xf32, #tpu.memory_space<vmem>>, vector<16xf32>,
        %slice3A_1135 = vector.extract_strided_slice %mul3A_788 {offsets = [5], sizes = [1], strides = [1]} : vector<16xf32> to vector<1xf32>
        %squeeze3A_1136 = vector.extract %slice3A_1135[0] : f32 from vector<1xf32>
        %broadcast_in_dim3A_1137 = vector.broadcast %squeeze3A_1136 : f32 to vector<16xf32>
        %slice3A_1138 = vector.extract_strided_slice %mul3A_828 {offsets = [5], sizes = [1], strides = [1]} : vector<16xf32> to vector<1xf32>
        %squeeze3A_1139 = vector.extract %slice3A_1138[0] : f32 from vector<1xf32>
        %broadcast_in_dim3A_1140 = vector.broadcast %squeeze3A_1139 : f32 to vector<16xf32>
        %add3A_1141 = arith.constant 5 : i32
        %add3A_1142 = arith.addi %mul3A_115, %add3A_1141 : i32
        %get3A_1143 = arith.index_cast %add3A_1142 : i32 to index
        %get3A_1144 = arith.constant 0 : index
        %get3A_1145 = tpu.vector_load %arg9[%get3A_1143, %get3A_1144] {strides = array<i32>} : memref<256x64xf32, #tpu.memory_space<vmem>>, vector<16xf32>,
        %sub3A_1146 = arith.subf %get3A_1145, %broadcast_in_dim3A_1137 : vector<16xf32>
        %mul3A_1147 = arith.mulf %broadcast_in_dim3A_1140, %get3A_3 : vector<16xf32>
        %mul3A_1148 = arith.mulf %sub3A_1146, %mul3A_1147 : vector<16xf32>
        %add3A_1149 = arith.addf %mul3A_1148, %get3A_11 : vector<16xf32>
        %add3A_1150 = arith.constant 5 : i32
        %add3A_1151 = arith.addi %mul3A_115, %add3A_1150 : i32
        %swap3A_1152 = arith.index_cast %add3A_1151 : i32 to index
        %swap3A_1153 = arith.constant 0 : index
        %swap3A_1154 = tpu.vector_load %arg11[%swap3A_1152, %swap3A_1153] {strides = array<i32>} : memref<256x64xf32, #tpu.memory_space<vmem>>, vector<16xf32>,
        tpu.vector_store %arg11[%swap3A_1152, %swap3A_1153], %add3A_1149 {strides = array<i32>} : memref<256x64xf32, #tpu.memory_space<vmem>>, vector<16xf32>,
        %add3A_1155 = arith.constant 5 : i32
        %add3A_1156 = arith.addi %mul3A_115, %add3A_1155 : i32
        %get3A_1157 = arith.index_cast %add3A_1156 : i32 to index
        %get3A_1158 = arith.constant 16 : index
        %get3A_1159 = tpu.vector_load %arg9[%get3A_1157, %get3A_1158] {strides = array<i32>} : memref<256x64xf32, #tpu.memory_space<vmem>>, vector<16xf32>,
        %sub3A_1160 = arith.subf %get3A_1159, %broadcast_in_dim3A_1137 : vector<16xf32>
        %mul3A_1161 = arith.mulf %broadcast_in_dim3A_1140, %get3A_5 : vector<16xf32>
        %mul3A_1162 = arith.mulf %sub3A_1160, %mul3A_1161 : vector<16xf32>
        %add3A_1163 = arith.addf %mul3A_1162, %get3A_13 : vector<16xf32>
        %add3A_1164 = arith.constant 5 : i32
        %add3A_1165 = arith.addi %mul3A_115, %add3A_1164 : i32
        %swap3A_1166 = arith.index_cast %add3A_1165 : i32 to index
        %swap3A_1167 = arith.constant 16 : index
        %swap3A_1168 = tpu.vector_load %arg11[%swap3A_1166, %swap3A_1167] {strides = array<i32>} : memref<256x64xf32, #tpu.memory_space<vmem>>, vector<16xf32>,
        tpu.vector_store %arg11[%swap3A_1166, %swap3A_1167], %add3A_1163 {strides = array<i32>} : memref<256x64xf32, #tpu.memory_space<vmem>>, vector<16xf32>,
        %add3A_1169 = arith.constant 5 : i32
        %add3A_1170 = arith.addi %mul3A_115, %add3A_1169 : i32
        %get3A_1171 = arith.index_cast %add3A_1170 : i32 to index
        %get3A_1172 = arith.constant 32 : index
        %get3A_1173 = tpu.vector_load %arg9[%get3A_1171, %get3A_1172] {strides = array<i32>} : memref<256x64xf32, #tpu.memory_space<vmem>>, vector<16xf32>,
        %sub3A_1174 = arith.subf %get3A_1173, %broadcast_in_dim3A_1137 : vector<16xf32>
        %mul3A_1175 = arith.mulf %broadcast_in_dim3A_1140, %get3A_7 : vector<16xf32>
        %mul3A_1176 = arith.mulf %sub3A_1174, %mul3A_1175 : vector<16xf32>
        %add3A_1177 = arith.addf %mul3A_1176, %get3A_15 : vector<16xf32>
        %add3A_1178 = arith.constant 5 : i32
        %add3A_1179 = arith.addi %mul3A_115, %add3A_1178 : i32
        %swap3A_1180 = arith.index_cast %add3A_1179 : i32 to index
        %swap3A_1181 = arith.constant 32 : index
        %swap3A_1182 = tpu.vector_load %arg11[%swap3A_1180, %swap3A_1181] {strides = array<i32>} : memref<256x64xf32, #tpu.memory_space<vmem>>, vector<16xf32>,
        tpu.vector_store %arg11[%swap3A_1180, %swap3A_1181], %add3A_1177 {strides = array<i32>} : memref<256x64xf32, #tpu.memory_space<vmem>>, vector<16xf32>,
        %add3A_1183 = arith.constant 5 : i32
        %add3A_1184 = arith.addi %mul3A_115, %add3A_1183 : i32
        %get3A_1185 = arith.index_cast %add3A_1184 : i32 to index
        %get3A_1186 = arith.constant 48 : index
        %get3A_1187 = tpu.vector_load %arg9[%get3A_1185, %get3A_1186] {strides = array<i32>} : memref<256x64xf32, #tpu.memory_space<vmem>>, vector<16xf32>,
        %sub3A_1188 = arith.subf %get3A_1187, %broadcast_in_dim3A_1137 : vector<16xf32>
        %mul3A_1189 = arith.mulf %broadcast_in_dim3A_1140, %get3A_9 : vector<16xf32>
        %mul3A_1190 = arith.mulf %sub3A_1188, %mul3A_1189 : vector<16xf32>
        %add3A_1191 = arith.addf %mul3A_1190, %get3A_17 : vector<16xf32>
        %add3A_1192 = arith.constant 5 : i32
        %add3A_1193 = arith.addi %mul3A_115, %add3A_1192 : i32
        %swap3A_1194 = arith.index_cast %add3A_1193 : i32 to index
        %swap3A_1195 = arith.constant 48 : index
        %swap3A_1196 = tpu.vector_load %arg11[%swap3A_1194, %swap3A_1195] {strides = array<i32>} : memref<256x64xf32, #tpu.memory_space<vmem>>, vector<16xf32>,
        tpu.vector_store %arg11[%swap3A_1194, %swap3A_1195], %add3A_1191 {strides = array<i32>} : memref<256x64xf32, #tpu.memory_space<vmem>>, vector<16xf32>,
        %slice3A_1197 = vector.extract_strided_slice %mul3A_788 {offsets = [6], sizes = [1], strides = [1]} : vector<16xf32> to vector<1xf32>
        %squeeze3A_1198 = vector.extract %slice3A_1197[0] : f32 from vector<1xf32>
        %broadcast_in_dim3A_1199 = vector.broadcast %squeeze3A_1198 : f32 to vector<16xf32>
        %slice3A_1200 = vector.extract_strided_slice %mul3A_828 {offsets = [6], sizes = [1], strides = [1]} : vector<16xf32> to vector<1xf32>
        %squeeze3A_1201 = vector.extract %slice3A_1200[0] : f32 from vector<1xf32>
        %broadcast_in_dim3A_1202 = vector.broadcast %squeeze3A_1201 : f32 to vector<16xf32>
        %add3A_1203 = arith.constant 6 : i32
        %add3A_1204 = arith.addi %mul3A_115, %add3A_1203 : i32
        %get3A_1205 = arith.index_cast %add3A_1204 : i32 to index
        %get3A_1206 = arith.constant 0 : index
        %get3A_1207 = tpu.vector_load %arg9[%get3A_1205, %get3A_1206] {strides = array<i32>} : memref<256x64xf32, #tpu.memory_space<vmem>>, vector<16xf32>,
        %sub3A_1208 = arith.subf %get3A_1207, %broadcast_in_dim3A_1199 : vector<16xf32>
        %mul3A_1209 = arith.mulf %broadcast_in_dim3A_1202, %get3A_3 : vector<16xf32>
        %mul3A_1210 = arith.mulf %sub3A_1208, %mul3A_1209 : vector<16xf32>
        %add3A_1211 = arith.addf %mul3A_1210, %get3A_11 : vector<16xf32>
        %add3A_1212 = arith.constant 6 : i32
        %add3A_1213 = arith.addi %mul3A_115, %add3A_1212 : i32
        %swap3A_1214 = arith.index_cast %add3A_1213 : i32 to index
        %swap3A_1215 = arith.constant 0 : index
        %swap3A_1216 = tpu.vector_load %arg11[%swap3A_1214, %swap3A_1215] {strides = array<i32>} : memref<256x64xf32, #tpu.memory_space<vmem>>, vector<16xf32>,
        tpu.vector_store %arg11[%swap3A_1214, %swap3A_1215], %add3A_1211 {strides = array<i32>} : memref<256x64xf32, #tpu.memory_space<vmem>>, vector<16xf32>,
        %add3A_1217 = arith.constant 6 : i32
        %add3A_1218 = arith.addi %mul3A_115, %add3A_1217 : i32
        %get3A_1219 = arith.index_cast %add3A_1218 : i32 to index
        %get3A_1220 = arith.constant 16 : index
        %get3A_1221 = tpu.vector_load %arg9[%get3A_1219, %get3A_1220] {strides = array<i32>} : memref<256x64xf32, #tpu.memory_space<vmem>>, vector<16xf32>,
        %sub3A_1222 = arith.subf %get3A_1221, %broadcast_in_dim3A_1199 : vector<16xf32>
        %mul3A_1223 = arith.mulf %broadcast_in_dim3A_1202, %get3A_5 : vector<16xf32>
        %mul3A_1224 = arith.mulf %sub3A_1222, %mul3A_1223 : vector<16xf32>
        %add3A_1225 = arith.addf %mul3A_1224, %get3A_13 : vector<16xf32>
        %add3A_1226 = arith.constant 6 : i32
        %add3A_1227 = arith.addi %mul3A_115, %add3A_1226 : i32
        %swap3A_1228 = arith.index_cast %add3A_1227 : i32 to index
        %swap3A_1229 = arith.constant 16 : index
        %swap3A_1230 = tpu.vector_load %arg11[%swap3A_1228, %swap3A_1229] {strides = array<i32>} : memref<256x64xf32, #tpu.memory_space<vmem>>, vector<16xf32>,
        tpu.vector_store %arg11[%swap3A_1228, %swap3A_1229], %add3A_1225 {strides = array<i32>} : memref<256x64xf32, #tpu.memory_space<vmem>>, vector<16xf32>,
        %add3A_1231 = arith.constant 6 : i32
        %add3A_1232 = arith.addi %mul3A_115, %add3A_1231 : i32
        %get3A_1233 = arith.index_cast %add3A_1232 : i32 to index
        %get3A_1234 = arith.constant 32 : index
        %get3A_1235 = tpu.vector_load %arg9[%get3A_1233, %get3A_1234] {strides = array<i32>} : memref<256x64xf32, #tpu.memory_space<vmem>>, vector<16xf32>,
        %sub3A_1236 = arith.subf %get3A_1235, %broadcast_in_dim3A_1199 : vector<16xf32>
        %mul3A_1237 = arith.mulf %broadcast_in_dim3A_1202, %get3A_7 : vector<16xf32>
        %mul3A_1238 = arith.mulf %sub3A_1236, %mul3A_1237 : vector<16xf32>
        %add3A_1239 = arith.addf %mul3A_1238, %get3A_15 : vector<16xf32>
        %add3A_1240 = arith.constant 6 : i32
        %add3A_1241 = arith.addi %mul3A_115, %add3A_1240 : i32
        %swap3A_1242 = arith.index_cast %add3A_1241 : i32 to index
        %swap3A_1243 = arith.constant 32 : index
        %swap3A_1244 = tpu.vector_load %arg11[%swap3A_1242, %swap3A_1243] {strides = array<i32>} : memref<256x64xf32, #tpu.memory_space<vmem>>, vector<16xf32>,
        tpu.vector_store %arg11[%swap3A_1242, %swap3A_1243], %add3A_1239 {strides = array<i32>} : memref<256x64xf32, #tpu.memory_space<vmem>>, vector<16xf32>,
        %add3A_1245 = arith.constant 6 : i32
        %add3A_1246 = arith.addi %mul3A_115, %add3A_1245 : i32
        %get3A_1247 = arith.index_cast %add3A_1246 : i32 to index
        %get3A_1248 = arith.constant 48 : index
        %get3A_1249 = tpu.vector_load %arg9[%get3A_1247, %get3A_1248] {strides = array<i32>} : memref<256x64xf32, #tpu.memory_space<vmem>>, vector<16xf32>,
        %sub3A_1250 = arith.subf %get3A_1249, %broadcast_in_dim3A_1199 : vector<16xf32>
        %mul3A_1251 = arith.mulf %broadcast_in_dim3A_1202, %get3A_9 : vector<16xf32>
        %mul3A_1252 = arith.mulf %sub3A_1250, %mul3A_1251 : vector<16xf32>
        %add3A_1253 = arith.addf %mul3A_1252, %get3A_17 : vector<16xf32>
        %add3A_1254 = arith.constant 6 : i32
        %add3A_1255 = arith.addi %mul3A_115, %add3A_1254 : i32
        %swap3A_1256 = arith.index_cast %add3A_1255 : i32 to index
        %swap3A_1257 = arith.constant 48 : index
        %swap3A_1258 = tpu.vector_load %arg11[%swap3A_1256, %swap3A_1257] {strides = array<i32>} : memref<256x64xf32, #tpu.memory_space<vmem>>, vector<16xf32>,
        tpu.vector_store %arg11[%swap3A_1256, %swap3A_1257], %add3A_1253 {strides = array<i32>} : memref<256x64xf32, #tpu.memory_space<vmem>>, vector<16xf32>,
        %slice3A_1259 = vector.extract_strided_slice %mul3A_788 {offsets = [7], sizes = [1], strides = [1]} : vector<16xf32> to vector<1xf32>
        %squeeze3A_1260 = vector.extract %slice3A_1259[0] : f32 from vector<1xf32>
        %broadcast_in_dim3A_1261 = vector.broadcast %squeeze3A_1260 : f32 to vector<16xf32>
        %slice3A_1262 = vector.extract_strided_slice %mul3A_828 {offsets = [7], sizes = [1], strides = [1]} : vector<16xf32> to vector<1xf32>
        %squeeze3A_1263 = vector.extract %slice3A_1262[0] : f32 from vector<1xf32>
        %broadcast_in_dim3A_1264 = vector.broadcast %squeeze3A_1263 : f32 to vector<16xf32>
        %add3A_1265 = arith.constant 7 : i32
        %add3A_1266 = arith.addi %mul3A_115, %add3A_1265 : i32
        %get3A_1267 = arith.index_cast %add3A_1266 : i32 to index
        %get3A_1268 = arith.constant 0 : index
        %get3A_1269 = tpu.vector_load %arg9[%get3A_1267, %get3A_1268] {strides = array<i32>} : memref<256x64xf32, #tpu.memory_space<vmem>>, vector<16xf32>,
        %sub3A_1270 = arith.subf %get3A_1269, %broadcast_in_dim3A_1261 : vector<16xf32>
        %mul3A_1271 = arith.mulf %broadcast_in_dim3A_1264, %get3A_3 : vector<16xf32>
        %mul3A_1272 = arith.mulf %sub3A_1270, %mul3A_1271 : vector<16xf32>
        %add3A_1273 = arith.addf %mul3A_1272, %get3A_11 : vector<16xf32>
        %add3A_1274 = arith.constant 7 : i32
        %add3A_1275 = arith.addi %mul3A_115, %add3A_1274 : i32
        %swap3A_1276 = arith.index_cast %add3A_1275 : i32 to index
        %swap3A_1277 = arith.constant 0 : index
        %swap3A_1278 = tpu.vector_load %arg11[%swap3A_1276, %swap3A_1277] {strides = array<i32>} : memref<256x64xf32, #tpu.memory_space<vmem>>, vector<16xf32>,
        tpu.vector_store %arg11[%swap3A_1276, %swap3A_1277], %add3A_1273 {strides = array<i32>} : memref<256x64xf32, #tpu.memory_space<vmem>>, vector<16xf32>,
        %add3A_1279 = arith.constant 7 : i32
        %add3A_1280 = arith.addi %mul3A_115, %add3A_1279 : i32
        %get3A_1281 = arith.index_cast %add3A_1280 : i32 to index
        %get3A_1282 = arith.constant 16 : index
        %get3A_1283 = tpu.vector_load %arg9[%get3A_1281, %get3A_1282] {strides = array<i32>} : memref<256x64xf32, #tpu.memory_space<vmem>>, vector<16xf32>,
        %sub3A_1284 = arith.subf %get3A_1283, %broadcast_in_dim3A_1261 : vector<16xf32>
        %mul3A_1285 = arith.mulf %broadcast_in_dim3A_1264, %get3A_5 : vector<16xf32>
        %mul3A_1286 = arith.mulf %sub3A_1284, %mul3A_1285 : vector<16xf32>
        %add3A_1287 = arith.addf %mul3A_1286, %get3A_13 : vector<16xf32>
        %add3A_1288 = arith.constant 7 : i32
        %add3A_1289 = arith.addi %mul3A_115, %add3A_1288 : i32
        %swap3A_1290 = arith.index_cast %add3A_1289 : i32 to index
        %swap3A_1291 = arith.constant 16 : index
        %swap3A_1292 = tpu.vector_load %arg11[%swap3A_1290, %swap3A_1291] {strides = array<i32>} : memref<256x64xf32, #tpu.memory_space<vmem>>, vector<16xf32>,
        tpu.vector_store %arg11[%swap3A_1290, %swap3A_1291], %add3A_1287 {strides = array<i32>} : memref<256x64xf32, #tpu.memory_space<vmem>>, vector<16xf32>,
        %add3A_1293 = arith.constant 7 : i32
        %add3A_1294 = arith.addi %mul3A_115, %add3A_1293 : i32
        %get3A_1295 = arith.index_cast %add3A_1294 : i32 to index
        %get3A_1296 = arith.constant 32 : index
        %get3A_1297 = tpu.vector_load %arg9[%get3A_1295, %get3A_1296] {strides = array<i32>} : memref<256x64xf32, #tpu.memory_space<vmem>>, vector<16xf32>,
        %sub3A_1298 = arith.subf %get3A_1297, %broadcast_in_dim3A_1261 : vector<16xf32>
        %mul3A_1299 = arith.mulf %broadcast_in_dim3A_1264, %get3A_7 : vector<16xf32>
        %mul3A_1300 = arith.mulf %sub3A_1298, %mul3A_1299 : vector<16xf32>
        %add3A_1301 = arith.addf %mul3A_1300, %get3A_15 : vector<16xf32>
        %add3A_1302 = arith.constant 7 : i32
        %add3A_1303 = arith.addi %mul3A_115, %add3A_1302 : i32
        %swap3A_1304 = arith.index_cast %add3A_1303 : i32 to index
        %swap3A_1305 = arith.constant 32 : index
        %swap3A_1306 = tpu.vector_load %arg11[%swap3A_1304, %swap3A_1305] {strides = array<i32>} : memref<256x64xf32, #tpu.memory_space<vmem>>, vector<16xf32>,
        tpu.vector_store %arg11[%swap3A_1304, %swap3A_1305], %add3A_1301 {strides = array<i32>} : memref<256x64xf32, #tpu.memory_space<vmem>>, vector<16xf32>,
        %add3A_1307 = arith.constant 7 : i32
        %add3A_1308 = arith.addi %mul3A_115, %add3A_1307 : i32
        %get3A_1309 = arith.index_cast %add3A_1308 : i32 to index
        %get3A_1310 = arith.constant 48 : index
        %get3A_1311 = tpu.vector_load %arg9[%get3A_1309, %get3A_1310] {strides = array<i32>} : memref<256x64xf32, #tpu.memory_space<vmem>>, vector<16xf32>,
        %sub3A_1312 = arith.subf %get3A_1311, %broadcast_in_dim3A_1261 : vector<16xf32>
        %mul3A_1313 = arith.mulf %broadcast_in_dim3A_1264, %get3A_9 : vector<16xf32>
        %mul3A_1314 = arith.mulf %sub3A_1312, %mul3A_1313 : vector<16xf32>
        %add3A_1315 = arith.addf %mul3A_1314, %get3A_17 : vector<16xf32>
        %add3A_1316 = arith.constant 7 : i32
        %add3A_1317 = arith.addi %mul3A_115, %add3A_1316 : i32
        %swap3A_1318 = arith.index_cast %add3A_1317 : i32 to index
        %swap3A_1319 = arith.constant 48 : index
        %swap3A_1320 = tpu.vector_load %arg11[%swap3A_1318, %swap3A_1319] {strides = array<i32>} : memref<256x64xf32, #tpu.memory_space<vmem>>, vector<16xf32>,
        tpu.vector_store %arg11[%swap3A_1318, %swap3A_1319], %add3A_1315 {strides = array<i32>} : memref<256x64xf32, #tpu.memory_space<vmem>>, vector<16xf32>,
        %slice3A_1321 = vector.extract_strided_slice %mul3A_788 {offsets = [8], sizes = [1], strides = [1]} : vector<16xf32> to vector<1xf32>
        %squeeze3A_1322 = vector.extract %slice3A_1321[0] : f32 from vector<1xf32>
        %broadcast_in_dim3A_1323 = vector.broadcast %squeeze3A_1322 : f32 to vector<16xf32>
        %slice3A_1324 = vector.extract_strided_slice %mul3A_828 {offsets = [8], sizes = [1], strides = [1]} : vector<16xf32> to vector<1xf32>
        %squeeze3A_1325 = vector.extract %slice3A_1324[0] : f32 from vector<1xf32>
        %broadcast_in_dim3A_1326 = vector.broadcast %squeeze3A_1325 : f32 to vector<16xf32>
        %add3A_1327 = arith.constant 8 : i32
        %add3A_1328 = arith.addi %mul3A_115, %add3A_1327 : i32
        %get3A_1329 = arith.index_cast %add3A_1328 : i32 to index
        %get3A_1330 = arith.constant 0 : index
        %get3A_1331 = tpu.vector_load %arg9[%get3A_1329, %get3A_1330] {strides = array<i32>} : memref<256x64xf32, #tpu.memory_space<vmem>>, vector<16xf32>,
        %sub3A_1332 = arith.subf %get3A_1331, %broadcast_in_dim3A_1323 : vector<16xf32>
        %mul3A_1333 = arith.mulf %broadcast_in_dim3A_1326, %get3A_3 : vector<16xf32>
        %mul3A_1334 = arith.mulf %sub3A_1332, %mul3A_1333 : vector<16xf32>
        %add3A_1335 = arith.addf %mul3A_1334, %get3A_11 : vector<16xf32>
        %add3A_1336 = arith.constant 8 : i32
        %add3A_1337 = arith.addi %mul3A_115, %add3A_1336 : i32
        %swap3A_1338 = arith.index_cast %add3A_1337 : i32 to index
        %swap3A_1339 = arith.constant 0 : index
        %swap3A_1340 = tpu.vector_load %arg11[%swap3A_1338, %swap3A_1339] {strides = array<i32>} : memref<256x64xf32, #tpu.memory_space<vmem>>, vector<16xf32>,
        tpu.vector_store %arg11[%swap3A_1338, %swap3A_1339], %add3A_1335 {strides = array<i32>} : memref<256x64xf32, #tpu.memory_space<vmem>>, vector<16xf32>,
        %add3A_1341 = arith.constant 8 : i32
        %add3A_1342 = arith.addi %mul3A_115, %add3A_1341 : i32
        %get3A_1343 = arith.index_cast %add3A_1342 : i32 to index
        %get3A_1344 = arith.constant 16 : index
        %get3A_1345 = tpu.vector_load %arg9[%get3A_1343, %get3A_1344] {strides = array<i32>} : memref<256x64xf32, #tpu.memory_space<vmem>>, vector<16xf32>,
        %sub3A_1346 = arith.subf %get3A_1345, %broadcast_in_dim3A_1323 : vector<16xf32>
        %mul3A_1347 = arith.mulf %broadcast_in_dim3A_1326, %get3A_5 : vector<16xf32>
        %mul3A_1348 = arith.mulf %sub3A_1346, %mul3A_1347 : vector<16xf32>
        %add3A_1349 = arith.addf %mul3A_1348, %get3A_13 : vector<16xf32>
        %add3A_1350 = arith.constant 8 : i32
        %add3A_1351 = arith.addi %mul3A_115, %add3A_1350 : i32
        %swap3A_1352 = arith.index_cast %add3A_1351 : i32 to index
        %swap3A_1353 = arith.constant 16 : index
        %swap3A_1354 = tpu.vector_load %arg11[%swap3A_1352, %swap3A_1353] {strides = array<i32>} : memref<256x64xf32, #tpu.memory_space<vmem>>, vector<16xf32>,
        tpu.vector_store %arg11[%swap3A_1352, %swap3A_1353], %add3A_1349 {strides = array<i32>} : memref<256x64xf32, #tpu.memory_space<vmem>>, vector<16xf32>,
        %add3A_1355 = arith.constant 8 : i32
        %add3A_1356 = arith.addi %mul3A_115, %add3A_1355 : i32
        %get3A_1357 = arith.index_cast %add3A_1356 : i32 to index
        %get3A_1358 = arith.constant 32 : index
        %get3A_1359 = tpu.vector_load %arg9[%get3A_1357, %get3A_1358] {strides = array<i32>} : memref<256x64xf32, #tpu.memory_space<vmem>>, vector<16xf32>,
        %sub3A_1360 = arith.subf %get3A_1359, %broadcast_in_dim3A_1323 : vector<16xf32>
        %mul3A_1361 = arith.mulf %broadcast_in_dim3A_1326, %get3A_7 : vector<16xf32>
        %mul3A_1362 = arith.mulf %sub3A_1360, %mul3A_1361 : vector<16xf32>
        %add3A_1363 = arith.addf %mul3A_1362, %get3A_15 : vector<16xf32>
        %add3A_1364 = arith.constant 8 : i32
        %add3A_1365 = arith.addi %mul3A_115, %add3A_1364 : i32
        %swap3A_1366 = arith.index_cast %add3A_1365 : i32 to index
        %swap3A_1367 = arith.constant 32 : index
        %swap3A_1368 = tpu.vector_load %arg11[%swap3A_1366, %swap3A_1367] {strides = array<i32>} : memref<256x64xf32, #tpu.memory_space<vmem>>, vector<16xf32>,
        tpu.vector_store %arg11[%swap3A_1366, %swap3A_1367], %add3A_1363 {strides = array<i32>} : memref<256x64xf32, #tpu.memory_space<vmem>>, vector<16xf32>,
        %add3A_1369 = arith.constant 8 : i32
        %add3A_1370 = arith.addi %mul3A_115, %add3A_1369 : i32
        %get3A_1371 = arith.index_cast %add3A_1370 : i32 to index
        %get3A_1372 = arith.constant 48 : index
        %get3A_1373 = tpu.vector_load %arg9[%get3A_1371, %get3A_1372] {strides = array<i32>} : memref<256x64xf32, #tpu.memory_space<vmem>>, vector<16xf32>,
        %sub3A_1374 = arith.subf %get3A_1373, %broadcast_in_dim3A_1323 : vector<16xf32>
        %mul3A_1375 = arith.mulf %broadcast_in_dim3A_1326, %get3A_9 : vector<16xf32>
        %mul3A_1376 = arith.mulf %sub3A_1374, %mul3A_1375 : vector<16xf32>
        %add3A_1377 = arith.addf %mul3A_1376, %get3A_17 : vector<16xf32>
        %add3A_1378 = arith.constant 8 : i32
        %add3A_1379 = arith.addi %mul3A_115, %add3A_1378 : i32
        %swap3A_1380 = arith.index_cast %add3A_1379 : i32 to index
        %swap3A_1381 = arith.constant 48 : index
        %swap3A_1382 = tpu.vector_load %arg11[%swap3A_1380, %swap3A_1381] {strides = array<i32>} : memref<256x64xf32, #tpu.memory_space<vmem>>, vector<16xf32>,
        tpu.vector_store %arg11[%swap3A_1380, %swap3A_1381], %add3A_1377 {strides = array<i32>} : memref<256x64xf32, #tpu.memory_space<vmem>>, vector<16xf32>,
        %slice3A_1383 = vector.extract_strided_slice %mul3A_788 {offsets = [9], sizes = [1], strides = [1]} : vector<16xf32> to vector<1xf32>
        %squeeze3A_1384 = vector.extract %slice3A_1383[0] : f32 from vector<1xf32>
        %broadcast_in_dim3A_1385 = vector.broadcast %squeeze3A_1384 : f32 to vector<16xf32>
        %slice3A_1386 = vector.extract_strided_slice %mul3A_828 {offsets = [9], sizes = [1], strides = [1]} : vector<16xf32> to vector<1xf32>
        %squeeze3A_1387 = vector.extract %slice3A_1386[0] : f32 from vector<1xf32>
        %broadcast_in_dim3A_1388 = vector.broadcast %squeeze3A_1387 : f32 to vector<16xf32>
        %add3A_1389 = arith.constant 9 : i32
        %add3A_1390 = arith.addi %mul3A_115, %add3A_1389 : i32
        %get3A_1391 = arith.index_cast %add3A_1390 : i32 to index
        %get3A_1392 = arith.constant 0 : index
        %get3A_1393 = tpu.vector_load %arg9[%get3A_1391, %get3A_1392] {strides = array<i32>} : memref<256x64xf32, #tpu.memory_space<vmem>>, vector<16xf32>,
        %sub3A_1394 = arith.subf %get3A_1393, %broadcast_in_dim3A_1385 : vector<16xf32>
        %mul3A_1395 = arith.mulf %broadcast_in_dim3A_1388, %get3A_3 : vector<16xf32>
        %mul3A_1396 = arith.mulf %sub3A_1394, %mul3A_1395 : vector<16xf32>
        %add3A_1397 = arith.addf %mul3A_1396, %get3A_11 : vector<16xf32>
        %add3A_1398 = arith.constant 9 : i32
        %add3A_1399 = arith.addi %mul3A_115, %add3A_1398 : i32
        %swap3A_1400 = arith.index_cast %add3A_1399 : i32 to index
        %swap3A_1401 = arith.constant 0 : index
        %swap3A_1402 = tpu.vector_load %arg11[%swap3A_1400, %swap3A_1401] {strides = array<i32>} : memref<256x64xf32, #tpu.memory_space<vmem>>, vector<16xf32>,
        tpu.vector_store %arg11[%swap3A_1400, %swap3A_1401], %add3A_1397 {strides = array<i32>} : memref<256x64xf32, #tpu.memory_space<vmem>>, vector<16xf32>,
        %add3A_1403 = arith.constant 9 : i32
        %add3A_1404 = arith.addi %mul3A_115, %add3A_1403 : i32
        %get3A_1405 = arith.index_cast %add3A_1404 : i32 to index
        %get3A_1406 = arith.constant 16 : index
        %get3A_1407 = tpu.vector_load %arg9[%get3A_1405, %get3A_1406] {strides = array<i32>} : memref<256x64xf32, #tpu.memory_space<vmem>>, vector<16xf32>,
        %sub3A_1408 = arith.subf %get3A_1407, %broadcast_in_dim3A_1385 : vector<16xf32>
        %mul3A_1409 = arith.mulf %broadcast_in_dim3A_1388, %get3A_5 : vector<16xf32>
        %mul3A_1410 = arith.mulf %sub3A_1408, %mul3A_1409 : vector<16xf32>
        %add3A_1411 = arith.addf %mul3A_1410, %get3A_13 : vector<16xf32>
        %add3A_1412 = arith.constant 9 : i32
        %add3A_1413 = arith.addi %mul3A_115, %add3A_1412 : i32
        %swap3A_1414 = arith.index_cast %add3A_1413 : i32 to index
        %swap3A_1415 = arith.constant 16 : index
        %swap3A_1416 = tpu.vector_load %arg11[%swap3A_1414, %swap3A_1415] {strides = array<i32>} : memref<256x64xf32, #tpu.memory_space<vmem>>, vector<16xf32>,
        tpu.vector_store %arg11[%swap3A_1414, %swap3A_1415], %add3A_1411 {strides = array<i32>} : memref<256x64xf32, #tpu.memory_space<vmem>>, vector<16xf32>,
        %add3A_1417 = arith.constant 9 : i32
        %add3A_1418 = arith.addi %mul3A_115, %add3A_1417 : i32
        %get3A_1419 = arith.index_cast %add3A_1418 : i32 to index
        %get3A_1420 = arith.constant 32 : index
        %get3A_1421 = tpu.vector_load %arg9[%get3A_1419, %get3A_1420] {strides = array<i32>} : memref<256x64xf32, #tpu.memory_space<vmem>>, vector<16xf32>,
        %sub3A_1422 = arith.subf %get3A_1421, %broadcast_in_dim3A_1385 : vector<16xf32>
        %mul3A_1423 = arith.mulf %broadcast_in_dim3A_1388, %get3A_7 : vector<16xf32>
        %mul3A_1424 = arith.mulf %sub3A_1422, %mul3A_1423 : vector<16xf32>
        %add3A_1425 = arith.addf %mul3A_1424, %get3A_15 : vector<16xf32>
        %add3A_1426 = arith.constant 9 : i32
        %add3A_1427 = arith.addi %mul3A_115, %add3A_1426 : i32
        %swap3A_1428 = arith.index_cast %add3A_1427 : i32 to index
        %swap3A_1429 = arith.constant 32 : index
        %swap3A_1430 = tpu.vector_load %arg11[%swap3A_1428, %swap3A_1429] {strides = array<i32>} : memref<256x64xf32, #tpu.memory_space<vmem>>, vector<16xf32>,
        tpu.vector_store %arg11[%swap3A_1428, %swap3A_1429], %add3A_1425 {strides = array<i32>} : memref<256x64xf32, #tpu.memory_space<vmem>>, vector<16xf32>,
        %add3A_1431 = arith.constant 9 : i32
        %add3A_1432 = arith.addi %mul3A_115, %add3A_1431 : i32
        %get3A_1433 = arith.index_cast %add3A_1432 : i32 to index
        %get3A_1434 = arith.constant 48 : index
        %get3A_1435 = tpu.vector_load %arg9[%get3A_1433, %get3A_1434] {strides = array<i32>} : memref<256x64xf32, #tpu.memory_space<vmem>>, vector<16xf32>,
        %sub3A_1436 = arith.subf %get3A_1435, %broadcast_in_dim3A_1385 : vector<16xf32>
        %mul3A_1437 = arith.mulf %broadcast_in_dim3A_1388, %get3A_9 : vector<16xf32>
        %mul3A_1438 = arith.mulf %sub3A_1436, %mul3A_1437 : vector<16xf32>
        %add3A_1439 = arith.addf %mul3A_1438, %get3A_17 : vector<16xf32>
        %add3A_1440 = arith.constant 9 : i32
        %add3A_1441 = arith.addi %mul3A_115, %add3A_1440 : i32
        %swap3A_1442 = arith.index_cast %add3A_1441 : i32 to index
        %swap3A_1443 = arith.constant 48 : index
        %swap3A_1444 = tpu.vector_load %arg11[%swap3A_1442, %swap3A_1443] {strides = array<i32>} : memref<256x64xf32, #tpu.memory_space<vmem>>, vector<16xf32>,
        tpu.vector_store %arg11[%swap3A_1442, %swap3A_1443], %add3A_1439 {strides = array<i32>} : memref<256x64xf32, #tpu.memory_space<vmem>>, vector<16xf32>,
        %slice3A_1445 = vector.extract_strided_slice %mul3A_788 {offsets = [10], sizes = [1], strides = [1]} : vector<16xf32> to vector<1xf32>
        %squeeze3A_1446 = vector.extract %slice3A_1445[0] : f32 from vector<1xf32>
        %broadcast_in_dim3A_1447 = vector.broadcast %squeeze3A_1446 : f32 to vector<16xf32>
        %slice3A_1448 = vector.extract_strided_slice %mul3A_828 {offsets = [10], sizes = [1], strides = [1]} : vector<16xf32> to vector<1xf32>
        %squeeze3A_1449 = vector.extract %slice3A_1448[0] : f32 from vector<1xf32>
        %broadcast_in_dim3A_1450 = vector.broadcast %squeeze3A_1449 : f32 to vector<16xf32>
        %add3A_1451 = arith.constant 10 : i32
        %add3A_1452 = arith.addi %mul3A_115, %add3A_1451 : i32
        %get3A_1453 = arith.index_cast %add3A_1452 : i32 to index
        %get3A_1454 = arith.constant 0 : index
        %get3A_1455 = tpu.vector_load %arg9[%get3A_1453, %get3A_1454] {strides = array<i32>} : memref<256x64xf32, #tpu.memory_space<vmem>>, vector<16xf32>,
        %sub3A_1456 = arith.subf %get3A_1455, %broadcast_in_dim3A_1447 : vector<16xf32>
        %mul3A_1457 = arith.mulf %broadcast_in_dim3A_1450, %get3A_3 : vector<16xf32>
        %mul3A_1458 = arith.mulf %sub3A_1456, %mul3A_1457 : vector<16xf32>
        %add3A_1459 = arith.addf %mul3A_1458, %get3A_11 : vector<16xf32>
        %add3A_1460 = arith.constant 10 : i32
        %add3A_1461 = arith.addi %mul3A_115, %add3A_1460 : i32
        %swap3A_1462 = arith.index_cast %add3A_1461 : i32 to index
        %swap3A_1463 = arith.constant 0 : index
        %swap3A_1464 = tpu.vector_load %arg11[%swap3A_1462, %swap3A_1463] {strides = array<i32>} : memref<256x64xf32, #tpu.memory_space<vmem>>, vector<16xf32>,
        tpu.vector_store %arg11[%swap3A_1462, %swap3A_1463], %add3A_1459 {strides = array<i32>} : memref<256x64xf32, #tpu.memory_space<vmem>>, vector<16xf32>,
        %add3A_1465 = arith.constant 10 : i32
        %add3A_1466 = arith.addi %mul3A_115, %add3A_1465 : i32
        %get3A_1467 = arith.index_cast %add3A_1466 : i32 to index
        %get3A_1468 = arith.constant 16 : index
        %get3A_1469 = tpu.vector_load %arg9[%get3A_1467, %get3A_1468] {strides = array<i32>} : memref<256x64xf32, #tpu.memory_space<vmem>>, vector<16xf32>,
        %sub3A_1470 = arith.subf %get3A_1469, %broadcast_in_dim3A_1447 : vector<16xf32>
        %mul3A_1471 = arith.mulf %broadcast_in_dim3A_1450, %get3A_5 : vector<16xf32>
        %mul3A_1472 = arith.mulf %sub3A_1470, %mul3A_1471 : vector<16xf32>
        %add3A_1473 = arith.addf %mul3A_1472, %get3A_13 : vector<16xf32>
        %add3A_1474 = arith.constant 10 : i32
        %add3A_1475 = arith.addi %mul3A_115, %add3A_1474 : i32
        %swap3A_1476 = arith.index_cast %add3A_1475 : i32 to index
        %swap3A_1477 = arith.constant 16 : index
        %swap3A_1478 = tpu.vector_load %arg11[%swap3A_1476, %swap3A_1477] {strides = array<i32>} : memref<256x64xf32, #tpu.memory_space<vmem>>, vector<16xf32>,
        tpu.vector_store %arg11[%swap3A_1476, %swap3A_1477], %add3A_1473 {strides = array<i32>} : memref<256x64xf32, #tpu.memory_space<vmem>>, vector<16xf32>,
        %add3A_1479 = arith.constant 10 : i32
        %add3A_1480 = arith.addi %mul3A_115, %add3A_1479 : i32
        %get3A_1481 = arith.index_cast %add3A_1480 : i32 to index
        %get3A_1482 = arith.constant 32 : index
        %get3A_1483 = tpu.vector_load %arg9[%get3A_1481, %get3A_1482] {strides = array<i32>} : memref<256x64xf32, #tpu.memory_space<vmem>>, vector<16xf32>,
        %sub3A_1484 = arith.subf %get3A_1483, %broadcast_in_dim3A_1447 : vector<16xf32>
        %mul3A_1485 = arith.mulf %broadcast_in_dim3A_1450, %get3A_7 : vector<16xf32>
        %mul3A_1486 = arith.mulf %sub3A_1484, %mul3A_1485 : vector<16xf32>
        %add3A_1487 = arith.addf %mul3A_1486, %get3A_15 : vector<16xf32>
        %add3A_1488 = arith.constant 10 : i32
        %add3A_1489 = arith.addi %mul3A_115, %add3A_1488 : i32
        %swap3A_1490 = arith.index_cast %add3A_1489 : i32 to index
        %swap3A_1491 = arith.constant 32 : index
        %swap3A_1492 = tpu.vector_load %arg11[%swap3A_1490, %swap3A_1491] {strides = array<i32>} : memref<256x64xf32, #tpu.memory_space<vmem>>, vector<16xf32>,
        tpu.vector_store %arg11[%swap3A_1490, %swap3A_1491], %add3A_1487 {strides = array<i32>} : memref<256x64xf32, #tpu.memory_space<vmem>>, vector<16xf32>,
        %add3A_1493 = arith.constant 10 : i32
        %add3A_1494 = arith.addi %mul3A_115, %add3A_1493 : i32
        %get3A_1495 = arith.index_cast %add3A_1494 : i32 to index
        %get3A_1496 = arith.constant 48 : index
        %get3A_1497 = tpu.vector_load %arg9[%get3A_1495, %get3A_1496] {strides = array<i32>} : memref<256x64xf32, #tpu.memory_space<vmem>>, vector<16xf32>,
        %sub3A_1498 = arith.subf %get3A_1497, %broadcast_in_dim3A_1447 : vector<16xf32>
        %mul3A_1499 = arith.mulf %broadcast_in_dim3A_1450, %get3A_9 : vector<16xf32>
        %mul3A_1500 = arith.mulf %sub3A_1498, %mul3A_1499 : vector<16xf32>
        %add3A_1501 = arith.addf %mul3A_1500, %get3A_17 : vector<16xf32>
        %add3A_1502 = arith.constant 10 : i32
        %add3A_1503 = arith.addi %mul3A_115, %add3A_1502 : i32
        %swap3A_1504 = arith.index_cast %add3A_1503 : i32 to index
        %swap3A_1505 = arith.constant 48 : index
        %swap3A_1506 = tpu.vector_load %arg11[%swap3A_1504, %swap3A_1505] {strides = array<i32>} : memref<256x64xf32, #tpu.memory_space<vmem>>, vector<16xf32>,
        tpu.vector_store %arg11[%swap3A_1504, %swap3A_1505], %add3A_1501 {strides = array<i32>} : memref<256x64xf32, #tpu.memory_space<vmem>>, vector<16xf32>,
        %slice3A_1507 = vector.extract_strided_slice %mul3A_788 {offsets = [11], sizes = [1], strides = [1]} : vector<16xf32> to vector<1xf32>
        %squeeze3A_1508 = vector.extract %slice3A_1507[0] : f32 from vector<1xf32>
        %broadcast_in_dim3A_1509 = vector.broadcast %squeeze3A_1508 : f32 to vector<16xf32>
        %slice3A_1510 = vector.extract_strided_slice %mul3A_828 {offsets = [11], sizes = [1], strides = [1]} : vector<16xf32> to vector<1xf32>
        %squeeze3A_1511 = vector.extract %slice3A_1510[0] : f32 from vector<1xf32>
        %broadcast_in_dim3A_1512 = vector.broadcast %squeeze3A_1511 : f32 to vector<16xf32>
        %add3A_1513 = arith.constant 11 : i32
        %add3A_1514 = arith.addi %mul3A_115, %add3A_1513 : i32
        %get3A_1515 = arith.index_cast %add3A_1514 : i32 to index
        %get3A_1516 = arith.constant 0 : index
        %get3A_1517 = tpu.vector_load %arg9[%get3A_1515, %get3A_1516] {strides = array<i32>} : memref<256x64xf32, #tpu.memory_space<vmem>>, vector<16xf32>,
        %sub3A_1518 = arith.subf %get3A_1517, %broadcast_in_dim3A_1509 : vector<16xf32>
        %mul3A_1519 = arith.mulf %broadcast_in_dim3A_1512, %get3A_3 : vector<16xf32>
        %mul3A_1520 = arith.mulf %sub3A_1518, %mul3A_1519 : vector<16xf32>
        %add3A_1521 = arith.addf %mul3A_1520, %get3A_11 : vector<16xf32>
        %add3A_1522 = arith.constant 11 : i32
        %add3A_1523 = arith.addi %mul3A_115, %add3A_1522 : i32
        %swap3A_1524 = arith.index_cast %add3A_1523 : i32 to index
        %swap3A_1525 = arith.constant 0 : index
        %swap3A_1526 = tpu.vector_load %arg11[%swap3A_1524, %swap3A_1525] {strides = array<i32>} : memref<256x64xf32, #tpu.memory_space<vmem>>, vector<16xf32>,
        tpu.vector_store %arg11[%swap3A_1524, %swap3A_1525], %add3A_1521 {strides = array<i32>} : memref<256x64xf32, #tpu.memory_space<vmem>>, vector<16xf32>,
        %add3A_1527 = arith.constant 11 : i32
        %add3A_1528 = arith.addi %mul3A_115, %add3A_1527 : i32
        %get3A_1529 = arith.index_cast %add3A_1528 : i32 to index
        %get3A_1530 = arith.constant 16 : index
        %get3A_1531 = tpu.vector_load %arg9[%get3A_1529, %get3A_1530] {strides = array<i32>} : memref<256x64xf32, #tpu.memory_space<vmem>>, vector<16xf32>,
        %sub3A_1532 = arith.subf %get3A_1531, %broadcast_in_dim3A_1509 : vector<16xf32>
        %mul3A_1533 = arith.mulf %broadcast_in_dim3A_1512, %get3A_5 : vector<16xf32>
        %mul3A_1534 = arith.mulf %sub3A_1532, %mul3A_1533 : vector<16xf32>
        %add3A_1535 = arith.addf %mul3A_1534, %get3A_13 : vector<16xf32>
        %add3A_1536 = arith.constant 11 : i32
        %add3A_1537 = arith.addi %mul3A_115, %add3A_1536 : i32
        %swap3A_1538 = arith.index_cast %add3A_1537 : i32 to index
        %swap3A_1539 = arith.constant 16 : index
        %swap3A_1540 = tpu.vector_load %arg11[%swap3A_1538, %swap3A_1539] {strides = array<i32>} : memref<256x64xf32, #tpu.memory_space<vmem>>, vector<16xf32>,
        tpu.vector_store %arg11[%swap3A_1538, %swap3A_1539], %add3A_1535 {strides = array<i32>} : memref<256x64xf32, #tpu.memory_space<vmem>>, vector<16xf32>,
        %add3A_1541 = arith.constant 11 : i32
        %add3A_1542 = arith.addi %mul3A_115, %add3A_1541 : i32
        %get3A_1543 = arith.index_cast %add3A_1542 : i32 to index
        %get3A_1544 = arith.constant 32 : index
        %get3A_1545 = tpu.vector_load %arg9[%get3A_1543, %get3A_1544] {strides = array<i32>} : memref<256x64xf32, #tpu.memory_space<vmem>>, vector<16xf32>,
        %sub3A_1546 = arith.subf %get3A_1545, %broadcast_in_dim3A_1509 : vector<16xf32>
        %mul3A_1547 = arith.mulf %broadcast_in_dim3A_1512, %get3A_7 : vector<16xf32>
        %mul3A_1548 = arith.mulf %sub3A_1546, %mul3A_1547 : vector<16xf32>
        %add3A_1549 = arith.addf %mul3A_1548, %get3A_15 : vector<16xf32>
        %add3A_1550 = arith.constant 11 : i32
        %add3A_1551 = arith.addi %mul3A_115, %add3A_1550 : i32
        %swap3A_1552 = arith.index_cast %add3A_1551 : i32 to index
        %swap3A_1553 = arith.constant 32 : index
        %swap3A_1554 = tpu.vector_load %arg11[%swap3A_1552, %swap3A_1553] {strides = array<i32>} : memref<256x64xf32, #tpu.memory_space<vmem>>, vector<16xf32>,
        tpu.vector_store %arg11[%swap3A_1552, %swap3A_1553], %add3A_1549 {strides = array<i32>} : memref<256x64xf32, #tpu.memory_space<vmem>>, vector<16xf32>,
        %add3A_1555 = arith.constant 11 : i32
        %add3A_1556 = arith.addi %mul3A_115, %add3A_1555 : i32
        %get3A_1557 = arith.index_cast %add3A_1556 : i32 to index
        %get3A_1558 = arith.constant 48 : index
        %get3A_1559 = tpu.vector_load %arg9[%get3A_1557, %get3A_1558] {strides = array<i32>} : memref<256x64xf32, #tpu.memory_space<vmem>>, vector<16xf32>,
        %sub3A_1560 = arith.subf %get3A_1559, %broadcast_in_dim3A_1509 : vector<16xf32>
        %mul3A_1561 = arith.mulf %broadcast_in_dim3A_1512, %get3A_9 : vector<16xf32>
        %mul3A_1562 = arith.mulf %sub3A_1560, %mul3A_1561 : vector<16xf32>
        %add3A_1563 = arith.addf %mul3A_1562, %get3A_17 : vector<16xf32>
        %add3A_1564 = arith.constant 11 : i32
        %add3A_1565 = arith.addi %mul3A_115, %add3A_1564 : i32
        %swap3A_1566 = arith.index_cast %add3A_1565 : i32 to index
        %swap3A_1567 = arith.constant 48 : index
        %swap3A_1568 = tpu.vector_load %arg11[%swap3A_1566, %swap3A_1567] {strides = array<i32>} : memref<256x64xf32, #tpu.memory_space<vmem>>, vector<16xf32>,
        tpu.vector_store %arg11[%swap3A_1566, %swap3A_1567], %add3A_1563 {strides = array<i32>} : memref<256x64xf32, #tpu.memory_space<vmem>>, vector<16xf32>,
        %slice3A_1569 = vector.extract_strided_slice %mul3A_788 {offsets = [12], sizes = [1], strides = [1]} : vector<16xf32> to vector<1xf32>
        %squeeze3A_1570 = vector.extract %slice3A_1569[0] : f32 from vector<1xf32>
        %broadcast_in_dim3A_1571 = vector.broadcast %squeeze3A_1570 : f32 to vector<16xf32>
        %slice3A_1572 = vector.extract_strided_slice %mul3A_828 {offsets = [12], sizes = [1], strides = [1]} : vector<16xf32> to vector<1xf32>
        %squeeze3A_1573 = vector.extract %slice3A_1572[0] : f32 from vector<1xf32>
        %broadcast_in_dim3A_1574 = vector.broadcast %squeeze3A_1573 : f32 to vector<16xf32>
        %add3A_1575 = arith.constant 12 : i32
        %add3A_1576 = arith.addi %mul3A_115, %add3A_1575 : i32
        %get3A_1577 = arith.index_cast %add3A_1576 : i32 to index
        %get3A_1578 = arith.constant 0 : index
        %get3A_1579 = tpu.vector_load %arg9[%get3A_1577, %get3A_1578] {strides = array<i32>} : memref<256x64xf32, #tpu.memory_space<vmem>>, vector<16xf32>,
        %sub3A_1580 = arith.subf %get3A_1579, %broadcast_in_dim3A_1571 : vector<16xf32>
        %mul3A_1581 = arith.mulf %broadcast_in_dim3A_1574, %get3A_3 : vector<16xf32>
        %mul3A_1582 = arith.mulf %sub3A_1580, %mul3A_1581 : vector<16xf32>
        %add3A_1583 = arith.addf %mul3A_1582, %get3A_11 : vector<16xf32>
        %add3A_1584 = arith.constant 12 : i32
        %add3A_1585 = arith.addi %mul3A_115, %add3A_1584 : i32
        %swap3A_1586 = arith.index_cast %add3A_1585 : i32 to index
        %swap3A_1587 = arith.constant 0 : index
        %swap3A_1588 = tpu.vector_load %arg11[%swap3A_1586, %swap3A_1587] {strides = array<i32>} : memref<256x64xf32, #tpu.memory_space<vmem>>, vector<16xf32>,
        tpu.vector_store %arg11[%swap3A_1586, %swap3A_1587], %add3A_1583 {strides = array<i32>} : memref<256x64xf32, #tpu.memory_space<vmem>>, vector<16xf32>,
        %add3A_1589 = arith.constant 12 : i32
        %add3A_1590 = arith.addi %mul3A_115, %add3A_1589 : i32
        %get3A_1591 = arith.index_cast %add3A_1590 : i32 to index
        %get3A_1592 = arith.constant 16 : index
        %get3A_1593 = tpu.vector_load %arg9[%get3A_1591, %get3A_1592] {strides = array<i32>} : memref<256x64xf32, #tpu.memory_space<vmem>>, vector<16xf32>,
        %sub3A_1594 = arith.subf %get3A_1593, %broadcast_in_dim3A_1571 : vector<16xf32>
        %mul3A_1595 = arith.mulf %broadcast_in_dim3A_1574, %get3A_5 : vector<16xf32>
        %mul3A_1596 = arith.mulf %sub3A_1594, %mul3A_1595 : vector<16xf32>
        %add3A_1597 = arith.addf %mul3A_1596, %get3A_13 : vector<16xf32>
        %add3A_1598 = arith.constant 12 : i32
        %add3A_1599 = arith.addi %mul3A_115, %add3A_1598 : i32
        %swap3A_1600 = arith.index_cast %add3A_1599 : i32 to index
        %swap3A_1601 = arith.constant 16 : index
        %swap3A_1602 = tpu.vector_load %arg11[%swap3A_1600, %swap3A_1601] {strides = array<i32>} : memref<256x64xf32, #tpu.memory_space<vmem>>, vector<16xf32>,
        tpu.vector_store %arg11[%swap3A_1600, %swap3A_1601], %add3A_1597 {strides = array<i32>} : memref<256x64xf32, #tpu.memory_space<vmem>>, vector<16xf32>,
        %add3A_1603 = arith.constant 12 : i32
        %add3A_1604 = arith.addi %mul3A_115, %add3A_1603 : i32
        %get3A_1605 = arith.index_cast %add3A_1604 : i32 to index
        %get3A_1606 = arith.constant 32 : index
        %get3A_1607 = tpu.vector_load %arg9[%get3A_1605, %get3A_1606] {strides = array<i32>} : memref<256x64xf32, #tpu.memory_space<vmem>>, vector<16xf32>,
        %sub3A_1608 = arith.subf %get3A_1607, %broadcast_in_dim3A_1571 : vector<16xf32>
        %mul3A_1609 = arith.mulf %broadcast_in_dim3A_1574, %get3A_7 : vector<16xf32>
        %mul3A_1610 = arith.mulf %sub3A_1608, %mul3A_1609 : vector<16xf32>
        %add3A_1611 = arith.addf %mul3A_1610, %get3A_15 : vector<16xf32>
        %add3A_1612 = arith.constant 12 : i32
        %add3A_1613 = arith.addi %mul3A_115, %add3A_1612 : i32
        %swap3A_1614 = arith.index_cast %add3A_1613 : i32 to index
        %swap3A_1615 = arith.constant 32 : index
        %swap3A_1616 = tpu.vector_load %arg11[%swap3A_1614, %swap3A_1615] {strides = array<i32>} : memref<256x64xf32, #tpu.memory_space<vmem>>, vector<16xf32>,
        tpu.vector_store %arg11[%swap3A_1614, %swap3A_1615], %add3A_1611 {strides = array<i32>} : memref<256x64xf32, #tpu.memory_space<vmem>>, vector<16xf32>,
        %add3A_1617 = arith.constant 12 : i32
        %add3A_1618 = arith.addi %mul3A_115, %add3A_1617 : i32
        %get3A_1619 = arith.index_cast %add3A_1618 : i32 to index
        %get3A_1620 = arith.constant 48 : index
        %get3A_1621 = tpu.vector_load %arg9[%get3A_1619, %get3A_1620] {strides = array<i32>} : memref<256x64xf32, #tpu.memory_space<vmem>>, vector<16xf32>,
        %sub3A_1622 = arith.subf %get3A_1621, %broadcast_in_dim3A_1571 : vector<16xf32>
        %mul3A_1623 = arith.mulf %broadcast_in_dim3A_1574, %get3A_9 : vector<16xf32>
        %mul3A_1624 = arith.mulf %sub3A_1622, %mul3A_1623 : vector<16xf32>
        %add3A_1625 = arith.addf %mul3A_1624, %get3A_17 : vector<16xf32>
        %add3A_1626 = arith.constant 12 : i32
        %add3A_1627 = arith.addi %mul3A_115, %add3A_1626 : i32
        %swap3A_1628 = arith.index_cast %add3A_1627 : i32 to index
        %swap3A_1629 = arith.constant 48 : index
        %swap3A_1630 = tpu.vector_load %arg11[%swap3A_1628, %swap3A_1629] {strides = array<i32>} : memref<256x64xf32, #tpu.memory_space<vmem>>, vector<16xf32>,
        tpu.vector_store %arg11[%swap3A_1628, %swap3A_1629], %add3A_1625 {strides = array<i32>} : memref<256x64xf32, #tpu.memory_space<vmem>>, vector<16xf32>,
        %slice3A_1631 = vector.extract_strided_slice %mul3A_788 {offsets = [13], sizes = [1], strides = [1]} : vector<16xf32> to vector<1xf32>
        %squeeze3A_1632 = vector.extract %slice3A_1631[0] : f32 from vector<1xf32>
        %broadcast_in_dim3A_1633 = vector.broadcast %squeeze3A_1632 : f32 to vector<16xf32>
        %slice3A_1634 = vector.extract_strided_slice %mul3A_828 {offsets = [13], sizes = [1], strides = [1]} : vector<16xf32> to vector<1xf32>
        %squeeze3A_1635 = vector.extract %slice3A_1634[0] : f32 from vector<1xf32>
        %broadcast_in_dim3A_1636 = vector.broadcast %squeeze3A_1635 : f32 to vector<16xf32>
        %add3A_1637 = arith.constant 13 : i32
        %add3A_1638 = arith.addi %mul3A_115, %add3A_1637 : i32
        %get3A_1639 = arith.index_cast %add3A_1638 : i32 to index
        %get3A_1640 = arith.constant 0 : index
        %get3A_1641 = tpu.vector_load %arg9[%get3A_1639, %get3A_1640] {strides = array<i32>} : memref<256x64xf32, #tpu.memory_space<vmem>>, vector<16xf32>,
        %sub3A_1642 = arith.subf %get3A_1641, %broadcast_in_dim3A_1633 : vector<16xf32>
        %mul3A_1643 = arith.mulf %broadcast_in_dim3A_1636, %get3A_3 : vector<16xf32>
        %mul3A_1644 = arith.mulf %sub3A_1642, %mul3A_1643 : vector<16xf32>
        %add3A_1645 = arith.addf %mul3A_1644, %get3A_11 : vector<16xf32>
        %add3A_1646 = arith.constant 13 : i32
        %add3A_1647 = arith.addi %mul3A_115, %add3A_1646 : i32
        %swap3A_1648 = arith.index_cast %add3A_1647 : i32 to index
        %swap3A_1649 = arith.constant 0 : index
        %swap3A_1650 = tpu.vector_load %arg11[%swap3A_1648, %swap3A_1649] {strides = array<i32>} : memref<256x64xf32, #tpu.memory_space<vmem>>, vector<16xf32>,
        tpu.vector_store %arg11[%swap3A_1648, %swap3A_1649], %add3A_1645 {strides = array<i32>} : memref<256x64xf32, #tpu.memory_space<vmem>>, vector<16xf32>,
        %add3A_1651 = arith.constant 13 : i32
        %add3A_1652 = arith.addi %mul3A_115, %add3A_1651 : i32
        %get3A_1653 = arith.index_cast %add3A_1652 : i32 to index
        %get3A_1654 = arith.constant 16 : index
        %get3A_1655 = tpu.vector_load %arg9[%get3A_1653, %get3A_1654] {strides = array<i32>} : memref<256x64xf32, #tpu.memory_space<vmem>>, vector<16xf32>,
        %sub3A_1656 = arith.subf %get3A_1655, %broadcast_in_dim3A_1633 : vector<16xf32>
        %mul3A_1657 = arith.mulf %broadcast_in_dim3A_1636, %get3A_5 : vector<16xf32>
        %mul3A_1658 = arith.mulf %sub3A_1656, %mul3A_1657 : vector<16xf32>
        %add3A_1659 = arith.addf %mul3A_1658, %get3A_13 : vector<16xf32>
        %add3A_1660 = arith.constant 13 : i32
        %add3A_1661 = arith.addi %mul3A_115, %add3A_1660 : i32
        %swap3A_1662 = arith.index_cast %add3A_1661 : i32 to index
        %swap3A_1663 = arith.constant 16 : index
        %swap3A_1664 = tpu.vector_load %arg11[%swap3A_1662, %swap3A_1663] {strides = array<i32>} : memref<256x64xf32, #tpu.memory_space<vmem>>, vector<16xf32>,
        tpu.vector_store %arg11[%swap3A_1662, %swap3A_1663], %add3A_1659 {strides = array<i32>} : memref<256x64xf32, #tpu.memory_space<vmem>>, vector<16xf32>,
        %add3A_1665 = arith.constant 13 : i32
        %add3A_1666 = arith.addi %mul3A_115, %add3A_1665 : i32
        %get3A_1667 = arith.index_cast %add3A_1666 : i32 to index
        %get3A_1668 = arith.constant 32 : index
        %get3A_1669 = tpu.vector_load %arg9[%get3A_1667, %get3A_1668] {strides = array<i32>} : memref<256x64xf32, #tpu.memory_space<vmem>>, vector<16xf32>,
        %sub3A_1670 = arith.subf %get3A_1669, %broadcast_in_dim3A_1633 : vector<16xf32>
        %mul3A_1671 = arith.mulf %broadcast_in_dim3A_1636, %get3A_7 : vector<16xf32>
        %mul3A_1672 = arith.mulf %sub3A_1670, %mul3A_1671 : vector<16xf32>
        %add3A_1673 = arith.addf %mul3A_1672, %get3A_15 : vector<16xf32>
        %add3A_1674 = arith.constant 13 : i32
        %add3A_1675 = arith.addi %mul3A_115, %add3A_1674 : i32
        %swap3A_1676 = arith.index_cast %add3A_1675 : i32 to index
        %swap3A_1677 = arith.constant 32 : index
        %swap3A_1678 = tpu.vector_load %arg11[%swap3A_1676, %swap3A_1677] {strides = array<i32>} : memref<256x64xf32, #tpu.memory_space<vmem>>, vector<16xf32>,
        tpu.vector_store %arg11[%swap3A_1676, %swap3A_1677], %add3A_1673 {strides = array<i32>} : memref<256x64xf32, #tpu.memory_space<vmem>>, vector<16xf32>,
        %add3A_1679 = arith.constant 13 : i32
        %add3A_1680 = arith.addi %mul3A_115, %add3A_1679 : i32
        %get3A_1681 = arith.index_cast %add3A_1680 : i32 to index
        %get3A_1682 = arith.constant 48 : index
        %get3A_1683 = tpu.vector_load %arg9[%get3A_1681, %get3A_1682] {strides = array<i32>} : memref<256x64xf32, #tpu.memory_space<vmem>>, vector<16xf32>,
        %sub3A_1684 = arith.subf %get3A_1683, %broadcast_in_dim3A_1633 : vector<16xf32>
        %mul3A_1685 = arith.mulf %broadcast_in_dim3A_1636, %get3A_9 : vector<16xf32>
        %mul3A_1686 = arith.mulf %sub3A_1684, %mul3A_1685 : vector<16xf32>
        %add3A_1687 = arith.addf %mul3A_1686, %get3A_17 : vector<16xf32>
        %add3A_1688 = arith.constant 13 : i32
        %add3A_1689 = arith.addi %mul3A_115, %add3A_1688 : i32
        %swap3A_1690 = arith.index_cast %add3A_1689 : i32 to index
        %swap3A_1691 = arith.constant 48 : index
        %swap3A_1692 = tpu.vector_load %arg11[%swap3A_1690, %swap3A_1691] {strides = array<i32>} : memref<256x64xf32, #tpu.memory_space<vmem>>, vector<16xf32>,
        tpu.vector_store %arg11[%swap3A_1690, %swap3A_1691], %add3A_1687 {strides = array<i32>} : memref<256x64xf32, #tpu.memory_space<vmem>>, vector<16xf32>,
        %slice3A_1693 = vector.extract_strided_slice %mul3A_788 {offsets = [14], sizes = [1], strides = [1]} : vector<16xf32> to vector<1xf32>
        %squeeze3A_1694 = vector.extract %slice3A_1693[0] : f32 from vector<1xf32>
        %broadcast_in_dim3A_1695 = vector.broadcast %squeeze3A_1694 : f32 to vector<16xf32>
        %slice3A_1696 = vector.extract_strided_slice %mul3A_828 {offsets = [14], sizes = [1], strides = [1]} : vector<16xf32> to vector<1xf32>
        %squeeze3A_1697 = vector.extract %slice3A_1696[0] : f32 from vector<1xf32>
        %broadcast_in_dim3A_1698 = vector.broadcast %squeeze3A_1697 : f32 to vector<16xf32>
        %add3A_1699 = arith.constant 14 : i32
        %add3A_1700 = arith.addi %mul3A_115, %add3A_1699 : i32
        %get3A_1701 = arith.index_cast %add3A_1700 : i32 to index
        %get3A_1702 = arith.constant 0 : index
        %get3A_1703 = tpu.vector_load %arg9[%get3A_1701, %get3A_1702] {strides = array<i32>} : memref<256x64xf32, #tpu.memory_space<vmem>>, vector<16xf32>,
        %sub3A_1704 = arith.subf %get3A_1703, %broadcast_in_dim3A_1695 : vector<16xf32>
        %mul3A_1705 = arith.mulf %broadcast_in_dim3A_1698, %get3A_3 : vector<16xf32>
        %mul3A_1706 = arith.mulf %sub3A_1704, %mul3A_1705 : vector<16xf32>
        %add3A_1707 = arith.addf %mul3A_1706, %get3A_11 : vector<16xf32>
        %add3A_1708 = arith.constant 14 : i32
        %add3A_1709 = arith.addi %mul3A_115, %add3A_1708 : i32
        %swap3A_1710 = arith.index_cast %add3A_1709 : i32 to index
        %swap3A_1711 = arith.constant 0 : index
        %swap3A_1712 = tpu.vector_load %arg11[%swap3A_1710, %swap3A_1711] {strides = array<i32>} : memref<256x64xf32, #tpu.memory_space<vmem>>, vector<16xf32>,
        tpu.vector_store %arg11[%swap3A_1710, %swap3A_1711], %add3A_1707 {strides = array<i32>} : memref<256x64xf32, #tpu.memory_space<vmem>>, vector<16xf32>,
        %add3A_1713 = arith.constant 14 : i32
        %add3A_1714 = arith.addi %mul3A_115, %add3A_1713 : i32
        %get3A_1715 = arith.index_cast %add3A_1714 : i32 to index
        %get3A_1716 = arith.constant 16 : index
        %get3A_1717 = tpu.vector_load %arg9[%get3A_1715, %get3A_1716] {strides = array<i32>} : memref<256x64xf32, #tpu.memory_space<vmem>>, vector<16xf32>,
        %sub3A_1718 = arith.subf %get3A_1717, %broadcast_in_dim3A_1695 : vector<16xf32>
        %mul3A_1719 = arith.mulf %broadcast_in_dim3A_1698, %get3A_5 : vector<16xf32>
        %mul3A_1720 = arith.mulf %sub3A_1718, %mul3A_1719 : vector<16xf32>
        %add3A_1721 = arith.addf %mul3A_1720, %get3A_13 : vector<16xf32>
        %add3A_1722 = arith.constant 14 : i32
        %add3A_1723 = arith.addi %mul3A_115, %add3A_1722 : i32
        %swap3A_1724 = arith.index_cast %add3A_1723 : i32 to index
        %swap3A_1725 = arith.constant 16 : index
        %swap3A_1726 = tpu.vector_load %arg11[%swap3A_1724, %swap3A_1725] {strides = array<i32>} : memref<256x64xf32, #tpu.memory_space<vmem>>, vector<16xf32>,
        tpu.vector_store %arg11[%swap3A_1724, %swap3A_1725], %add3A_1721 {strides = array<i32>} : memref<256x64xf32, #tpu.memory_space<vmem>>, vector<16xf32>,
        %add3A_1727 = arith.constant 14 : i32
        %add3A_1728 = arith.addi %mul3A_115, %add3A_1727 : i32
        %get3A_1729 = arith.index_cast %add3A_1728 : i32 to index
        %get3A_1730 = arith.constant 32 : index
        %get3A_1731 = tpu.vector_load %arg9[%get3A_1729, %get3A_1730] {strides = array<i32>} : memref<256x64xf32, #tpu.memory_space<vmem>>, vector<16xf32>,
        %sub3A_1732 = arith.subf %get3A_1731, %broadcast_in_dim3A_1695 : vector<16xf32>
        %mul3A_1733 = arith.mulf %broadcast_in_dim3A_1698, %get3A_7 : vector<16xf32>
        %mul3A_1734 = arith.mulf %sub3A_1732, %mul3A_1733 : vector<16xf32>
        %add3A_1735 = arith.addf %mul3A_1734, %get3A_15 : vector<16xf32>
        %add3A_1736 = arith.constant 14 : i32
        %add3A_1737 = arith.addi %mul3A_115, %add3A_1736 : i32
        %swap3A_1738 = arith.index_cast %add3A_1737 : i32 to index
        %swap3A_1739 = arith.constant 32 : index
        %swap3A_1740 = tpu.vector_load %arg11[%swap3A_1738, %swap3A_1739] {strides = array<i32>} : memref<256x64xf32, #tpu.memory_space<vmem>>, vector<16xf32>,
        tpu.vector_store %arg11[%swap3A_1738, %swap3A_1739], %add3A_1735 {strides = array<i32>} : memref<256x64xf32, #tpu.memory_space<vmem>>, vector<16xf32>,
        %add3A_1741 = arith.constant 14 : i32
        %add3A_1742 = arith.addi %mul3A_115, %add3A_1741 : i32
        %get3A_1743 = arith.index_cast %add3A_1742 : i32 to index
        %get3A_1744 = arith.constant 48 : index
        %get3A_1745 = tpu.vector_load %arg9[%get3A_1743, %get3A_1744] {strides = array<i32>} : memref<256x64xf32, #tpu.memory_space<vmem>>, vector<16xf32>,
        %sub3A_1746 = arith.subf %get3A_1745, %broadcast_in_dim3A_1695 : vector<16xf32>
        %mul3A_1747 = arith.mulf %broadcast_in_dim3A_1698, %get3A_9 : vector<16xf32>
        %mul3A_1748 = arith.mulf %sub3A_1746, %mul3A_1747 : vector<16xf32>
        %add3A_1749 = arith.addf %mul3A_1748, %get3A_17 : vector<16xf32>
        %add3A_1750 = arith.constant 14 : i32
        %add3A_1751 = arith.addi %mul3A_115, %add3A_1750 : i32
        %swap3A_1752 = arith.index_cast %add3A_1751 : i32 to index
        %swap3A_1753 = arith.constant 48 : index
        %swap3A_1754 = tpu.vector_load %arg11[%swap3A_1752, %swap3A_1753] {strides = array<i32>} : memref<256x64xf32, #tpu.memory_space<vmem>>, vector<16xf32>,
        tpu.vector_store %arg11[%swap3A_1752, %swap3A_1753], %add3A_1749 {strides = array<i32>} : memref<256x64xf32, #tpu.memory_space<vmem>>, vector<16xf32>,
        %slice3A_1755 = vector.extract_strided_slice %mul3A_788 {offsets = [15], sizes = [1], strides = [1]} : vector<16xf32> to vector<1xf32>
        %squeeze3A_1756 = vector.extract %slice3A_1755[0] : f32 from vector<1xf32>
        %broadcast_in_dim3A_1757 = vector.broadcast %squeeze3A_1756 : f32 to vector<16xf32>
        %slice3A_1758 = vector.extract_strided_slice %mul3A_828 {offsets = [15], sizes = [1], strides = [1]} : vector<16xf32> to vector<1xf32>
        %squeeze3A_1759 = vector.extract %slice3A_1758[0] : f32 from vector<1xf32>
        %broadcast_in_dim3A_1760 = vector.broadcast %squeeze3A_1759 : f32 to vector<16xf32>
        %add3A_1761 = arith.constant 15 : i32
        %add3A_1762 = arith.addi %mul3A_115, %add3A_1761 : i32
        %get3A_1763 = arith.index_cast %add3A_1762 : i32 to index
        %get3A_1764 = arith.constant 0 : index
        %get3A_1765 = tpu.vector_load %arg9[%get3A_1763, %get3A_1764] {strides = array<i32>} : memref<256x64xf32, #tpu.memory_space<vmem>>, vector<16xf32>,
        %sub3A_1766 = arith.subf %get3A_1765, %broadcast_in_dim3A_1757 : vector<16xf32>
        %mul3A_1767 = arith.mulf %broadcast_in_dim3A_1760, %get3A_3 : vector<16xf32>
        %mul3A_1768 = arith.mulf %sub3A_1766, %mul3A_1767 : vector<16xf32>
        %add3A_1769 = arith.addf %mul3A_1768, %get3A_11 : vector<16xf32>
        %add3A_1770 = arith.constant 15 : i32
        %add3A_1771 = arith.addi %mul3A_115, %add3A_1770 : i32
        %swap3A_1772 = arith.index_cast %add3A_1771 : i32 to index
        %swap3A_1773 = arith.constant 0 : index
        %swap3A_1774 = tpu.vector_load %arg11[%swap3A_1772, %swap3A_1773] {strides = array<i32>} : memref<256x64xf32, #tpu.memory_space<vmem>>, vector<16xf32>,
        tpu.vector_store %arg11[%swap3A_1772, %swap3A_1773], %add3A_1769 {strides = array<i32>} : memref<256x64xf32, #tpu.memory_space<vmem>>, vector<16xf32>,
        %add3A_1775 = arith.constant 15 : i32
        %add3A_1776 = arith.addi %mul3A_115, %add3A_1775 : i32
        %get3A_1777 = arith.index_cast %add3A_1776 : i32 to index
        %get3A_1778 = arith.constant 16 : index
        %get3A_1779 = tpu.vector_load %arg9[%get3A_1777, %get3A_1778] {strides = array<i32>} : memref<256x64xf32, #tpu.memory_space<vmem>>, vector<16xf32>,
        %sub3A_1780 = arith.subf %get3A_1779, %broadcast_in_dim3A_1757 : vector<16xf32>
        %mul3A_1781 = arith.mulf %broadcast_in_dim3A_1760, %get3A_5 : vector<16xf32>
        %mul3A_1782 = arith.mulf %sub3A_1780, %mul3A_1781 : vector<16xf32>
        %add3A_1783 = arith.addf %mul3A_1782, %get3A_13 : vector<16xf32>
        %add3A_1784 = arith.constant 15 : i32
        %add3A_1785 = arith.addi %mul3A_115, %add3A_1784 : i32
        %swap3A_1786 = arith.index_cast %add3A_1785 : i32 to index
        %swap3A_1787 = arith.constant 16 : index
        %swap3A_1788 = tpu.vector_load %arg11[%swap3A_1786, %swap3A_1787] {strides = array<i32>} : memref<256x64xf32, #tpu.memory_space<vmem>>, vector<16xf32>,
        tpu.vector_store %arg11[%swap3A_1786, %swap3A_1787], %add3A_1783 {strides = array<i32>} : memref<256x64xf32, #tpu.memory_space<vmem>>, vector<16xf32>,
        %add3A_1789 = arith.constant 15 : i32
        %add3A_1790 = arith.addi %mul3A_115, %add3A_1789 : i32
        %get3A_1791 = arith.index_cast %add3A_1790 : i32 to index
        %get3A_1792 = arith.constant 32 : index
        %get3A_1793 = tpu.vector_load %arg9[%get3A_1791, %get3A_1792] {strides = array<i32>} : memref<256x64xf32, #tpu.memory_space<vmem>>, vector<16xf32>,
        %sub3A_1794 = arith.subf %get3A_1793, %broadcast_in_dim3A_1757 : vector<16xf32>
        %mul3A_1795 = arith.mulf %broadcast_in_dim3A_1760, %get3A_7 : vector<16xf32>
        %mul3A_1796 = arith.mulf %sub3A_1794, %mul3A_1795 : vector<16xf32>
        %add3A_1797 = arith.addf %mul3A_1796, %get3A_15 : vector<16xf32>
        %add3A_1798 = arith.constant 15 : i32
        %add3A_1799 = arith.addi %mul3A_115, %add3A_1798 : i32
        %swap3A_1800 = arith.index_cast %add3A_1799 : i32 to index
        %swap3A_1801 = arith.constant 32 : index
        %swap3A_1802 = tpu.vector_load %arg11[%swap3A_1800, %swap3A_1801] {strides = array<i32>} : memref<256x64xf32, #tpu.memory_space<vmem>>, vector<16xf32>,
        tpu.vector_store %arg11[%swap3A_1800, %swap3A_1801], %add3A_1797 {strides = array<i32>} : memref<256x64xf32, #tpu.memory_space<vmem>>, vector<16xf32>,
        %add3A_1803 = arith.constant 15 : i32
        %add3A_1804 = arith.addi %mul3A_115, %add3A_1803 : i32
        %get3A_1805 = arith.index_cast %add3A_1804 : i32 to index
        %get3A_1806 = arith.constant 48 : index
        %get3A_1807 = tpu.vector_load %arg9[%get3A_1805, %get3A_1806] {strides = array<i32>} : memref<256x64xf32, #tpu.memory_space<vmem>>, vector<16xf32>,
        %sub3A_1808 = arith.subf %get3A_1807, %broadcast_in_dim3A_1757 : vector<16xf32>
        %mul3A_1809 = arith.mulf %broadcast_in_dim3A_1760, %get3A_9 : vector<16xf32>
        %mul3A_1810 = arith.mulf %sub3A_1808, %mul3A_1809 : vector<16xf32>
        %add3A_1811 = arith.addf %mul3A_1810, %get3A_17 : vector<16xf32>
        %add3A_1812 = arith.constant 15 : i32
        %add3A_1813 = arith.addi %mul3A_115, %add3A_1812 : i32
        %swap3A_1814 = arith.index_cast %add3A_1813 : i32 to index
        %swap3A_1815 = arith.constant 48 : index
        %swap3A_1816 = tpu.vector_load %arg11[%swap3A_1814, %swap3A_1815] {strides = array<i32>} : memref<256x64xf32, #tpu.memory_space<vmem>>, vector<16xf32>,
        tpu.vector_store %arg11[%swap3A_1814, %swap3A_1815], %add3A_1811 {strides = array<i32>} : memref<256x64xf32, #tpu.memory_space<vmem>>, vector<16xf32>,
      }
      %scan3A_98 = arith.constant 16 : i32
      %mul3A_99 = arith.constant 256 : i32
      %mul3A_100 = arith.muli %add3A_81, %mul3A_99 : i32
      %add3A_101 = arith.addi %mul3A_2, %mul3A_100 : i32
      %dma_start3A_102 = arith.constant 0 : i32
      %dma_start3A_103 = tpu.memref_slice %arg6[%add3A_101, %dma_start3A_102] : memref<819200x64xf32, #tpu.memory_space<hbm>> -> memref<256x64xf32, #tpu.memory_space<hbm>>
      %dma_start3A_104 = arith.constant 0 : i32
      %dma_start3A_105 = tpu.memref_slice %arg6[%add3A_101, %dma_start3A_104] : memref<819200x64xf32, #tpu.memory_space<hbm>> -> memref<256x64xf32, #tpu.memory_space<hbm>>
      tpu.enqueue_dma source(%arg11 : memref<256x64xf32, #tpu.memory_space<vmem>>) target(%dma_start3A_105 : memref<256x64xf32, #tpu.memory_space<hbm>>) target_semaphore(%arg19 : memref<!tpu.dma_semaphore, #tpu.memory_space<semaphore_mem>>)
      %add3A_106 = arith.constant 2 : i32
      %add3A_107 = arith.addi %add3A_81, %add3A_106 : i32
      %lt3A_108 = arith.constant 100 : i32
      %lt3A_109 = arith.cmpi slt, %add3A_107, %lt3A_108 : i32
      %convert_element_type3A_110 = arith.extui %lt3A_109 : i1 to i32
      %cond3A_111 = arith.constant 0 : i32
      %cond3A_112 = arith.cmpi ne, %convert_element_type3A_110, %cond3A_111 : i32
      scf.if %cond3A_112 {
        %add3A_113 = arith.constant 2 : i32
        %add3A_114 = arith.addi %add3A_81, %add3A_113 : i32
        %mul3A_115 = arith.constant 256 : i32
        %mul3A_116 = arith.muli %add3A_114, %mul3A_115 : i32
        %dma_start3A_117 = tpu.memref_slice %arg7[%mul3A_116] : memref<25600xi32, #tpu.memory_space<vmem>> -> memref<256xi32, #tpu.memory_space<vmem>>
        %dma_start3A_118 = arith.constant 0 : i32
        %dma_start3A_119 = arith.constant 0 : i32
        %dma_start3A_120 = tpu.memref_slice %arg3[%dma_start3A_118, %dma_start3A_119] : memref<1000000x64xf32, #tpu.memory_space<hbm>> -> memref<1000000x64xf32, #tpu.memory_space<hbm>>
        tpu.enqueue_indirect_dma source(%dma_start3A_120 : memref<1000000x64xf32, #tpu.memory_space<hbm>>) target(%arg9 : memref<256x64xf32, #tpu.memory_space<vmem>>) offsets(%dma_start3A_117 : memref<256xi32, #tpu.memory_space<vmem>>) semaphore(%arg17 : memref<!tpu.dma_semaphore, #tpu.memory_space<semaphore_mem>>)
      } else {
      }
    }
    %scan3A_34 = arith.constant 50 : i32
    %add3A_35 = arith.constant 25088 : i32
    %add3A_36 = arith.addi %mul3A_2, %add3A_35 : i32
    %dma_wait3A = arith.constant 0 : i32
    %dma_wait3A_37 = tpu.memref_slice %arg6[%add3A_36, %dma_wait3A] : memref<819200x64xf32, #tpu.memory_space<hbm>> -> memref<256x64xf32, #tpu.memory_space<hbm>>
    %dma_wait3A_38 = arith.constant 0 : i32
    %dma_wait3A_39 = tpu.memref_slice %arg6[%add3A_36, %dma_wait3A_38] : memref<819200x64xf32, #tpu.memory_space<hbm>> -> memref<256x64xf32, #tpu.memory_space<hbm>>
    tpu.wait_dma2 semaphore(%arg18 : memref<!tpu.dma_semaphore, #tpu.memory_space<semaphore_mem>>) src(%arg10 : memref<256x64xf32, #tpu.memory_space<vmem>>) dst(%dma_wait3A_39 : memref<256x64xf32, #tpu.memory_space<hbm>>)
    %add3A_40 = arith.constant 25344 : i32
    %add3A_41 = arith.addi %mul3A_2, %add3A_40 : i32
    %dma_wait3A_42 = arith.constant 0 : i32
    %dma_wait3A_43 = tpu.memref_slice %arg6[%add3A_41, %dma_wait3A_42] : memref<819200x64xf32, #tpu.memory_space<hbm>> -> memref<256x64xf32, #tpu.memory_space<hbm>>
    %dma_wait3A_44 = arith.constant 0 : i32
    %dma_wait3A_45 = tpu.memref_slice %arg6[%add3A_41, %dma_wait3A_44] : memref<819200x64xf32, #tpu.memory_space<hbm>> -> memref<256x64xf32, #tpu.memory_space<hbm>>
    tpu.wait_dma2 semaphore(%arg19 : memref<!tpu.dma_semaphore, #tpu.memory_space<semaphore_mem>>) src(%arg11 : memref<256x64xf32, #tpu.memory_space<vmem>>) dst(%dma_wait3A_45 : memref<256x64xf32, #tpu.memory_space<hbm>>)
    return
  }
}

</mosaic_0001>

<sc_bundles>
// kernel: kernel.3.cloned.1.call-start
scs
__scs_entry_jumppad:
0x0: {  	(pc) =	sbr.rel $0x88, $3  }
0x1: {  	(tag) =	ssettag $0x0;
	lr =	simm.s32 $0x1  }
0x2: {  	[smem:$0x3F9D] =	sst lr;
	_ =	strace $0xD0000000  }
0x3: {  	_ = 	snop  }
0x4: {  	_ = 	snop  }
0x5: {  	_ = 	snop  }
0x6: {  	_ = 	snop  }
0x7: {  	_ = 	snop  }
__scs_overlays_trampoline_lowered:
0x8: {  	[smem:$0x3FAC] =	sst s0  }
0x9: {  	[smem:$0x3FAD] =	sst s1  }
0xa: {  	[smem:$0x3FAE] =	sst s2  }
0xb: {  	[smem:$0x3FAF] =	sst s3  }
0xc: {  	[smem:$0x3FB0] =	sst s4  }
0xd: {  	[smem:$0x3FB1] =	sst s5  }
0xe: {  	[smem:$0x3FB2] =	sst s6  }
0xf: {  	[smem:$0x3FB3] =	sst s7  }
0x10: {  	[smem:$0x3FB4] =	sst s8  }
0x11: {  	[smem:$0x3FB5] =	sst s9;
	s0 =	simm.s32 @!p0 $0x0  }
0x12: {  	s1 =	sld [smem:$0x3F9B];
	s0 =	simm.s32 @p0 $0x1  }
0x13: {  	[smem:$0x3FB6] =	sst s0;
	s0 =	simm.s32 @!p1 $0x0  }
0x14: {  	s2 =	sld [smem:$0x3F9A];
	s0 =	simm.s32 @p1 $0x1  }
0x15: {  	[smem:$0x3FB7] =	sst s0;
	s0 =	simm.s32 @!p2 $0x0  }
0x16: {  	s3 =	sld [smem:$0x3FDB];
	s0 =	simm.s32 @p2 $0x1  }
0x17: {  	s4 =	simm.s32 $0x1BF5;
	[smem:$0x3FB9] =	sst s0  }
0x18: {  	s0 =	sld [smem:$0x3F9C];
	_ =	swait.ge [sflag:s4], $0x0  }
0x19: {  	s7 =	sld [smem:$0x3F9D]  }
0x1a: {  	s8 =	sadd.s32 $0xFFFFE003, lr  }
0x1b: {  	s9 =	sadd.s32 $0xFFFFFEF7, lr;
	s5 =	simm.s32 $0xFFFFFFFF;
	p2 =	slt.u32 s8, $0xFFFFF086  }
0x1c: {  	p1 =	slt.u32 s9, $0xF7A;
	s5 =	simm.s32 @!p2 $0x0  }
0x1d: {  	s5 =	simm.s32 @p1 $0x1;
	p0 =	seq.s32 s7, s2  }
0x1e: {  	s7 =	smul.u32 @!p0 $0xF7A, s2;
	p2 =	seq.s32 @!p0 s5, $0x0  }
0x1f: {  	s9 =	smul.u32 $0xF7A, s1;
	s8 =	simm.s32 @!p0 $0x1BF5;
	p2 =	por !p2, p0  }
0x20: {  	[sflag:s8] =	ssyncset.s32 @!p0 $0xFFFFF086;
	s6 =	sadd.s32 @!p0 s3, s7;
	s7 =	simm.s32 @!p0 $0x108  }
0x21: {  	s3 =	sadd.s32 s3, s9;
	s6 =	sadd.s32 @!p0 $0x88, s6;
	s7 =	simm.s32 @p2 $0x1082  }
0x22: {  	[simem:s7], [sflag:s8] =	dma.local @!p0 [hbm:s6], $0xF7A  }
0x23: {  	s9 =	sor.u32 $0xD0000000, s2;
	s6 =	simm.s32 $0x108;
	_ =	swait.ge @!p0 [sflag:s8], $0x0  }
0x24: {  	s3 =	sadd.s32 $0x88, s3;
	s6 =	simm.s32 @!p1 $0x1082;
	[sflag:s4] =	ssyncset.s32 $0xFFFFF086  }
0x25: {  	[simem:s6], [sflag:s4] =	dma.local [hbm:s3], $0xF7A  }
0x26: {  	[smem:$0x3F9D] =	sst s1;
	(tag) =	ssettag s2;
	_ =	strace s9  }
0x27: {  	s1 =	sld [smem:$0x3FAD]  }
0x28: {  	s2 =	sld [smem:$0x3FAE]  }
0x29: {  	s4 =	sld [smem:$0x3FB0]  }
0x2a: {  	p0 =	seq.s32 s5, $0x0;
	s5 =	sld [smem:$0x3FB1]  }
0x2b: {  	s6 =	sld [smem:$0x3FB2]  }
0x2c: {  	s7 =	sld [smem:$0x3FB3]  }
0x2d: {  	s3 =	simm.s32 $0x108;
	s8 =	sld [smem:$0x3FB4]  }
0x2e: {  	s3 =	simm.s32 @!p0 $0x1082;
	s9 =	sld [smem:$0x3FB5]  }
0x2f: {  	lr =	sadd.s32 s0, s3;
	s0 =	sld [smem:$0x3FAC]  }
0x30: {  	s3 =	sld [smem:$0x3FAF]  }
0x31: {  	[smem:$0x3FB8] =	sst s10  }
0x32: {  	s10 =	sld [smem:$0x3FB6];
	_ =	sdelay $0x3  }
0x33: {  	p0 =	seq.s32 s10, $0x1;
	s10 =	sld [smem:$0x3FB8];
	_ =	sdelay $0x3  }
0x34: {  	[smem:$0x3FB8] =	sst s10  }
0x35: {  	s10 =	sld [smem:$0x3FB7];
	_ =	sdelay $0x3  }
0x36: {  	p1 =	seq.s32 s10, $0x1;
	s10 =	sld [smem:$0x3FB8];
	_ =	sdelay $0x3  }
0x37: {  	[smem:$0x3FB8] =	sst s10  }
0x38: {  	s10 =	sld [smem:$0x3FB9]  }
0x39: {  	_ = 	snop;
	(pc) =	sbr.ind lr, $3  }
0x3a: {  	_ = 	snop  }
0x3b: {  	_ = 	snop  }
0x3c: {  	p2 =	seq.s32 s10, $0x1;
	s10 =	sld [smem:$0x3FB8]  }
0x3d: {  	_ =	shalt  }
0x3e: {  	_ =	shalt  }
0x3f: {  	_ =	shalt  }
0x40: {  	_ =	shalt  }
0x41: {  	_ =	shalt  }
0x42: {  	_ =	shalt  }
0x43: {  	_ =	shalt  }
0x44: {  	_ =	shalt  }
0x45: {  	_ =	shalt  }
0x46: {  	_ =	shalt  }
0x47: {  	_ =	shalt  }
0x48: {  	_ =	shalt  }
0x49: {  	_ =	shalt  }
0x4a: {  	_ =	shalt  }
0x4b: {  	_ =	shalt  }
0x4c: {  	_ =	shalt  }
0x4d: {  	_ =	shalt  }
0x4e: {  	_ =	shalt  }
0x4f: {  	_ =	shalt  }
0x50: {  	_ =	shalt  }
0x51: {  	_ =	shalt  }
0x52: {  	_ =	shalt  }
0x53: {  	_ =	shalt  }
0x54: {  	_ =	shalt  }
0x55: {  	_ =	shalt  }
0x56: {  	_ =	shalt  }
0x57: {  	_ =	shalt  }
0x58: {  	_ =	shalt  }
0x59: {  	_ =	shalt  }
0x5a: {  	_ =	shalt  }
0x5b: {  	_ =	shalt  }
0x5c: {  	_ =	shalt  }
0x5d: {  	_ =	shalt  }
0x5e: {  	_ =	shalt  }
0x5f: {  	_ =	shalt  }
0x60: {  	_ =	shalt  }
0x61: {  	_ =	shalt  }
0x62: {  	_ =	shalt  }
0x63: {  	_ =	shalt  }
0x64: {  	_ =	shalt  }
0x65: {  	_ =	shalt  }
0x66: {  	_ =	shalt  }
0x67: {  	_ =	shalt  }
0x68: {  	_ =	shalt  }
0x69: {  	_ =	shalt  }
0x6a: {  	_ =	shalt  }
0x6b: {  	_ =	shalt  }
0x6c: {  	_ =	shalt  }
0x6d: {  	_ =	shalt  }
0x6e: {  	_ =	shalt  }
0x6f: {  	_ =	shalt  }
0x70: {  	_ =	shalt  }
0x71: {  	_ =	shalt  }
0x72: {  	_ =	shalt  }
0x73: {  	_ =	shalt  }
0x74: {  	_ =	shalt  }
0x75: {  	_ =	shalt  }
0x76: {  	_ =	shalt  }
0x77: {  	_ =	shalt  }
0x78: {  	_ =	shalt  }
0x79: {  	_ =	shalt  }
0x7a: {  	_ =	shalt  }
0x7b: {  	_ =	shalt  }
0x7c: {  	_ =	shalt  }
0x7d: {  	_ =	shalt  }
0x7e: {  	_ =	shalt  }
0x7f: {  	_ =	shalt  }
0x80: {  	_ =	shalt  }
0x81: {  	_ =	shalt  }
0x82: {  	_ =	shalt  }
0x83: {  	_ =	shalt  }
0x84: {  	_ =	shalt  }
0x85: {  	_ =	shalt  }
0x86: {  	_ =	shalt  }
0x87: {  	_ =	shalt  }
.Lfunc_end0:
.L_simem_size_0:
called_computation.1_lowered:
.L_overlay_start_0:
0x88: {  	s2 =	sld [smem:$0x3FD9]  }
0x89: {  	s3 =	sld [smem:$0x3FFE];
	_ =	sdelay $0x1  }
0x8a: {  	s1 =	srdreg.scid  }
0x8b: {  	s0 =	sand.u32 $0x1, s1  }
0x8c: {  	s17 =	sshll.u32 s0, $0xA;
	s2 =	sadd.s32 s3, s2  }
0x8d: {  	s2 =	sadd.s32 s2, s17  }
0x8e: {  	[smem:$0x3FC4] =	sst s2  }
0x8f: {  	_ = 	snop  }
0x90: {  	s2 =	sld [smem:$0x3FC7]  }
0x91: {  	s18 =	sld [smem:$0x3FC6]  }
0x92: {  	s4 =	sld [smem:$0x3FD0];
	(tm) =	ssettm $0x1  }
0x93: {  	s5 =	sld [smem:$0x3FFB];
	_ =	sdelay $0x3  }
0x94: {  	_ =	strace s5  }
0x95: {  	s5 =	sld [smem:$0x3FFC];
	_ =	sdelay $0x3  }
0x96: {  	_ =	strace s5  }
0x97: {  	s5 =	sld [smem:$0x3FFD];
	_ =	sdelay $0x3  }
0x98: {  	_ =	strace s5  }
0x99: {  	_ =	strace $0x8FFFFFFF  }
0x9a: {  	s19 =	sld [smem:$0x3FDB];
	_ =	sdelay $0x1  }
0x9b: {  	s6 =	simm.s32 $_scs_section_size  }
0x9c: {  	s7 =	simm.s32 $_size__tile_overlayer_lowered;
	s8 =	simm.s32 $_tile_overlayer_lowered  }
0x9d: {  	s22 =	simm.s32 $0x1BFF;
	s21 =	sshll.u32 s8, $0x1;
	s5 =	sadd.s32 s6, s19  }
0x9e: {  	s9 =	simm.s32 $0x0;
	s20 =	sshll.u32 s7, $0x1;
	s7 =	sadd.s32 s21, s5  }
0x9f: {  	[timem:s9], [sflag:s22] =	dma.local [hbm:s7], s20  }
0xa0: {  	_ =	swait.ge [sflag:s22], s20  }
0xa1: {  	s6 =	ssub.s32 $0x0, s20;
	[sflag:s22] =	ssyncset.done $0x0  }
0xa2: {  	[sflag:s22] =	ssyncadd.s32 s6;
	_ =	sdelay $0x1  }
0xa3: {  	s23 =	simm.s32 $0x1B8B  }
0xa4: {  	_ =	swait.ge [sflag:s23], $0x1  }
0xa5: {  	[sflag:s23] =	ssyncset.done $0x0  }
0xa6: {  	s25 =	simm.s32 $0x1B8E;
	s24 =	sld [smem:$0x3FFE];
	[sflag:s23] =	ssyncadd.s32 $0xFFFFFFFF  }
0xa7: {  	s26 =	simm.s32 $execute0_lowered;
	[smem:$0x3FD2] =	sst s25  }
0xa8: {  	s7 =	sshll.u32 s26, $0x1;
	_ =	strace $0x80000046;
	[dreg:$0x1] =	wrdreg $0xFFFFFFFF  }
0xa9: {  	s28 =	simm.s32 $_size_execute0_lowered;
	s5 =	sadd.s32 s5, s7;
	[dreg:$0x0] =	wrdreg $0x0  }
0xaa: {  	s7 =	sshll.u32 s28, $0x1;
	[dreg:$0x2] =	wrdreg s5  }
0xab: {  	[dreg:$0x3] =	wrdreg s7  }
0xac: {  	[dreg:$0x4] =	wrdreg $0xC0  }
0xad: {  	_ =	task [dreg:s9], $0x5FFFF  }
0xae: {  	[dreg:$0x1] =	wrdreg $0xFFFFFFFF  }
0xaf: {  	[dreg:$0x0] =	wrdreg $0x60  }
0xb0: {  	[dreg:$0x2] =	wrdreg s24  }
0xb1: {  	[dreg:$0x3] =	wrdreg s2  }
0xb2: {  	[dreg:$0x4] =	wrdreg s18  }
0xb3: {  	[dreg:$0x5] =	wrdreg s4  }
0xb4: {  	[dreg:$0x6] =	wrdreg $0x9  }
0xb5: {  	_ =	task.clear_ibuf [dreg:s9], $0x7FFFF;
	_ =	strace $0x90000046  }
0xb6: {  	s29 =	simm.s32 $0x9;
	_ =	strace $0x80000048  }
0xb7: {  	_ =	swait.ge [sflag:s29], $0x1  }
0xb8: {  	[sflag:s29] =	ssyncadd.s32 $0xFFFFFFFF  }
0xb9: {  	_ =	strace $0x90000048  }
0xba: {  	_ =	sfence  }
0xbb: {  	s30 =	sld [smem:$0x0];
	_ =	sdelay $0x2  }
0xbc: {  	s31 =	sshll.u32 s1, $0xD;
	s1 =	sshrl.u32 s1, $0x2  }
0xbd: {  	s3 =	sand.u32 $0x4000, s31;
	s1 =	sadd.s32 s1, s30  }
0xbe: {  	s0 =	sor.u32 s3, s0;
	s1 =	sshll.u32 s1, $0x11  }
0xbf: {  	s0 =	sor.u32 s1, s0  }
0xc0: {  	s0 =	sadd.s32 $0x8F2B, s0  }
0xc1: {  	[sflag:s0] =	ssyncadd.remote.s32 $0x1  }
0xc2: {  	_ =	sfence.sel $0xFFFF  }
0xc3: {  	[dreg:$0x0] =	wrdreg $0xFFFFFFFF;
	(pc) =	sbr.abs _section_cstart, $3  }
0xc4: {  	[dreg:$0x1] =	wrdreg $0xFFFFFFFF  }
0xc5: {  	_ =	task.clear_ibuf [dreg:s9], $0x2FFFF;
	_ =	strace $0x9FFFFFFF  }
0xc6: {  	(tm) =	ssettm $0x7FFFFFFF  }
0xc7: {  	_ =	shalt  }
tec
execute0_lowered:
.L_overlay_start_1:
0x0: {  	(tag) =	ssettag $0x1  }
0x1: {  	s6 =	rddreg [dreg:$0x0]  }
0x2: {  	s1 =	rddreg [dreg:$0x1]  }
0x3: {  	s3 =	rddreg [dreg:$0x2]  }
0x4: {  	s2 =	srdreg.scid;
	s0 =	stileid.u32  }
0x5: {  	s4 =	rddreg [dreg:$0x3];
	s5 =	simm.s32 $0x0;
	s12 =	simm.s32 $0x16400  }
0x6: {  	s13 =	simm.s32 $0x16440;
	s14 =	simm.s32 $0x100;
	s15 =	simm.s32 $0x6400  }
0x7: {  	s16 =	simm.s32 $0xA400;
	s17 =	simm.s32 $0x1;
	s18 =	simm.s32 $0x16480  }
0x8: {  	s19 =	simm.s32 $0x16590;
	s20 =	simm.s32 $0xE400;
	s21 =	simm.s32 $0x2  }
0x9: {  	v0 =	vlaneseq.u32;
	s22 =	simm.s32 $0x4;
	s7 =	sand.u32 $0x1, s2;
	s8 =	sshll.u32 s0, $0x1  }
0xa: {  	s23 =	simm.s32 $0x12400;
	s24 =	simm.s32 $0x3;
	v0 =	vmul.u32 $0x11, v0;
	s8 =	sor.u32 s7, s8  }
0xb: {  	s25 =	simm.s32 $0x0;
	s2 =	rddreg [dreg:$0x4];
	s9 =	smul.u32 $0xC80, s8  }
.Ltmp0:
0xc: {  	[smem:$0x7FF] =	sst s5;
	s7 =	ssub.s32 $0x2, s7;
	v1 =	vadd.s32 $0x1, v0;
	v2 =	vadd.s32 $0x2, v0;
	v3 =	vadd.s32 $0x3, v0;
	(pc) =	sbr.rel .LBB2_1-.Ltmp0, $4  }
0xd: {  	_ =	strace $0x80000047;
	s10 =	smul.u32 $0x32000, s8;
	s11 =	sshrl.u32 s7, $0x1;
	v4 =	vadd.s32 $0x4, v0;
	v5 =	vadd.s32 $0x5, v0;
	v6 =	vadd.s32 $0x6, v0  }
0xe: {  	s8 =	smul.u32 $0x190000, s8;
	v7 =	vadd.s32 $0x7, v0;
	v8 =	vadd.s32 $0x8, v0;
	v9 =	vadd.s32 $0x9, v0;
	s11 =	ssub.s32 s7, s11;
	s9 =	sadd.s32 s9, s6  }
0xf: {  	v10 =	vadd.s32 $0xA, v0;
	v11 =	vadd.s32 $0xB, v0;
	v12 =	vadd.s32 $0xC, v0;
	s6 =	sadd.s32 $0xF42E00, s6;
	s10 =	sadd.s32 s10, s4;
	s7 =	sadd.s32 $0xA00, s9  }
0x10: {  	v13 =	vadd.s32 $0xD, v0;
	v14 =	vadd.s32 $0xE, v0;
	v15 =	vadd.s32 $0xF, v0;
	s9 =	smax.u32 s11, $0x1;
	s10 =	sadd.s32 $0x800, s10;
	s11 =	simm.s32 $0x5  }
.LBB2_12:
0x11: {  	s25 =	sadd.s32 $0x1, s25  }
0x12: {  	_ =	swait.ge [sflag:s24], $0x4000;
	p0 =	sne.s32 s25, s9  }
.Ltmp1:
0x13: {  	[sflag:s24] =	ssyncset.done $0x0;
	(pc) =	sbr.rel @!p0 .LBB2_13-.Ltmp1, $4  }
0x14: {  	[sflag:s24] =	ssyncadd.s32 $0xFFFFC000  }
0x15: {  	_ =	swait.ge [sflag:s22], $0x4000  }
0x16: {  	[sflag:s22] =	ssyncset.done $0x0  }
0x17: {  	[sflag:s22] =	ssyncadd.s32 $0xFFFFC000  }
.LBB2_1:
0x18: {  	[tilespmem:s5], [sflag:$0x5] =	stream.linear.gather [hbm4b:s7+s5], $0x6400, $0x38;
	[tilespmem:$0x166A0] =	vst v63  }
0x19: {  	_ =	swait.ge [sflag:s11], $0x6400  }
0x1a: {  	[sflag:s11] =	ssyncset.done $0x0  }
0x1b: {  	[sflag:s11] =	ssyncadd.s32 $0xFFFF9C00  }
0x1c: {  	[tilespmem:s12], [sflag:$0x5] =	stream.linear.gather [hbm4b:s1+s5], $0x40, $0x38;
	[tilespmem:$0x166A0] =	vst v63  }
0x1d: {  	_ =	swait.ge [sflag:s11], $0x40  }
0x1e: {  	[sflag:s11] =	ssyncset.done $0x0  }
0x1f: {  	[sflag:s11] =	ssyncadd.s32 $0xFFFFFFC0  }
0x20: {  	[tilespmem:s13], [sflag:$0x5] =	stream.linear.gather [hbm4b:s3+s5], $0x40, $0x38;
	[tilespmem:$0x166A0] =	vst v63  }
0x21: {  	_ =	swait.ge [sflag:s11], $0x40  }
0x22: {  	[sflag:s11] =	ssyncset.done $0x0  }
0x23: {  	[sflag:s11] =	ssyncadd.s32 $0xFFFFFFC0  }
0x24: {  	v16 =	vld [tilespmem:$0x16400]  }
0x25: {  	v17 =	vld [tilespmem:$0x16410]  }
0x26: {  	v18 =	vld [tilespmem:$0x16420]  }
0x27: {  	v19 =	vld [tilespmem:$0x16430]  }
0x28: {  	v20 =	vld [tilespmem:$0x16440]  }
0x29: {  	v21 =	vld [tilespmem:$0x16450]  }
0x2a: {  	v22 =	vld [tilespmem:$0x16460]  }
0x2b: {  	v23 =	vld [tilespmem:$0x16470];
	[tilespmem:s15], [sflag:$0x1] =	stream.indirect.gather [hbm4b:s6+s14], $0x40, s5, s14, $0xb8  }
0x2c: {  	s26 =	simm.s32 $0x0  }
0x2d: {  	[tilespmem:s16], [sflag:$0x2] =	stream.indirect.gather [hbm4b:s6+s14], $0x40, s14, s14, $0xb8;
	[tilespmem:$0x166A0] =	vst v63  }
.LBB2_2:
0x2e: {  	_ =	swait.ge [sflag:s17], $0x4000  }
0x2f: {  	p0 =	seq.s32 s26, $0x0;
	[sflag:s17] =	ssyncset.done $0x0  }
0x30: {  	s29 =	simm.s32 @!p0 $0x3;
	[sflag:s17] =	ssyncadd.s32 $0xFFFFC000  }
0x31: {  	_ =	swait.ge @!p0 [sflag:s29], $0x4000  }
0x32: {  	[sflag:s29] =	ssyncset.done @!p0 $0x0  }
0x33: {  	s28 =	sshll.u32 s26, $0xB;
	[sflag:s29] =	ssyncadd.s32 @!p0 $0xFFFFC000;
	s29 =	simm.s32 $0x0  }
.LBB2_3:
0x34: {  	s30 =	sshra.s32 s29, $0x2  }
0x35: {  	v24 =	vld [tilespmem:s30+$0x6400]  }
0x36: {  	v25 =	vld [tilespmem:s30+$0x6410]  }
0x37: {  	v26 =	vld [tilespmem:s30+$0x6420]  }
0x38: {  	v27 =	vld [tilespmem:s30+$0x6430];
	_ =	sdelay $0x3  }
0x39: {  	v28 =	vmul.f32 v24, v24;
	v29 =	vmul.f32 v25, v25  }
0x3a: {  	v30 =	vmul.f32 v26, v26;
	v31 =	vmul.f32 v27, v27  }
0x3b: {  	v24 =	vadd.f32 v25, v24;
	v39 =	vadd.f32 v27, v26  }
0x3c: {  	v40 =	vadd.f32 v29, v28;
	v41 =	vadd.f32 v31, v30  }
0x3d: {  	v24 =	vadd.f32 v39, v24  }
0x3e: {  	v42 =	vadd.f32 v41, v40  }
0x3f: {  	[tilespmem:v0+s18+$0x0] =	vst.idx.msk $0xffff, v24  }
0x40: {  	[tilespmem:v0+s19+$0x0] =	vst.idx.msk $0xffff, v42  }
0x41: {  	v24 =	vld [tilespmem:s30+$0x6440]  }
0x42: {  	v25 =	vld [tilespmem:s30+$0x6450]  }
0x43: {  	v43 =	vld [tilespmem:s30+$0x6460]  }
0x44: {  	v44 =	vld [tilespmem:s30+$0x6470];
	_ =	sdelay $0x3  }
0x45: {  	v45 =	vmul.f32 v24, v24;
	v46 =	vmul.f32 v25, v25  }
0x46: {  	v47 =	vmul.f32 v43, v43;
	v48 =	vmul.f32 v44, v44  }
0x47: {  	v24 =	vadd.f32 v25, v24;
	v49 =	vadd.f32 v44, v43  }
0x48: {  	v50 =	vadd.f32 v46, v45;
	v51 =	vadd.f32 v48, v47  }
0x49: {  	v24 =	vadd.f32 v49, v24  }
0x4a: {  	v52 =	vadd.f32 v51, v50  }
0x4b: {  	[tilespmem:v1+s18+$0x0] =	vst.idx.msk $0xffff, v24  }
0x4c: {  	[tilespmem:v1+s19+$0x0] =	vst.idx.msk $0xffff, v52  }
0x4d: {  	v24 =	vld [tilespmem:s30+$0x6480]  }
0x4e: {  	v25 =	vld [tilespmem:s30+$0x6490]  }
0x4f: {  	v53 =	vld [tilespmem:s30+$0x64A0]  }
0x50: {  	v54 =	vld [tilespmem:s30+$0x64B0];
	_ =	sdelay $0x3  }
0x51: {  	v55 =	vmul.f32 v24, v24;
	v56 =	vmul.f32 v25, v25  }
0x52: {  	v57 =	vmul.f32 v53, v53;
	v58 =	vmul.f32 v54, v54  }
0x53: {  	v24 =	vadd.f32 v25, v24;
	v59 =	vadd.f32 v54, v53  }
0x54: {  	v60 =	vadd.f32 v56, v55;
	v61 =	vadd.f32 v58, v57  }
0x55: {  	v24 =	vadd.f32 v59, v24  }
0x56: {  	v62 =	vadd.f32 v61, v60  }
0x57: {  	[tilespmem:v2+s18+$0x0] =	vst.idx.msk $0xffff, v24  }
0x58: {  	[tilespmem:v2+s19+$0x0] =	vst.idx.msk $0xffff, v62  }
0x59: {  	v24 =	vld [tilespmem:s30+$0x64C0]  }
0x5a: {  	v25 =	vld [tilespmem:s30+$0x64D0]  }
0x5b: {  	v63 =	vld [tilespmem:s30+$0x64E0]  }
0x5c: {  	v33 =	vld [tilespmem:s30+$0x64F0];
	_ =	sdelay $0x3  }
0x5d: {  	v34 =	vmul.f32 v24, v24;
	v35 =	vmul.f32 v25, v25  }
0x5e: {  	v36 =	vmul.f32 v63, v63;
	v37 =	vmul.f32 v33, v33  }
0x5f: {  	v24 =	vadd.f32 v25, v24;
	v38 =	vadd.f32 v33, v63  }
0x60: {  	v39 =	vadd.f32 v35, v34;
	v40 =	vadd.f32 v37, v36  }
0x61: {  	v24 =	vadd.f32 v38, v24  }
0x62: {  	v41 =	vadd.f32 v40, v39  }
0x63: {  	[tilespmem:v3+s18+$0x0] =	vst.idx.msk $0xffff, v24  }
0x64: {  	[tilespmem:v3+s19+$0x0] =	vst.idx.msk $0xffff, v41  }
0x65: {  	v24 =	vld [tilespmem:s30+$0x6500]  }
0x66: {  	v25 =	vld [tilespmem:s30+$0x6510]  }
0x67: {  	v42 =	vld [tilespmem:s30+$0x6520]  }
0x68: {  	v43 =	vld [tilespmem:s30+$0x6530];
	_ =	sdelay $0x3  }
0x69: {  	v44 =	vmul.f32 v24, v24;
	v45 =	vmul.f32 v25, v25  }
0x6a: {  	v46 =	vmul.f32 v42, v42;
	v47 =	vmul.f32 v43, v43  }
0x6b: {  	v24 =	vadd.f32 v25, v24;
	v48 =	vadd.f32 v43, v42  }
0x6c: {  	v49 =	vadd.f32 v45, v44;
	v50 =	vadd.f32 v47, v46  }
0x6d: {  	v24 =	vadd.f32 v48, v24  }
0x6e: {  	v51 =	vadd.f32 v50, v49  }
0x6f: {  	[tilespmem:v4+s18+$0x0] =	vst.idx.msk $0xffff, v24  }
0x70: {  	[tilespmem:v4+s19+$0x0] =	vst.idx.msk $0xffff, v51  }
0x71: {  	v24 =	vld [tilespmem:s30+$0x6540]  }
0x72: {  	v25 =	vld [tilespmem:s30+$0x6550]  }
0x73: {  	v52 =	vld [tilespmem:s30+$0x6560]  }
0x74: {  	v53 =	vld [tilespmem:s30+$0x6570];
	_ =	sdelay $0x3  }
0x75: {  	v54 =	vmul.f32 v24, v24;
	v55 =	vmul.f32 v25, v25  }
0x76: {  	v56 =	vmul.f32 v52, v52;
	v57 =	vmul.f32 v53, v53  }
0x77: {  	v24 =	vadd.f32 v25, v24;
	v58 =	vadd.f32 v53, v52  }
0x78: {  	v59 =	vadd.f32 v55, v54;
	v60 =	vadd.f32 v57, v56  }
0x79: {  	v24 =	vadd.f32 v58, v24  }
0x7a: {  	v61 =	vadd.f32 v60, v59  }
0x7b: {  	[tilespmem:v5+s18+$0x0] =	vst.idx.msk $0xffff, v24  }
0x7c: {  	[tilespmem:v5+s19+$0x0] =	vst.idx.msk $0xffff, v61  }
0x7d: {  	v24 =	vld [tilespmem:s30+$0x6580]  }
0x7e: {  	v25 =	vld [tilespmem:s30+$0x6590]  }
0x7f: {  	v62 =	vld [tilespmem:s30+$0x65A0]  }
0x80: {  	v63 =	vld [tilespmem:s30+$0x65B0];
	_ =	sdelay $0x3  }
0x81: {  	v33 =	vmul.f32 v24, v24;
	v34 =	vmul.f32 v25, v25  }
0x82: {  	v35 =	vmul.f32 v62, v62;
	v36 =	vmul.f32 v63, v63  }
0x83: {  	v24 =	vadd.f32 v25, v24;
	v37 =	vadd.f32 v63, v62  }
0x84: {  	v38 =	vadd.f32 v34, v33;
	v39 =	vadd.f32 v36, v35  }
0x85: {  	v24 =	vadd.f32 v37, v24  }
0x86: {  	v40 =	vadd.f32 v39, v38  }
0x87: {  	[tilespmem:v6+s18+$0x0] =	vst.idx.msk $0xffff, v24  }
0x88: {  	[tilespmem:v6+s19+$0x0] =	vst.idx.msk $0xffff, v40  }
0x89: {  	v24 =	vld [tilespmem:s30+$0x65C0]  }
0x8a: {  	v25 =	vld [tilespmem:s30+$0x65D0]  }
0x8b: {  	v41 =	vld [tilespmem:s30+$0x65E0]  }
0x8c: {  	v42 =	vld [tilespmem:s30+$0x65F0];
	_ =	sdelay $0x3  }
0x8d: {  	v43 =	vmul.f32 v24, v24;
	v44 =	vmul.f32 v25, v25  }
0x8e: {  	v45 =	vmul.f32 v41, v41;
	v46 =	vmul.f32 v42, v42  }
0x8f: {  	v24 =	vadd.f32 v25, v24;
	v47 =	vadd.f32 v42, v41  }
0x90: {  	v48 =	vadd.f32 v44, v43;
	v49 =	vadd.f32 v46, v45  }
0x91: {  	v24 =	vadd.f32 v47, v24  }
0x92: {  	v50 =	vadd.f32 v49, v48  }
0x93: {  	[tilespmem:v7+s18+$0x0] =	vst.idx.msk $0xffff, v24  }
0x94: {  	[tilespmem:v7+s19+$0x0] =	vst.idx.msk $0xffff, v50  }
0x95: {  	v24 =	vld [tilespmem:s30+$0x6600]  }
0x96: {  	v25 =	vld [tilespmem:s30+$0x6610]  }
0x97: {  	v51 =	vld [tilespmem:s30+$0x6620]  }
0x98: {  	v52 =	vld [tilespmem:s30+$0x6630];
	_ =	sdelay $0x3  }
0x99: {  	v53 =	vmul.f32 v24, v24;
	v54 =	vmul.f32 v25, v25  }
0x9a: {  	v55 =	vmul.f32 v51, v51;
	v56 =	vmul.f32 v52, v52  }
0x9b: {  	v24 =	vadd.f32 v25, v24;
	v57 =	vadd.f32 v52, v51  }
0x9c: {  	v58 =	vadd.f32 v54, v53;
	v59 =	vadd.f32 v56, v55  }
0x9d: {  	v24 =	vadd.f32 v57, v24  }
0x9e: {  	v60 =	vadd.f32 v59, v58  }
0x9f: {  	[tilespmem:v8+s18+$0x0] =	vst.idx.msk $0xffff, v24  }
0xa0: {  	[tilespmem:v8+s19+$0x0] =	vst.idx.msk $0xffff, v60  }
0xa1: {  	v24 =	vld [tilespmem:s30+$0x6640]  }
0xa2: {  	v25 =	vld [tilespmem:s30+$0x6650]  }
0xa3: {  	v61 =	vld [tilespmem:s30+$0x6660]  }
0xa4: {  	v62 =	vld [tilespmem:s30+$0x6670];
	_ =	sdelay $0x3  }
0xa5: {  	v63 =	vmul.f32 v24, v24;
	v33 =	vmul.f32 v25, v25  }
0xa6: {  	v34 =	vmul.f32 v61, v61;
	v35 =	vmul.f32 v62, v62  }
0xa7: {  	v24 =	vadd.f32 v25, v24;
	v36 =	vadd.f32 v62, v61  }
0xa8: {  	v37 =	vadd.f32 v33, v63;
	v38 =	vadd.f32 v35, v34  }
0xa9: {  	v24 =	vadd.f32 v36, v24  }
0xaa: {  	v39 =	vadd.f32 v38, v37  }
0xab: {  	[tilespmem:v9+s18+$0x0] =	vst.idx.msk $0xffff, v24  }
0xac: {  	[tilespmem:v9+s19+$0x0] =	vst.idx.msk $0xffff, v39  }
0xad: {  	v24 =	vld [tilespmem:s30+$0x6680]  }
0xae: {  	v25 =	vld [tilespmem:s30+$0x6690]  }
0xaf: {  	v40 =	vld [tilespmem:s30+$0x66A0]  }
0xb0: {  	v41 =	vld [tilespmem:s30+$0x66B0];
	_ =	sdelay $0x3  }
0xb1: {  	v42 =	vmul.f32 v24, v24;
	v43 =	vmul.f32 v25, v25  }
0xb2: {  	v44 =	vmul.f32 v40, v40;
	v45 =	vmul.f32 v41, v41  }
0xb3: {  	v24 =	vadd.f32 v25, v24;
	v46 =	vadd.f32 v41, v40  }
0xb4: {  	v47 =	vadd.f32 v43, v42;
	v48 =	vadd.f32 v45, v44  }
0xb5: {  	v24 =	vadd.f32 v46, v24  }
0xb6: {  	v49 =	vadd.f32 v48, v47  }
0xb7: {  	[tilespmem:v10+s18+$0x0] =	vst.idx.msk $0xffff, v24  }
0xb8: {  	[tilespmem:v10+s19+$0x0] =	vst.idx.msk $0xffff, v49  }
0xb9: {  	v24 =	vld [tilespmem:s30+$0x66C0]  }
0xba: {  	v25 =	vld [tilespmem:s30+$0x66D0]  }
0xbb: {  	v50 =	vld [tilespmem:s30+$0x66E0]  }
0xbc: {  	v51 =	vld [tilespmem:s30+$0x66F0];
	_ =	sdelay $0x3  }
0xbd: {  	v52 =	vmul.f32 v24, v24;
	v53 =	vmul.f32 v25, v25  }
0xbe: {  	v54 =	vmul.f32 v50, v50;
	v55 =	vmul.f32 v51, v51  }
0xbf: {  	v24 =	vadd.f32 v25, v24;
	v56 =	vadd.f32 v51, v50  }
0xc0: {  	v57 =	vadd.f32 v53, v52;
	v58 =	vadd.f32 v55, v54  }
0xc1: {  	v24 =	vadd.f32 v56, v24  }
0xc2: {  	v59 =	vadd.f32 v58, v57  }
0xc3: {  	[tilespmem:v11+s18+$0x0] =	vst.idx.msk $0xffff, v24  }
0xc4: {  	[tilespmem:v11+s19+$0x0] =	vst.idx.msk $0xffff, v59  }
0xc5: {  	v24 =	vld [tilespmem:s30+$0x6700]  }
0xc6: {  	v25 =	vld [tilespmem:s30+$0x6710]  }
0xc7: {  	v60 =	vld [tilespmem:s30+$0x6720]  }
0xc8: {  	v61 =	vld [tilespmem:s30+$0x6730];
	_ =	sdelay $0x3  }
0xc9: {  	v62 =	vmul.f32 v24, v24;
	v63 =	vmul.f32 v25, v25  }
0xca: {  	v33 =	vmul.f32 v60, v60;
	v34 =	vmul.f32 v61, v61  }
0xcb: {  	v24 =	vadd.f32 v25, v24;
	v35 =	vadd.f32 v61, v60  }
0xcc: {  	v36 =	vadd.f32 v63, v62;
	v37 =	vadd.f32 v34, v33  }
0xcd: {  	v24 =	vadd.f32 v35, v24  }
0xce: {  	v38 =	vadd.f32 v37, v36  }
0xcf: {  	[tilespmem:v12+s18+$0x0] =	vst.idx.msk $0xffff, v24  }
0xd0: {  	[tilespmem:v12+s19+$0x0] =	vst.idx.msk $0xffff, v38  }
0xd1: {  	v24 =	vld [tilespmem:s30+$0x6740]  }
0xd2: {  	v25 =	vld [tilespmem:s30+$0x6750]  }
0xd3: {  	v39 =	vld [tilespmem:s30+$0x6760]  }
0xd4: {  	v40 =	vld [tilespmem:s30+$0x6770];
	_ =	sdelay $0x3  }
0xd5: {  	v41 =	vmul.f32 v24, v24;
	v42 =	vmul.f32 v25, v25  }
0xd6: {  	v43 =	vmul.f32 v39, v39;
	v44 =	vmul.f32 v40, v40  }
0xd7: {  	v24 =	vadd.f32 v25, v24;
	v45 =	vadd.f32 v40, v39  }
0xd8: {  	v46 =	vadd.f32 v42, v41;
	v47 =	vadd.f32 v44, v43  }
0xd9: {  	v24 =	vadd.f32 v45, v24  }
0xda: {  	v48 =	vadd.f32 v47, v46  }
0xdb: {  	[tilespmem:v13+s18+$0x0] =	vst.idx.msk $0xffff, v24  }
0xdc: {  	[tilespmem:v13+s19+$0x0] =	vst.idx.msk $0xffff, v48  }
0xdd: {  	v24 =	vld [tilespmem:s30+$0x6780]  }
0xde: {  	v25 =	vld [tilespmem:s30+$0x6790]  }
0xdf: {  	v49 =	vld [tilespmem:s30+$0x67A0]  }
0xe0: {  	v50 =	vld [tilespmem:s30+$0x67B0];
	_ =	sdelay $0x3  }
0xe1: {  	v51 =	vmul.f32 v24, v24;
	v52 =	vmul.f32 v25, v25  }
0xe2: {  	v53 =	vmul.f32 v49, v49;
	v54 =	vmul.f32 v50, v50  }
0xe3: {  	v24 =	vadd.f32 v25, v24;
	v55 =	vadd.f32 v50, v49  }
0xe4: {  	v56 =	vadd.f32 v52, v51;
	v57 =	vadd.f32 v54, v53  }
0xe5: {  	v24 =	vadd.f32 v55, v24  }
0xe6: {  	v58 =	vadd.f32 v57, v56  }
0xe7: {  	[tilespmem:v14+s18+$0x0] =	vst.idx.msk $0xffff, v24  }
0xe8: {  	[tilespmem:v14+s19+$0x0] =	vst.idx.msk $0xffff, v58  }
0xe9: {  	v24 =	vld [tilespmem:s30+$0x67C0]  }
0xea: {  	v25 =	vld [tilespmem:s30+$0x67D0]  }
0xeb: {  	v59 =	vld [tilespmem:s30+$0x67E0]  }
0xec: {  	v60 =	vld [tilespmem:s30+$0x67F0];
	_ =	sdelay $0x3  }
0xed: {  	v61 =	vmul.f32 v24, v24;
	v62 =	vmul.f32 v25, v25  }
0xee: {  	v63 =	vmul.f32 v59, v59;
	v33 =	vmul.f32 v60, v60  }
0xef: {  	v24 =	vadd.f32 v25, v24;
	v34 =	vadd.f32 v60, v59  }
0xf0: {  	v35 =	vadd.f32 v62, v61;
	v36 =	vadd.f32 v33, v63  }
0xf1: {  	v24 =	vadd.f32 v34, v24  }
0xf2: {  	v37 =	vadd.f32 v36, v35  }
0xf3: {  	[tilespmem:v15+s18+$0x0] =	vst.idx.msk $0xffff, v24  }
0xf4: {  	[tilespmem:v15+s19+$0x0] =	vst.idx.msk $0xffff, v37  }
0xf5: {  	v24 =	vld [tilespmem:$0x16480]  }
0xf6: {  	v25 =	vld [tilespmem:$0x16590]  }
0xf7: {  	v38 =	vld [tilespmem:$0x16491]  }
0xf8: {  	v39 =	vld [tilespmem:$0x165A1]  }
0xf9: {  	v40 =	vld [tilespmem:$0x164A2]  }
0xfa: {  	v41 =	vld [tilespmem:$0x165B2]  }
0xfb: {  	v42 =	vld [tilespmem:$0x164B3]  }
0xfc: {  	v43 =	vld [tilespmem:$0x165C3];
	v24 =	vadd.f32 v38, v24  }
0xfd: {  	v44 =	vld [tilespmem:$0x164C4]  }
0xfe: {  	v45 =	vld [tilespmem:$0x165D4];
	v25 =	vadd.f32 v39, v25;
	v24 =	vadd.f32 v40, v24  }
0xff: {  	v46 =	vld [tilespmem:$0x164D5]  }
0x100: {  	v47 =	vld [tilespmem:$0x165E5];
	v25 =	vadd.f32 v41, v25;
	v24 =	vadd.f32 v42, v24  }
0x101: {  	v48 =	vld [tilespmem:$0x164E6]  }
0x102: {  	v49 =	vld [tilespmem:$0x165F6];
	v25 =	vadd.f32 v43, v25;
	v24 =	vadd.f32 v44, v24  }
0x103: {  	v50 =	vld [tilespmem:$0x164F7]  }
0x104: {  	v51 =	vld [tilespmem:$0x16607];
	v25 =	vadd.f32 v45, v25;
	v24 =	vadd.f32 v46, v24  }
0x105: {  	v52 =	vld [tilespmem:$0x16508]  }
0x106: {  	v53 =	vld [tilespmem:$0x16618];
	v25 =	vadd.f32 v47, v25;
	v24 =	vadd.f32 v48, v24  }
0x107: {  	v54 =	vld [tilespmem:$0x16519]  }
0x108: {  	v55 =	vld [tilespmem:$0x16629];
	v25 =	vadd.f32 v49, v25;
	v24 =	vadd.f32 v50, v24  }
0x109: {  	v56 =	vld [tilespmem:$0x1652A]  }
0x10a: {  	v57 =	vld [tilespmem:$0x1663A];
	v25 =	vadd.f32 v51, v25;
	v24 =	vadd.f32 v52, v24  }
0x10b: {  	v58 =	vld [tilespmem:$0x1653B]  }
0x10c: {  	v59 =	vld [tilespmem:$0x1664B];
	v25 =	vadd.f32 v53, v25;
	v24 =	vadd.f32 v54, v24  }
0x10d: {  	v60 =	vld [tilespmem:$0x1654C]  }
0x10e: {  	v61 =	vld [tilespmem:$0x1665C];
	v25 =	vadd.f32 v55, v25;
	v24 =	vadd.f32 v56, v24  }
0x10f: {  	v62 =	vld [tilespmem:$0x1655D]  }
0x110: {  	v63 =	vld [tilespmem:$0x1666D];
	v25 =	vadd.f32 v57, v25;
	v24 =	vadd.f32 v58, v24  }
0x111: {  	v33 =	vld [tilespmem:$0x1656E]  }
0x112: {  	v34 =	vld [tilespmem:$0x1667E];
	v25 =	vadd.f32 v59, v25;
	v24 =	vadd.f32 v60, v24  }
0x113: {  	v35 =	vld [tilespmem:$0x1657F]  }
0x114: {  	v25 =	vadd.f32 v61, v25;
	v24 =	vadd.f32 v62, v24  }
0x115: {  	v36 =	vld [tilespmem:$0x1668F]  }
0x116: {  	v25 =	vadd.f32 v63, v25;
	v24 =	vadd.f32 v33, v24;
	_ =	sdelay $0x1  }
0x117: {  	v25 =	vadd.f32 v34, v25;
	v24 =	vadd.f32 v35, v24;
	_ =	sdelay $0x1  }
0x118: {  	v25 =	vadd.f32 v36, v25;
	v24 =	vmul.f32 $1.562500000e-02, v24;
	_ =	sdelay $0x1  }
0x119: {  	v25 =	vmul.f32 $1.562500000e-02, v25;
	v37 =	vmul.f32 v24, v24;
	_ =	sdelay $0x1  }
0x11a: {  	v25 =	vsub.f32 v25, v37;
	_ =	sdelay $0x1  }
0x11b: {  	v25 =	vadd.f32 $9.999999740e-06, v25;
	_ =	sdelay $0x1  }
0x11c: {  	v38 =	vshra.s32 v25, $0x1;
	v25 =	vmul.f32 $5.000000000e-01, v25  }
0x11d: {  	v26 =	vsub.s32 $0x5F3759DF, v38  }
0x11e: {  	v39 =	vmul.f32 v26, v25;
	_ =	sdelay $0x1  }
0x11f: {  	v27 =	vmul.f32 v26, v39;
	_ =	sdelay $0x1  }
0x120: {  	v27 =	vsub.f32 $1.500000000e+00, v27;
	_ =	sdelay $0x1  }
0x121: {  	v26 =	vmul.f32 v26, v27;
	_ =	sdelay $0x1  }
0x122: {  	v27 =	vmul.f32 v26, v25;
	_ =	sdelay $0x1  }
0x123: {  	v27 =	vmul.f32 v27, v26;
	_ =	sdelay $0x1  }
0x124: {  	v27 =	vsub.f32 $1.500000000e+00, v27;
	_ =	sdelay $0x1  }
0x125: {  	v26 =	vmul.f32 v27, v26;
	_ =	sdelay $0x1  }
0x126: {  	v25 =	vmul.f32 v26, v25;
	_ =	sdelay $0x1  }
0x127: {  	v25 =	vmul.f32 v25, v26  }
0x128: {  	v49 =	vld [tilespmem:s30+$0x6470]  }
0x129: {  	v40 =	vld [tilespmem:s30+$0x6400];
	v25 =	vsub.f32 $1.500000000e+00, v25  }
0x12a: {  	v42 =	vbroadcast v24, $0x0  }
0x12b: {  	v44 =	vld [tilespmem:s30+$0x6420];
	v36 =	vbroadcast v24, $0x1;
	v25 =	vmul.f32 v25, v26  }
0x12c: {  	v32 =	vld [tilespmem:s30+$0x6430];
	v55 =	vbroadcast v24, $0x2;
	v63 =	vbroadcast v24, $0x3  }
0x12d: {  	v33 =	vld [tilespmem:s30+$0x6440];
	v56 =	vsub.f32 v49, v36;
	v43 =	vbroadcast v25, $0x0;
	v37 =	vbroadcast v25, $0x1  }
0x12e: {  	v41 =	vld [tilespmem:s30+$0x6410];
	v27 =	vsub.f32 v40, v42;
	v40 =	vbroadcast v25, $0x2;
	v49 =	vbroadcast v25, $0x4  }
0x12f: {  	v46 =	vld [tilespmem:s30+$0x6450];
	v45 =	vmul.f32 v43, v16;
	v34 =	vmul.f32 v43, v17  }
0x130: {  	v30 =	vsub.f32 v44, v42;
	v38 =	vld [tilespmem:s30+$0x6460];
	v35 =	vmul.f32 v43, v18;
	v29 =	vmul.f32 v43, v19  }
0x131: {  	v58 =	vld [tilespmem:s30+$0x64B0];
	v28 =	vsub.f32 v32, v42;
	v48 =	vmul.f32 v37, v16;
	v50 =	vmul.f32 v37, v17  }
0x132: {  	v47 =	vsub.f32 v33, v36;
	v39 =	vld [tilespmem:s30+$0x6480];
	v53 =	vmul.f32 v37, v18;
	v57 =	vmul.f32 v37, v19  }
0x133: {  	v26 =	vsub.f32 v41, v42;
	v41 =	vld [tilespmem:s30+$0x64A0];
	v60 =	vmul.f32 v40, v16;
	v62 =	vmul.f32 v40, v17  }
0x134: {  	v54 =	vld [tilespmem:s30+$0x6490];
	v31 =	vsub.f32 v46, v36;
	v42 =	vmul.f32 v40, v18;
	v40 =	vmul.f32 v40, v19  }
0x135: {  	v61 =	vld [tilespmem:s30+$0x64C0];
	v52 =	vsub.f32 v38, v36;
	v43 =	vbroadcast v25, $0x3;
	v27 =	vmul.f32 v45, v27  }
0x136: {  	v44 =	vld [tilespmem:s30+$0x64D0];
	v36 =	vsub.f32 v58, v55;
	v26 =	vmul.f32 v34, v26;
	v30 =	vmul.f32 v35, v30  }
0x137: {  	v59 =	vsub.f32 v39, v55;
	v28 =	vmul.f32 v29, v28;
	v51 =	vmul.f32 v48, v47  }
0x138: {  	v41 =	vsub.f32 v41, v55;
	v31 =	vmul.f32 v50, v31;
	v32 =	vmul.f32 v53, v52  }
0x139: {  	v33 =	vmul.f32 v57, v56;
	v37 =	vmul.f32 v60, v59;
	v35 =	vsub.f32 v54, v55  }
0x13a: {  	v36 =	vmul.f32 v36, v40;
	v34 =	vsub.f32 v61, v63;
	v53 =	vmul.f32 v43, v16  }
0x13b: {  	v58 =	vld [tilespmem:s30+$0x6530];
	v55 =	vsub.f32 v44, v63;
	v56 =	vmul.f32 v43, v17;
	v46 =	vmul.f32 v43, v18  }
0x13c: {  	v52 =	vld [tilespmem:s30+$0x64E0];
	v48 =	vbroadcast v24, $0x4;
	v27 =	vadd.f32 v27, v20;
	v26 =	vadd.f32 v26, v21  }
0x13d: {  	v54 =	vld [tilespmem:s30+$0x64F0];
	v57 =	vmul.f32 v43, v19;
	v30 =	vadd.f32 v30, v22;
	v28 =	vadd.f32 v28, v23  }
0x13e: {  	v45 =	vld [tilespmem:s30+$0x6500];
	v60 =	vmul.f32 v49, v16;
	v29 =	vadd.f32 v51, v20;
	v31 =	vadd.f32 v31, v21  }
0x13f: {  	v47 =	vld [tilespmem:s30+$0x6510];
	v32 =	vadd.f32 v32, v22;
	v33 =	vadd.f32 v33, v23;
	v35 =	vmul.f32 v62, v35  }
0x140: {  	v50 =	vld [tilespmem:s30+$0x6520];
	v51 =	vmul.f32 v42, v41;
	v37 =	vadd.f32 v37, v20;
	v36 =	vadd.f32 v36, v23  }
0x141: {  	v34 =	vmul.f32 v34, v53;
	v40 =	vmul.f32 v55, v56;
	v43 =	vsub.f32 v58, v48  }
0x142: {  	v39 =	vadd.f32 v51, v22;
	v51 =	vbroadcast v25, $0x5;
	v41 =	vsub.f32 v52, v63  }
0x143: {  	v38 =	vsub.f32 v54, v63;
	v59 =	vsub.f32 v45, v48;
	v63 =	vmul.f32 v49, v17  }
0x144: {  	v61 =	vld [tilespmem:s30+$0x6540];
	v56 =	vsub.f32 v47, v48;
	v47 =	vbroadcast v24, $0x5;
	v52 =	vmul.f32 v49, v18  }
0x145: {  	v53 =	vld [tilespmem:s30+$0x6550];
	v50 =	vsub.f32 v50, v48;
	v48 =	vbroadcast v24, $0x7;
	v58 =	vmul.f32 v51, v16  }
0x146: {  	v35 =	vadd.f32 v35, v21;
	v54 =	vmul.f32 v51, v17;
	v55 =	vmul.f32 v51, v18  }
0x147: {  	v34 =	vadd.f32 v34, v20;
	v41 =	vmul.f32 v41, v46;
	v38 =	vmul.f32 v38, v57  }
0x148: {  	v40 =	vadd.f32 v40, v21;
	v62 =	vmul.f32 v59, v60;
	v57 =	vmul.f32 v49, v19  }
0x149: {  	v46 =	vsub.f32 v61, v47;
	v44 =	vmul.f32 v56, v63;
	v59 =	vmul.f32 v50, v52;
	v60 =	vld [tilespmem:s30+$0x6560]  }
0x14a: {  	v61 =	vld [tilespmem:s30+$0x6570];
	v53 =	vsub.f32 v53, v47;
	v56 =	vbroadcast v24, $0x6;
	v41 =	vadd.f32 v41, v22  }
0x14b: {  	v63 =	vld [tilespmem:s30+$0x6590];
	v38 =	vadd.f32 v38, v23;
	v42 =	vadd.f32 v62, v20;
	v43 =	vmul.f32 v43, v57  }
0x14c: {  	v46 =	vmul.f32 v46, v58;
	v44 =	vadd.f32 v44, v21;
	v57 =	vbroadcast v25, $0x6  }
0x14d: {  	v45 =	vadd.f32 v59, v22;
	v62 =	vld [tilespmem:s30+$0x6580];
	v53 =	vmul.f32 v53, v54;
	v43 =	vadd.f32 v43, v23  }
0x14e: {  	v59 =	vld [tilespmem:s30+$0x65C0];
	v58 =	vmul.f32 v57, v17;
	[tilespmem:s30+$0xE4E0] =	vst v41;
	v41 =	vbroadcast v24, $0x9;
	v50 =	vsub.f32 v60, v47  }
0x14f: {  	v46 =	vadd.f32 v46, v20;
	[tilespmem:s30+$0xE510] =	vst v44;
	v44 =	vbroadcast v25, $0xB;
	v60 =	vmul.f32 v51, v19;
	v51 =	vld [tilespmem:s30+$0x65A0]  }
0x150: {  	[tilespmem:s30+$0xE410] =	vst v26;
	v47 =	vsub.f32 v61, v47;
	v63 =	vsub.f32 v63, v56;
	v50 =	vmul.f32 v50, v55;
	v55 =	vld [tilespmem:s30+$0x65B0]  }
0x151: {  	v26 =	vadd.f32 v53, v21;
	v61 =	vmul.f32 v57, v16;
	[tilespmem:s30+$0xE540] =	vst v46;
	v46 =	vbroadcast v25, $0xA  }
0x152: {  	[tilespmem:s30+$0xE420] =	vst v30;
	v49 =	vsub.f32 v62, v56;
	v62 =	vmul.f32 v47, v60;
	v30 =	vmul.f32 v63, v58  }
0x153: {  	[tilespmem:s30+$0xE400] =	vst v27;
	v53 =	vld [tilespmem:s30+$0x65D0];
	v60 =	vmul.f32 v57, v18;
	v63 =	vmul.f32 v57, v19;
	v57 =	vsub.f32 v59, v48  }
0x154: {  	[tilespmem:s30+$0xE470] =	vst v33;
	v33 =	vld [tilespmem:s30+$0x6610];
	v50 =	vadd.f32 v50, v22;
	v49 =	vmul.f32 v49, v61;
	v27 =	vadd.f32 v62, v23  }
0x155: {  	v59 =	vld [tilespmem:s30+$0x65F0];
	v47 =	vbroadcast v25, $0x9;
	v61 =	vsub.f32 v51, v56;
	v62 =	vsub.f32 v55, v56  }
0x156: {  	[tilespmem:s30+$0xE440] =	vst v29;
	v51 =	vbroadcast v25, $0x7;
	v29 =	vadd.f32 v49, v20;
	v49 =	vbroadcast v24, $0x8;
	v55 =	vld [tilespmem:s30+$0x65E0]  }
0x157: {  	[tilespmem:s30+$0xE430] =	vst v28;
	v30 =	vadd.f32 v30, v21;
	v28 =	vmul.f32 v61, v60;
	v60 =	vmul.f32 v62, v63;
	v63 =	vld [tilespmem:s30+$0x6600]  }
0x158: {  	v52 =	vmul.f32 v47, v16;
	v58 =	vmul.f32 v51, v16;
	v61 =	vsub.f32 v53, v48  }
0x159: {  	[tilespmem:s30+$0xE450] =	vst v31;
	v56 =	vmul.f32 v51, v18;
	v33 =	vsub.f32 v33, v49;
	v62 =	vmul.f32 v51, v17  }
0x15a: {  	[tilespmem:s30+$0xE460] =	vst v32;
	v31 =	vmul.f32 v57, v58;
	v58 =	vsub.f32 v59, v48;
	v59 =	vmul.f32 v51, v19  }
0x15b: {  	[tilespmem:s30+$0xE480] =	vst v37;
	v53 =	vbroadcast v25, $0x8;
	v32 =	vadd.f32 v60, v23;
	v60 =	vld [tilespmem:s30+$0x6620];
	v57 =	vsub.f32 v55, v48  }
0x15c: {  	[tilespmem:s30+$0xE4B0] =	vst v36;
	v37 =	vmul.f32 v61, v62;
	v54 =	vmul.f32 v58, v59;
	v61 =	vsub.f32 v63, v49;
	v63 =	vld [tilespmem:s30+$0x6630]  }
0x15d: {  	[tilespmem:s30+$0xE490] =	vst v35;
	v28 =	vadd.f32 v28, v22;
	v55 =	vmul.f32 v53, v17;
	v35 =	vmul.f32 v57, v56;
	v56 =	vld [tilespmem:s30+$0x6640]  }
0x15e: {  	[tilespmem:s30+$0xE4A0] =	vst v39;
	v31 =	vadd.f32 v31, v20;
	v62 =	vmul.f32 v53, v16;
	v58 =	vmul.f32 v53, v18;
	v57 =	vld [tilespmem:s30+$0x6650]  }
0x15f: {  	[tilespmem:s30+$0xE4C0] =	vst v34;
	v37 =	vadd.f32 v37, v21;
	v34 =	vadd.f32 v54, v23;
	v33 =	vmul.f32 v33, v55;
	v55 =	vld [tilespmem:s30+$0x6680]  }
0x160: {  	[tilespmem:s30+$0xE4D0] =	vst v40;
	v54 =	vmul.f32 v47, v17;
	v36 =	vmul.f32 v61, v62;
	v59 =	vsub.f32 v60, v49;
	v62 =	vld [tilespmem:s30+$0x6660]  }
0x161: {  	[tilespmem:s30+$0xE4F0] =	vst v38;
	v35 =	vadd.f32 v35, v22;
	v61 =	vmul.f32 v53, v19;
	v53 =	vld [tilespmem:s30+$0x6670];
	v33 =	vadd.f32 v33, v21  }
0x162: {  	[tilespmem:s30+$0xE500] =	vst v42;
	v36 =	vadd.f32 v36, v20;
	v38 =	vmul.f32 v59, v58;
	v60 =	vsub.f32 v63, v49  }
0x163: {  	[tilespmem:s30+$0xE520] =	vst v45;
	v59 =	vbroadcast v24, $0xA;
	v63 =	vsub.f32 v56, v41;
	v40 =	vsub.f32 v57, v41  }
0x164: {  	[tilespmem:s30+$0xE530] =	vst v43;
	v57 =	vmul.f32 v47, v18;
	v47 =	vmul.f32 v47, v19;
	v38 =	vadd.f32 v38, v22  }
0x165: {  	[tilespmem:s30+$0xE550] =	vst v26;
	v56 =	vld [tilespmem:s30+$0x6690];
	v42 =	vmul.f32 v60, v61;
	v39 =	vmul.f32 v63, v52;
	v58 =	vsub.f32 v62, v41  }
0x166: {  	[tilespmem:s30+$0xE560] =	vst v50;
	v40 =	vmul.f32 v40, v54;
	v41 =	vsub.f32 v53, v41;
	v60 =	vld [tilespmem:s30+$0x66A0];
	v61 =	vsub.f32 v55, v59  }
0x167: {  	[tilespmem:s30+$0xE570] =	vst v27;
	v62 =	vmul.f32 v46, v16;
	v63 =	vld [tilespmem:s30+$0x66B0];
	v52 =	vmul.f32 v46, v17;
	v42 =	vadd.f32 v42, v23  }
0x168: {  	[tilespmem:s30+$0xE590] =	vst v30;
	v53 =	vld [tilespmem:s30+$0x66C0];
	v39 =	vadd.f32 v39, v20;
	v26 =	vmul.f32 v58, v57;
	v50 =	vmul.f32 v41, v47  }
0x169: {  	[tilespmem:s30+$0xE580] =	vst v29;
	v54 =	vld [tilespmem:s30+$0x66D0];
	v30 =	vadd.f32 v40, v21;
	v27 =	vmul.f32 v61, v62;
	v58 =	vbroadcast v24, $0xB  }
0x16a: {  	[tilespmem:s30+$0xE5A0] =	vst v28;
	v51 =	vsub.f32 v56, v59;
	v56 =	vmul.f32 v46, v18;
	v26 =	vadd.f32 v26, v22  }
0x16b: {  	[tilespmem:s30+$0xE5B0] =	vst v32;
	v61 =	vld [tilespmem:s30+$0x66E0];
	v28 =	vadd.f32 v50, v23;
	v27 =	vadd.f32 v27, v20;
	v50 =	vmul.f32 v44, v17  }
0x16c: {  	v48 =	vld [tilespmem:s30+$0x66F0];
	[tilespmem:s30+$0xE5C0] =	vst v31;
	v55 =	vmul.f32 v51, v52;
	v57 =	vsub.f32 v60, v59;
	v59 =	vsub.f32 v63, v59  }
0x16d: {  	[tilespmem:s30+$0xE5D0] =	vst v37;
	v60 =	vmul.f32 v46, v19;
	v62 =	vsub.f32 v53, v58;
	v63 =	vmul.f32 v44, v16  }
0x16e: {  	[tilespmem:s30+$0xE5F0] =	vst v34;
	v49 =	vsub.f32 v54, v58;
	v54 =	vmul.f32 v44, v18;
	v32 =	vmul.f32 v57, v56  }
0x16f: {  	[tilespmem:s30+$0xE5E0] =	vst v35;
	v51 =	vld [tilespmem:s30+$0x6700];
	v31 =	vmul.f32 v59, v60;
	v29 =	vadd.f32 v55, v21;
	v52 =	vmul.f32 v62, v63  }
0x170: {  	[tilespmem:s30+$0xE610] =	vst v33;
	v53 =	vld [tilespmem:s30+$0x6710];
	v35 =	vmul.f32 v49, v50;
	v55 =	vsub.f32 v61, v58;
	v56 =	vbroadcast v24, $0xC  }
0x171: {  	[tilespmem:s30+$0xE600] =	vst v36;
	v57 =	vbroadcast v25, $0xC;
	v58 =	vsub.f32 v48, v58;
	v59 =	vmul.f32 v44, v19  }
0x172: {  	[tilespmem:s30+$0xE620] =	vst v38;
	v60 =	vld [tilespmem:s30+$0x6720];
	v32 =	vadd.f32 v32, v22;
	v31 =	vadd.f32 v31, v23;
	v33 =	vmul.f32 v55, v54  }
0x173: {  	[tilespmem:s30+$0xE630] =	vst v42;
	v63 =	vld [tilespmem:s30+$0x6730];
	v34 =	vadd.f32 v52, v20;
	v62 =	vmul.f32 v57, v16;
	v38 =	vmul.f32 v58, v59  }
0x174: {  	[tilespmem:s30+$0xE650] =	vst v30;
	v48 =	vld [tilespmem:s30+$0x6740];
	v47 =	vmul.f32 v57, v17;
	v30 =	vadd.f32 v35, v21;
	v54 =	vbroadcast v25, $0xD  }
0x175: {  	[tilespmem:s30+$0xE640] =	vst v39;
	v50 =	vld [tilespmem:s30+$0x6750];
	v61 =	vsub.f32 v51, v56;
	v37 =	vsub.f32 v53, v56;
	v51 =	vmul.f32 v57, v18  }
0x176: {  	[tilespmem:s30+$0xE660] =	vst v26;
	v53 =	vbroadcast v24, $0xD;
	v33 =	vadd.f32 v33, v22;
	v59 =	vmul.f32 v54, v16  }
0x177: {  	[tilespmem:s30+$0xE670] =	vst v28;
	v26 =	vadd.f32 v38, v23;
	v49 =	vmul.f32 v61, v62;
	v37 =	vmul.f32 v37, v47  }
0x178: {  	[tilespmem:s30+$0xE680] =	vst v27;
	v44 =	vld [tilespmem:s30+$0x6780];
	v52 =	vsub.f32 v60, v56;
	v55 =	vsub.f32 v63, v56;
	v56 =	vmul.f32 v57, v19  }
0x179: {  	[tilespmem:s30+$0xE690] =	vst v29;
	v57 =	vld [tilespmem:s30+$0x6760];
	v58 =	vsub.f32 v48, v53;
	v63 =	vmul.f32 v54, v17;
	v48 =	vmul.f32 v54, v18  }
0x17a: {  	[tilespmem:s30+$0xE6A0] =	vst v32;
	v60 =	vld [tilespmem:s30+$0x6770];
	v62 =	vsub.f32 v50, v53;
	v50 =	vbroadcast v24, $0xE;
	v24 =	vbroadcast v24, $0xF  }
0x17b: {  	v46 =	vld [tilespmem:s30+$0x6790];
	[tilespmem:s30+$0xE6B0] =	vst v31;
	v27 =	vadd.f32 v49, v20;
	v28 =	vmul.f32 v52, v51;
	v61 =	vmul.f32 v55, v56  }
0x17c: {  	[tilespmem:s30+$0xE6C0] =	vst v34;
	v45 =	vadd.f32 v37, v21;
	v29 =	vmul.f32 v58, v59;
	v51 =	vbroadcast v25, $0xE  }
0x17d: {  	[tilespmem:s30+$0xE6D0] =	vst v30;
	v47 =	vmul.f32 v62, v63;
	v56 =	vsub.f32 v44, v50;
	v58 =	vld [tilespmem:s30+$0x67B0];
	v25 =	vbroadcast v25, $0xF  }
0x17e: {  	[tilespmem:s30+$0xE6E0] =	vst v33;
	v62 =	vld [tilespmem:s30+$0x67C0];
	v28 =	vadd.f32 v28, v22;
	v32 =	vadd.f32 v61, v23;
	v61 =	vmul.f32 v51, v17  }
0x17f: {  	[tilespmem:s30+$0xE6F0] =	vst v26;
	v49 =	vsub.f32 v57, v53;
	v52 =	vsub.f32 v60, v53;
	v53 =	vmul.f32 v54, v19;
	v54 =	vld [tilespmem:s30+$0x67A0]  }
0x180: {  	[tilespmem:s30+$0xE700] =	vst v27;
	v44 =	vmul.f32 v51, v18;
	v57 =	vmul.f32 v51, v16;
	v60 =	vsub.f32 v46, v50  }
0x181: {  	v42 =	vld [tilespmem:s30+$0x67D0];
	v29 =	vadd.f32 v29, v20;
	[tilespmem:s30+$0xE710] =	vst v45;
	v55 =	vmul.f32 v49, v48;
	v59 =	vmul.f32 v52, v53  }
0x182: {  	v63 =	vadd.f32 v47, v21;
	[tilespmem:s30+$0xE720] =	vst v28;
	v30 =	vmul.f32 v56, v57;
	v43 =	vmul.f32 v60, v61  }
0x183: {  	v46 =	vld [tilespmem:s30+$0x67E0];
	[tilespmem:s30+$0xE730] =	vst v32;
	v48 =	vsub.f32 v58, v50;
	v49 =	vmul.f32 v51, v19;
	v52 =	vsub.f32 v62, v24  }
0x184: {  	[tilespmem:s30+$0xE740] =	vst v29;
	v53 =	vmul.f32 v25, v16;
	v26 =	vadd.f32 v55, v22;
	v45 =	vsub.f32 v54, v50;
	v50 =	vld [tilespmem:s30+$0x67F0]  }
0x185: {  	[tilespmem:s30+$0xE750] =	vst v63;
	v56 =	vmul.f32 v25, v17;
	v60 =	vmul.f32 v25, v18;
	v27 =	vadd.f32 v59, v23  }
0x186: {  	v47 =	vadd.f32 v30, v20;
	v55 =	vsub.f32 v42, v24;
	v57 =	vmul.f32 v52, v53;
	[tilespmem:s30+$0xE760] =	vst v26  }
0x187: {  	v25 =	vmul.f32 v25, v19;
	v28 =	vadd.f32 v43, v21;
	v54 =	vmul.f32 v48, v49;
	[tilespmem:s30+$0xE770] =	vst v27  }
0x188: {  	v59 =	vsub.f32 v46, v24;
	[tilespmem:s30+$0xE780] =	vst v47;
	v58 =	vmul.f32 v55, v56;
	v27 =	vadd.f32 v57, v20  }
0x189: {  	[tilespmem:s30+$0xE790] =	vst v28;
	v51 =	vmul.f32 v45, v44;
	v26 =	vadd.f32 v54, v23;
	v24 =	vsub.f32 v50, v24  }
0x18a: {  	p1 =	sne.s32 s29, $0xF000;
	v61 =	vmul.f32 v59, v60;
	v62 =	vadd.f32 v58, v21;
	[tilespmem:s30+$0xE7C0] =	vst v27  }
.Ltmp2:
0x18b: {  	v31 =	vadd.f32 v51, v22;
	[tilespmem:s30+$0xE7B0] =	vst v26;
	v24 =	vmul.f32 v24, v25;
	(pc) =	sbr.rel @p1 .LBB2_3-.Ltmp2, $4  }
0x18c: {  	v63 =	vadd.f32 v61, v22;
	[tilespmem:s30+$0xE7D0] =	vst v62  }
0x18d: {  	[tilespmem:s30+$0xE7A0] =	vst v31;
	v24 =	vadd.f32 v24, v23  }
0x18e: {  	[tilespmem:s30+$0xE7E0] =	vst v63  }
0x18f: {  	s29 =	sadd.s32 $0x1000, s29;
	[tilespmem:s30+$0xE7F0] =	vst v24  }
0x190: {  	p1 =	sne.s32 s26, $0x31  }
.Ltmp3:
0x191: {  	s29 =	sshll.u32 s26, $0xF;
	(pc) =	sbr.rel @p1 .LBB2_6-.Ltmp3, $4  }
0x192: {  	s29 =	sadd.s32 s8, s29  }
0x193: {  	s29 =	sshrl.u32 s29, $0x3  }
0x194: {  	s29 =	sadd.s32 s4, s29  }
0x195: {  	[hbm4b:s29+s5] =	stream.linear.scatter [tilespmem:s20], [sflag:$0x3], $0x4000, $0x38;
	[tilespmem:$0x166A0] =	vst v63  }
.Ltmp4:
0x196: {  	(pc) =	sbr.rel .LBB2_7-.Ltmp4, $4  }
0x197: {  	_ = 	snop  }
0x198: {  	_ =	swait.ge [sflag:s21], $0x4000  }
0x199: {  	[sflag:s21] =	ssyncset.done $0x0  }
0x19a: {  	[sflag:s21] =	ssyncadd.s32 $0xFFFFC000  }
.LBB2_6:
0x19b: {  	s29 =	sshrl.u32 s28, $0x2  }
.Ltmp5:
0x19c: {  	s29 =	sadd.s32 $0x200, s29;
	(pc) =	sbr.rel @p0 .LBB2_8-.Ltmp5, $4  }
0x19d: {  	[tilespmem:s15], [sflag:$0x1] =	stream.indirect.gather [hbm4b:s6+s14], $0x40, s29, s14, $0xb8;
	[tilespmem:$0x166A0] =	vst v63  }
0x19e: {  	_ =	swait.ge [sflag:s21], $0x4000  }
0x19f: {  	[sflag:s21] =	ssyncset.done $0x0  }
0x1a0: {  	[sflag:s21] =	ssyncadd.s32 $0xFFFFC000  }
.LBB2_7:
0x1a1: {  	_ =	swait.ge [sflag:s22], $0x4000  }
0x1a2: {  	[sflag:s22] =	ssyncset.done $0x0  }
0x1a3: {  	[sflag:s22] =	ssyncadd.s32 $0xFFFFC000  }
.LBB2_8:
0x1a4: {  	s29 =	simm.s32 $0x0  }
.LBB2_9:
0x1a5: {  	s30 =	sshra.s32 s29, $0x2  }
0x1a6: {  	v24 =	vld [tilespmem:s30+$0xA400]  }
0x1a7: {  	v25 =	vld [tilespmem:s30+$0xA410]  }
0x1a8: {  	v26 =	vld [tilespmem:s30+$0xA420]  }
0x1a9: {  	v27 =	vld [tilespmem:s30+$0xA430];
	_ =	sdelay $0x3  }
0x1aa: {  	v28 =	vmul.f32 v24, v24;
	v29 =	vmul.f32 v25, v25  }
0x1ab: {  	v30 =	vmul.f32 v26, v26;
	v31 =	vmul.f32 v27, v27  }
0x1ac: {  	v24 =	vadd.f32 v25, v24;
	v39 =	vadd.f32 v27, v26  }
0x1ad: {  	v40 =	vadd.f32 v29, v28;
	v41 =	vadd.f32 v31, v30  }
0x1ae: {  	v24 =	vadd.f32 v39, v24  }
0x1af: {  	v42 =	vadd.f32 v41, v40  }
0x1b0: {  	[tilespmem:v0+s18+$0x0] =	vst.idx.msk $0xffff, v24  }
0x1b1: {  	[tilespmem:v0+s19+$0x0] =	vst.idx.msk $0xffff, v42  }
0x1b2: {  	v24 =	vld [tilespmem:s30+$0xA440]  }
0x1b3: {  	v25 =	vld [tilespmem:s30+$0xA450]  }
0x1b4: {  	v43 =	vld [tilespmem:s30+$0xA460]  }
0x1b5: {  	v44 =	vld [tilespmem:s30+$0xA470];
	_ =	sdelay $0x3  }
0x1b6: {  	v45 =	vmul.f32 v24, v24;
	v46 =	vmul.f32 v25, v25  }
0x1b7: {  	v47 =	vmul.f32 v43, v43;
	v48 =	vmul.f32 v44, v44  }
0x1b8: {  	v24 =	vadd.f32 v25, v24;
	v49 =	vadd.f32 v44, v43  }
0x1b9: {  	v50 =	vadd.f32 v46, v45;
	v51 =	vadd.f32 v48, v47  }
0x1ba: {  	v24 =	vadd.f32 v49, v24  }
0x1bb: {  	v52 =	vadd.f32 v51, v50  }
0x1bc: {  	[tilespmem:v1+s18+$0x0] =	vst.idx.msk $0xffff, v24  }
0x1bd: {  	[tilespmem:v1+s19+$0x0] =	vst.idx.msk $0xffff, v52  }
0x1be: {  	v24 =	vld [tilespmem:s30+$0xA480]  }
0x1bf: {  	v25 =	vld [tilespmem:s30+$0xA490]  }
0x1c0: {  	v53 =	vld [tilespmem:s30+$0xA4A0]  }
0x1c1: {  	v54 =	vld [tilespmem:s30+$0xA4B0];
	_ =	sdelay $0x3  }
0x1c2: {  	v55 =	vmul.f32 v24, v24;
	v56 =	vmul.f32 v25, v25  }
0x1c3: {  	v57 =	vmul.f32 v53, v53;
	v58 =	vmul.f32 v54, v54  }
0x1c4: {  	v24 =	vadd.f32 v25, v24;
	v59 =	vadd.f32 v54, v53  }
0x1c5: {  	v60 =	vadd.f32 v56, v55;
	v61 =	vadd.f32 v58, v57  }
0x1c6: {  	v24 =	vadd.f32 v59, v24  }
0x1c7: {  	v62 =	vadd.f32 v61, v60  }
0x1c8: {  	[tilespmem:v2+s18+$0x0] =	vst.idx.msk $0xffff, v24  }
0x1c9: {  	[tilespmem:v2+s19+$0x0] =	vst.idx.msk $0xffff, v62  }
0x1ca: {  	v24 =	vld [tilespmem:s30+$0xA4C0]  }
0x1cb: {  	v25 =	vld [tilespmem:s30+$0xA4D0]  }
0x1cc: {  	v63 =	vld [tilespmem:s30+$0xA4E0]  }
0x1cd: {  	v33 =	vld [tilespmem:s30+$0xA4F0];
	_ =	sdelay $0x3  }
0x1ce: {  	v34 =	vmul.f32 v24, v24;
	v35 =	vmul.f32 v25, v25  }
0x1cf: {  	v36 =	vmul.f32 v63, v63;
	v37 =	vmul.f32 v33, v33  }
0x1d0: {  	v24 =	vadd.f32 v25, v24;
	v38 =	vadd.f32 v33, v63  }
0x1d1: {  	v39 =	vadd.f32 v35, v34;
	v40 =	vadd.f32 v37, v36  }
0x1d2: {  	v24 =	vadd.f32 v38, v24  }
0x1d3: {  	v41 =	vadd.f32 v40, v39  }
0x1d4: {  	[tilespmem:v3+s18+$0x0] =	vst.idx.msk $0xffff, v24  }
0x1d5: {  	[tilespmem:v3+s19+$0x0] =	vst.idx.msk $0xffff, v41  }
0x1d6: {  	v24 =	vld [tilespmem:s30+$0xA500]  }
0x1d7: {  	v25 =	vld [tilespmem:s30+$0xA510]  }
0x1d8: {  	v42 =	vld [tilespmem:s30+$0xA520]  }
0x1d9: {  	v43 =	vld [tilespmem:s30+$0xA530];
	_ =	sdelay $0x3  }
0x1da: {  	v44 =	vmul.f32 v24, v24;
	v45 =	vmul.f32 v25, v25  }
0x1db: {  	v46 =	vmul.f32 v42, v42;
	v47 =	vmul.f32 v43, v43  }
0x1dc: {  	v24 =	vadd.f32 v25, v24;
	v48 =	vadd.f32 v43, v42  }
0x1dd: {  	v49 =	vadd.f32 v45, v44;
	v50 =	vadd.f32 v47, v46  }
0x1de: {  	v24 =	vadd.f32 v48, v24  }
0x1df: {  	v51 =	vadd.f32 v50, v49  }
0x1e0: {  	[tilespmem:v4+s18+$0x0] =	vst.idx.msk $0xffff, v24  }
0x1e1: {  	[tilespmem:v4+s19+$0x0] =	vst.idx.msk $0xffff, v51  }
0x1e2: {  	v24 =	vld [tilespmem:s30+$0xA540]  }
0x1e3: {  	v25 =	vld [tilespmem:s30+$0xA550]  }
0x1e4: {  	v52 =	vld [tilespmem:s30+$0xA560]  }
0x1e5: {  	v53 =	vld [tilespmem:s30+$0xA570];
	_ =	sdelay $0x3  }
0x1e6: {  	v54 =	vmul.f32 v24, v24;
	v55 =	vmul.f32 v25, v25  }
0x1e7: {  	v56 =	vmul.f32 v52, v52;
	v57 =	vmul.f32 v53, v53  }
0x1e8: {  	v24 =	vadd.f32 v25, v24;
	v58 =	vadd.f32 v53, v52  }
0x1e9: {  	v59 =	vadd.f32 v55, v54;
	v60 =	vadd.f32 v57, v56  }
0x1ea: {  	v24 =	vadd.f32 v58, v24  }
0x1eb: {  	v61 =	vadd.f32 v60, v59  }
0x1ec: {  	[tilespmem:v5+s18+$0x0] =	vst.idx.msk $0xffff, v24  }
0x1ed: {  	[tilespmem:v5+s19+$0x0] =	vst.idx.msk $0xffff, v61  }
0x1ee: {  	v24 =	vld [tilespmem:s30+$0xA580]  }
0x1ef: {  	v25 =	vld [tilespmem:s30+$0xA590]  }
0x1f0: {  	v62 =	vld [tilespmem:s30+$0xA5A0]  }
0x1f1: {  	v63 =	vld [tilespmem:s30+$0xA5B0];
	_ =	sdelay $0x3  }
0x1f2: {  	v33 =	vmul.f32 v24, v24;
	v34 =	vmul.f32 v25, v25  }
0x1f3: {  	v35 =	vmul.f32 v62, v62;
	v36 =	vmul.f32 v63, v63  }
0x1f4: {  	v24 =	vadd.f32 v25, v24;
	v37 =	vadd.f32 v63, v62  }
0x1f5: {  	v38 =	vadd.f32 v34, v33;
	v39 =	vadd.f32 v36, v35  }
0x1f6: {  	v24 =	vadd.f32 v37, v24  }
0x1f7: {  	v40 =	vadd.f32 v39, v38  }
0x1f8: {  	[tilespmem:v6+s18+$0x0] =	vst.idx.msk $0xffff, v24  }
0x1f9: {  	[tilespmem:v6+s19+$0x0] =	vst.idx.msk $0xffff, v40  }
0x1fa: {  	v24 =	vld [tilespmem:s30+$0xA5C0]  }
0x1fb: {  	v25 =	vld [tilespmem:s30+$0xA5D0]  }
0x1fc: {  	v41 =	vld [tilespmem:s30+$0xA5E0]  }
0x1fd: {  	v42 =	vld [tilespmem:s30+$0xA5F0];
	_ =	sdelay $0x3  }
0x1fe: {  	v43 =	vmul.f32 v24, v24;
	v44 =	vmul.f32 v25, v25  }
0x1ff: {  	v45 =	vmul.f32 v41, v41;
	v46 =	vmul.f32 v42, v42  }
0x200: {  	v24 =	vadd.f32 v25, v24;
	v47 =	vadd.f32 v42, v41  }
0x201: {  	v48 =	vadd.f32 v44, v43;
	v49 =	vadd.f32 v46, v45  }
0x202: {  	v24 =	vadd.f32 v47, v24  }
0x203: {  	v50 =	vadd.f32 v49, v48  }
0x204: {  	[tilespmem:v7+s18+$0x0] =	vst.idx.msk $0xffff, v24  }
0x205: {  	[tilespmem:v7+s19+$0x0] =	vst.idx.msk $0xffff, v50  }
0x206: {  	v24 =	vld [tilespmem:s30+$0xA600]  }
0x207: {  	v25 =	vld [tilespmem:s30+$0xA610]  }
0x208: {  	v51 =	vld [tilespmem:s30+$0xA620]  }
0x209: {  	v52 =	vld [tilespmem:s30+$0xA630];
	_ =	sdelay $0x3  }
0x20a: {  	v53 =	vmul.f32 v24, v24;
	v54 =	vmul.f32 v25, v25  }
0x20b: {  	v55 =	vmul.f32 v51, v51;
	v56 =	vmul.f32 v52, v52  }
0x20c: {  	v24 =	vadd.f32 v25, v24;
	v57 =	vadd.f32 v52, v51  }
0x20d: {  	v58 =	vadd.f32 v54, v53;
	v59 =	vadd.f32 v56, v55  }
0x20e: {  	v24 =	vadd.f32 v57, v24  }
0x20f: {  	v60 =	vadd.f32 v59, v58  }
0x210: {  	[tilespmem:v8+s18+$0x0] =	vst.idx.msk $0xffff, v24  }
0x211: {  	[tilespmem:v8+s19+$0x0] =	vst.idx.msk $0xffff, v60  }
0x212: {  	v24 =	vld [tilespmem:s30+$0xA640]  }
0x213: {  	v25 =	vld [tilespmem:s30+$0xA650]  }
0x214: {  	v61 =	vld [tilespmem:s30+$0xA660]  }
0x215: {  	v62 =	vld [tilespmem:s30+$0xA670];
	_ =	sdelay $0x3  }
0x216: {  	v63 =	vmul.f32 v24, v24;
	v33 =	vmul.f32 v25, v25  }
0x217: {  	v34 =	vmul.f32 v61, v61;
	v35 =	vmul.f32 v62, v62  }
0x218: {  	v24 =	vadd.f32 v25, v24;
	v36 =	vadd.f32 v62, v61  }
0x219: {  	v37 =	vadd.f32 v33, v63;
	v38 =	vadd.f32 v35, v34  }
0x21a: {  	v24 =	vadd.f32 v36, v24  }
0x21b: {  	v39 =	vadd.f32 v38, v37  }
0x21c: {  	[tilespmem:v9+s18+$0x0] =	vst.idx.msk $0xffff, v24  }
0x21d: {  	[tilespmem:v9+s19+$0x0] =	vst.idx.msk $0xffff, v39  }
0x21e: {  	v24 =	vld [tilespmem:s30+$0xA680]  }
0x21f: {  	v25 =	vld [tilespmem:s30+$0xA690]  }
0x220: {  	v40 =	vld [tilespmem:s30+$0xA6A0]  }
0x221: {  	v41 =	vld [tilespmem:s30+$0xA6B0];
	_ =	sdelay $0x3  }
0x222: {  	v42 =	vmul.f32 v24, v24;
	v43 =	vmul.f32 v25, v25  }
0x223: {  	v44 =	vmul.f32 v40, v40;
	v45 =	vmul.f32 v41, v41  }
0x224: {  	v24 =	vadd.f32 v25, v24;
	v46 =	vadd.f32 v41, v40  }
0x225: {  	v47 =	vadd.f32 v43, v42;
	v48 =	vadd.f32 v45, v44  }
0x226: {  	v24 =	vadd.f32 v46, v24  }
0x227: {  	v49 =	vadd.f32 v48, v47  }
0x228: {  	[tilespmem:v10+s18+$0x0] =	vst.idx.msk $0xffff, v24  }
0x229: {  	[tilespmem:v10+s19+$0x0] =	vst.idx.msk $0xffff, v49  }
0x22a: {  	v24 =	vld [tilespmem:s30+$0xA6C0]  }
0x22b: {  	v25 =	vld [tilespmem:s30+$0xA6D0]  }
0x22c: {  	v50 =	vld [tilespmem:s30+$0xA6E0]  }
0x22d: {  	v51 =	vld [tilespmem:s30+$0xA6F0];
	_ =	sdelay $0x3  }
0x22e: {  	v52 =	vmul.f32 v24, v24;
	v53 =	vmul.f32 v25, v25  }
0x22f: {  	v54 =	vmul.f32 v50, v50;
	v55 =	vmul.f32 v51, v51  }
0x230: {  	v24 =	vadd.f32 v25, v24;
	v56 =	vadd.f32 v51, v50  }
0x231: {  	v57 =	vadd.f32 v53, v52;
	v58 =	vadd.f32 v55, v54  }
0x232: {  	v24 =	vadd.f32 v56, v24  }
0x233: {  	v59 =	vadd.f32 v58, v57  }
0x234: {  	[tilespmem:v11+s18+$0x0] =	vst.idx.msk $0xffff, v24  }
0x235: {  	[tilespmem:v11+s19+$0x0] =	vst.idx.msk $0xffff, v59  }
0x236: {  	v24 =	vld [tilespmem:s30+$0xA700]  }
0x237: {  	v25 =	vld [tilespmem:s30+$0xA710]  }
0x238: {  	v60 =	vld [tilespmem:s30+$0xA720]  }
0x239: {  	v61 =	vld [tilespmem:s30+$0xA730];
	_ =	sdelay $0x3  }
0x23a: {  	v62 =	vmul.f32 v24, v24;
	v63 =	vmul.f32 v25, v25  }
0x23b: {  	v33 =	vmul.f32 v60, v60;
	v34 =	vmul.f32 v61, v61  }
0x23c: {  	v24 =	vadd.f32 v25, v24;
	v35 =	vadd.f32 v61, v60  }
0x23d: {  	v36 =	vadd.f32 v63, v62;
	v37 =	vadd.f32 v34, v33  }
0x23e: {  	v24 =	vadd.f32 v35, v24  }
0x23f: {  	v38 =	vadd.f32 v37, v36  }
0x240: {  	[tilespmem:v12+s18+$0x0] =	vst.idx.msk $0xffff, v24  }
0x241: {  	[tilespmem:v12+s19+$0x0] =	vst.idx.msk $0xffff, v38  }
0x242: {  	v24 =	vld [tilespmem:s30+$0xA740]  }
0x243: {  	v25 =	vld [tilespmem:s30+$0xA750]  }
0x244: {  	v39 =	vld [tilespmem:s30+$0xA760]  }
0x245: {  	v40 =	vld [tilespmem:s30+$0xA770];
	_ =	sdelay $0x3  }
0x246: {  	v41 =	vmul.f32 v24, v24;
	v42 =	vmul.f32 v25, v25  }
0x247: {  	v43 =	vmul.f32 v39, v39;
	v44 =	vmul.f32 v40, v40  }
0x248: {  	v24 =	vadd.f32 v25, v24;
	v45 =	vadd.f32 v40, v39  }
0x249: {  	v46 =	vadd.f32 v42, v41;
	v47 =	vadd.f32 v44, v43  }
0x24a: {  	v24 =	vadd.f32 v45, v24  }
0x24b: {  	v48 =	vadd.f32 v47, v46  }
0x24c: {  	[tilespmem:v13+s18+$0x0] =	vst.idx.msk $0xffff, v24  }
0x24d: {  	[tilespmem:v13+s19+$0x0] =	vst.idx.msk $0xffff, v48  }
0x24e: {  	v24 =	vld [tilespmem:s30+$0xA780]  }
0x24f: {  	v25 =	vld [tilespmem:s30+$0xA790]  }
0x250: {  	v49 =	vld [tilespmem:s30+$0xA7A0]  }
0x251: {  	v50 =	vld [tilespmem:s30+$0xA7B0];
	_ =	sdelay $0x3  }
0x252: {  	v51 =	vmul.f32 v24, v24;
	v52 =	vmul.f32 v25, v25  }
0x253: {  	v53 =	vmul.f32 v49, v49;
	v54 =	vmul.f32 v50, v50  }
0x254: {  	v24 =	vadd.f32 v25, v24;
	v55 =	vadd.f32 v50, v49  }
0x255: {  	v56 =	vadd.f32 v52, v51;
	v57 =	vadd.f32 v54, v53  }
0x256: {  	v24 =	vadd.f32 v55, v24  }
0x257: {  	v58 =	vadd.f32 v57, v56  }
0x258: {  	[tilespmem:v14+s18+$0x0] =	vst.idx.msk $0xffff, v24  }
0x259: {  	[tilespmem:v14+s19+$0x0] =	vst.idx.msk $0xffff, v58  }
0x25a: {  	v24 =	vld [tilespmem:s30+$0xA7C0]  }
0x25b: {  	v25 =	vld [tilespmem:s30+$0xA7D0]  }
0x25c: {  	v59 =	vld [tilespmem:s30+$0xA7E0]  }
0x25d: {  	v60 =	vld [tilespmem:s30+$0xA7F0];
	_ =	sdelay $0x3  }
0x25e: {  	v61 =	vmul.f32 v24, v24;
	v62 =	vmul.f32 v25, v25  }
0x25f: {  	v63 =	vmul.f32 v59, v59;
	v33 =	vmul.f32 v60, v60  }
0x260: {  	v24 =	vadd.f32 v25, v24;
	v34 =	vadd.f32 v60, v59  }
0x261: {  	v35 =	vadd.f32 v62, v61;
	v36 =	vadd.f32 v33, v63  }
0x262: {  	v24 =	vadd.f32 v34, v24  }
0x263: {  	v37 =	vadd.f32 v36, v35  }
0x264: {  	[tilespmem:v15+s18+$0x0] =	vst.idx.msk $0xffff, v24  }
0x265: {  	[tilespmem:v15+s19+$0x0] =	vst.idx.msk $0xffff, v37  }
0x266: {  	v24 =	vld [tilespmem:$0x16480]  }
0x267: {  	v25 =	vld [tilespmem:$0x16590]  }
0x268: {  	v38 =	vld [tilespmem:$0x16491]  }
0x269: {  	v39 =	vld [tilespmem:$0x165A1]  }
0x26a: {  	v40 =	vld [tilespmem:$0x164A2]  }
0x26b: {  	v41 =	vld [tilespmem:$0x165B2]  }
0x26c: {  	v42 =	vld [tilespmem:$0x164B3]  }
0x26d: {  	v43 =	vld [tilespmem:$0x165C3];
	v24 =	vadd.f32 v38, v24  }
0x26e: {  	v44 =	vld [tilespmem:$0x164C4]  }
0x26f: {  	v45 =	vld [tilespmem:$0x165D4];
	v25 =	vadd.f32 v39, v25;
	v24 =	vadd.f32 v40, v24  }
0x270: {  	v46 =	vld [tilespmem:$0x164D5]  }
0x271: {  	v47 =	vld [tilespmem:$0x165E5];
	v25 =	vadd.f32 v41, v25;
	v24 =	vadd.f32 v42, v24  }
0x272: {  	v48 =	vld [tilespmem:$0x164E6]  }
0x273: {  	v49 =	vld [tilespmem:$0x165F6];
	v25 =	vadd.f32 v43, v25;
	v24 =	vadd.f32 v44, v24  }
0x274: {  	v50 =	vld [tilespmem:$0x164F7]  }
0x275: {  	v51 =	vld [tilespmem:$0x16607];
	v25 =	vadd.f32 v45, v25;
	v24 =	vadd.f32 v46, v24  }
0x276: {  	v52 =	vld [tilespmem:$0x16508]  }
0x277: {  	v53 =	vld [tilespmem:$0x16618];
	v25 =	vadd.f32 v47, v25;
	v24 =	vadd.f32 v48, v24  }
0x278: {  	v54 =	vld [tilespmem:$0x16519]  }
0x279: {  	v55 =	vld [tilespmem:$0x16629];
	v25 =	vadd.f32 v49, v25;
	v24 =	vadd.f32 v50, v24  }
0x27a: {  	v56 =	vld [tilespmem:$0x1652A]  }
0x27b: {  	v57 =	vld [tilespmem:$0x1663A];
	v25 =	vadd.f32 v51, v25;
	v24 =	vadd.f32 v52, v24  }
0x27c: {  	v58 =	vld [tilespmem:$0x1653B]  }
0x27d: {  	v59 =	vld [tilespmem:$0x1664B];
	v25 =	vadd.f32 v53, v25;
	v24 =	vadd.f32 v54, v24  }
0x27e: {  	v60 =	vld [tilespmem:$0x1654C]  }
0x27f: {  	v61 =	vld [tilespmem:$0x1665C];
	v25 =	vadd.f32 v55, v25;
	v24 =	vadd.f32 v56, v24  }
0x280: {  	v62 =	vld [tilespmem:$0x1655D]  }
0x281: {  	v63 =	vld [tilespmem:$0x1666D];
	v25 =	vadd.f32 v57, v25;
	v24 =	vadd.f32 v58, v24  }
0x282: {  	v33 =	vld [tilespmem:$0x1656E]  }
0x283: {  	v34 =	vld [tilespmem:$0x1667E];
	v25 =	vadd.f32 v59, v25;
	v24 =	vadd.f32 v60, v24  }
0x284: {  	v35 =	vld [tilespmem:$0x1657F]  }
0x285: {  	v25 =	vadd.f32 v61, v25;
	v24 =	vadd.f32 v62, v24  }
0x286: {  	v36 =	vld [tilespmem:$0x1668F]  }
0x287: {  	v25 =	vadd.f32 v63, v25;
	v24 =	vadd.f32 v33, v24;
	_ =	sdelay $0x1  }
0x288: {  	v25 =	vadd.f32 v34, v25;
	v24 =	vadd.f32 v35, v24;
	_ =	sdelay $0x1  }
0x289: {  	v25 =	vadd.f32 v36, v25;
	v24 =	vmul.f32 $1.562500000e-02, v24;
	_ =	sdelay $0x1  }
0x28a: {  	v25 =	vmul.f32 $1.562500000e-02, v25;
	v37 =	vmul.f32 v24, v24;
	_ =	sdelay $0x1  }
0x28b: {  	v25 =	vsub.f32 v25, v37;
	_ =	sdelay $0x1  }
0x28c: {  	v25 =	vadd.f32 $9.999999740e-06, v25;
	_ =	sdelay $0x1  }
0x28d: {  	v38 =	vshra.s32 v25, $0x1;
	v25 =	vmul.f32 $5.000000000e-01, v25  }
0x28e: {  	v26 =	vsub.s32 $0x5F3759DF, v38  }
0x28f: {  	v39 =	vmul.f32 v26, v25;
	_ =	sdelay $0x1  }
0x290: {  	v27 =	vmul.f32 v26, v39;
	_ =	sdelay $0x1  }
0x291: {  	v27 =	vsub.f32 $1.500000000e+00, v27;
	_ =	sdelay $0x1  }
0x292: {  	v26 =	vmul.f32 v26, v27;
	_ =	sdelay $0x1  }
0x293: {  	v27 =	vmul.f32 v26, v25;
	_ =	sdelay $0x1  }
0x294: {  	v27 =	vmul.f32 v27, v26;
	_ =	sdelay $0x1  }
0x295: {  	v27 =	vsub.f32 $1.500000000e+00, v27;
	_ =	sdelay $0x1  }
0x296: {  	v26 =	vmul.f32 v27, v26;
	_ =	sdelay $0x1  }
0x297: {  	v25 =	vmul.f32 v26, v25;
	_ =	sdelay $0x1  }
0x298: {  	v25 =	vmul.f32 v25, v26  }
0x299: {  	v49 =	vld [tilespmem:s30+$0xA470]  }
0x29a: {  	v40 =	vld [tilespmem:s30+$0xA400];
	v25 =	vsub.f32 $1.500000000e+00, v25  }
0x29b: {  	v42 =	vbroadcast v24, $0x0  }
0x29c: {  	v44 =	vld [tilespmem:s30+$0xA420];
	v36 =	vbroadcast v24, $0x1;
	v25 =	vmul.f32 v25, v26  }
0x29d: {  	v32 =	vld [tilespmem:s30+$0xA430];
	v55 =	vbroadcast v24, $0x2;
	v63 =	vbroadcast v24, $0x3  }
0x29e: {  	v33 =	vld [tilespmem:s30+$0xA440];
	v56 =	vsub.f32 v49, v36;
	v43 =	vbroadcast v25, $0x0;
	v37 =	vbroadcast v25, $0x1  }
0x29f: {  	v41 =	vld [tilespmem:s30+$0xA410];
	v27 =	vsub.f32 v40, v42;
	v40 =	vbroadcast v25, $0x2;
	v49 =	vbroadcast v25, $0x4  }
0x2a0: {  	v46 =	vld [tilespmem:s30+$0xA450];
	v45 =	vmul.f32 v43, v16;
	v34 =	vmul.f32 v43, v17  }
0x2a1: {  	v30 =	vsub.f32 v44, v42;
	v38 =	vld [tilespmem:s30+$0xA460];
	v35 =	vmul.f32 v43, v18;
	v29 =	vmul.f32 v43, v19  }
0x2a2: {  	v58 =	vld [tilespmem:s30+$0xA4B0];
	v28 =	vsub.f32 v32, v42;
	v48 =	vmul.f32 v37, v16;
	v50 =	vmul.f32 v37, v17  }
0x2a3: {  	v47 =	vsub.f32 v33, v36;
	v39 =	vld [tilespmem:s30+$0xA480];
	v53 =	vmul.f32 v37, v18;
	v57 =	vmul.f32 v37, v19  }
0x2a4: {  	v26 =	vsub.f32 v41, v42;
	v41 =	vld [tilespmem:s30+$0xA4A0];
	v60 =	vmul.f32 v40, v16;
	v62 =	vmul.f32 v40, v17  }
0x2a5: {  	v54 =	vld [tilespmem:s30+$0xA490];
	v31 =	vsub.f32 v46, v36;
	v42 =	vmul.f32 v40, v18;
	v40 =	vmul.f32 v40, v19  }
0x2a6: {  	v61 =	vld [tilespmem:s30+$0xA4C0];
	v52 =	vsub.f32 v38, v36;
	v43 =	vbroadcast v25, $0x3;
	v27 =	vmul.f32 v45, v27  }
0x2a7: {  	v44 =	vld [tilespmem:s30+$0xA4D0];
	v36 =	vsub.f32 v58, v55;
	v26 =	vmul.f32 v34, v26;
	v30 =	vmul.f32 v35, v30  }
0x2a8: {  	v59 =	vsub.f32 v39, v55;
	v28 =	vmul.f32 v29, v28;
	v51 =	vmul.f32 v48, v47  }
0x2a9: {  	v41 =	vsub.f32 v41, v55;
	v31 =	vmul.f32 v50, v31;
	v32 =	vmul.f32 v53, v52  }
0x2aa: {  	v33 =	vmul.f32 v57, v56;
	v37 =	vmul.f32 v60, v59;
	v35 =	vsub.f32 v54, v55  }
0x2ab: {  	v36 =	vmul.f32 v36, v40;
	v34 =	vsub.f32 v61, v63;
	v53 =	vmul.f32 v43, v16  }
0x2ac: {  	v58 =	vld [tilespmem:s30+$0xA530];
	v55 =	vsub.f32 v44, v63;
	v56 =	vmul.f32 v43, v17;
	v46 =	vmul.f32 v43, v18  }
0x2ad: {  	v52 =	vld [tilespmem:s30+$0xA4E0];
	v48 =	vbroadcast v24, $0x4;
	v27 =	vadd.f32 v27, v20;
	v26 =	vadd.f32 v26, v21  }
0x2ae: {  	v54 =	vld [tilespmem:s30+$0xA4F0];
	v57 =	vmul.f32 v43, v19;
	v30 =	vadd.f32 v30, v22;
	v28 =	vadd.f32 v28, v23  }
0x2af: {  	v45 =	vld [tilespmem:s30+$0xA500];
	v60 =	vmul.f32 v49, v16;
	v29 =	vadd.f32 v51, v20;
	v31 =	vadd.f32 v31, v21  }
0x2b0: {  	v47 =	vld [tilespmem:s30+$0xA510];
	v32 =	vadd.f32 v32, v22;
	v33 =	vadd.f32 v33, v23;
	v35 =	vmul.f32 v62, v35  }
0x2b1: {  	v50 =	vld [tilespmem:s30+$0xA520];
	v51 =	vmul.f32 v42, v41;
	v37 =	vadd.f32 v37, v20;
	v36 =	vadd.f32 v36, v23  }
0x2b2: {  	v34 =	vmul.f32 v34, v53;
	v40 =	vmul.f32 v55, v56;
	v43 =	vsub.f32 v58, v48  }
0x2b3: {  	v39 =	vadd.f32 v51, v22;
	v51 =	vbroadcast v25, $0x5;
	v41 =	vsub.f32 v52, v63  }
0x2b4: {  	v38 =	vsub.f32 v54, v63;
	v59 =	vsub.f32 v45, v48;
	v63 =	vmul.f32 v49, v17  }
0x2b5: {  	v61 =	vld [tilespmem:s30+$0xA540];
	v56 =	vsub.f32 v47, v48;
	v47 =	vbroadcast v24, $0x5;
	v52 =	vmul.f32 v49, v18  }
0x2b6: {  	v53 =	vld [tilespmem:s30+$0xA550];
	v50 =	vsub.f32 v50, v48;
	v48 =	vbroadcast v24, $0x7;
	v58 =	vmul.f32 v51, v16  }
0x2b7: {  	v35 =	vadd.f32 v35, v21;
	v54 =	vmul.f32 v51, v17;
	v55 =	vmul.f32 v51, v18  }
0x2b8: {  	v34 =	vadd.f32 v34, v20;
	v41 =	vmul.f32 v41, v46;
	v38 =	vmul.f32 v38, v57  }
0x2b9: {  	v40 =	vadd.f32 v40, v21;
	v62 =	vmul.f32 v59, v60;
	v57 =	vmul.f32 v49, v19  }
0x2ba: {  	v46 =	vsub.f32 v61, v47;
	v44 =	vmul.f32 v56, v63;
	v59 =	vmul.f32 v50, v52;
	v60 =	vld [tilespmem:s30+$0xA560]  }
0x2bb: {  	v61 =	vld [tilespmem:s30+$0xA570];
	v53 =	vsub.f32 v53, v47;
	v56 =	vbroadcast v24, $0x6;
	v41 =	vadd.f32 v41, v22  }
0x2bc: {  	v63 =	vld [tilespmem:s30+$0xA590];
	v38 =	vadd.f32 v38, v23;
	v42 =	vadd.f32 v62, v20;
	v43 =	vmul.f32 v43, v57  }
0x2bd: {  	v46 =	vmul.f32 v46, v58;
	v44 =	vadd.f32 v44, v21;
	v57 =	vbroadcast v25, $0x6  }
0x2be: {  	v45 =	vadd.f32 v59, v22;
	v62 =	vld [tilespmem:s30+$0xA580];
	v53 =	vmul.f32 v53, v54;
	v43 =	vadd.f32 v43, v23  }
0x2bf: {  	v59 =	vld [tilespmem:s30+$0xA5C0];
	v58 =	vmul.f32 v57, v17;
	[tilespmem:s30+$0x124E0] =	vst v41;
	v41 =	vbroadcast v24, $0x9;
	v50 =	vsub.f32 v60, v47  }
0x2c0: {  	v46 =	vadd.f32 v46, v20;
	[tilespmem:s30+$0x12510] =	vst v44;
	v44 =	vbroadcast v25, $0xB;
	v60 =	vmul.f32 v51, v19;
	v51 =	vld [tilespmem:s30+$0xA5A0]  }
0x2c1: {  	[tilespmem:s30+$0x12410] =	vst v26;
	v47 =	vsub.f32 v61, v47;
	v63 =	vsub.f32 v63, v56;
	v50 =	vmul.f32 v50, v55;
	v55 =	vld [tilespmem:s30+$0xA5B0]  }
0x2c2: {  	v26 =	vadd.f32 v53, v21;
	v61 =	vmul.f32 v57, v16;
	[tilespmem:s30+$0x12540] =	vst v46;
	v46 =	vbroadcast v25, $0xA  }
0x2c3: {  	[tilespmem:s30+$0x12420] =	vst v30;
	v49 =	vsub.f32 v62, v56;
	v62 =	vmul.f32 v47, v60;
	v30 =	vmul.f32 v63, v58  }
0x2c4: {  	[tilespmem:s30+$0x12400] =	vst v27;
	v53 =	vld [tilespmem:s30+$0xA5D0];
	v60 =	vmul.f32 v57, v18;
	v63 =	vmul.f32 v57, v19;
	v57 =	vsub.f32 v59, v48  }
0x2c5: {  	[tilespmem:s30+$0x12470] =	vst v33;
	v33 =	vld [tilespmem:s30+$0xA610];
	v50 =	vadd.f32 v50, v22;
	v49 =	vmul.f32 v49, v61;
	v27 =	vadd.f32 v62, v23  }
0x2c6: {  	v59 =	vld [tilespmem:s30+$0xA5F0];
	v47 =	vbroadcast v25, $0x9;
	v61 =	vsub.f32 v51, v56;
	v62 =	vsub.f32 v55, v56  }
0x2c7: {  	[tilespmem:s30+$0x12440] =	vst v29;
	v51 =	vbroadcast v25, $0x7;
	v29 =	vadd.f32 v49, v20;
	v49 =	vbroadcast v24, $0x8;
	v55 =	vld [tilespmem:s30+$0xA5E0]  }
0x2c8: {  	[tilespmem:s30+$0x12430] =	vst v28;
	v30 =	vadd.f32 v30, v21;
	v28 =	vmul.f32 v61, v60;
	v60 =	vmul.f32 v62, v63;
	v63 =	vld [tilespmem:s30+$0xA600]  }
0x2c9: {  	v52 =	vmul.f32 v47, v16;
	v58 =	vmul.f32 v51, v16;
	v61 =	vsub.f32 v53, v48  }
0x2ca: {  	[tilespmem:s30+$0x12450] =	vst v31;
	v56 =	vmul.f32 v51, v18;
	v33 =	vsub.f32 v33, v49;
	v62 =	vmul.f32 v51, v17  }
0x2cb: {  	[tilespmem:s30+$0x12460] =	vst v32;
	v31 =	vmul.f32 v57, v58;
	v58 =	vsub.f32 v59, v48;
	v59 =	vmul.f32 v51, v19  }
0x2cc: {  	[tilespmem:s30+$0x12480] =	vst v37;
	v53 =	vbroadcast v25, $0x8;
	v32 =	vadd.f32 v60, v23;
	v60 =	vld [tilespmem:s30+$0xA620];
	v57 =	vsub.f32 v55, v48  }
0x2cd: {  	[tilespmem:s30+$0x124B0] =	vst v36;
	v37 =	vmul.f32 v61, v62;
	v54 =	vmul.f32 v58, v59;
	v61 =	vsub.f32 v63, v49;
	v63 =	vld [tilespmem:s30+$0xA630]  }
0x2ce: {  	[tilespmem:s30+$0x12490] =	vst v35;
	v28 =	vadd.f32 v28, v22;
	v55 =	vmul.f32 v53, v17;
	v35 =	vmul.f32 v57, v56;
	v56 =	vld [tilespmem:s30+$0xA640]  }
0x2cf: {  	[tilespmem:s30+$0x124A0] =	vst v39;
	v31 =	vadd.f32 v31, v20;
	v62 =	vmul.f32 v53, v16;
	v58 =	vmul.f32 v53, v18;
	v57 =	vld [tilespmem:s30+$0xA650]  }
0x2d0: {  	[tilespmem:s30+$0x124C0] =	vst v34;
	v37 =	vadd.f32 v37, v21;
	v34 =	vadd.f32 v54, v23;
	v33 =	vmul.f32 v33, v55;
	v55 =	vld [tilespmem:s30+$0xA680]  }
0x2d1: {  	[tilespmem:s30+$0x124D0] =	vst v40;
	v54 =	vmul.f32 v47, v17;
	v36 =	vmul.f32 v61, v62;
	v59 =	vsub.f32 v60, v49;
	v62 =	vld [tilespmem:s30+$0xA660]  }
0x2d2: {  	[tilespmem:s30+$0x124F0] =	vst v38;
	v35 =	vadd.f32 v35, v22;
	v61 =	vmul.f32 v53, v19;
	v53 =	vld [tilespmem:s30+$0xA670];
	v33 =	vadd.f32 v33, v21  }
0x2d3: {  	[tilespmem:s30+$0x12500] =	vst v42;
	v36 =	vadd.f32 v36, v20;
	v38 =	vmul.f32 v59, v58;
	v60 =	vsub.f32 v63, v49  }
0x2d4: {  	[tilespmem:s30+$0x12520] =	vst v45;
	v59 =	vbroadcast v24, $0xA;
	v63 =	vsub.f32 v56, v41;
	v40 =	vsub.f32 v57, v41  }
0x2d5: {  	[tilespmem:s30+$0x12530] =	vst v43;
	v57 =	vmul.f32 v47, v18;
	v47 =	vmul.f32 v47, v19;
	v38 =	vadd.f32 v38, v22  }
0x2d6: {  	[tilespmem:s30+$0x12550] =	vst v26;
	v56 =	vld [tilespmem:s30+$0xA690];
	v42 =	vmul.f32 v60, v61;
	v39 =	vmul.f32 v63, v52;
	v58 =	vsub.f32 v62, v41  }
0x2d7: {  	[tilespmem:s30+$0x12560] =	vst v50;
	v40 =	vmul.f32 v40, v54;
	v41 =	vsub.f32 v53, v41;
	v60 =	vld [tilespmem:s30+$0xA6A0];
	v61 =	vsub.f32 v55, v59  }
0x2d8: {  	[tilespmem:s30+$0x12570] =	vst v27;
	v62 =	vmul.f32 v46, v16;
	v63 =	vld [tilespmem:s30+$0xA6B0];
	v52 =	vmul.f32 v46, v17;
	v42 =	vadd.f32 v42, v23  }
0x2d9: {  	[tilespmem:s30+$0x12590] =	vst v30;
	v53 =	vld [tilespmem:s30+$0xA6C0];
	v39 =	vadd.f32 v39, v20;
	v26 =	vmul.f32 v58, v57;
	v50 =	vmul.f32 v41, v47  }
0x2da: {  	[tilespmem:s30+$0x12580] =	vst v29;
	v54 =	vld [tilespmem:s30+$0xA6D0];
	v30 =	vadd.f32 v40, v21;
	v27 =	vmul.f32 v61, v62;
	v58 =	vbroadcast v24, $0xB  }
0x2db: {  	[tilespmem:s30+$0x125A0] =	vst v28;
	v51 =	vsub.f32 v56, v59;
	v56 =	vmul.f32 v46, v18;
	v26 =	vadd.f32 v26, v22  }
0x2dc: {  	[tilespmem:s30+$0x125B0] =	vst v32;
	v61 =	vld [tilespmem:s30+$0xA6E0];
	v28 =	vadd.f32 v50, v23;
	v27 =	vadd.f32 v27, v20;
	v50 =	vmul.f32 v44, v17  }
0x2dd: {  	v48 =	vld [tilespmem:s30+$0xA6F0];
	[tilespmem:s30+$0x125C0] =	vst v31;
	v55 =	vmul.f32 v51, v52;
	v57 =	vsub.f32 v60, v59;
	v59 =	vsub.f32 v63, v59  }
0x2de: {  	[tilespmem:s30+$0x125D0] =	vst v37;
	v60 =	vmul.f32 v46, v19;
	v62 =	vsub.f32 v53, v58;
	v63 =	vmul.f32 v44, v16  }
0x2df: {  	[tilespmem:s30+$0x125F0] =	vst v34;
	v49 =	vsub.f32 v54, v58;
	v54 =	vmul.f32 v44, v18;
	v32 =	vmul.f32 v57, v56  }
0x2e0: {  	[tilespmem:s30+$0x125E0] =	vst v35;
	v51 =	vld [tilespmem:s30+$0xA700];
	v31 =	vmul.f32 v59, v60;
	v29 =	vadd.f32 v55, v21;
	v52 =	vmul.f32 v62, v63  }
0x2e1: {  	[tilespmem:s30+$0x12610] =	vst v33;
	v53 =	vld [tilespmem:s30+$0xA710];
	v35 =	vmul.f32 v49, v50;
	v55 =	vsub.f32 v61, v58;
	v56 =	vbroadcast v24, $0xC  }
0x2e2: {  	[tilespmem:s30+$0x12600] =	vst v36;
	v57 =	vbroadcast v25, $0xC;
	v58 =	vsub.f32 v48, v58;
	v59 =	vmul.f32 v44, v19  }
0x2e3: {  	[tilespmem:s30+$0x12620] =	vst v38;
	v60 =	vld [tilespmem:s30+$0xA720];
	v32 =	vadd.f32 v32, v22;
	v31 =	vadd.f32 v31, v23;
	v33 =	vmul.f32 v55, v54  }
0x2e4: {  	[tilespmem:s30+$0x12630] =	vst v42;
	v63 =	vld [tilespmem:s30+$0xA730];
	v34 =	vadd.f32 v52, v20;
	v62 =	vmul.f32 v57, v16;
	v38 =	vmul.f32 v58, v59  }
0x2e5: {  	[tilespmem:s30+$0x12650] =	vst v30;
	v48 =	vld [tilespmem:s30+$0xA740];
	v47 =	vmul.f32 v57, v17;
	v30 =	vadd.f32 v35, v21;
	v54 =	vbroadcast v25, $0xD  }
0x2e6: {  	[tilespmem:s30+$0x12640] =	vst v39;
	v50 =	vld [tilespmem:s30+$0xA750];
	v61 =	vsub.f32 v51, v56;
	v37 =	vsub.f32 v53, v56;
	v51 =	vmul.f32 v57, v18  }
0x2e7: {  	[tilespmem:s30+$0x12660] =	vst v26;
	v53 =	vbroadcast v24, $0xD;
	v33 =	vadd.f32 v33, v22;
	v59 =	vmul.f32 v54, v16  }
0x2e8: {  	[tilespmem:s30+$0x12670] =	vst v28;
	v26 =	vadd.f32 v38, v23;
	v49 =	vmul.f32 v61, v62;
	v37 =	vmul.f32 v37, v47  }
0x2e9: {  	[tilespmem:s30+$0x12680] =	vst v27;
	v44 =	vld [tilespmem:s30+$0xA780];
	v52 =	vsub.f32 v60, v56;
	v55 =	vsub.f32 v63, v56;
	v56 =	vmul.f32 v57, v19  }
0x2ea: {  	[tilespmem:s30+$0x12690] =	vst v29;
	v57 =	vld [tilespmem:s30+$0xA760];
	v58 =	vsub.f32 v48, v53;
	v63 =	vmul.f32 v54, v17;
	v48 =	vmul.f32 v54, v18  }
0x2eb: {  	[tilespmem:s30+$0x126A0] =	vst v32;
	v60 =	vld [tilespmem:s30+$0xA770];
	v62 =	vsub.f32 v50, v53;
	v50 =	vbroadcast v24, $0xE;
	v24 =	vbroadcast v24, $0xF  }
0x2ec: {  	v46 =	vld [tilespmem:s30+$0xA790];
	[tilespmem:s30+$0x126B0] =	vst v31;
	v27 =	vadd.f32 v49, v20;
	v28 =	vmul.f32 v52, v51;
	v61 =	vmul.f32 v55, v56  }
0x2ed: {  	[tilespmem:s30+$0x126C0] =	vst v34;
	v45 =	vadd.f32 v37, v21;
	v29 =	vmul.f32 v58, v59;
	v51 =	vbroadcast v25, $0xE  }
0x2ee: {  	[tilespmem:s30+$0x126D0] =	vst v30;
	v47 =	vmul.f32 v62, v63;
	v56 =	vsub.f32 v44, v50;
	v58 =	vld [tilespmem:s30+$0xA7B0];
	v25 =	vbroadcast v25, $0xF  }
0x2ef: {  	[tilespmem:s30+$0x126E0] =	vst v33;
	v62 =	vld [tilespmem:s30+$0xA7C0];
	v28 =	vadd.f32 v28, v22;
	v32 =	vadd.f32 v61, v23;
	v61 =	vmul.f32 v51, v17  }
0x2f0: {  	[tilespmem:s30+$0x126F0] =	vst v26;
	v49 =	vsub.f32 v57, v53;
	v52 =	vsub.f32 v60, v53;
	v53 =	vmul.f32 v54, v19;
	v54 =	vld [tilespmem:s30+$0xA7A0]  }
0x2f1: {  	[tilespmem:s30+$0x12700] =	vst v27;
	v44 =	vmul.f32 v51, v18;
	v57 =	vmul.f32 v51, v16;
	v60 =	vsub.f32 v46, v50  }
0x2f2: {  	v42 =	vld [tilespmem:s30+$0xA7D0];
	v29 =	vadd.f32 v29, v20;
	[tilespmem:s30+$0x12710] =	vst v45;
	v55 =	vmul.f32 v49, v48;
	v59 =	vmul.f32 v52, v53  }
0x2f3: {  	v63 =	vadd.f32 v47, v21;
	[tilespmem:s30+$0x12720] =	vst v28;
	v30 =	vmul.f32 v56, v57;
	v43 =	vmul.f32 v60, v61  }
0x2f4: {  	v46 =	vld [tilespmem:s30+$0xA7E0];
	[tilespmem:s30+$0x12730] =	vst v32;
	v48 =	vsub.f32 v58, v50;
	v49 =	vmul.f32 v51, v19;
	v52 =	vsub.f32 v62, v24  }
0x2f5: {  	[tilespmem:s30+$0x12740] =	vst v29;
	v53 =	vmul.f32 v25, v16;
	v26 =	vadd.f32 v55, v22;
	v45 =	vsub.f32 v54, v50;
	v50 =	vld [tilespmem:s30+$0xA7F0]  }
0x2f6: {  	[tilespmem:s30+$0x12750] =	vst v63;
	v56 =	vmul.f32 v25, v17;
	v60 =	vmul.f32 v25, v18;
	v27 =	vadd.f32 v59, v23  }
0x2f7: {  	v47 =	vadd.f32 v30, v20;
	v55 =	vsub.f32 v42, v24;
	v57 =	vmul.f32 v52, v53;
	[tilespmem:s30+$0x12760] =	vst v26  }
0x2f8: {  	v25 =	vmul.f32 v25, v19;
	v28 =	vadd.f32 v43, v21;
	v54 =	vmul.f32 v48, v49;
	[tilespmem:s30+$0x12770] =	vst v27  }
0x2f9: {  	v59 =	vsub.f32 v46, v24;
	[tilespmem:s30+$0x12780] =	vst v47;
	v58 =	vmul.f32 v55, v56;
	v27 =	vadd.f32 v57, v20  }
0x2fa: {  	[tilespmem:s30+$0x12790] =	vst v28;
	v51 =	vmul.f32 v45, v44;
	v26 =	vadd.f32 v54, v23;
	v24 =	vsub.f32 v50, v24  }
0x2fb: {  	p0 =	sne.s32 s29, $0xF000;
	v61 =	vmul.f32 v59, v60;
	v62 =	vadd.f32 v58, v21;
	[tilespmem:s30+$0x127C0] =	vst v27  }
.Ltmp6:
0x2fc: {  	v31 =	vadd.f32 v51, v22;
	[tilespmem:s30+$0x127B0] =	vst v26;
	v24 =	vmul.f32 v24, v25;
	(pc) =	sbr.rel @p0 .LBB2_9-.Ltmp6, $4  }
0x2fd: {  	v63 =	vadd.f32 v61, v22;
	[tilespmem:s30+$0x127D0] =	vst v62  }
0x2fe: {  	[tilespmem:s30+$0x127A0] =	vst v31;
	v24 =	vadd.f32 v24, v23  }
0x2ff: {  	[tilespmem:s30+$0x127E0] =	vst v63  }
0x300: {  	s29 =	sadd.s32 $0x1000, s29;
	[tilespmem:s30+$0x127F0] =	vst v24  }
0x301: {  	p0 =	seq.s32 s26, $0x31  }
.Ltmp7:
0x302: {  	_ = 	snop;
	(pc) =	sbr.rel @p0 .LBB2_12-.Ltmp7, $4  }
0x303: {  	_ = 	snop  }
0x304: {  	s29 =	sshll.u32 s26, $0xC  }
0x305: {  	s29 =	sadd.s32 s10, s29  }
0x306: {  	[hbm4b:s29+s5] =	stream.linear.scatter [tilespmem:s23], [sflag:$0x4], $0x4000, $0x38;
	[tilespmem:$0x166A0] =	vst v63  }
.Ltmp8:
0x307: {  	(pc) =	sbr.rel .LBB2_2-.Ltmp8, $4  }
0x308: {  	_ = 	snop  }
0x309: {  	s28 =	sshrl.u32 s28, $0x2  }
0x30a: {  	s26 =	sadd.s32 $0x1, s26;
	s28 =	sadd.s32 $0x300, s28  }
0x30b: {  	[tilespmem:s16], [sflag:$0x2] =	stream.indirect.gather [hbm4b:s6+s14], $0x40, s28, s14, $0xb8;
	[tilespmem:$0x166A0] =	vst v63  }
.LBB2_13:
0x30c: {  	_ =	sfence.sel $0x180000  }
0x30d: {  	[bflag:$0x0] =	sbarrier.arrive $0xFFFF  }
0x30e: {  	p0 =	sne.s32 s0, $0x0;
	_ =	strace $0x90000047  }
0x30f: {  	s0 =	sadd.s32 @!p0 $0x100000, s2;
	[bflag:$0x2] =	sbarrier.arrive $0xFFFF  }
0x310: {  	[sflag:s0] =	ssyncadd.tile.s32 @!p0 $0x1;
	_ =	shalt  }
.Lfunc_end2:
_tile_overlayer_lowered:
.L_overlay_start_2:
0x311: {  	(tag) =	ssettag $0x2  }
0x312: {  	s0 =	rddreg [dreg:$0x0];
	s2 =	stileid.u32  }
0x313: {  	s1 =	rddreg [dreg:$0x1];
	p0 =	sne.s32 s2, $0x0  }
0x314: {  	s3 =	rddreg [dreg:$0x2];
	[bflag:$0x3] =	sbarrier.arrive $0xFFFF;
	s2 =	simm.s32 @!p0 $0x1C05  }
0x315: {  	[timem:s3], [sflag:s2] =	dma.local @!p0 [hbm:s0], s1  }
0x316: {  	s0 =	simm.s32 @!p0 $0x5  }
0x317: {  	_ =	swait.ge @!p0 [sflag:s0], s1  }
0x318: {  	s1 =	ssub.s32 @!p0 $0x0, s1;
	[sflag:s0] =	ssyncset.done @!p0 $0x0  }
0x319: {  	[sflag:s0] =	ssyncadd.s32 @!p0 s1  }
0x31a: {  	[bflag:$0x3] =	sbarrier.arrive $0xFFFF  }
0x31b: {  	_ =	shalt  }

// kernel: sparse-core-data-format-call.cloned.1.call-start
scs
called_computation_lowered:
.L_overlay_start_0:
0x0: {  	s2 =	sld [smem:$0x3FD9]  }
0x1: {  	s3 =	sld [smem:$0x3FFE];
	_ =	sdelay $0x1  }
0x2: {  	s1 =	srdreg.scid  }
0x3: {  	s0 =	sand.u32 $0x1, s1  }
0x4: {  	s18 =	sshll.u32 s0, $0xA;
	s2 =	sadd.s32 s3, s2  }
0x5: {  	s2 =	sadd.s32 s2, s18  }
0x6: {  	[smem:$0x3FC4] =	sst s2  }
0x7: {  	_ = 	snop  }
0x8: {  	s2 =	sld [smem:$0x3FD0];
	(tm) =	ssettm $0x1  }
0x9: {  	s19 =	sld [smem:$0x3FFB];
	_ =	sdelay $0x3  }
0xa: {  	_ =	strace s19  }
0xb: {  	s3 =	sld [smem:$0x3FFC];
	_ =	sdelay $0x3  }
0xc: {  	_ =	strace s3  }
0xd: {  	s3 =	sld [smem:$0x3FFD];
	_ =	sdelay $0x3  }
0xe: {  	_ =	strace s3  }
0xf: {  	_ =	strace $0x8FFFFFFF  }
0x10: {  	s20 =	sld [smem:$0x3FDB];
	_ =	sdelay $0x1  }
0x11: {  	s4 =	simm.s32 $_scs_section_size  }
0x12: {  	s5 =	simm.s32 $_size__tile_overlayer_lowered;
	s6 =	simm.s32 $_tile_overlayer_lowered  }
0x13: {  	s23 =	simm.s32 $0x1BFF;
	s22 =	sshll.u32 s6, $0x1;
	s3 =	sadd.s32 s4, s20  }
0x14: {  	s7 =	simm.s32 $0x0;
	s21 =	sshll.u32 s5, $0x1;
	s5 =	sadd.s32 s22, s3  }
0x15: {  	[timem:s7], [sflag:s23] =	dma.local [hbm:s5], s21  }
0x16: {  	_ =	swait.ge [sflag:s23], s21  }
0x17: {  	s4 =	ssub.s32 $0x0, s21;
	[sflag:s23] =	ssyncset.done $0x0  }
0x18: {  	[sflag:s23] =	ssyncadd.s32 s4;
	_ =	sdelay $0x1  }
0x19: {  	s24 =	simm.s32 $0x1B8B  }
0x1a: {  	_ =	swait.ge [sflag:s24], $0x1  }
0x1b: {  	[sflag:s24] =	ssyncset.done $0x0  }
0x1c: {  	s26 =	simm.s32 $0x1B8E;
	s25 =	sld [smem:$0x3FFE];
	[sflag:s24] =	ssyncadd.s32 $0xFFFFFFFF  }
0x1d: {  	s27 =	simm.s32 $execute0_lowered;
	[smem:$0x3FD2] =	sst s26  }
0x1e: {  	s5 =	sshll.u32 s27, $0x1;
	_ =	strace $0x80000049;
	[dreg:$0x1] =	wrdreg $0xFFFFFFFF  }
0x1f: {  	s28 =	simm.s32 $_size_execute0_lowered;
	s3 =	sadd.s32 s3, s5;
	[dreg:$0x0] =	wrdreg $0x0  }
0x20: {  	s5 =	sshll.u32 s28, $0x1;
	[dreg:$0x2] =	wrdreg s3  }
0x21: {  	[dreg:$0x3] =	wrdreg s5  }
0x22: {  	[dreg:$0x4] =	wrdreg $0xC0  }
0x23: {  	_ =	task [dreg:s7], $0x5FFFF  }
0x24: {  	[dreg:$0x1] =	wrdreg $0xFFFFFFFF  }
0x25: {  	[dreg:$0x0] =	wrdreg $0x60  }
0x26: {  	[dreg:$0x2] =	wrdreg s25  }
0x27: {  	[dreg:$0x3] =	wrdreg s2  }
0x28: {  	[dreg:$0x4] =	wrdreg $0x9  }
0x29: {  	_ =	task.clear_ibuf [dreg:s7], $0x5FFFF;
	_ =	strace $0x90000049  }
0x2a: {  	s29 =	simm.s32 $0x9;
	_ =	strace $0x8000004B  }
0x2b: {  	_ =	swait.ge [sflag:s29], $0x1  }
0x2c: {  	[sflag:s29] =	ssyncadd.s32 $0xFFFFFFFF  }
0x2d: {  	_ =	strace $0x9000004B  }
0x2e: {  	_ =	sfence  }
0x2f: {  	s30 =	sld [smem:$0x0];
	_ =	sdelay $0x2  }
0x30: {  	s31 =	sshll.u32 s1, $0xD;
	s1 =	sshrl.u32 s1, $0x2  }
0x31: {  	s3 =	sand.u32 $0x4000, s31;
	s1 =	sadd.s32 s1, s30  }
0x32: {  	s0 =	sor.u32 s3, s0;
	s1 =	sshll.u32 s1, $0x11  }
0x33: {  	s0 =	sor.u32 s1, s0  }
0x34: {  	s0 =	sadd.s32 $0x8F2B, s0  }
0x35: {  	[sflag:s0] =	ssyncadd.remote.s32 $0x1  }
0x36: {  	_ =	sfence.sel $0xFFFF  }
0x37: {  	[dreg:$0x0] =	wrdreg $0xFFFFFFFF;
	(pc) =	sbr.abs _section_cstart, $3  }
0x38: {  	[dreg:$0x1] =	wrdreg $0xFFFFFFFF  }
0x39: {  	_ =	task.clear_ibuf [dreg:s7], $0x2FFFF;
	_ =	strace $0x9FFFFFFF  }
0x3a: {  	(tm) =	ssettm $0x7FFFFFFF  }
0x3b: {  	_ =	shalt  }
tec
execute0_lowered:
.L_overlay_start_1:
0x0: {  	(tag) =	ssettag $0x1  }
0x1: {  	s0 =	srdreg.scid  }
0x2: {  	s1 =	sshll.u32 s0, $0x4  }
0x3: {  	s0 =	stileid.u32;
	s1 =	sand.u32 $0x10, s1  }
0x4: {  	s1 =	sor.u32 s0, s1  }
0x5: {  	s6 =	rddreg [dreg:$0x0];
	s4 =	simm.s32 $0x1;
	s2 =	sshll.u32 s1, $0x7  }
0x6: {  	s7 =	simm.s32 $0x2;
	s12 =	simm.s32 $0x0;
	s1 =	ssub.s32 $0x1000, s2  }
0x7: {  	s8 =	simm.s32 $0x8000;
	s13 =	simm.s32 $0x0;
	s3 =	sand.u32 $0xF80, s1  }
0x8: {  	s9 =	simm.s32 $0x0;
	s5 =	sshrl.u32 s1, $0xC;
	p0 =	sne.s32 s3, $0x0  }
.Ltmp0:
0x9: {  	s1 =	rddreg [dreg:$0x2];
	s4 =	simm.s32 @!p0 $0x0;
	(pc) =	sbr.rel .LBB1_1-.Ltmp0, $4  }
0xa: {  	s11 =	simm.s32 $0x0;
	s3 =	rddreg [dreg:$0x1];
	s5 =	sadd.s32 s4, s5  }
0xb: {  	_ =	strace $0x8000004A;
	s4 =	simm.s32 $0x1;
	s5 =	smul.u32 $0xC8, s5  }
0xc: {  	s6 =	sadd.s32 $0xA00, s6;
	s10 =	smov.u32 s2;
	[sflag:s4] =	ssyncpa.u1 $0x0  }
0xd: {  	p0 =	por $0x0, $0x0;
	[sflag:s7] =	ssyncpa.u1 $0x0;
	s7 =	sor.u32 $0x1, s5  }
.LBB1_4:
0xe: {  	s16 =	sshll.u32 s13, $0x3;
	s17 =	sand.u32 $0x78, s13  }
0xf: {  	s30 =	sand.u32 $0x7E00, s13;
	s12 =	sshll.u32 s12, $0xF;
	s16 =	sand.u32 $0xC00, s16  }
0x10: {  	[tilespmem:s15+$0x810 ss:$0x81] =	vst.msk $0xffff, v2;
	s31 =	sand.u32 $0x7, s13;
	s16 =	sor.u32 s17, s16;
	s17 =	sadd.s32 s3, s30  }
0x11: {  	[tilespmem:s15+$0x1020 ss:$0x81] =	vst.msk $0xffff, v0;
	s13 =	sshll.u32 s31, $0x12;
	s12 =	sadd.s32 s12, s17;
	s16 =	sshrl.u32 s16, $0x3  }
0x12: {  	[tilespmem:s15+$0x0 ss:$0x81] =	vst.msk $0xffff, v1;
	s13 =	sor.u32 $0x400, s13;
	s12 =	sadd.s32 s16, s12  }
0x13: {  	[hbm4b:s12+s13] =	stream.strided.scatter [tilespmem:s14], [sflag:$0x2], $0x2000, s8, s13, $0x20;
	[tilespmem:$0x8080] =	vst v63  }
.LBB1_5:
0x14: {  	s14 =	sadd.s32 $0x1, s9  }
0x15: {  	s12 =	sadd.s32 $0x1000, s10;
	s16 =	smov.u32 s10;
	p2 =	sgt.s32 s14, $0xC7  }
0x16: {  	s16 =	smov.u32 @p2 s12  }
0x17: {  	s14 =	simm.s32 @p2 $0x0;
	p2 =	sgt.s32 s16, $0xFFF  }
0x18: {  	s16 =	smov.u32 @p2 s2;
	p2 =	sne.s32 s11, s7  }
.Ltmp1:
0x19: {  	p1 =	slt.u32 s11, $0x2;
	(pc) =	sbr.rel @!p2 .LBB1_6-.Ltmp1, $4  }
0x1a: {  	s15 =	simm.s32 @!p1 $0x2  }
0x1b: {  	s13 =	smov.u32 s10;
	p0 =	por !p0, !p0;
	_ =	swait.ge @!p1 [sflag:s15], $0x2000  }
0x1c: {  	s12 =	smov.u32 s9;
	[sflag:s15] =	ssyncset.done @!p1 $0x0;
	s9 =	smov.u32 s14  }
0x1d: {  	s11 =	sadd.s32 $0x1, s11;
	[sflag:s15] =	ssyncadd.s32 @!p1 $0xFFFFE000;
	s10 =	smov.u32 s16  }
.LBB1_1:
0x1e: {  	p1 =	sge.u32 s11, s5  }
0x1f: {  	s14 =	sand.u32 @!p1 $0x1FFFFFF, s9  }
0x20: {  	s15 =	smulhi.u32 @!p1 $0x147AE15, s14;
	_ =	sdelay $0x1  }
0x21: {  	s15 =	smul.u32 @!p1 $0xC8, s15  }
0x22: {  	s16 =	sxor.u32 @!p1 $0xFFFFFFFF, s11;
	s17 =	smul.u32 @!p1 $0xC80, s10  }
0x23: {  	s31 =	sadd.s32 $0xFFFFFFFF, s11;
	s16 =	sshll.u32 @!p1 s16, $0xD;
	s14 =	ssub.s32 @!p1 s14, s15  }
0x24: {  	s15 =	sand.u32 @!p1 $0x2000, s16;
	s16 =	sadd.s32 @!p1 s6, s17;
	s14 =	sshll.u32 @!p1 s14, $0x4  }
0x25: {  	s17 =	simm.s32 @!p1 $0x6400;
	s14 =	sadd.s32 @!p1 s14, s16;
	s16 =	simm.s32 @!p1 $0x40  }
0x26: {  	[tilespmem:s15], [sflag:$0x1] =	stream.strided.gather @!p1 [hbm4b:s14+s16], $0x2000, s17, s16, $0x38;
	[tilespmem:$0x8080] =	vst v63  }
0x27: {  	p1 =	sge.u32 s31, s5  }
.Ltmp2:
0x28: {  	_ = 	snop;
	(pc) =	sbr.rel @p1 .LBB1_5-.Ltmp2, $1  }
0x29: {  	_ =	sdelay $0x3  }
0x2a: {  	s14 =	simm.s32 $0x1  }
0x2b: {  	_ =	swait.ge [sflag:s4], $0x2000;
	s14 =	simm.s32 @!p0 $0x0  }
0x2c: {  	[sflag:s4] =	ssyncset.done $0x0;
	s15 =	sshll.u32 s14, $0xD  }
0x2d: {  	[sflag:s4] =	ssyncadd.s32 $0xFFFFE000;
	s18 =	sor.u32 $0x20, s15  }
0x2e: {  	s14 =	smul.u32 $0x8100, s14;
	v3 =	vld [tilespmem:s18+$0x10]  }
0x2f: {  	s30 =	sand.u32 $0x1, s11;
	v2 =	vld [tilespmem:s18+$0xFFFFFFF0]  }
0x30: {  	s15 =	smul.u32 $0x8100, s30;
	s14 =	sshrl.u32 s14, $0x2;
	v0 =	vld [tilespmem:s18+$0x0]  }
0x31: {  	v1 =	vld [tilespmem:s18+$0xFFFFFFE0];
	s16 =	sor.u32 $0x4000, s14  }
0x32: {  	s31 =	sshrl.u32 s15, $0x2;
	s15 =	sadd.s32 $0x0, s16  }
0x33: {  	s17 =	simm.s32 $0x4;
	s18 =	sadd.s32 $0x40, s18;
	s14 =	sor.u32 $0x4000, s31;
	[tilespmem:s15+$0x1830 ss:$0x81] =	vst.msk $0xffff, v3  }
.LBB1_3:
0x34: {  	v3 =	vld [tilespmem:s18+$0x10];
	p1 =	sne.s32 s17, $0x1FC;
	[tilespmem:s15+$0x810 ss:$0x81] =	vst.msk $0xffff, v2;
	s19 =	smov.u32 s17;
	s17 =	sadd.s32 $0x4, s17  }
.Ltmp3:
0x35: {  	v2 =	vld [tilespmem:s18+$0xFFFFFFF0];
	[tilespmem:s15+$0x1020 ss:$0x81] =	vst.msk $0xffff, v0;
	(pc) =	sbr.rel @p1 .LBB1_3-.Ltmp3, $4  }
0x36: {  	v0 =	vld [tilespmem:s18+$0x0];
	[tilespmem:s15+$0x0 ss:$0x81] =	vst.msk $0xffff, v1  }
0x37: {  	s15 =	sshra.s32 s19, $0x2;
	v1 =	vld [tilespmem:s18+$0xFFFFFFE0]  }
0x38: {  	s15 =	sadd.s32 s15, s16  }
0x39: {  	s18 =	sadd.s32 $0x40, s18;
	[tilespmem:s15+$0x1830 ss:$0x81] =	vst.msk $0xffff, v3  }
.Ltmp4:
0x3a: {  	_ = 	snop;
	(pc) =	sbr.rel .LBB1_4-.Ltmp4, $1  }
0x3b: {  	_ =	sdelay $0x3  }
.LBB1_6:
0x3c: {  	_ =	sfence.sel $0x180000  }
0x3d: {  	s2 =	simm.s32 $0x1;
	[bflag:$0x0] =	sbarrier.arrive $0xFFFF  }
0x3e: {  	s31 =	simm.s32 $0x2;
	[sflag:s2] =	ssyncpa.u1 $0x1  }
0x3f: {  	[sflag:s31] =	ssyncpa.u1 $0x1  }
0x40: {  	p0 =	sne.s32 s0, $0x0;
	_ =	strace $0x9000004A  }
0x41: {  	s0 =	sadd.s32 @!p0 $0x100000, s1;
	[bflag:$0x2] =	sbarrier.arrive $0xFFFF  }
0x42: {  	[sflag:s0] =	ssyncadd.tile.s32 @!p0 $0x1;
	_ =	shalt  }
.Lfunc_end1:
_tile_overlayer_lowered:
.L_overlay_start_2:
0x43: {  	(tag) =	ssettag $0x2  }
0x44: {  	s0 =	rddreg [dreg:$0x0];
	s2 =	stileid.u32  }
0x45: {  	s1 =	rddreg [dreg:$0x1];
	p0 =	sne.s32 s2, $0x0  }
0x46: {  	s3 =	rddreg [dreg:$0x2];
	[bflag:$0x3] =	sbarrier.arrive $0xFFFF;
	s2 =	simm.s32 @!p0 $0x1C01  }
0x47: {  	[timem:s3], [sflag:s2] =	dma.local @!p0 [hbm:s0], s1  }
0x48: {  	s0 =	simm.s32 @!p0 $0x1  }
0x49: {  	_ =	swait.ge @!p0 [sflag:s0], s1  }
0x4a: {  	s1 =	ssub.s32 @!p0 $0x0, s1;
	[sflag:s0] =	ssyncset.done @!p0 $0x0  }
0x4b: {  	[sflag:s0] =	ssyncadd.s32 @!p0 s1  }
0x4c: {  	[bflag:$0x3] =	sbarrier.arrive $0xFFFF  }
0x4d: {  	_ =	shalt  }

</sc_bundles>
